<compile_context>
chip_gen: v7x
topology: tpu7x:2x2x1
jax: 0.10.2.dev20260603
libtpu: 0.0.44.dev20260713+nightly
codegen_flags: <defaults>
</compile_context>

<pallas_src>
import functools

import jax
import jax.numpy as jnp
from jax import lax
from jax.experimental import pallas as pl
from jax.experimental.pallas import tpu as pltpu
from jax.experimental.pallas import tpu_sc as plsc

_NC = 2
_NS = 16
_NW = _NC * _NS
_RW = 128
_K = 8


def _edge_pass_gather(n_pad, n_rows, width):
    base = n_rows // _NW
    nwin2 = base // (2 * _K)
    assert n_rows == base * _NW and base % (2 * _K) == 0
    assert n_pad % (_NS * 8) == 0
    zr = n_pad // _NS
    mesh = plsc.VectorSubcoreMesh(core_axis_name="c", subcore_axis_name="s")

    @functools.partial(
        pl.kernel,
        out_type=jax.ShapeDtypeStruct((_NC, n_pad, width), jnp.float32),
        mesh=mesh,
        scratch_types=[
            pltpu.VMEM_SHARED((n_pad, width), jnp.float32),
            pltpu.VMEM_SHARED((n_pad, width), jnp.float32),
            pltpu.VMEM((_K, _RW), jnp.int32),
            pltpu.VMEM((_K, _RW), jnp.int32),
            pltpu.VMEM((_K, _RW), jnp.int32),
            pltpu.VMEM((_K, _RW), jnp.int32),
            pltpu.VMEM((_K, _RW, width), jnp.float32),
            pltpu.VMEM((_K, _RW, width), jnp.float32),
            pltpu.SemaphoreType.DMA,
            pltpu.SemaphoreType.DMA,
            pltpu.SemaphoreType.DMA,
        ],
        compiler_params=pltpu.CompilerParams(use_tc_tiling_on_sc=False),
    )
    def k(src_hbm, dst_hbm, tab_hbm, z_hbm, out_hbm, acc_sp, tab_sp, idx_sa,
          idx_da, idx_sb, idx_db, gbuf_a, gbuf_b, gsem, ssem, lsem):
        c = lax.axis_index("c")
        s = lax.axis_index("s")
        wid = s * _NC + c
        pltpu.sync_copy(z_hbm.at[pl.ds(s * zr, zr)], acc_sp.at[pl.ds(s * zr, zr)])
        pltpu.sync_copy(tab_hbm.at[pl.ds(s * zr, zr)], tab_sp.at[pl.ds(s * zr, zr)])
        plsc.subcore_barrier()
        start = wid * base

        def drain(k):
            for _ in range(k):
                pltpu.make_async_copy(z_hbm.at[pl.ds(0, _RW)],
                                      gbuf_a.at[0], ssem).wait()

        def win(w, carry):
            ra = start + (2 * w) * _K
            rb = ra + _K

            @pl.when(w > 0)
            def _():
                drain(2 * _K)
            loads = [pltpu.async_copy(src_hbm.at[pl.ds(ra, _K)], idx_sa, lsem),
                     pltpu.async_copy(dst_hbm.at[pl.ds(ra, _K)], idx_da, lsem),
                     pltpu.async_copy(src_hbm.at[pl.ds(rb, _K)], idx_sb, lsem),
                     pltpu.async_copy(dst_hbm.at[pl.ds(rb, _K)], idx_db, lsem)]
            for d in loads:
                d.wait()
            ga = [pltpu.async_copy(tab_sp.at[idx_sa.at[j]], gbuf_a.at[j], gsem)
                  for j in range(_K)]
            gb = [pltpu.async_copy(tab_sp.at[idx_sb.at[j]], gbuf_b.at[j], gsem)
                  for j in range(_K)]
            for d in ga:
                d.wait()
            for j in range(_K):
                pltpu.async_copy(gbuf_a.at[j], acc_sp.at[idx_da.at[j]], ssem,
                                 add=True)
            for d in gb:
                d.wait()
            for j in range(_K):
                pltpu.async_copy(gbuf_b.at[j], acc_sp.at[idx_db.at[j]], ssem,
                                 add=True)
            return carry

        lax.fori_loop(0, nwin2, win, 0)
        drain(2 * _K)
        plsc.subcore_barrier()
        pltpu.sync_copy(acc_sp.at[pl.ds(s * zr, zr)],
                        out_hbm.at[c, pl.ds(s * zr, zr)])

    return k


def _edge_pass_ones(n_pad, n_rows):
    base = n_rows // _NW
    nwin2 = base // (2 * _K)
    assert n_rows == base * _NW and base % (2 * _K) == 0
    assert n_pad % (_NS * 8) == 0
    zr = n_pad // _NS
    mesh = plsc.VectorSubcoreMesh(core_axis_name="c", subcore_axis_name="s")

    @functools.partial(
        pl.kernel,
        out_type=jax.ShapeDtypeStruct((_NC, n_pad, 8), jnp.float32),
        mesh=mesh,
        scratch_types=[
            pltpu.VMEM_SHARED((n_pad, 8), jnp.float32),
            pltpu.VMEM((_K, _RW), jnp.int32),
            pltpu.VMEM((_K, _RW), jnp.int32),
            pltpu.VMEM((_RW, 8), jnp.float32),
            pltpu.SemaphoreType.DMA,
            pltpu.SemaphoreType.DMA,
        ],
        compiler_params=pltpu.CompilerParams(use_tc_tiling_on_sc=False),
    )
    def k(dst_hbm, ones_hbm, z_hbm, out_hbm, acc_sp, idx_da, idx_db, ones_v,
          ssem, lsem):
        c = lax.axis_index("c")
        s = lax.axis_index("s")
        wid = s * _NC + c
        pltpu.sync_copy(z_hbm.at[pl.ds(s * zr, zr)], acc_sp.at[pl.ds(s * zr, zr)])
        pltpu.sync_copy(ones_hbm, ones_v)
        plsc.subcore_barrier()
        start = wid * base

        def drain(k):
            for _ in range(k):
                pltpu.make_async_copy(z_hbm.at[pl.ds(0, _RW)],
                                      ones_v, ssem).wait()

        def win(w, carry):
            ra = start + (2 * w) * _K
            rb = ra + _K

            @pl.when(w > 0)
            def _():
                drain(2 * _K)
            loads = [pltpu.async_copy(dst_hbm.at[pl.ds(ra, _K)], idx_da, lsem),
                     pltpu.async_copy(dst_hbm.at[pl.ds(rb, _K)], idx_db, lsem)]
            for d in loads:
                d.wait()
            for j in range(_K):
                pltpu.async_copy(ones_v, acc_sp.at[idx_da.at[j]], ssem,
                                 add=True)
            for j in range(_K):
                pltpu.async_copy(ones_v, acc_sp.at[idx_db.at[j]], ssem,
                                 add=True)
            return carry

        lax.fori_loop(0, nwin2, win, 0)
        drain(2 * _K)
        plsc.subcore_barrier()
        pltpu.sync_copy(acc_sp.at[pl.ds(s * zr, zr)],
                        out_hbm.at[c, pl.ds(s * zr, zr)])

    return k


def _dense_a(cnt128, x128):
    r = x128.shape[0]

    def body(cnt_ref, x_ref, y_ref, dinv_ref):
        d = lax.rsqrt(cnt_ref[0] + cnt_ref[1] + 1.0)
        dinv_ref[...] = d
        y_ref[...] = x_ref[...] * d

    return pl.pallas_call(
        body,
        out_shape=[jax.ShapeDtypeStruct((r, 128), jnp.float32),
                   jax.ShapeDtypeStruct((r, 128), jnp.float32)],
    )(cnt128, x128)


def _dense_b(acc128, y128, dinv128, wb, b1t, wz, bc):
    r = y128.shape[0]
    blk = 368
    grid = r // blk
    assert r % blk == 0

    def body(a_ref, y_ref, d_ref, wb_ref, b1_ref, wz_ref, bc_ref, u_ref):
        agg = (a_ref[0] + a_ref[1] + y_ref[...]) * d_ref[...]
        h = jnp.dot(agg, wb_ref[...], preferred_element_type=jnp.float32)
        h = h + b1_ref[...]
        h = h * jax.nn.sigmoid(h)
        z16 = jnp.dot(h, wz_ref[...], preferred_element_type=jnp.float32)
        z128 = jnp.dot(z16, bc_ref[...], preferred_element_type=jnp.float32)
        u_ref[...] = z128 * d_ref[...]

    return pl.pallas_call(
        body,
        grid=(grid,),
        in_specs=[pl.BlockSpec((2, blk, 128), lambda i: (0, i, 0)),
                  pl.BlockSpec((blk, 128), lambda i: (i, 0)),
                  pl.BlockSpec((blk, 128), lambda i: (i, 0)),
                  pl.BlockSpec(wb.shape, lambda i: (0, 0)),
                  pl.BlockSpec(b1t.shape, lambda i: (0, 0)),
                  pl.BlockSpec(wz.shape, lambda i: (0, 0)),
                  pl.BlockSpec(bc.shape, lambda i: (0, 0))],
        out_specs=pl.BlockSpec((blk, 128), lambda i: (i, 0)),
        out_shape=jax.ShapeDtypeStruct((r, 128), jnp.float32),
    )(acc128, y128, dinv128, wb, b1t, wz, bc)


def _dense_c(q0, q1, u3, d3, nu2, b2r, w3r, b3r, g):
    npair, rows, _ = u3.shape
    bound = g * 8

    def body(q0_ref, q1_ref, u_ref, d_ref, nu_ref, b2_ref, w3_ref, b3_ref,
             o_ref):
        cval = jnp.sum(b2_ref[...] * w3_ref[...]) + b3_ref[0, 0]
        e = (q0_ref[...] + q1_ref[...] + u_ref[...]) * d_ref[...] + cval
        row = lax.broadcasted_iota(jnp.int32, e.shape, 1)
        lane = lax.broadcasted_iota(jnp.int32, e.shape, 2)
        in_a = (row * 128 + lane) < bound
        sa = jnp.sum(jnp.where(in_a, e, 0.0), axis=(1, 2))
        sb = jnp.sum(e, axis=(1, 2)) - sa
        o_ref[...] = jnp.stack([sa, sb], axis=1) * nu_ref[...] * 0.125

    return pl.pallas_call(
        body,
        out_shape=jax.ShapeDtypeStruct((npair, 2), jnp.float32),
    )(q0, q1, u3, d3, nu2, b2r, w3r, b3r)


def _round_up(v, m):
    return (v + m - 1) // m * m


def kernel(x, edge_index, nu, W1, b1, W2, b2, W3, b3):
    n = x.shape[0]
    e = edge_index.shape[1]
    bn = nu.shape[0]
    g = n // bn
    assert n % bn == 0 and (2 * g * 8) % 128 == 0 and bn % 2 == 0

    n_pad = _round_up(n + 8, _NS * 8)
    n_rows = _round_up(-(-e // _RW), _NW * _K * 2)
    e_pad = n_rows * _RW
    n_sent = n_pad - n
    r = n_pad // 16
    rn = n // 16
    assert n % 16 == 0 and rn % (bn // 2) == 0
    sent = n + (jnp.arange(e_pad - e, dtype=jnp.int32) % n_sent)
    dst2d = jnp.concatenate([edge_index[1], sent]).reshape(n_rows, _RW)
    dst2d = lax.optimization_barrier(dst2d)
    src2d = jnp.concatenate([edge_index[0], sent]).reshape(n_rows, _RW)

    x128 = jnp.pad(x, ((0, n_pad - n), (0, 8 - x.shape[1]))).reshape(r, 128)
    w1p = jnp.pad(W1, ((0, 8 - W1.shape[0]), (0, 0)))
    f = w1p.shape[1]
    eye16 = jnp.eye(16, dtype=jnp.float32)
    wb = jnp.kron(eye16, w1p)
    b1t = jnp.tile(b1, 16).reshape(1, 16 * f)
    w23 = W2 @ W3
    wz = jnp.kron(eye16, w23)
    bc = jnp.kron(eye16, jnp.ones((1, 8), jnp.float32))
    ones = jnp.ones((_RW, 8), jnp.float32)
    z8 = jnp.zeros((n_pad, 8), jnp.float32)

    cnt = _edge_pass_ones(n_pad, n_rows)(dst2d, ones, z8)
    y128, dinv128 = _dense_a(cnt.reshape(_NC, r, 128), x128)
    acc = _edge_pass_gather(n_pad, n_rows, 8)(
        src2d, dst2d, y128.reshape(n_pad, 8), z8)
    u128 = _dense_b(acc.reshape(_NC, r, 128), y128, dinv128, wb, b1t, wz, bc)
    q = _edge_pass_gather(n_pad, n_rows, 8)(
        src2d, dst2d, u128.reshape(n_pad, 8), z8)
    rows2 = 2 * g * 8 // 128
    q128 = q.reshape(_NC, r, 128)
    shp = (bn // 2, rows2, 128)
    out = _dense_c(q128[0, :rn].reshape(shp), q128[1, :rn].reshape(shp),
                   u128[:rn].reshape(shp), dinv128[:rn].reshape(shp),
                   nu.reshape(bn // 2, 2), b2.reshape(1, -1),
                   W3.reshape(1, -1), b3.reshape(1, 1), g)
    return out.reshape(bn)

# --- scband reference (transcript-rebuilt; emitter-appended) ---
"""Pipeline reference for scband-gnn-12678743458219 (READ-ONLY COPY).

The authoritative reference and input builder live on the scoring server;
editing this copy changes nothing except your own understanding.
"""

import jax, jax.numpy as jnp
import numpy as np

N = 100000
E = 1600000
B = 100


def gcn_conv(x, W, b, src, dst, n):
    # PyG GCNConv: linear transform, add self-loops, symmetric normalization, sum-aggregate
    h = x @ W
    loop = jnp.arange(n, dtype=src.dtype)
    s = jnp.concatenate([src, loop])
    d = jnp.concatenate([dst, loop])
    deg = jnp.zeros((n,), x.dtype).at[d].add(1.0)
    dinv = jnp.where(deg > 0, jax.lax.rsqrt(deg), 0.0)
    norm = dinv[s] * dinv[d]
    msg = h[s] * norm[:, None]
    out = jnp.zeros((n, h.shape[1]), x.dtype).at[d].add(msg)
    return out + b


def setup_inputs(seed: int = 0) -> dict:
    key = jax.random.key(seed)
    ks = jax.random.split(key, 10)
    x = jax.random.normal(ks[0], (N, 5), dtype=jnp.float32)
    edge_index = jax.random.randint(ks[1], (2, E), 0, N, dtype=jnp.int32)
    nu = jax.random.normal(ks[2], (B,), dtype=jnp.float32)
    W1 = jax.random.normal(ks[3], (5, 50), dtype=jnp.float32) * 0.1
    b1 = jnp.zeros((50,), dtype=jnp.float32)
    W2 = jax.random.normal(ks[4], (50, 2), dtype=jnp.float32) * 0.1
    b2 = jnp.zeros((2,), dtype=jnp.float32)
    W3 = jax.random.normal(ks[5], (2, 1), dtype=jnp.float32) * 0.1
    b3 = jnp.zeros((1,), dtype=jnp.float32)
    return {"x": x, "edge_index": edge_index, "nu": nu, "W1": W1, "b1": b1,
            "W2": W2, "b2": b2, "W3": W3, "b3": b3}


def reference(x, edge_index, nu, W1, b1, W2, b2, W3, b3):
    src, dst = edge_index[0], edge_index[1]
    h = gcn_conv(x, W1, b1, src, dst, N)
    h = jax.nn.silu(h)
    h = gcn_conv(h, W2, b2, src, dst, N)
    e_atm = h @ W3 + b3  # [N, 1] per-atom energies
    # per-graph sum (equal-sized graphs, contiguous node blocks)
    e_batch = jnp.sum(e_atm.reshape(B, N // B, 1), axis=(1, 2))
    contrib = e_batch * nu  # stoichiometric coefficients
    result = contrib  # single reactant -> sum over reactants is identity
    return result

if __name__ == "__main__":
    import jax
    _d = setup_inputs()
    print(jax.jit(kernel)(*tuple(_d.values())))

</pallas_src>

<mosaic_0001>
#map = affine_map<(d0, d1) -> (0, 0)>
#map1 = affine_map<(d0, d1) -> (0, 0, 0)>
module attributes {stable_mosaic.version = 14 : i64} {
  func.func @k(%arg0: i32, %arg1: i32, %arg2: memref<12800x128xi32, #tpu.memory_space<hbm>>, %arg3: memref<12800x128xi32, #tpu.memory_space<hbm>>, %arg4: memref<100096x8xf32, #tpu.memory_space<hbm>>, %arg5: memref<100096x8xf32, #tpu.memory_space<hbm>>, %arg6: memref<2x100096x8xf32, #tpu.memory_space<hbm>>, %arg7: memref<100096x8xf32, #tpu.memory_space<vmem_shared>>, %arg8: memref<100096x8xf32, #tpu.memory_space<vmem_shared>>, %arg9: memref<8x128xi32, #tpu.memory_space<vmem>>, %arg10: memref<8x128xi32, #tpu.memory_space<vmem>>, %arg11: memref<8x128xi32, #tpu.memory_space<vmem>>, %arg12: memref<8x128xi32, #tpu.memory_space<vmem>>, %arg13: memref<8x128x8xf32, #tpu.memory_space<vmem>>, %arg14: memref<8x128x8xf32, #tpu.memory_space<vmem>>, %arg15: memref<!tpu.dma_semaphore, #tpu.memory_space<semaphore_mem>>, %arg16: memref<!tpu.dma_semaphore, #tpu.memory_space<semaphore_mem>>, %arg17: memref<!tpu.dma_semaphore, #tpu.memory_space<semaphore_mem>>) attributes {dimension_semantics = [#tpu.dimension_semantics<core_parallel>, #tpu.dimension_semantics<subcore_parallel>], iteration_bounds = array<i64: 2, 16>, scalar_prefetch = 0 : i64, scratch_operands = 11 : i64, tpu.core_type = #tpu.core_type<sc_vector_subcore>, window_params = [{transform_indices = #map}, {transform_indices = #map}, {transform_indices = #map}, {transform_indices = #map}, {transform_indices = #map1}]} {
    %mul3A = arith.constant 2 : i32
    %mul3A_0 = arith.muli %arg1, %mul3A : i32
    %add3A = arith.addi %mul3A_0, %arg0 : i32
    %mul3A_1 = arith.constant 6256 : i32
    %mul3A_2 = arith.muli %arg1, %mul3A_1 : i32
    %mul3A_3 = arith.constant 6256 : i32
    %mul3A_4 = arith.muli %arg1, %mul3A_3 : i32
    "tpu.region"() ({
      %run_scoped3A = tpu.sem_alloc : memref<!tpu.dma_semaphore, #tpu.memory_space<semaphore_mem>>
      %dma_start3A = arith.constant 0 : i32
      %dma_start3A_260 = tpu.memref_slice %arg7[%mul3A_4, %dma_start3A] : memref<100096x8xf32, #tpu.memory_space<vmem_shared>> -> memref<6256x8xf32, #tpu.memory_space<vmem_shared>>
      %dma_start3A_261 = arith.constant 0 : i32
      %dma_start3A_262 = tpu.memref_slice %arg5[%mul3A_2, %dma_start3A_261] : memref<100096x8xf32, #tpu.memory_space<hbm>> -> memref<6256x8xf32, #tpu.memory_space<hbm>>
      tpu.enqueue_dma source(%dma_start3A_262 : memref<6256x8xf32, #tpu.memory_space<hbm>>) target(%dma_start3A_260 : memref<6256x8xf32, #tpu.memory_space<vmem_shared>>) target_semaphore(%run_scoped3A : memref<!tpu.dma_semaphore, #tpu.memory_space<semaphore_mem>>)
      %dma_wait3A_263 = arith.constant 0 : i32
      %dma_wait3A_264 = tpu.memref_slice %arg7[%mul3A_4, %dma_wait3A_263] : memref<100096x8xf32, #tpu.memory_space<vmem_shared>> -> memref<6256x8xf32, #tpu.memory_space<vmem_shared>>
      %dma_wait3A_265 = arith.constant 0 : i32
      %dma_wait3A_266 = tpu.memref_slice %arg5[%mul3A_2, %dma_wait3A_265] : memref<100096x8xf32, #tpu.memory_space<hbm>> -> memref<6256x8xf32, #tpu.memory_space<hbm>>
      tpu.wait_dma2 semaphore(%run_scoped3A : memref<!tpu.dma_semaphore, #tpu.memory_space<semaphore_mem>>) src(%dma_wait3A_266 : memref<6256x8xf32, #tpu.memory_space<hbm>>) dst(%dma_wait3A_264 : memref<6256x8xf32, #tpu.memory_space<vmem_shared>>)
      tpu.yield
    }) : () -> ()
    %mul3A_5 = arith.constant 6256 : i32
    %mul3A_6 = arith.muli %arg1, %mul3A_5 : i32
    %mul3A_7 = arith.constant 6256 : i32
    %mul3A_8 = arith.muli %arg1, %mul3A_7 : i32
    "tpu.region"() ({
      %run_scoped3A = tpu.sem_alloc : memref<!tpu.dma_semaphore, #tpu.memory_space<semaphore_mem>>
      %dma_start3A = arith.constant 0 : i32
      %dma_start3A_260 = tpu.memref_slice %arg8[%mul3A_8, %dma_start3A] : memref<100096x8xf32, #tpu.memory_space<vmem_shared>> -> memref<6256x8xf32, #tpu.memory_space<vmem_shared>>
      %dma_start3A_261 = arith.constant 0 : i32
      %dma_start3A_262 = tpu.memref_slice %arg4[%mul3A_6, %dma_start3A_261] : memref<100096x8xf32, #tpu.memory_space<hbm>> -> memref<6256x8xf32, #tpu.memory_space<hbm>>
      tpu.enqueue_dma source(%dma_start3A_262 : memref<6256x8xf32, #tpu.memory_space<hbm>>) target(%dma_start3A_260 : memref<6256x8xf32, #tpu.memory_space<vmem_shared>>) target_semaphore(%run_scoped3A : memref<!tpu.dma_semaphore, #tpu.memory_space<semaphore_mem>>)
      %dma_wait3A_263 = arith.constant 0 : i32
      %dma_wait3A_264 = tpu.memref_slice %arg8[%mul3A_8, %dma_wait3A_263] : memref<100096x8xf32, #tpu.memory_space<vmem_shared>> -> memref<6256x8xf32, #tpu.memory_space<vmem_shared>>
      %dma_wait3A_265 = arith.constant 0 : i32
      %dma_wait3A_266 = tpu.memref_slice %arg4[%mul3A_6, %dma_wait3A_265] : memref<100096x8xf32, #tpu.memory_space<hbm>> -> memref<6256x8xf32, #tpu.memory_space<hbm>>
      tpu.wait_dma2 semaphore(%run_scoped3A : memref<!tpu.dma_semaphore, #tpu.memory_space<semaphore_mem>>) src(%dma_wait3A_266 : memref<6256x8xf32, #tpu.memory_space<hbm>>) dst(%dma_wait3A_264 : memref<6256x8xf32, #tpu.memory_space<vmem_shared>>)
      tpu.yield
    }) : () -> ()
    %barrier3A = arith.constant 0 : index
    tpu.barrier barrier_id(%barrier3A)
    %mul3A_9 = arith.constant 400 : i32
    %mul3A_10 = arith.muli %add3A, %mul3A_9 : i32
    %scan3A = arith.constant 0 : i32
    %scan3A_11 = arith.constant 0 : i32
    %scan3A_12 = arith.constant 25 : i32
    %scan3A_13 = arith.addi %scan3A_11, %scan3A_12 : i32
    %scan3A_14 = arith.constant 1 : i32
    scf.for %scan3A_260 = %scan3A_11 to %scan3A_13 step %scan3A_14  : i32 {
      %mul3A_261 = arith.constant 2 : i32
      %mul3A_262 = arith.muli %mul3A_261, %scan3A_260 : i32
      %mul3A_263 = arith.constant 8 : i32
      %mul3A_264 = arith.muli %mul3A_262, %mul3A_263 : i32
      %add3A_265 = arith.addi %mul3A_10, %mul3A_264 : i32
      %add3A_266 = arith.constant 8 : i32
      %add3A_267 = arith.addi %add3A_265, %add3A_266 : i32
      %gt3A = arith.constant 0 : i32
      %gt3A_268 = arith.cmpi sgt, %scan3A_260, %gt3A : i32
      %convert_element_type3A = arith.extui %gt3A_268 : i1 to i32
      %cond3A = arith.constant 0 : i32
      %cond3A_269 = arith.cmpi ne, %convert_element_type3A, %cond3A : i32
      scf.if %cond3A_269 {
        %dma_wait3A_877 = arith.constant 0 : i32
        %dma_wait3A_878 = arith.constant 0 : i32
        %dma_wait3A_879 = arith.constant 0 : i32
        %dma_wait3A_880 = tpu.memref_slice %arg13[%dma_wait3A_877, %dma_wait3A_878, %dma_wait3A_879] : memref<8x128x8xf32, #tpu.memory_space<vmem>> -> memref<1x128x8xf32, #tpu.memory_space<vmem>>
        %dma_wait3A_881 = tpu.memref_squeeze %dma_wait3A_880 : memref<1x128x8xf32, #tpu.memory_space<vmem>> -> memref<128x8xf32, #tpu.memory_space<vmem>>
        %dma_wait3A_882 = arith.constant 0 : i32
        %dma_wait3A_883 = arith.constant 0 : i32
        %dma_wait3A_884 = tpu.memref_slice %arg5[%dma_wait3A_882, %dma_wait3A_883] : memref<100096x8xf32, #tpu.memory_space<hbm>> -> memref<128x8xf32, #tpu.memory_space<hbm>>
        %dma_wait3A_885 = arith.constant 0 : i32
        %dma_wait3A_886 = arith.constant 0 : i32
        %dma_wait3A_887 = tpu.memref_slice %arg13[%dma_wait3A_877, %dma_wait3A_885, %dma_wait3A_886] : memref<8x128x8xf32, #tpu.memory_space<vmem>> -> memref<1x128x8xf32, #tpu.memory_space<vmem>>
        %dma_wait3A_888 = tpu.memref_squeeze %dma_wait3A_887 : memref<1x128x8xf32, #tpu.memory_space<vmem>> -> memref<128x8xf32, #tpu.memory_space<vmem>>
        %dma_wait3A_889 = arith.constant 0 : i32
        %dma_wait3A_890 = arith.constant 0 : i32
        %dma_wait3A_891 = tpu.memref_slice %arg5[%dma_wait3A_889, %dma_wait3A_890] : memref<100096x8xf32, #tpu.memory_space<hbm>> -> memref<128x8xf32, #tpu.memory_space<hbm>>
        tpu.wait_dma2 semaphore(%arg16 : memref<!tpu.dma_semaphore, #tpu.memory_space<semaphore_mem>>) src(%dma_wait3A_891 : memref<128x8xf32, #tpu.memory_space<hbm>>) dst(%dma_wait3A_888 : memref<128x8xf32, #tpu.memory_space<vmem>>)
        %dma_wait3A_892 = arith.constant 0 : i32
        %dma_wait3A_893 = arith.constant 0 : i32
        %dma_wait3A_894 = arith.constant 0 : i32
        %dma_wait3A_895 = tpu.memref_slice %arg13[%dma_wait3A_892, %dma_wait3A_893, %dma_wait3A_894] : memref<8x128x8xf32, #tpu.memory_space<vmem>> -> memref<1x128x8xf32, #tpu.memory_space<vmem>>
        %dma_wait3A_896 = tpu.memref_squeeze %dma_wait3A_895 : memref<1x128x8xf32, #tpu.memory_space<vmem>> -> memref<128x8xf32, #tpu.memory_space<vmem>>
        %dma_wait3A_897 = arith.constant 0 : i32
        %dma_wait3A_898 = arith.constant 0 : i32
        %dma_wait3A_899 = tpu.memref_slice %arg5[%dma_wait3A_897, %dma_wait3A_898] : memref<100096x8xf32, #tpu.memory_space<hbm>> -> memref<128x8xf32, #tpu.memory_space<hbm>>
        %dma_wait3A_900 = arith.constant 0 : i32
        %dma_wait3A_901 = arith.constant 0 : i32
        %dma_wait3A_902 = tpu.memref_slice %arg13[%dma_wait3A_892, %dma_wait3A_900, %dma_wait3A_901] : memref<8x128x8xf32, #tpu.memory_space<vmem>> -> memref<1x128x8xf32, #tpu.memory_space<vmem>>
        %dma_wait3A_903 = tpu.memref_squeeze %dma_wait3A_902 : memref<1x128x8xf32, #tpu.memory_space<vmem>> -> memref<128x8xf32, #tpu.memory_space<vmem>>
        %dma_wait3A_904 = arith.constant 0 : i32
        %dma_wait3A_905 = arith.constant 0 : i32
        %dma_wait3A_906 = tpu.memref_slice %arg5[%dma_wait3A_904, %dma_wait3A_905] : memref<100096x8xf32, #tpu.memory_space<hbm>> -> memref<128x8xf32, #tpu.memory_space<hbm>>
        tpu.wait_dma2 semaphore(%arg16 : memref<!tpu.dma_semaphore, #tpu.memory_space<semaphore_mem>>) src(%dma_wait3A_906 : memref<128x8xf32, #tpu.memory_space<hbm>>) dst(%dma_wait3A_903 : memref<128x8xf32, #tpu.memory_space<vmem>>)
        %dma_wait3A_907 = arith.constant 0 : i32
        %dma_wait3A_908 = arith.constant 0 : i32
        %dma_wait3A_909 = arith.constant 0 : i32
        %dma_wait3A_910 = tpu.memref_slice %arg13[%dma_wait3A_907, %dma_wait3A_908, %dma_wait3A_909] : memref<8x128x8xf32, #tpu.memory_space<vmem>> -> memref<1x128x8xf32, #tpu.memory_space<vmem>>
        %dma_wait3A_911 = tpu.memref_squeeze %dma_wait3A_910 : memref<1x128x8xf32, #tpu.memory_space<vmem>> -> memref<128x8xf32, #tpu.memory_space<vmem>>
        %dma_wait3A_912 = arith.constant 0 : i32
        %dma_wait3A_913 = arith.constant 0 : i32
        %dma_wait3A_914 = tpu.memref_slice %arg5[%dma_wait3A_912, %dma_wait3A_913] : memref<100096x8xf32, #tpu.memory_space<hbm>> -> memref<128x8xf32, #tpu.memory_space<hbm>>
        %dma_wait3A_915 = arith.constant 0 : i32
        %dma_wait3A_916 = arith.constant 0 : i32
        %dma_wait3A_917 = tpu.memref_slice %arg13[%dma_wait3A_907, %dma_wait3A_915, %dma_wait3A_916] : memref<8x128x8xf32, #tpu.memory_space<vmem>> -> memref<1x128x8xf32, #tpu.memory_space<vmem>>
        %dma_wait3A_918 = tpu.memref_squeeze %dma_wait3A_917 : memref<1x128x8xf32, #tpu.memory_space<vmem>> -> memref<128x8xf32, #tpu.memory_space<vmem>>
        %dma_wait3A_919 = arith.constant 0 : i32
        %dma_wait3A_920 = arith.constant 0 : i32
        %dma_wait3A_921 = tpu.memref_slice %arg5[%dma_wait3A_919, %dma_wait3A_920] : memref<100096x8xf32, #tpu.memory_space<hbm>> -> memref<128x8xf32, #tpu.memory_space<hbm>>
        tpu.wait_dma2 semaphore(%arg16 : memref<!tpu.dma_semaphore, #tpu.memory_space<semaphore_mem>>) src(%dma_wait3A_921 : memref<128x8xf32, #tpu.memory_space<hbm>>) dst(%dma_wait3A_918 : memref<128x8xf32, #tpu.memory_space<vmem>>)
        %dma_wait3A_922 = arith.constant 0 : i32
        %dma_wait3A_923 = arith.constant 0 : i32
        %dma_wait3A_924 = arith.constant 0 : i32
        %dma_wait3A_925 = tpu.memref_slice %arg13[%dma_wait3A_922, %dma_wait3A_923, %dma_wait3A_924] : memref<8x128x8xf32, #tpu.memory_space<vmem>> -> memref<1x128x8xf32, #tpu.memory_space<vmem>>
        %dma_wait3A_926 = tpu.memref_squeeze %dma_wait3A_925 : memref<1x128x8xf32, #tpu.memory_space<vmem>> -> memref<128x8xf32, #tpu.memory_space<vmem>>
        %dma_wait3A_927 = arith.constant 0 : i32
        %dma_wait3A_928 = arith.constant 0 : i32
        %dma_wait3A_929 = tpu.memref_slice %arg5[%dma_wait3A_927, %dma_wait3A_928] : memref<100096x8xf32, #tpu.memory_space<hbm>> -> memref<128x8xf32, #tpu.memory_space<hbm>>
        %dma_wait3A_930 = arith.constant 0 : i32
        %dma_wait3A_931 = arith.constant 0 : i32
        %dma_wait3A_932 = tpu.memref_slice %arg13[%dma_wait3A_922, %dma_wait3A_930, %dma_wait3A_931] : memref<8x128x8xf32, #tpu.memory_space<vmem>> -> memref<1x128x8xf32, #tpu.memory_space<vmem>>
        %dma_wait3A_933 = tpu.memref_squeeze %dma_wait3A_932 : memref<1x128x8xf32, #tpu.memory_space<vmem>> -> memref<128x8xf32, #tpu.memory_space<vmem>>
        %dma_wait3A_934 = arith.constant 0 : i32
        %dma_wait3A_935 = arith.constant 0 : i32
        %dma_wait3A_936 = tpu.memref_slice %arg5[%dma_wait3A_934, %dma_wait3A_935] : memref<100096x8xf32, #tpu.memory_space<hbm>> -> memref<128x8xf32, #tpu.memory_space<hbm>>
        tpu.wait_dma2 semaphore(%arg16 : memref<!tpu.dma_semaphore, #tpu.memory_space<semaphore_mem>>) src(%dma_wait3A_936 : memref<128x8xf32, #tpu.memory_space<hbm>>) dst(%dma_wait3A_933 : memref<128x8xf32, #tpu.memory_space<vmem>>)
        %dma_wait3A_937 = arith.constant 0 : i32
        %dma_wait3A_938 = arith.constant 0 : i32
        %dma_wait3A_939 = arith.constant 0 : i32
        %dma_wait3A_940 = tpu.memref_slice %arg13[%dma_wait3A_937, %dma_wait3A_938, %dma_wait3A_939] : memref<8x128x8xf32, #tpu.memory_space<vmem>> -> memref<1x128x8xf32, #tpu.memory_space<vmem>>
        %dma_wait3A_941 = tpu.memref_squeeze %dma_wait3A_940 : memref<1x128x8xf32, #tpu.memory_space<vmem>> -> memref<128x8xf32, #tpu.memory_space<vmem>>
        %dma_wait3A_942 = arith.constant 0 : i32
        %dma_wait3A_943 = arith.constant 0 : i32
        %dma_wait3A_944 = tpu.memref_slice %arg5[%dma_wait3A_942, %dma_wait3A_943] : memref<100096x8xf32, #tpu.memory_space<hbm>> -> memref<128x8xf32, #tpu.memory_space<hbm>>
        %dma_wait3A_945 = arith.constant 0 : i32
        %dma_wait3A_946 = arith.constant 0 : i32
        %dma_wait3A_947 = tpu.memref_slice %arg13[%dma_wait3A_937, %dma_wait3A_945, %dma_wait3A_946] : memref<8x128x8xf32, #tpu.memory_space<vmem>> -> memref<1x128x8xf32, #tpu.memory_space<vmem>>
        %dma_wait3A_948 = tpu.memref_squeeze %dma_wait3A_947 : memref<1x128x8xf32, #tpu.memory_space<vmem>> -> memref<128x8xf32, #tpu.memory_space<vmem>>
        %dma_wait3A_949 = arith.constant 0 : i32
        %dma_wait3A_950 = arith.constant 0 : i32
        %dma_wait3A_951 = tpu.memref_slice %arg5[%dma_wait3A_949, %dma_wait3A_950] : memref<100096x8xf32, #tpu.memory_space<hbm>> -> memref<128x8xf32, #tpu.memory_space<hbm>>
        tpu.wait_dma2 semaphore(%arg16 : memref<!tpu.dma_semaphore, #tpu.memory_space<semaphore_mem>>) src(%dma_wait3A_951 : memref<128x8xf32, #tpu.memory_space<hbm>>) dst(%dma_wait3A_948 : memref<128x8xf32, #tpu.memory_space<vmem>>)
        %dma_wait3A_952 = arith.constant 0 : i32
        %dma_wait3A_953 = arith.constant 0 : i32
        %dma_wait3A_954 = arith.constant 0 : i32
        %dma_wait3A_955 = tpu.memref_slice %arg13[%dma_wait3A_952, %dma_wait3A_953, %dma_wait3A_954] : memref<8x128x8xf32, #tpu.memory_space<vmem>> -> memref<1x128x8xf32, #tpu.memory_space<vmem>>
        %dma_wait3A_956 = tpu.memref_squeeze %dma_wait3A_955 : memref<1x128x8xf32, #tpu.memory_space<vmem>> -> memref<128x8xf32, #tpu.memory_space<vmem>>
        %dma_wait3A_957 = arith.constant 0 : i32
        %dma_wait3A_958 = arith.constant 0 : i32
        %dma_wait3A_959 = tpu.memref_slice %arg5[%dma_wait3A_957, %dma_wait3A_958] : memref<100096x8xf32, #tpu.memory_space<hbm>> -> memref<128x8xf32, #tpu.memory_space<hbm>>
        %dma_wait3A_960 = arith.constant 0 : i32
        %dma_wait3A_961 = arith.constant 0 : i32
        %dma_wait3A_962 = tpu.memref_slice %arg13[%dma_wait3A_952, %dma_wait3A_960, %dma_wait3A_961] : memref<8x128x8xf32, #tpu.memory_space<vmem>> -> memref<1x128x8xf32, #tpu.memory_space<vmem>>
        %dma_wait3A_963 = tpu.memref_squeeze %dma_wait3A_962 : memref<1x128x8xf32, #tpu.memory_space<vmem>> -> memref<128x8xf32, #tpu.memory_space<vmem>>
        %dma_wait3A_964 = arith.constant 0 : i32
        %dma_wait3A_965 = arith.constant 0 : i32
        %dma_wait3A_966 = tpu.memref_slice %arg5[%dma_wait3A_964, %dma_wait3A_965] : memref<100096x8xf32, #tpu.memory_space<hbm>> -> memref<128x8xf32, #tpu.memory_space<hbm>>
        tpu.wait_dma2 semaphore(%arg16 : memref<!tpu.dma_semaphore, #tpu.memory_space<semaphore_mem>>) src(%dma_wait3A_966 : memref<128x8xf32, #tpu.memory_space<hbm>>) dst(%dma_wait3A_963 : memref<128x8xf32, #tpu.memory_space<vmem>>)
        %dma_wait3A_967 = arith.constant 0 : i32
        %dma_wait3A_968 = arith.constant 0 : i32
        %dma_wait3A_969 = arith.constant 0 : i32
        %dma_wait3A_970 = tpu.memref_slice %arg13[%dma_wait3A_967, %dma_wait3A_968, %dma_wait3A_969] : memref<8x128x8xf32, #tpu.memory_space<vmem>> -> memref<1x128x8xf32, #tpu.memory_space<vmem>>
        %dma_wait3A_971 = tpu.memref_squeeze %dma_wait3A_970 : memref<1x128x8xf32, #tpu.memory_space<vmem>> -> memref<128x8xf32, #tpu.memory_space<vmem>>
        %dma_wait3A_972 = arith.constant 0 : i32
        %dma_wait3A_973 = arith.constant 0 : i32
        %dma_wait3A_974 = tpu.memref_slice %arg5[%dma_wait3A_972, %dma_wait3A_973] : memref<100096x8xf32, #tpu.memory_space<hbm>> -> memref<128x8xf32, #tpu.memory_space<hbm>>
        %dma_wait3A_975 = arith.constant 0 : i32
        %dma_wait3A_976 = arith.constant 0 : i32
        %dma_wait3A_977 = tpu.memref_slice %arg13[%dma_wait3A_967, %dma_wait3A_975, %dma_wait3A_976] : memref<8x128x8xf32, #tpu.memory_space<vmem>> -> memref<1x128x8xf32, #tpu.memory_space<vmem>>
        %dma_wait3A_978 = tpu.memref_squeeze %dma_wait3A_977 : memref<1x128x8xf32, #tpu.memory_space<vmem>> -> memref<128x8xf32, #tpu.memory_space<vmem>>
        %dma_wait3A_979 = arith.constant 0 : i32
        %dma_wait3A_980 = arith.constant 0 : i32
        %dma_wait3A_981 = tpu.memref_slice %arg5[%dma_wait3A_979, %dma_wait3A_980] : memref<100096x8xf32, #tpu.memory_space<hbm>> -> memref<128x8xf32, #tpu.memory_space<hbm>>
        tpu.wait_dma2 semaphore(%arg16 : memref<!tpu.dma_semaphore, #tpu.memory_space<semaphore_mem>>) src(%dma_wait3A_981 : memref<128x8xf32, #tpu.memory_space<hbm>>) dst(%dma_wait3A_978 : memref<128x8xf32, #tpu.memory_space<vmem>>)
        %dma_wait3A_982 = arith.constant 0 : i32
        %dma_wait3A_983 = arith.constant 0 : i32
        %dma_wait3A_984 = arith.constant 0 : i32
        %dma_wait3A_985 = tpu.memref_slice %arg13[%dma_wait3A_982, %dma_wait3A_983, %dma_wait3A_984] : memref<8x128x8xf32, #tpu.memory_space<vmem>> -> memref<1x128x8xf32, #tpu.memory_space<vmem>>
        %dma_wait3A_986 = tpu.memref_squeeze %dma_wait3A_985 : memref<1x128x8xf32, #tpu.memory_space<vmem>> -> memref<128x8xf32, #tpu.memory_space<vmem>>
        %dma_wait3A_987 = arith.constant 0 : i32
        %dma_wait3A_988 = arith.constant 0 : i32
        %dma_wait3A_989 = tpu.memref_slice %arg5[%dma_wait3A_987, %dma_wait3A_988] : memref<100096x8xf32, #tpu.memory_space<hbm>> -> memref<128x8xf32, #tpu.memory_space<hbm>>
        %dma_wait3A_990 = arith.constant 0 : i32
        %dma_wait3A_991 = arith.constant 0 : i32
        %dma_wait3A_992 = tpu.memref_slice %arg13[%dma_wait3A_982, %dma_wait3A_990, %dma_wait3A_991] : memref<8x128x8xf32, #tpu.memory_space<vmem>> -> memref<1x128x8xf32, #tpu.memory_space<vmem>>
        %dma_wait3A_993 = tpu.memref_squeeze %dma_wait3A_992 : memref<1x128x8xf32, #tpu.memory_space<vmem>> -> memref<128x8xf32, #tpu.memory_space<vmem>>
        %dma_wait3A_994 = arith.constant 0 : i32
        %dma_wait3A_995 = arith.constant 0 : i32
        %dma_wait3A_996 = tpu.memref_slice %arg5[%dma_wait3A_994, %dma_wait3A_995] : memref<100096x8xf32, #tpu.memory_space<hbm>> -> memref<128x8xf32, #tpu.memory_space<hbm>>
        tpu.wait_dma2 semaphore(%arg16 : memref<!tpu.dma_semaphore, #tpu.memory_space<semaphore_mem>>) src(%dma_wait3A_996 : memref<128x8xf32, #tpu.memory_space<hbm>>) dst(%dma_wait3A_993 : memref<128x8xf32, #tpu.memory_space<vmem>>)
        %dma_wait3A_997 = arith.constant 0 : i32
        %dma_wait3A_998 = arith.constant 0 : i32
        %dma_wait3A_999 = arith.constant 0 : i32
        %dma_wait3A_1000 = tpu.memref_slice %arg13[%dma_wait3A_997, %dma_wait3A_998, %dma_wait3A_999] : memref<8x128x8xf32, #tpu.memory_space<vmem>> -> memref<1x128x8xf32, #tpu.memory_space<vmem>>
        %dma_wait3A_1001 = tpu.memref_squeeze %dma_wait3A_1000 : memref<1x128x8xf32, #tpu.memory_space<vmem>> -> memref<128x8xf32, #tpu.memory_space<vmem>>
        %dma_wait3A_1002 = arith.constant 0 : i32
        %dma_wait3A_1003 = arith.constant 0 : i32
        %dma_wait3A_1004 = tpu.memref_slice %arg5[%dma_wait3A_1002, %dma_wait3A_1003] : memref<100096x8xf32, #tpu.memory_space<hbm>> -> memref<128x8xf32, #tpu.memory_space<hbm>>
        %dma_wait3A_1005 = arith.constant 0 : i32
        %dma_wait3A_1006 = arith.constant 0 : i32
        %dma_wait3A_1007 = tpu.memref_slice %arg13[%dma_wait3A_997, %dma_wait3A_1005, %dma_wait3A_1006] : memref<8x128x8xf32, #tpu.memory_space<vmem>> -> memref<1x128x8xf32, #tpu.memory_space<vmem>>
        %dma_wait3A_1008 = tpu.memref_squeeze %dma_wait3A_1007 : memref<1x128x8xf32, #tpu.memory_space<vmem>> -> memref<128x8xf32, #tpu.memory_space<vmem>>
        %dma_wait3A_1009 = arith.constant 0 : i32
        %dma_wait3A_1010 = arith.constant 0 : i32
        %dma_wait3A_1011 = tpu.memref_slice %arg5[%dma_wait3A_1009, %dma_wait3A_1010] : memref<100096x8xf32, #tpu.memory_space<hbm>> -> memref<128x8xf32, #tpu.memory_space<hbm>>
        tpu.wait_dma2 semaphore(%arg16 : memref<!tpu.dma_semaphore, #tpu.memory_space<semaphore_mem>>) src(%dma_wait3A_1011 : memref<128x8xf32, #tpu.memory_space<hbm>>) dst(%dma_wait3A_1008 : memref<128x8xf32, #tpu.memory_space<vmem>>)
        %dma_wait3A_1012 = arith.constant 0 : i32
        %dma_wait3A_1013 = arith.constant 0 : i32
        %dma_wait3A_1014 = arith.constant 0 : i32
        %dma_wait3A_1015 = tpu.memref_slice %arg13[%dma_wait3A_1012, %dma_wait3A_1013, %dma_wait3A_1014] : memref<8x128x8xf32, #tpu.memory_space<vmem>> -> memref<1x128x8xf32, #tpu.memory_space<vmem>>
        %dma_wait3A_1016 = tpu.memref_squeeze %dma_wait3A_1015 : memref<1x128x8xf32, #tpu.memory_space<vmem>> -> memref<128x8xf32, #tpu.memory_space<vmem>>
        %dma_wait3A_1017 = arith.constant 0 : i32
        %dma_wait3A_1018 = arith.constant 0 : i32
        %dma_wait3A_1019 = tpu.memref_slice %arg5[%dma_wait3A_1017, %dma_wait3A_1018] : memref<100096x8xf32, #tpu.memory_space<hbm>> -> memref<128x8xf32, #tpu.memory_space<hbm>>
        %dma_wait3A_1020 = arith.constant 0 : i32
        %dma_wait3A_1021 = arith.constant 0 : i32
        %dma_wait3A_1022 = tpu.memref_slice %arg13[%dma_wait3A_1012, %dma_wait3A_1020, %dma_wait3A_1021] : memref<8x128x8xf32, #tpu.memory_space<vmem>> -> memref<1x128x8xf32, #tpu.memory_space<vmem>>
        %dma_wait3A_1023 = tpu.memref_squeeze %dma_wait3A_1022 : memref<1x128x8xf32, #tpu.memory_space<vmem>> -> memref<128x8xf32, #tpu.memory_space<vmem>>
        %dma_wait3A_1024 = arith.constant 0 : i32
        %dma_wait3A_1025 = arith.constant 0 : i32
        %dma_wait3A_1026 = tpu.memref_slice %arg5[%dma_wait3A_1024, %dma_wait3A_1025] : memref<100096x8xf32, #tpu.memory_space<hbm>> -> memref<128x8xf32, #tpu.memory_space<hbm>>
        tpu.wait_dma2 semaphore(%arg16 : memref<!tpu.dma_semaphore, #tpu.memory_space<semaphore_mem>>) src(%dma_wait3A_1026 : memref<128x8xf32, #tpu.memory_space<hbm>>) dst(%dma_wait3A_1023 : memref<128x8xf32, #tpu.memory_space<vmem>>)
        %dma_wait3A_1027 = arith.constant 0 : i32
        %dma_wait3A_1028 = arith.constant 0 : i32
        %dma_wait3A_1029 = arith.constant 0 : i32
        %dma_wait3A_1030 = tpu.memref_slice %arg13[%dma_wait3A_1027, %dma_wait3A_1028, %dma_wait3A_1029] : memref<8x128x8xf32, #tpu.memory_space<vmem>> -> memref<1x128x8xf32, #tpu.memory_space<vmem>>
        %dma_wait3A_1031 = tpu.memref_squeeze %dma_wait3A_1030 : memref<1x128x8xf32, #tpu.memory_space<vmem>> -> memref<128x8xf32, #tpu.memory_space<vmem>>
        %dma_wait3A_1032 = arith.constant 0 : i32
        %dma_wait3A_1033 = arith.constant 0 : i32
        %dma_wait3A_1034 = tpu.memref_slice %arg5[%dma_wait3A_1032, %dma_wait3A_1033] : memref<100096x8xf32, #tpu.memory_space<hbm>> -> memref<128x8xf32, #tpu.memory_space<hbm>>
        %dma_wait3A_1035 = arith.constant 0 : i32
        %dma_wait3A_1036 = arith.constant 0 : i32
        %dma_wait3A_1037 = tpu.memref_slice %arg13[%dma_wait3A_1027, %dma_wait3A_1035, %dma_wait3A_1036] : memref<8x128x8xf32, #tpu.memory_space<vmem>> -> memref<1x128x8xf32, #tpu.memory_space<vmem>>
        %dma_wait3A_1038 = tpu.memref_squeeze %dma_wait3A_1037 : memref<1x128x8xf32, #tpu.memory_space<vmem>> -> memref<128x8xf32, #tpu.memory_space<vmem>>
        %dma_wait3A_1039 = arith.constant 0 : i32
        %dma_wait3A_1040 = arith.constant 0 : i32
        %dma_wait3A_1041 = tpu.memref_slice %arg5[%dma_wait3A_1039, %dma_wait3A_1040] : memref<100096x8xf32, #tpu.memory_space<hbm>> -> memref<128x8xf32, #tpu.memory_space<hbm>>
        tpu.wait_dma2 semaphore(%arg16 : memref<!tpu.dma_semaphore, #tpu.memory_space<semaphore_mem>>) src(%dma_wait3A_1041 : memref<128x8xf32, #tpu.memory_space<hbm>>) dst(%dma_wait3A_1038 : memref<128x8xf32, #tpu.memory_space<vmem>>)
        %dma_wait3A_1042 = arith.constant 0 : i32
        %dma_wait3A_1043 = arith.constant 0 : i32
        %dma_wait3A_1044 = arith.constant 0 : i32
        %dma_wait3A_1045 = tpu.memref_slice %arg13[%dma_wait3A_1042, %dma_wait3A_1043, %dma_wait3A_1044] : memref<8x128x8xf32, #tpu.memory_space<vmem>> -> memref<1x128x8xf32, #tpu.memory_space<vmem>>
        %dma_wait3A_1046 = tpu.memref_squeeze %dma_wait3A_1045 : memref<1x128x8xf32, #tpu.memory_space<vmem>> -> memref<128x8xf32, #tpu.memory_space<vmem>>
        %dma_wait3A_1047 = arith.constant 0 : i32
        %dma_wait3A_1048 = arith.constant 0 : i32
        %dma_wait3A_1049 = tpu.memref_slice %arg5[%dma_wait3A_1047, %dma_wait3A_1048] : memref<100096x8xf32, #tpu.memory_space<hbm>> -> memref<128x8xf32, #tpu.memory_space<hbm>>
        %dma_wait3A_1050 = arith.constant 0 : i32
        %dma_wait3A_1051 = arith.constant 0 : i32
        %dma_wait3A_1052 = tpu.memref_slice %arg13[%dma_wait3A_1042, %dma_wait3A_1050, %dma_wait3A_1051] : memref<8x128x8xf32, #tpu.memory_space<vmem>> -> memref<1x128x8xf32, #tpu.memory_space<vmem>>
        %dma_wait3A_1053 = tpu.memref_squeeze %dma_wait3A_1052 : memref<1x128x8xf32, #tpu.memory_space<vmem>> -> memref<128x8xf32, #tpu.memory_space<vmem>>
        %dma_wait3A_1054 = arith.constant 0 : i32
        %dma_wait3A_1055 = arith.constant 0 : i32
        %dma_wait3A_1056 = tpu.memref_slice %arg5[%dma_wait3A_1054, %dma_wait3A_1055] : memref<100096x8xf32, #tpu.memory_space<hbm>> -> memref<128x8xf32, #tpu.memory_space<hbm>>
        tpu.wait_dma2 semaphore(%arg16 : memref<!tpu.dma_semaphore, #tpu.memory_space<semaphore_mem>>) src(%dma_wait3A_1056 : memref<128x8xf32, #tpu.memory_space<hbm>>) dst(%dma_wait3A_1053 : memref<128x8xf32, #tpu.memory_space<vmem>>)
        %dma_wait3A_1057 = arith.constant 0 : i32
        %dma_wait3A_1058 = arith.constant 0 : i32
        %dma_wait3A_1059 = arith.constant 0 : i32
        %dma_wait3A_1060 = tpu.memref_slice %arg13[%dma_wait3A_1057, %dma_wait3A_1058, %dma_wait3A_1059] : memref<8x128x8xf32, #tpu.memory_space<vmem>> -> memref<1x128x8xf32, #tpu.memory_space<vmem>>
        %dma_wait3A_1061 = tpu.memref_squeeze %dma_wait3A_1060 : memref<1x128x8xf32, #tpu.memory_space<vmem>> -> memref<128x8xf32, #tpu.memory_space<vmem>>
        %dma_wait3A_1062 = arith.constant 0 : i32
        %dma_wait3A_1063 = arith.constant 0 : i32
        %dma_wait3A_1064 = tpu.memref_slice %arg5[%dma_wait3A_1062, %dma_wait3A_1063] : memref<100096x8xf32, #tpu.memory_space<hbm>> -> memref<128x8xf32, #tpu.memory_space<hbm>>
        %dma_wait3A_1065 = arith.constant 0 : i32
        %dma_wait3A_1066 = arith.constant 0 : i32
        %dma_wait3A_1067 = tpu.memref_slice %arg13[%dma_wait3A_1057, %dma_wait3A_1065, %dma_wait3A_1066] : memref<8x128x8xf32, #tpu.memory_space<vmem>> -> memref<1x128x8xf32, #tpu.memory_space<vmem>>
        %dma_wait3A_1068 = tpu.memref_squeeze %dma_wait3A_1067 : memref<1x128x8xf32, #tpu.memory_space<vmem>> -> memref<128x8xf32, #tpu.memory_space<vmem>>
        %dma_wait3A_1069 = arith.constant 0 : i32
        %dma_wait3A_1070 = arith.constant 0 : i32
        %dma_wait3A_1071 = tpu.memref_slice %arg5[%dma_wait3A_1069, %dma_wait3A_1070] : memref<100096x8xf32, #tpu.memory_space<hbm>> -> memref<128x8xf32, #tpu.memory_space<hbm>>
        tpu.wait_dma2 semaphore(%arg16 : memref<!tpu.dma_semaphore, #tpu.memory_space<semaphore_mem>>) src(%dma_wait3A_1071 : memref<128x8xf32, #tpu.memory_space<hbm>>) dst(%dma_wait3A_1068 : memref<128x8xf32, #tpu.memory_space<vmem>>)
        %dma_wait3A_1072 = arith.constant 0 : i32
        %dma_wait3A_1073 = arith.constant 0 : i32
        %dma_wait3A_1074 = arith.constant 0 : i32
        %dma_wait3A_1075 = tpu.memref_slice %arg13[%dma_wait3A_1072, %dma_wait3A_1073, %dma_wait3A_1074] : memref<8x128x8xf32, #tpu.memory_space<vmem>> -> memref<1x128x8xf32, #tpu.memory_space<vmem>>
        %dma_wait3A_1076 = tpu.memref_squeeze %dma_wait3A_1075 : memref<1x128x8xf32, #tpu.memory_space<vmem>> -> memref<128x8xf32, #tpu.memory_space<vmem>>
        %dma_wait3A_1077 = arith.constant 0 : i32
        %dma_wait3A_1078 = arith.constant 0 : i32
        %dma_wait3A_1079 = tpu.memref_slice %arg5[%dma_wait3A_1077, %dma_wait3A_1078] : memref<100096x8xf32, #tpu.memory_space<hbm>> -> memref<128x8xf32, #tpu.memory_space<hbm>>
        %dma_wait3A_1080 = arith.constant 0 : i32
        %dma_wait3A_1081 = arith.constant 0 : i32
        %dma_wait3A_1082 = tpu.memref_slice %arg13[%dma_wait3A_1072, %dma_wait3A_1080, %dma_wait3A_1081] : memref<8x128x8xf32, #tpu.memory_space<vmem>> -> memref<1x128x8xf32, #tpu.memory_space<vmem>>
        %dma_wait3A_1083 = tpu.memref_squeeze %dma_wait3A_1082 : memref<1x128x8xf32, #tpu.memory_space<vmem>> -> memref<128x8xf32, #tpu.memory_space<vmem>>
        %dma_wait3A_1084 = arith.constant 0 : i32
        %dma_wait3A_1085 = arith.constant 0 : i32
        %dma_wait3A_1086 = tpu.memref_slice %arg5[%dma_wait3A_1084, %dma_wait3A_1085] : memref<100096x8xf32, #tpu.memory_space<hbm>> -> memref<128x8xf32, #tpu.memory_space<hbm>>
        tpu.wait_dma2 semaphore(%arg16 : memref<!tpu.dma_semaphore, #tpu.memory_space<semaphore_mem>>) src(%dma_wait3A_1086 : memref<128x8xf32, #tpu.memory_space<hbm>>) dst(%dma_wait3A_1083 : memref<128x8xf32, #tpu.memory_space<vmem>>)
        %dma_wait3A_1087 = arith.constant 0 : i32
        %dma_wait3A_1088 = arith.constant 0 : i32
        %dma_wait3A_1089 = arith.constant 0 : i32
        %dma_wait3A_1090 = tpu.memref_slice %arg13[%dma_wait3A_1087, %dma_wait3A_1088, %dma_wait3A_1089] : memref<8x128x8xf32, #tpu.memory_space<vmem>> -> memref<1x128x8xf32, #tpu.memory_space<vmem>>
        %dma_wait3A_1091 = tpu.memref_squeeze %dma_wait3A_1090 : memref<1x128x8xf32, #tpu.memory_space<vmem>> -> memref<128x8xf32, #tpu.memory_space<vmem>>
        %dma_wait3A_1092 = arith.constant 0 : i32
        %dma_wait3A_1093 = arith.constant 0 : i32
        %dma_wait3A_1094 = tpu.memref_slice %arg5[%dma_wait3A_1092, %dma_wait3A_1093] : memref<100096x8xf32, #tpu.memory_space<hbm>> -> memref<128x8xf32, #tpu.memory_space<hbm>>
        %dma_wait3A_1095 = arith.constant 0 : i32
        %dma_wait3A_1096 = arith.constant 0 : i32
        %dma_wait3A_1097 = tpu.memref_slice %arg13[%dma_wait3A_1087, %dma_wait3A_1095, %dma_wait3A_1096] : memref<8x128x8xf32, #tpu.memory_space<vmem>> -> memref<1x128x8xf32, #tpu.memory_space<vmem>>
        %dma_wait3A_1098 = tpu.memref_squeeze %dma_wait3A_1097 : memref<1x128x8xf32, #tpu.memory_space<vmem>> -> memref<128x8xf32, #tpu.memory_space<vmem>>
        %dma_wait3A_1099 = arith.constant 0 : i32
        %dma_wait3A_1100 = arith.constant 0 : i32
        %dma_wait3A_1101 = tpu.memref_slice %arg5[%dma_wait3A_1099, %dma_wait3A_1100] : memref<100096x8xf32, #tpu.memory_space<hbm>> -> memref<128x8xf32, #tpu.memory_space<hbm>>
        tpu.wait_dma2 semaphore(%arg16 : memref<!tpu.dma_semaphore, #tpu.memory_space<semaphore_mem>>) src(%dma_wait3A_1101 : memref<128x8xf32, #tpu.memory_space<hbm>>) dst(%dma_wait3A_1098 : memref<128x8xf32, #tpu.memory_space<vmem>>)
        %dma_wait3A_1102 = arith.constant 0 : i32
        %dma_wait3A_1103 = arith.constant 0 : i32
        %dma_wait3A_1104 = arith.constant 0 : i32
        %dma_wait3A_1105 = tpu.memref_slice %arg13[%dma_wait3A_1102, %dma_wait3A_1103, %dma_wait3A_1104] : memref<8x128x8xf32, #tpu.memory_space<vmem>> -> memref<1x128x8xf32, #tpu.memory_space<vmem>>
        %dma_wait3A_1106 = tpu.memref_squeeze %dma_wait3A_1105 : memref<1x128x8xf32, #tpu.memory_space<vmem>> -> memref<128x8xf32, #tpu.memory_space<vmem>>
        %dma_wait3A_1107 = arith.constant 0 : i32
        %dma_wait3A_1108 = arith.constant 0 : i32
        %dma_wait3A_1109 = tpu.memref_slice %arg5[%dma_wait3A_1107, %dma_wait3A_1108] : memref<100096x8xf32, #tpu.memory_space<hbm>> -> memref<128x8xf32, #tpu.memory_space<hbm>>
        %dma_wait3A_1110 = arith.constant 0 : i32
        %dma_wait3A_1111 = arith.constant 0 : i32
        %dma_wait3A_1112 = tpu.memref_slice %arg13[%dma_wait3A_1102, %dma_wait3A_1110, %dma_wait3A_1111] : memref<8x128x8xf32, #tpu.memory_space<vmem>> -> memref<1x128x8xf32, #tpu.memory_space<vmem>>
        %dma_wait3A_1113 = tpu.memref_squeeze %dma_wait3A_1112 : memref<1x128x8xf32, #tpu.memory_space<vmem>> -> memref<128x8xf32, #tpu.memory_space<vmem>>
        %dma_wait3A_1114 = arith.constant 0 : i32
        %dma_wait3A_1115 = arith.constant 0 : i32
        %dma_wait3A_1116 = tpu.memref_slice %arg5[%dma_wait3A_1114, %dma_wait3A_1115] : memref<100096x8xf32, #tpu.memory_space<hbm>> -> memref<128x8xf32, #tpu.memory_space<hbm>>
        tpu.wait_dma2 semaphore(%arg16 : memref<!tpu.dma_semaphore, #tpu.memory_space<semaphore_mem>>) src(%dma_wait3A_1116 : memref<128x8xf32, #tpu.memory_space<hbm>>) dst(%dma_wait3A_1113 : memref<128x8xf32, #tpu.memory_space<vmem>>)
      } else {
      }
      %dma_start3A = arith.constant 0 : i32
      %dma_start3A_270 = tpu.memref_slice %arg2[%add3A_265, %dma_start3A] : memref<12800x128xi32, #tpu.memory_space<hbm>> -> memref<8x128xi32, #tpu.memory_space<hbm>>
      %dma_start3A_271 = arith.constant 0 : i32
      %dma_start3A_272 = tpu.memref_slice %arg2[%add3A_265, %dma_start3A_271] : memref<12800x128xi32, #tpu.memory_space<hbm>> -> memref<8x128xi32, #tpu.memory_space<hbm>>
      tpu.enqueue_dma source(%dma_start3A_272 : memref<8x128xi32, #tpu.memory_space<hbm>>) target(%arg9 : memref<8x128xi32, #tpu.memory_space<vmem>>) target_semaphore(%arg17 : memref<!tpu.dma_semaphore, #tpu.memory_space<semaphore_mem>>)
      %dma_start3A_273 = arith.constant 0 : i32
      %dma_start3A_274 = tpu.memref_slice %arg3[%add3A_265, %dma_start3A_273] : memref<12800x128xi32, #tpu.memory_space<hbm>> -> memref<8x128xi32, #tpu.memory_space<hbm>>
      %dma_start3A_275 = arith.constant 0 : i32
      %dma_start3A_276 = tpu.memref_slice %arg3[%add3A_265, %dma_start3A_275] : memref<12800x128xi32, #tpu.memory_space<hbm>> -> memref<8x128xi32, #tpu.memory_space<hbm>>
      tpu.enqueue_dma source(%dma_start3A_276 : memref<8x128xi32, #tpu.memory_space<hbm>>) target(%arg10 : memref<8x128xi32, #tpu.memory_space<vmem>>) target_semaphore(%arg17 : memref<!tpu.dma_semaphore, #tpu.memory_space<semaphore_mem>>)
      %dma_start3A_277 = arith.constant 0 : i32
      %dma_start3A_278 = tpu.memref_slice %arg2[%add3A_267, %dma_start3A_277] : memref<12800x128xi32, #tpu.memory_space<hbm>> -> memref<8x128xi32, #tpu.memory_space<hbm>>
      %dma_start3A_279 = arith.constant 0 : i32
      %dma_start3A_280 = tpu.memref_slice %arg2[%add3A_267, %dma_start3A_279] : memref<12800x128xi32, #tpu.memory_space<hbm>> -> memref<8x128xi32, #tpu.memory_space<hbm>>
      tpu.enqueue_dma source(%dma_start3A_280 : memref<8x128xi32, #tpu.memory_space<hbm>>) target(%arg11 : memref<8x128xi32, #tpu.memory_space<vmem>>) target_semaphore(%arg17 : memref<!tpu.dma_semaphore, #tpu.memory_space<semaphore_mem>>)
      %dma_start3A_281 = arith.constant 0 : i32
      %dma_start3A_282 = tpu.memref_slice %arg3[%add3A_267, %dma_start3A_281] : memref<12800x128xi32, #tpu.memory_space<hbm>> -> memref<8x128xi32, #tpu.memory_space<hbm>>
      %dma_start3A_283 = arith.constant 0 : i32
      %dma_start3A_284 = tpu.memref_slice %arg3[%add3A_267, %dma_start3A_283] : memref<12800x128xi32, #tpu.memory_space<hbm>> -> memref<8x128xi32, #tpu.memory_space<hbm>>
      tpu.enqueue_dma source(%dma_start3A_284 : memref<8x128xi32, #tpu.memory_space<hbm>>) target(%arg12 : memref<8x128xi32, #tpu.memory_space<vmem>>) target_semaphore(%arg17 : memref<!tpu.dma_semaphore, #tpu.memory_space<semaphore_mem>>)
      %dma_wait3A_285 = arith.constant 0 : i32
      %dma_wait3A_286 = tpu.memref_slice %arg2[%add3A_265, %dma_wait3A_285] : memref<12800x128xi32, #tpu.memory_space<hbm>> -> memref<8x128xi32, #tpu.memory_space<hbm>>
      %dma_wait3A_287 = arith.constant 0 : i32
      %dma_wait3A_288 = tpu.memref_slice %arg2[%add3A_265, %dma_wait3A_287] : memref<12800x128xi32, #tpu.memory_space<hbm>> -> memref<8x128xi32, #tpu.memory_space<hbm>>
      tpu.wait_dma2 semaphore(%arg17 : memref<!tpu.dma_semaphore, #tpu.memory_space<semaphore_mem>>) src(%dma_wait3A_288 : memref<8x128xi32, #tpu.memory_space<hbm>>) dst(%arg9 : memref<8x128xi32, #tpu.memory_space<vmem>>)
      %dma_wait3A_289 = arith.constant 0 : i32
      %dma_wait3A_290 = tpu.memref_slice %arg3[%add3A_265, %dma_wait3A_289] : memref<12800x128xi32, #tpu.memory_space<hbm>> -> memref<8x128xi32, #tpu.memory_space<hbm>>
      %dma_wait3A_291 = arith.constant 0 : i32
      %dma_wait3A_292 = tpu.memref_slice %arg3[%add3A_265, %dma_wait3A_291] : memref<12800x128xi32, #tpu.memory_space<hbm>> -> memref<8x128xi32, #tpu.memory_space<hbm>>
      tpu.wait_dma2 semaphore(%arg17 : memref<!tpu.dma_semaphore, #tpu.memory_space<semaphore_mem>>) src(%dma_wait3A_292 : memref<8x128xi32, #tpu.memory_space<hbm>>) dst(%arg10 : memref<8x128xi32, #tpu.memory_space<vmem>>)
      %dma_wait3A_293 = arith.constant 0 : i32
      %dma_wait3A_294 = tpu.memref_slice %arg2[%add3A_267, %dma_wait3A_293] : memref<12800x128xi32, #tpu.memory_space<hbm>> -> memref<8x128xi32, #tpu.memory_space<hbm>>
      %dma_wait3A_295 = arith.constant 0 : i32
      %dma_wait3A_296 = tpu.memref_slice %arg2[%add3A_267, %dma_wait3A_295] : memref<12800x128xi32, #tpu.memory_space<hbm>> -> memref<8x128xi32, #tpu.memory_space<hbm>>
      tpu.wait_dma2 semaphore(%arg17 : memref<!tpu.dma_semaphore, #tpu.memory_space<semaphore_mem>>) src(%dma_wait3A_296 : memref<8x128xi32, #tpu.memory_space<hbm>>) dst(%arg11 : memref<8x128xi32, #tpu.memory_space<vmem>>)
      %dma_wait3A_297 = arith.constant 0 : i32
      %dma_wait3A_298 = tpu.memref_slice %arg3[%add3A_267, %dma_wait3A_297] : memref<12800x128xi32, #tpu.memory_space<hbm>> -> memref<8x128xi32, #tpu.memory_space<hbm>>
      %dma_wait3A_299 = arith.constant 0 : i32
      %dma_wait3A_300 = tpu.memref_slice %arg3[%add3A_267, %dma_wait3A_299] : memref<12800x128xi32, #tpu.memory_space<hbm>> -> memref<8x128xi32, #tpu.memory_space<hbm>>
      tpu.wait_dma2 semaphore(%arg17 : memref<!tpu.dma_semaphore, #tpu.memory_space<semaphore_mem>>) src(%dma_wait3A_300 : memref<8x128xi32, #tpu.memory_space<hbm>>) dst(%arg12 : memref<8x128xi32, #tpu.memory_space<vmem>>)
      %dma_start3A_301 = arith.constant 0 : i32
      %dma_start3A_302 = arith.constant 0 : i32
      %dma_start3A_303 = arith.constant 0 : i32
      %dma_start3A_304 = arith.constant 0 : i32
      %dma_start3A_305 = tpu.memref_slice %arg13[%dma_start3A_302, %dma_start3A_303, %dma_start3A_304] : memref<8x128x8xf32, #tpu.memory_space<vmem>> -> memref<1x128x8xf32, #tpu.memory_space<vmem>>
      %dma_start3A_306 = tpu.memref_squeeze %dma_start3A_305 : memref<1x128x8xf32, #tpu.memory_space<vmem>> -> memref<128x8xf32, #tpu.memory_space<vmem>>
      %dma_start3A_307 = arith.constant 0 : i32
      %dma_start3A_308 = tpu.memref_slice %arg9[%dma_start3A_301, %dma_start3A_307] : memref<8x128xi32, #tpu.memory_space<vmem>> -> memref<1x128xi32, #tpu.memory_space<vmem>>
      %dma_start3A_309 = tpu.memref_squeeze %dma_start3A_308 : memref<1x128xi32, #tpu.memory_space<vmem>> -> memref<128xi32, #tpu.memory_space<vmem>>
      %dma_start3A_310 = arith.constant 0 : i32
      %dma_start3A_311 = arith.constant 0 : i32
      %dma_start3A_312 = tpu.memref_slice %arg8[%dma_start3A_310, %dma_start3A_311] : memref<100096x8xf32, #tpu.memory_space<vmem_shared>> -> memref<100096x8xf32, #tpu.memory_space<vmem_shared>>
      tpu.enqueue_indirect_dma source(%dma_start3A_312 : memref<100096x8xf32, #tpu.memory_space<vmem_shared>>) target(%dma_start3A_306 : memref<128x8xf32, #tpu.memory_space<vmem>>) offsets(%dma_start3A_309 : memref<128xi32, #tpu.memory_space<vmem>>) semaphore(%arg15 : memref<!tpu.dma_semaphore, #tpu.memory_space<semaphore_mem>>)
      %dma_start3A_313 = arith.constant 1 : i32
      %dma_start3A_314 = arith.constant 1 : i32
      %dma_start3A_315 = arith.constant 0 : i32
      %dma_start3A_316 = arith.constant 0 : i32
      %dma_start3A_317 = tpu.memref_slice %arg13[%dma_start3A_314, %dma_start3A_315, %dma_start3A_316] : memref<8x128x8xf32, #tpu.memory_space<vmem>> -> memref<1x128x8xf32, #tpu.memory_space<vmem>>
      %dma_start3A_318 = tpu.memref_squeeze %dma_start3A_317 : memref<1x128x8xf32, #tpu.memory_space<vmem>> -> memref<128x8xf32, #tpu.memory_space<vmem>>
      %dma_start3A_319 = arith.constant 0 : i32
      %dma_start3A_320 = tpu.memref_slice %arg9[%dma_start3A_313, %dma_start3A_319] : memref<8x128xi32, #tpu.memory_space<vmem>> -> memref<1x128xi32, #tpu.memory_space<vmem>>
      %dma_start3A_321 = tpu.memref_squeeze %dma_start3A_320 : memref<1x128xi32, #tpu.memory_space<vmem>> -> memref<128xi32, #tpu.memory_space<vmem>>
      %dma_start3A_322 = arith.constant 0 : i32
      %dma_start3A_323 = arith.constant 0 : i32
      %dma_start3A_324 = tpu.memref_slice %arg8[%dma_start3A_322, %dma_start3A_323] : memref<100096x8xf32, #tpu.memory_space<vmem_shared>> -> memref<100096x8xf32, #tpu.memory_space<vmem_shared>>
      tpu.enqueue_indirect_dma source(%dma_start3A_324 : memref<100096x8xf32, #tpu.memory_space<vmem_shared>>) target(%dma_start3A_318 : memref<128x8xf32, #tpu.memory_space<vmem>>) offsets(%dma_start3A_321 : memref<128xi32, #tpu.memory_space<vmem>>) semaphore(%arg15 : memref<!tpu.dma_semaphore, #tpu.memory_space<semaphore_mem>>)
      %dma_start3A_325 = arith.constant 2 : i32
      %dma_start3A_326 = arith.constant 2 : i32
      %dma_start3A_327 = arith.constant 0 : i32
      %dma_start3A_328 = arith.constant 0 : i32
      %dma_start3A_329 = tpu.memref_slice %arg13[%dma_start3A_326, %dma_start3A_327, %dma_start3A_328] : memref<8x128x8xf32, #tpu.memory_space<vmem>> -> memref<1x128x8xf32, #tpu.memory_space<vmem>>
      %dma_start3A_330 = tpu.memref_squeeze %dma_start3A_329 : memref<1x128x8xf32, #tpu.memory_space<vmem>> -> memref<128x8xf32, #tpu.memory_space<vmem>>
      %dma_start3A_331 = arith.constant 0 : i32
      %dma_start3A_332 = tpu.memref_slice %arg9[%dma_start3A_325, %dma_start3A_331] : memref<8x128xi32, #tpu.memory_space<vmem>> -> memref<1x128xi32, #tpu.memory_space<vmem>>
      %dma_start3A_333 = tpu.memref_squeeze %dma_start3A_332 : memref<1x128xi32, #tpu.memory_space<vmem>> -> memref<128xi32, #tpu.memory_space<vmem>>
      %dma_start3A_334 = arith.constant 0 : i32
      %dma_start3A_335 = arith.constant 0 : i32
      %dma_start3A_336 = tpu.memref_slice %arg8[%dma_start3A_334, %dma_start3A_335] : memref<100096x8xf32, #tpu.memory_space<vmem_shared>> -> memref<100096x8xf32, #tpu.memory_space<vmem_shared>>
      tpu.enqueue_indirect_dma source(%dma_start3A_336 : memref<100096x8xf32, #tpu.memory_space<vmem_shared>>) target(%dma_start3A_330 : memref<128x8xf32, #tpu.memory_space<vmem>>) offsets(%dma_start3A_333 : memref<128xi32, #tpu.memory_space<vmem>>) semaphore(%arg15 : memref<!tpu.dma_semaphore, #tpu.memory_space<semaphore_mem>>)
      %dma_start3A_337 = arith.constant 3 : i32
      %dma_start3A_338 = arith.constant 3 : i32
      %dma_start3A_339 = arith.constant 0 : i32
      %dma_start3A_340 = arith.constant 0 : i32
      %dma_start3A_341 = tpu.memref_slice %arg13[%dma_start3A_338, %dma_start3A_339, %dma_start3A_340] : memref<8x128x8xf32, #tpu.memory_space<vmem>> -> memref<1x128x8xf32, #tpu.memory_space<vmem>>
      %dma_start3A_342 = tpu.memref_squeeze %dma_start3A_341 : memref<1x128x8xf32, #tpu.memory_space<vmem>> -> memref<128x8xf32, #tpu.memory_space<vmem>>
      %dma_start3A_343 = arith.constant 0 : i32
      %dma_start3A_344 = tpu.memref_slice %arg9[%dma_start3A_337, %dma_start3A_343] : memref<8x128xi32, #tpu.memory_space<vmem>> -> memref<1x128xi32, #tpu.memory_space<vmem>>
      %dma_start3A_345 = tpu.memref_squeeze %dma_start3A_344 : memref<1x128xi32, #tpu.memory_space<vmem>> -> memref<128xi32, #tpu.memory_space<vmem>>
      %dma_start3A_346 = arith.constant 0 : i32
      %dma_start3A_347 = arith.constant 0 : i32
      %dma_start3A_348 = tpu.memref_slice %arg8[%dma_start3A_346, %dma_start3A_347] : memref<100096x8xf32, #tpu.memory_space<vmem_shared>> -> memref<100096x8xf32, #tpu.memory_space<vmem_shared>>
      tpu.enqueue_indirect_dma source(%dma_start3A_348 : memref<100096x8xf32, #tpu.memory_space<vmem_shared>>) target(%dma_start3A_342 : memref<128x8xf32, #tpu.memory_space<vmem>>) offsets(%dma_start3A_345 : memref<128xi32, #tpu.memory_space<vmem>>) semaphore(%arg15 : memref<!tpu.dma_semaphore, #tpu.memory_space<semaphore_mem>>)
      %dma_start3A_349 = arith.constant 4 : i32
      %dma_start3A_350 = arith.constant 4 : i32
      %dma_start3A_351 = arith.constant 0 : i32
      %dma_start3A_352 = arith.constant 0 : i32
      %dma_start3A_353 = tpu.memref_slice %arg13[%dma_start3A_350, %dma_start3A_351, %dma_start3A_352] : memref<8x128x8xf32, #tpu.memory_space<vmem>> -> memref<1x128x8xf32, #tpu.memory_space<vmem>>
      %dma_start3A_354 = tpu.memref_squeeze %dma_start3A_353 : memref<1x128x8xf32, #tpu.memory_space<vmem>> -> memref<128x8xf32, #tpu.memory_space<vmem>>
      %dma_start3A_355 = arith.constant 0 : i32
      %dma_start3A_356 = tpu.memref_slice %arg9[%dma_start3A_349, %dma_start3A_355] : memref<8x128xi32, #tpu.memory_space<vmem>> -> memref<1x128xi32, #tpu.memory_space<vmem>>
      %dma_start3A_357 = tpu.memref_squeeze %dma_start3A_356 : memref<1x128xi32, #tpu.memory_space<vmem>> -> memref<128xi32, #tpu.memory_space<vmem>>
      %dma_start3A_358 = arith.constant 0 : i32
      %dma_start3A_359 = arith.constant 0 : i32
      %dma_start3A_360 = tpu.memref_slice %arg8[%dma_start3A_358, %dma_start3A_359] : memref<100096x8xf32, #tpu.memory_space<vmem_shared>> -> memref<100096x8xf32, #tpu.memory_space<vmem_shared>>
      tpu.enqueue_indirect_dma source(%dma_start3A_360 : memref<100096x8xf32, #tpu.memory_space<vmem_shared>>) target(%dma_start3A_354 : memref<128x8xf32, #tpu.memory_space<vmem>>) offsets(%dma_start3A_357 : memref<128xi32, #tpu.memory_space<vmem>>) semaphore(%arg15 : memref<!tpu.dma_semaphore, #tpu.memory_space<semaphore_mem>>)
      %dma_start3A_361 = arith.constant 5 : i32
      %dma_start3A_362 = arith.constant 5 : i32
      %dma_start3A_363 = arith.constant 0 : i32
      %dma_start3A_364 = arith.constant 0 : i32
      %dma_start3A_365 = tpu.memref_slice %arg13[%dma_start3A_362, %dma_start3A_363, %dma_start3A_364] : memref<8x128x8xf32, #tpu.memory_space<vmem>> -> memref<1x128x8xf32, #tpu.memory_space<vmem>>
      %dma_start3A_366 = tpu.memref_squeeze %dma_start3A_365 : memref<1x128x8xf32, #tpu.memory_space<vmem>> -> memref<128x8xf32, #tpu.memory_space<vmem>>
      %dma_start3A_367 = arith.constant 0 : i32
      %dma_start3A_368 = tpu.memref_slice %arg9[%dma_start3A_361, %dma_start3A_367] : memref<8x128xi32, #tpu.memory_space<vmem>> -> memref<1x128xi32, #tpu.memory_space<vmem>>
      %dma_start3A_369 = tpu.memref_squeeze %dma_start3A_368 : memref<1x128xi32, #tpu.memory_space<vmem>> -> memref<128xi32, #tpu.memory_space<vmem>>
      %dma_start3A_370 = arith.constant 0 : i32
      %dma_start3A_371 = arith.constant 0 : i32
      %dma_start3A_372 = tpu.memref_slice %arg8[%dma_start3A_370, %dma_start3A_371] : memref<100096x8xf32, #tpu.memory_space<vmem_shared>> -> memref<100096x8xf32, #tpu.memory_space<vmem_shared>>
      tpu.enqueue_indirect_dma source(%dma_start3A_372 : memref<100096x8xf32, #tpu.memory_space<vmem_shared>>) target(%dma_start3A_366 : memref<128x8xf32, #tpu.memory_space<vmem>>) offsets(%dma_start3A_369 : memref<128xi32, #tpu.memory_space<vmem>>) semaphore(%arg15 : memref<!tpu.dma_semaphore, #tpu.memory_space<semaphore_mem>>)
      %dma_start3A_373 = arith.constant 6 : i32
      %dma_start3A_374 = arith.constant 6 : i32
      %dma_start3A_375 = arith.constant 0 : i32
      %dma_start3A_376 = arith.constant 0 : i32
      %dma_start3A_377 = tpu.memref_slice %arg13[%dma_start3A_374, %dma_start3A_375, %dma_start3A_376] : memref<8x128x8xf32, #tpu.memory_space<vmem>> -> memref<1x128x8xf32, #tpu.memory_space<vmem>>
      %dma_start3A_378 = tpu.memref_squeeze %dma_start3A_377 : memref<1x128x8xf32, #tpu.memory_space<vmem>> -> memref<128x8xf32, #tpu.memory_space<vmem>>
      %dma_start3A_379 = arith.constant 0 : i32
      %dma_start3A_380 = tpu.memref_slice %arg9[%dma_start3A_373, %dma_start3A_379] : memref<8x128xi32, #tpu.memory_space<vmem>> -> memref<1x128xi32, #tpu.memory_space<vmem>>
      %dma_start3A_381 = tpu.memref_squeeze %dma_start3A_380 : memref<1x128xi32, #tpu.memory_space<vmem>> -> memref<128xi32, #tpu.memory_space<vmem>>
      %dma_start3A_382 = arith.constant 0 : i32
      %dma_start3A_383 = arith.constant 0 : i32
      %dma_start3A_384 = tpu.memref_slice %arg8[%dma_start3A_382, %dma_start3A_383] : memref<100096x8xf32, #tpu.memory_space<vmem_shared>> -> memref<100096x8xf32, #tpu.memory_space<vmem_shared>>
      tpu.enqueue_indirect_dma source(%dma_start3A_384 : memref<100096x8xf32, #tpu.memory_space<vmem_shared>>) target(%dma_start3A_378 : memref<128x8xf32, #tpu.memory_space<vmem>>) offsets(%dma_start3A_381 : memref<128xi32, #tpu.memory_space<vmem>>) semaphore(%arg15 : memref<!tpu.dma_semaphore, #tpu.memory_space<semaphore_mem>>)
      %dma_start3A_385 = arith.constant 7 : i32
      %dma_start3A_386 = arith.constant 7 : i32
      %dma_start3A_387 = arith.constant 0 : i32
      %dma_start3A_388 = arith.constant 0 : i32
      %dma_start3A_389 = tpu.memref_slice %arg13[%dma_start3A_386, %dma_start3A_387, %dma_start3A_388] : memref<8x128x8xf32, #tpu.memory_space<vmem>> -> memref<1x128x8xf32, #tpu.memory_space<vmem>>
      %dma_start3A_390 = tpu.memref_squeeze %dma_start3A_389 : memref<1x128x8xf32, #tpu.memory_space<vmem>> -> memref<128x8xf32, #tpu.memory_space<vmem>>
      %dma_start3A_391 = arith.constant 0 : i32
      %dma_start3A_392 = tpu.memref_slice %arg9[%dma_start3A_385, %dma_start3A_391] : memref<8x128xi32, #tpu.memory_space<vmem>> -> memref<1x128xi32, #tpu.memory_space<vmem>>
      %dma_start3A_393 = tpu.memref_squeeze %dma_start3A_392 : memref<1x128xi32, #tpu.memory_space<vmem>> -> memref<128xi32, #tpu.memory_space<vmem>>
      %dma_start3A_394 = arith.constant 0 : i32
      %dma_start3A_395 = arith.constant 0 : i32
      %dma_start3A_396 = tpu.memref_slice %arg8[%dma_start3A_394, %dma_start3A_395] : memref<100096x8xf32, #tpu.memory_space<vmem_shared>> -> memref<100096x8xf32, #tpu.memory_space<vmem_shared>>
      tpu.enqueue_indirect_dma source(%dma_start3A_396 : memref<100096x8xf32, #tpu.memory_space<vmem_shared>>) target(%dma_start3A_390 : memref<128x8xf32, #tpu.memory_space<vmem>>) offsets(%dma_start3A_393 : memref<128xi32, #tpu.memory_space<vmem>>) semaphore(%arg15 : memref<!tpu.dma_semaphore, #tpu.memory_space<semaphore_mem>>)
      %dma_start3A_397 = arith.constant 0 : i32
      %dma_start3A_398 = arith.constant 0 : i32
      %dma_start3A_399 = arith.constant 0 : i32
      %dma_start3A_400 = arith.constant 0 : i32
      %dma_start3A_401 = tpu.memref_slice %arg14[%dma_start3A_398, %dma_start3A_399, %dma_start3A_400] : memref<8x128x8xf32, #tpu.memory_space<vmem>> -> memref<1x128x8xf32, #tpu.memory_space<vmem>>
      %dma_start3A_402 = tpu.memref_squeeze %dma_start3A_401 : memref<1x128x8xf32, #tpu.memory_space<vmem>> -> memref<128x8xf32, #tpu.memory_space<vmem>>
      %dma_start3A_403 = arith.constant 0 : i32
      %dma_start3A_404 = tpu.memref_slice %arg11[%dma_start3A_397, %dma_start3A_403] : memref<8x128xi32, #tpu.memory_space<vmem>> -> memref<1x128xi32, #tpu.memory_space<vmem>>
      %dma_start3A_405 = tpu.memref_squeeze %dma_start3A_404 : memref<1x128xi32, #tpu.memory_space<vmem>> -> memref<128xi32, #tpu.memory_space<vmem>>
      %dma_start3A_406 = arith.constant 0 : i32
      %dma_start3A_407 = arith.constant 0 : i32
      %dma_start3A_408 = tpu.memref_slice %arg8[%dma_start3A_406, %dma_start3A_407] : memref<100096x8xf32, #tpu.memory_space<vmem_shared>> -> memref<100096x8xf32, #tpu.memory_space<vmem_shared>>
      tpu.enqueue_indirect_dma source(%dma_start3A_408 : memref<100096x8xf32, #tpu.memory_space<vmem_shared>>) target(%dma_start3A_402 : memref<128x8xf32, #tpu.memory_space<vmem>>) offsets(%dma_start3A_405 : memref<128xi32, #tpu.memory_space<vmem>>) semaphore(%arg15 : memref<!tpu.dma_semaphore, #tpu.memory_space<semaphore_mem>>)
      %dma_start3A_409 = arith.constant 1 : i32
      %dma_start3A_410 = arith.constant 1 : i32
      %dma_start3A_411 = arith.constant 0 : i32
      %dma_start3A_412 = arith.constant 0 : i32
      %dma_start3A_413 = tpu.memref_slice %arg14[%dma_start3A_410, %dma_start3A_411, %dma_start3A_412] : memref<8x128x8xf32, #tpu.memory_space<vmem>> -> memref<1x128x8xf32, #tpu.memory_space<vmem>>
      %dma_start3A_414 = tpu.memref_squeeze %dma_start3A_413 : memref<1x128x8xf32, #tpu.memory_space<vmem>> -> memref<128x8xf32, #tpu.memory_space<vmem>>
      %dma_start3A_415 = arith.constant 0 : i32
      %dma_start3A_416 = tpu.memref_slice %arg11[%dma_start3A_409, %dma_start3A_415] : memref<8x128xi32, #tpu.memory_space<vmem>> -> memref<1x128xi32, #tpu.memory_space<vmem>>
      %dma_start3A_417 = tpu.memref_squeeze %dma_start3A_416 : memref<1x128xi32, #tpu.memory_space<vmem>> -> memref<128xi32, #tpu.memory_space<vmem>>
      %dma_start3A_418 = arith.constant 0 : i32
      %dma_start3A_419 = arith.constant 0 : i32
      %dma_start3A_420 = tpu.memref_slice %arg8[%dma_start3A_418, %dma_start3A_419] : memref<100096x8xf32, #tpu.memory_space<vmem_shared>> -> memref<100096x8xf32, #tpu.memory_space<vmem_shared>>
      tpu.enqueue_indirect_dma source(%dma_start3A_420 : memref<100096x8xf32, #tpu.memory_space<vmem_shared>>) target(%dma_start3A_414 : memref<128x8xf32, #tpu.memory_space<vmem>>) offsets(%dma_start3A_417 : memref<128xi32, #tpu.memory_space<vmem>>) semaphore(%arg15 : memref<!tpu.dma_semaphore, #tpu.memory_space<semaphore_mem>>)
      %dma_start3A_421 = arith.constant 2 : i32
      %dma_start3A_422 = arith.constant 2 : i32
      %dma_start3A_423 = arith.constant 0 : i32
      %dma_start3A_424 = arith.constant 0 : i32
      %dma_start3A_425 = tpu.memref_slice %arg14[%dma_start3A_422, %dma_start3A_423, %dma_start3A_424] : memref<8x128x8xf32, #tpu.memory_space<vmem>> -> memref<1x128x8xf32, #tpu.memory_space<vmem>>
      %dma_start3A_426 = tpu.memref_squeeze %dma_start3A_425 : memref<1x128x8xf32, #tpu.memory_space<vmem>> -> memref<128x8xf32, #tpu.memory_space<vmem>>
      %dma_start3A_427 = arith.constant 0 : i32
      %dma_start3A_428 = tpu.memref_slice %arg11[%dma_start3A_421, %dma_start3A_427] : memref<8x128xi32, #tpu.memory_space<vmem>> -> memref<1x128xi32, #tpu.memory_space<vmem>>
      %dma_start3A_429 = tpu.memref_squeeze %dma_start3A_428 : memref<1x128xi32, #tpu.memory_space<vmem>> -> memref<128xi32, #tpu.memory_space<vmem>>
      %dma_start3A_430 = arith.constant 0 : i32
      %dma_start3A_431 = arith.constant 0 : i32
      %dma_start3A_432 = tpu.memref_slice %arg8[%dma_start3A_430, %dma_start3A_431] : memref<100096x8xf32, #tpu.memory_space<vmem_shared>> -> memref<100096x8xf32, #tpu.memory_space<vmem_shared>>
      tpu.enqueue_indirect_dma source(%dma_start3A_432 : memref<100096x8xf32, #tpu.memory_space<vmem_shared>>) target(%dma_start3A_426 : memref<128x8xf32, #tpu.memory_space<vmem>>) offsets(%dma_start3A_429 : memref<128xi32, #tpu.memory_space<vmem>>) semaphore(%arg15 : memref<!tpu.dma_semaphore, #tpu.memory_space<semaphore_mem>>)
      %dma_start3A_433 = arith.constant 3 : i32
      %dma_start3A_434 = arith.constant 3 : i32
      %dma_start3A_435 = arith.constant 0 : i32
      %dma_start3A_436 = arith.constant 0 : i32
      %dma_start3A_437 = tpu.memref_slice %arg14[%dma_start3A_434, %dma_start3A_435, %dma_start3A_436] : memref<8x128x8xf32, #tpu.memory_space<vmem>> -> memref<1x128x8xf32, #tpu.memory_space<vmem>>
      %dma_start3A_438 = tpu.memref_squeeze %dma_start3A_437 : memref<1x128x8xf32, #tpu.memory_space<vmem>> -> memref<128x8xf32, #tpu.memory_space<vmem>>
      %dma_start3A_439 = arith.constant 0 : i32
      %dma_start3A_440 = tpu.memref_slice %arg11[%dma_start3A_433, %dma_start3A_439] : memref<8x128xi32, #tpu.memory_space<vmem>> -> memref<1x128xi32, #tpu.memory_space<vmem>>
      %dma_start3A_441 = tpu.memref_squeeze %dma_start3A_440 : memref<1x128xi32, #tpu.memory_space<vmem>> -> memref<128xi32, #tpu.memory_space<vmem>>
      %dma_start3A_442 = arith.constant 0 : i32
      %dma_start3A_443 = arith.constant 0 : i32
      %dma_start3A_444 = tpu.memref_slice %arg8[%dma_start3A_442, %dma_start3A_443] : memref<100096x8xf32, #tpu.memory_space<vmem_shared>> -> memref<100096x8xf32, #tpu.memory_space<vmem_shared>>
      tpu.enqueue_indirect_dma source(%dma_start3A_444 : memref<100096x8xf32, #tpu.memory_space<vmem_shared>>) target(%dma_start3A_438 : memref<128x8xf32, #tpu.memory_space<vmem>>) offsets(%dma_start3A_441 : memref<128xi32, #tpu.memory_space<vmem>>) semaphore(%arg15 : memref<!tpu.dma_semaphore, #tpu.memory_space<semaphore_mem>>)
      %dma_start3A_445 = arith.constant 4 : i32
      %dma_start3A_446 = arith.constant 4 : i32
      %dma_start3A_447 = arith.constant 0 : i32
      %dma_start3A_448 = arith.constant 0 : i32
      %dma_start3A_449 = tpu.memref_slice %arg14[%dma_start3A_446, %dma_start3A_447, %dma_start3A_448] : memref<8x128x8xf32, #tpu.memory_space<vmem>> -> memref<1x128x8xf32, #tpu.memory_space<vmem>>
      %dma_start3A_450 = tpu.memref_squeeze %dma_start3A_449 : memref<1x128x8xf32, #tpu.memory_space<vmem>> -> memref<128x8xf32, #tpu.memory_space<vmem>>
      %dma_start3A_451 = arith.constant 0 : i32
      %dma_start3A_452 = tpu.memref_slice %arg11[%dma_start3A_445, %dma_start3A_451] : memref<8x128xi32, #tpu.memory_space<vmem>> -> memref<1x128xi32, #tpu.memory_space<vmem>>
      %dma_start3A_453 = tpu.memref_squeeze %dma_start3A_452 : memref<1x128xi32, #tpu.memory_space<vmem>> -> memref<128xi32, #tpu.memory_space<vmem>>
      %dma_start3A_454 = arith.constant 0 : i32
      %dma_start3A_455 = arith.constant 0 : i32
      %dma_start3A_456 = tpu.memref_slice %arg8[%dma_start3A_454, %dma_start3A_455] : memref<100096x8xf32, #tpu.memory_space<vmem_shared>> -> memref<100096x8xf32, #tpu.memory_space<vmem_shared>>
      tpu.enqueue_indirect_dma source(%dma_start3A_456 : memref<100096x8xf32, #tpu.memory_space<vmem_shared>>) target(%dma_start3A_450 : memref<128x8xf32, #tpu.memory_space<vmem>>) offsets(%dma_start3A_453 : memref<128xi32, #tpu.memory_space<vmem>>) semaphore(%arg15 : memref<!tpu.dma_semaphore, #tpu.memory_space<semaphore_mem>>)
      %dma_start3A_457 = arith.constant 5 : i32
      %dma_start3A_458 = arith.constant 5 : i32
      %dma_start3A_459 = arith.constant 0 : i32
      %dma_start3A_460 = arith.constant 0 : i32
      %dma_start3A_461 = tpu.memref_slice %arg14[%dma_start3A_458, %dma_start3A_459, %dma_start3A_460] : memref<8x128x8xf32, #tpu.memory_space<vmem>> -> memref<1x128x8xf32, #tpu.memory_space<vmem>>
      %dma_start3A_462 = tpu.memref_squeeze %dma_start3A_461 : memref<1x128x8xf32, #tpu.memory_space<vmem>> -> memref<128x8xf32, #tpu.memory_space<vmem>>
      %dma_start3A_463 = arith.constant 0 : i32
      %dma_start3A_464 = tpu.memref_slice %arg11[%dma_start3A_457, %dma_start3A_463] : memref<8x128xi32, #tpu.memory_space<vmem>> -> memref<1x128xi32, #tpu.memory_space<vmem>>
      %dma_start3A_465 = tpu.memref_squeeze %dma_start3A_464 : memref<1x128xi32, #tpu.memory_space<vmem>> -> memref<128xi32, #tpu.memory_space<vmem>>
      %dma_start3A_466 = arith.constant 0 : i32
      %dma_start3A_467 = arith.constant 0 : i32
      %dma_start3A_468 = tpu.memref_slice %arg8[%dma_start3A_466, %dma_start3A_467] : memref<100096x8xf32, #tpu.memory_space<vmem_shared>> -> memref<100096x8xf32, #tpu.memory_space<vmem_shared>>
      tpu.enqueue_indirect_dma source(%dma_start3A_468 : memref<100096x8xf32, #tpu.memory_space<vmem_shared>>) target(%dma_start3A_462 : memref<128x8xf32, #tpu.memory_space<vmem>>) offsets(%dma_start3A_465 : memref<128xi32, #tpu.memory_space<vmem>>) semaphore(%arg15 : memref<!tpu.dma_semaphore, #tpu.memory_space<semaphore_mem>>)
      %dma_start3A_469 = arith.constant 6 : i32
      %dma_start3A_470 = arith.constant 6 : i32
      %dma_start3A_471 = arith.constant 0 : i32
      %dma_start3A_472 = arith.constant 0 : i32
      %dma_start3A_473 = tpu.memref_slice %arg14[%dma_start3A_470, %dma_start3A_471, %dma_start3A_472] : memref<8x128x8xf32, #tpu.memory_space<vmem>> -> memref<1x128x8xf32, #tpu.memory_space<vmem>>
      %dma_start3A_474 = tpu.memref_squeeze %dma_start3A_473 : memref<1x128x8xf32, #tpu.memory_space<vmem>> -> memref<128x8xf32, #tpu.memory_space<vmem>>
      %dma_start3A_475 = arith.constant 0 : i32
      %dma_start3A_476 = tpu.memref_slice %arg11[%dma_start3A_469, %dma_start3A_475] : memref<8x128xi32, #tpu.memory_space<vmem>> -> memref<1x128xi32, #tpu.memory_space<vmem>>
      %dma_start3A_477 = tpu.memref_squeeze %dma_start3A_476 : memref<1x128xi32, #tpu.memory_space<vmem>> -> memref<128xi32, #tpu.memory_space<vmem>>
      %dma_start3A_478 = arith.constant 0 : i32
      %dma_start3A_479 = arith.constant 0 : i32
      %dma_start3A_480 = tpu.memref_slice %arg8[%dma_start3A_478, %dma_start3A_479] : memref<100096x8xf32, #tpu.memory_space<vmem_shared>> -> memref<100096x8xf32, #tpu.memory_space<vmem_shared>>
      tpu.enqueue_indirect_dma source(%dma_start3A_480 : memref<100096x8xf32, #tpu.memory_space<vmem_shared>>) target(%dma_start3A_474 : memref<128x8xf32, #tpu.memory_space<vmem>>) offsets(%dma_start3A_477 : memref<128xi32, #tpu.memory_space<vmem>>) semaphore(%arg15 : memref<!tpu.dma_semaphore, #tpu.memory_space<semaphore_mem>>)
      %dma_start3A_481 = arith.constant 7 : i32
      %dma_start3A_482 = arith.constant 7 : i32
      %dma_start3A_483 = arith.constant 0 : i32
      %dma_start3A_484 = arith.constant 0 : i32
      %dma_start3A_485 = tpu.memref_slice %arg14[%dma_start3A_482, %dma_start3A_483, %dma_start3A_484] : memref<8x128x8xf32, #tpu.memory_space<vmem>> -> memref<1x128x8xf32, #tpu.memory_space<vmem>>
      %dma_start3A_486 = tpu.memref_squeeze %dma_start3A_485 : memref<1x128x8xf32, #tpu.memory_space<vmem>> -> memref<128x8xf32, #tpu.memory_space<vmem>>
      %dma_start3A_487 = arith.constant 0 : i32
      %dma_start3A_488 = tpu.memref_slice %arg11[%dma_start3A_481, %dma_start3A_487] : memref<8x128xi32, #tpu.memory_space<vmem>> -> memref<1x128xi32, #tpu.memory_space<vmem>>
      %dma_start3A_489 = tpu.memref_squeeze %dma_start3A_488 : memref<1x128xi32, #tpu.memory_space<vmem>> -> memref<128xi32, #tpu.memory_space<vmem>>
      %dma_start3A_490 = arith.constant 0 : i32
      %dma_start3A_491 = arith.constant 0 : i32
      %dma_start3A_492 = tpu.memref_slice %arg8[%dma_start3A_490, %dma_start3A_491] : memref<100096x8xf32, #tpu.memory_space<vmem_shared>> -> memref<100096x8xf32, #tpu.memory_space<vmem_shared>>
      tpu.enqueue_indirect_dma source(%dma_start3A_492 : memref<100096x8xf32, #tpu.memory_space<vmem_shared>>) target(%dma_start3A_486 : memref<128x8xf32, #tpu.memory_space<vmem>>) offsets(%dma_start3A_489 : memref<128xi32, #tpu.memory_space<vmem>>) semaphore(%arg15 : memref<!tpu.dma_semaphore, #tpu.memory_space<semaphore_mem>>)
      %dma_wait3A_493 = arith.constant 0 : i32
      %dma_wait3A_494 = arith.constant 0 : i32
      %dma_wait3A_495 = arith.constant 0 : i32
      %dma_wait3A_496 = arith.constant 0 : i32
      %dma_wait3A_497 = tpu.memref_slice %arg13[%dma_wait3A_494, %dma_wait3A_495, %dma_wait3A_496] : memref<8x128x8xf32, #tpu.memory_space<vmem>> -> memref<1x128x8xf32, #tpu.memory_space<vmem>>
      %dma_wait3A_498 = tpu.memref_squeeze %dma_wait3A_497 : memref<1x128x8xf32, #tpu.memory_space<vmem>> -> memref<128x8xf32, #tpu.memory_space<vmem>>
      %dma_wait3A_499 = arith.constant 0 : i32
      %dma_wait3A_500 = tpu.memref_slice %arg9[%dma_wait3A_493, %dma_wait3A_499] : memref<8x128xi32, #tpu.memory_space<vmem>> -> memref<1x128xi32, #tpu.memory_space<vmem>>
      %dma_wait3A_501 = tpu.memref_squeeze %dma_wait3A_500 : memref<1x128xi32, #tpu.memory_space<vmem>> -> memref<128xi32, #tpu.memory_space<vmem>>
      %dma_wait3A_502 = arith.constant 0 : i32
      %dma_wait3A_503 = arith.constant 0 : i32
      %dma_wait3A_504 = tpu.memref_slice %arg8[%dma_wait3A_502, %dma_wait3A_503] : memref<100096x8xf32, #tpu.memory_space<vmem_shared>> -> memref<100096x8xf32, #tpu.memory_space<vmem_shared>>
      tpu.wait_indirect_dma semaphore(%arg15 : memref<!tpu.dma_semaphore, #tpu.memory_space<semaphore_mem>>) src(%dma_wait3A_504 : memref<100096x8xf32, #tpu.memory_space<vmem_shared>>) dst(%dma_wait3A_498 : memref<128x8xf32, #tpu.memory_space<vmem>>)
      %dma_wait3A_505 = arith.constant 1 : i32
      %dma_wait3A_506 = arith.constant 1 : i32
      %dma_wait3A_507 = arith.constant 0 : i32
      %dma_wait3A_508 = arith.constant 0 : i32
      %dma_wait3A_509 = tpu.memref_slice %arg13[%dma_wait3A_506, %dma_wait3A_507, %dma_wait3A_508] : memref<8x128x8xf32, #tpu.memory_space<vmem>> -> memref<1x128x8xf32, #tpu.memory_space<vmem>>
      %dma_wait3A_510 = tpu.memref_squeeze %dma_wait3A_509 : memref<1x128x8xf32, #tpu.memory_space<vmem>> -> memref<128x8xf32, #tpu.memory_space<vmem>>
      %dma_wait3A_511 = arith.constant 0 : i32
      %dma_wait3A_512 = tpu.memref_slice %arg9[%dma_wait3A_505, %dma_wait3A_511] : memref<8x128xi32, #tpu.memory_space<vmem>> -> memref<1x128xi32, #tpu.memory_space<vmem>>
      %dma_wait3A_513 = tpu.memref_squeeze %dma_wait3A_512 : memref<1x128xi32, #tpu.memory_space<vmem>> -> memref<128xi32, #tpu.memory_space<vmem>>
      %dma_wait3A_514 = arith.constant 0 : i32
      %dma_wait3A_515 = arith.constant 0 : i32
      %dma_wait3A_516 = tpu.memref_slice %arg8[%dma_wait3A_514, %dma_wait3A_515] : memref<100096x8xf32, #tpu.memory_space<vmem_shared>> -> memref<100096x8xf32, #tpu.memory_space<vmem_shared>>
      tpu.wait_indirect_dma semaphore(%arg15 : memref<!tpu.dma_semaphore, #tpu.memory_space<semaphore_mem>>) src(%dma_wait3A_516 : memref<100096x8xf32, #tpu.memory_space<vmem_shared>>) dst(%dma_wait3A_510 : memref<128x8xf32, #tpu.memory_space<vmem>>)
      %dma_wait3A_517 = arith.constant 2 : i32
      %dma_wait3A_518 = arith.constant 2 : i32
      %dma_wait3A_519 = arith.constant 0 : i32
      %dma_wait3A_520 = arith.constant 0 : i32
      %dma_wait3A_521 = tpu.memref_slice %arg13[%dma_wait3A_518, %dma_wait3A_519, %dma_wait3A_520] : memref<8x128x8xf32, #tpu.memory_space<vmem>> -> memref<1x128x8xf32, #tpu.memory_space<vmem>>
      %dma_wait3A_522 = tpu.memref_squeeze %dma_wait3A_521 : memref<1x128x8xf32, #tpu.memory_space<vmem>> -> memref<128x8xf32, #tpu.memory_space<vmem>>
      %dma_wait3A_523 = arith.constant 0 : i32
      %dma_wait3A_524 = tpu.memref_slice %arg9[%dma_wait3A_517, %dma_wait3A_523] : memref<8x128xi32, #tpu.memory_space<vmem>> -> memref<1x128xi32, #tpu.memory_space<vmem>>
      %dma_wait3A_525 = tpu.memref_squeeze %dma_wait3A_524 : memref<1x128xi32, #tpu.memory_space<vmem>> -> memref<128xi32, #tpu.memory_space<vmem>>
      %dma_wait3A_526 = arith.constant 0 : i32
      %dma_wait3A_527 = arith.constant 0 : i32
      %dma_wait3A_528 = tpu.memref_slice %arg8[%dma_wait3A_526, %dma_wait3A_527] : memref<100096x8xf32, #tpu.memory_space<vmem_shared>> -> memref<100096x8xf32, #tpu.memory_space<vmem_shared>>
      tpu.wait_indirect_dma semaphore(%arg15 : memref<!tpu.dma_semaphore, #tpu.memory_space<semaphore_mem>>) src(%dma_wait3A_528 : memref<100096x8xf32, #tpu.memory_space<vmem_shared>>) dst(%dma_wait3A_522 : memref<128x8xf32, #tpu.memory_space<vmem>>)
      %dma_wait3A_529 = arith.constant 3 : i32
      %dma_wait3A_530 = arith.constant 3 : i32
      %dma_wait3A_531 = arith.constant 0 : i32
      %dma_wait3A_532 = arith.constant 0 : i32
      %dma_wait3A_533 = tpu.memref_slice %arg13[%dma_wait3A_530, %dma_wait3A_531, %dma_wait3A_532] : memref<8x128x8xf32, #tpu.memory_space<vmem>> -> memref<1x128x8xf32, #tpu.memory_space<vmem>>
      %dma_wait3A_534 = tpu.memref_squeeze %dma_wait3A_533 : memref<1x128x8xf32, #tpu.memory_space<vmem>> -> memref<128x8xf32, #tpu.memory_space<vmem>>
      %dma_wait3A_535 = arith.constant 0 : i32
      %dma_wait3A_536 = tpu.memref_slice %arg9[%dma_wait3A_529, %dma_wait3A_535] : memref<8x128xi32, #tpu.memory_space<vmem>> -> memref<1x128xi32, #tpu.memory_space<vmem>>
      %dma_wait3A_537 = tpu.memref_squeeze %dma_wait3A_536 : memref<1x128xi32, #tpu.memory_space<vmem>> -> memref<128xi32, #tpu.memory_space<vmem>>
      %dma_wait3A_538 = arith.constant 0 : i32
      %dma_wait3A_539 = arith.constant 0 : i32
      %dma_wait3A_540 = tpu.memref_slice %arg8[%dma_wait3A_538, %dma_wait3A_539] : memref<100096x8xf32, #tpu.memory_space<vmem_shared>> -> memref<100096x8xf32, #tpu.memory_space<vmem_shared>>
      tpu.wait_indirect_dma semaphore(%arg15 : memref<!tpu.dma_semaphore, #tpu.memory_space<semaphore_mem>>) src(%dma_wait3A_540 : memref<100096x8xf32, #tpu.memory_space<vmem_shared>>) dst(%dma_wait3A_534 : memref<128x8xf32, #tpu.memory_space<vmem>>)
      %dma_wait3A_541 = arith.constant 4 : i32
      %dma_wait3A_542 = arith.constant 4 : i32
      %dma_wait3A_543 = arith.constant 0 : i32
      %dma_wait3A_544 = arith.constant 0 : i32
      %dma_wait3A_545 = tpu.memref_slice %arg13[%dma_wait3A_542, %dma_wait3A_543, %dma_wait3A_544] : memref<8x128x8xf32, #tpu.memory_space<vmem>> -> memref<1x128x8xf32, #tpu.memory_space<vmem>>
      %dma_wait3A_546 = tpu.memref_squeeze %dma_wait3A_545 : memref<1x128x8xf32, #tpu.memory_space<vmem>> -> memref<128x8xf32, #tpu.memory_space<vmem>>
      %dma_wait3A_547 = arith.constant 0 : i32
      %dma_wait3A_548 = tpu.memref_slice %arg9[%dma_wait3A_541, %dma_wait3A_547] : memref<8x128xi32, #tpu.memory_space<vmem>> -> memref<1x128xi32, #tpu.memory_space<vmem>>
      %dma_wait3A_549 = tpu.memref_squeeze %dma_wait3A_548 : memref<1x128xi32, #tpu.memory_space<vmem>> -> memref<128xi32, #tpu.memory_space<vmem>>
      %dma_wait3A_550 = arith.constant 0 : i32
      %dma_wait3A_551 = arith.constant 0 : i32
      %dma_wait3A_552 = tpu.memref_slice %arg8[%dma_wait3A_550, %dma_wait3A_551] : memref<100096x8xf32, #tpu.memory_space<vmem_shared>> -> memref<100096x8xf32, #tpu.memory_space<vmem_shared>>
      tpu.wait_indirect_dma semaphore(%arg15 : memref<!tpu.dma_semaphore, #tpu.memory_space<semaphore_mem>>) src(%dma_wait3A_552 : memref<100096x8xf32, #tpu.memory_space<vmem_shared>>) dst(%dma_wait3A_546 : memref<128x8xf32, #tpu.memory_space<vmem>>)
      %dma_wait3A_553 = arith.constant 5 : i32
      %dma_wait3A_554 = arith.constant 5 : i32
      %dma_wait3A_555 = arith.constant 0 : i32
      %dma_wait3A_556 = arith.constant 0 : i32
      %dma_wait3A_557 = tpu.memref_slice %arg13[%dma_wait3A_554, %dma_wait3A_555, %dma_wait3A_556] : memref<8x128x8xf32, #tpu.memory_space<vmem>> -> memref<1x128x8xf32, #tpu.memory_space<vmem>>
      %dma_wait3A_558 = tpu.memref_squeeze %dma_wait3A_557 : memref<1x128x8xf32, #tpu.memory_space<vmem>> -> memref<128x8xf32, #tpu.memory_space<vmem>>
      %dma_wait3A_559 = arith.constant 0 : i32
      %dma_wait3A_560 = tpu.memref_slice %arg9[%dma_wait3A_553, %dma_wait3A_559] : memref<8x128xi32, #tpu.memory_space<vmem>> -> memref<1x128xi32, #tpu.memory_space<vmem>>
      %dma_wait3A_561 = tpu.memref_squeeze %dma_wait3A_560 : memref<1x128xi32, #tpu.memory_space<vmem>> -> memref<128xi32, #tpu.memory_space<vmem>>
      %dma_wait3A_562 = arith.constant 0 : i32
      %dma_wait3A_563 = arith.constant 0 : i32
      %dma_wait3A_564 = tpu.memref_slice %arg8[%dma_wait3A_562, %dma_wait3A_563] : memref<100096x8xf32, #tpu.memory_space<vmem_shared>> -> memref<100096x8xf32, #tpu.memory_space<vmem_shared>>
      tpu.wait_indirect_dma semaphore(%arg15 : memref<!tpu.dma_semaphore, #tpu.memory_space<semaphore_mem>>) src(%dma_wait3A_564 : memref<100096x8xf32, #tpu.memory_space<vmem_shared>>) dst(%dma_wait3A_558 : memref<128x8xf32, #tpu.memory_space<vmem>>)
      %dma_wait3A_565 = arith.constant 6 : i32
      %dma_wait3A_566 = arith.constant 6 : i32
      %dma_wait3A_567 = arith.constant 0 : i32
      %dma_wait3A_568 = arith.constant 0 : i32
      %dma_wait3A_569 = tpu.memref_slice %arg13[%dma_wait3A_566, %dma_wait3A_567, %dma_wait3A_568] : memref<8x128x8xf32, #tpu.memory_space<vmem>> -> memref<1x128x8xf32, #tpu.memory_space<vmem>>
      %dma_wait3A_570 = tpu.memref_squeeze %dma_wait3A_569 : memref<1x128x8xf32, #tpu.memory_space<vmem>> -> memref<128x8xf32, #tpu.memory_space<vmem>>
      %dma_wait3A_571 = arith.constant 0 : i32
      %dma_wait3A_572 = tpu.memref_slice %arg9[%dma_wait3A_565, %dma_wait3A_571] : memref<8x128xi32, #tpu.memory_space<vmem>> -> memref<1x128xi32, #tpu.memory_space<vmem>>
      %dma_wait3A_573 = tpu.memref_squeeze %dma_wait3A_572 : memref<1x128xi32, #tpu.memory_space<vmem>> -> memref<128xi32, #tpu.memory_space<vmem>>
      %dma_wait3A_574 = arith.constant 0 : i32
      %dma_wait3A_575 = arith.constant 0 : i32
      %dma_wait3A_576 = tpu.memref_slice %arg8[%dma_wait3A_574, %dma_wait3A_575] : memref<100096x8xf32, #tpu.memory_space<vmem_shared>> -> memref<100096x8xf32, #tpu.memory_space<vmem_shared>>
      tpu.wait_indirect_dma semaphore(%arg15 : memref<!tpu.dma_semaphore, #tpu.memory_space<semaphore_mem>>) src(%dma_wait3A_576 : memref<100096x8xf32, #tpu.memory_space<vmem_shared>>) dst(%dma_wait3A_570 : memref<128x8xf32, #tpu.memory_space<vmem>>)
      %dma_wait3A_577 = arith.constant 7 : i32
      %dma_wait3A_578 = arith.constant 7 : i32
      %dma_wait3A_579 = arith.constant 0 : i32
      %dma_wait3A_580 = arith.constant 0 : i32
      %dma_wait3A_581 = tpu.memref_slice %arg13[%dma_wait3A_578, %dma_wait3A_579, %dma_wait3A_580] : memref<8x128x8xf32, #tpu.memory_space<vmem>> -> memref<1x128x8xf32, #tpu.memory_space<vmem>>
      %dma_wait3A_582 = tpu.memref_squeeze %dma_wait3A_581 : memref<1x128x8xf32, #tpu.memory_space<vmem>> -> memref<128x8xf32, #tpu.memory_space<vmem>>
      %dma_wait3A_583 = arith.constant 0 : i32
      %dma_wait3A_584 = tpu.memref_slice %arg9[%dma_wait3A_577, %dma_wait3A_583] : memref<8x128xi32, #tpu.memory_space<vmem>> -> memref<1x128xi32, #tpu.memory_space<vmem>>
      %dma_wait3A_585 = tpu.memref_squeeze %dma_wait3A_584 : memref<1x128xi32, #tpu.memory_space<vmem>> -> memref<128xi32, #tpu.memory_space<vmem>>
      %dma_wait3A_586 = arith.constant 0 : i32
      %dma_wait3A_587 = arith.constant 0 : i32
      %dma_wait3A_588 = tpu.memref_slice %arg8[%dma_wait3A_586, %dma_wait3A_587] : memref<100096x8xf32, #tpu.memory_space<vmem_shared>> -> memref<100096x8xf32, #tpu.memory_space<vmem_shared>>
      tpu.wait_indirect_dma semaphore(%arg15 : memref<!tpu.dma_semaphore, #tpu.memory_space<semaphore_mem>>) src(%dma_wait3A_588 : memref<100096x8xf32, #tpu.memory_space<vmem_shared>>) dst(%dma_wait3A_582 : memref<128x8xf32, #tpu.memory_space<vmem>>)
      %dma_start3A_589 = arith.constant 0 : i32
      %dma_start3A_590 = arith.constant 0 : i32
      %dma_start3A_591 = arith.constant 0 : i32
      %dma_start3A_592 = arith.constant 0 : i32
      %dma_start3A_593 = tpu.memref_slice %arg13[%dma_start3A_589, %dma_start3A_591, %dma_start3A_592] : memref<8x128x8xf32, #tpu.memory_space<vmem>> -> memref<1x128x8xf32, #tpu.memory_space<vmem>>
      %dma_start3A_594 = tpu.memref_squeeze %dma_start3A_593 : memref<1x128x8xf32, #tpu.memory_space<vmem>> -> memref<128x8xf32, #tpu.memory_space<vmem>>
      %dma_start3A_595 = arith.constant 0 : i32
      %dma_start3A_596 = tpu.memref_slice %arg10[%dma_start3A_590, %dma_start3A_595] : memref<8x128xi32, #tpu.memory_space<vmem>> -> memref<1x128xi32, #tpu.memory_space<vmem>>
      %dma_start3A_597 = tpu.memref_squeeze %dma_start3A_596 : memref<1x128xi32, #tpu.memory_space<vmem>> -> memref<128xi32, #tpu.memory_space<vmem>>
      %dma_start3A_598 = arith.constant 0 : i32
      %dma_start3A_599 = arith.constant 0 : i32
      %dma_start3A_600 = tpu.memref_slice %arg7[%dma_start3A_598, %dma_start3A_599] : memref<100096x8xf32, #tpu.memory_space<vmem_shared>> -> memref<100096x8xf32, #tpu.memory_space<vmem_shared>>
      tpu.enqueue_indirect_dma source(%dma_start3A_594 : memref<128x8xf32, #tpu.memory_space<vmem>>) target(%dma_start3A_600 : memref<100096x8xf32, #tpu.memory_space<vmem_shared>>) offsets(%dma_start3A_597 : memref<128xi32, #tpu.memory_space<vmem>>) semaphore(%arg16 : memref<!tpu.dma_semaphore, #tpu.memory_space<semaphore_mem>>) {add = true}
      %dma_start3A_601 = arith.constant 1 : i32
      %dma_start3A_602 = arith.constant 1 : i32
      %dma_start3A_603 = arith.constant 0 : i32
      %dma_start3A_604 = arith.constant 0 : i32
      %dma_start3A_605 = tpu.memref_slice %arg13[%dma_start3A_601, %dma_start3A_603, %dma_start3A_604] : memref<8x128x8xf32, #tpu.memory_space<vmem>> -> memref<1x128x8xf32, #tpu.memory_space<vmem>>
      %dma_start3A_606 = tpu.memref_squeeze %dma_start3A_605 : memref<1x128x8xf32, #tpu.memory_space<vmem>> -> memref<128x8xf32, #tpu.memory_space<vmem>>
      %dma_start3A_607 = arith.constant 0 : i32
      %dma_start3A_608 = tpu.memref_slice %arg10[%dma_start3A_602, %dma_start3A_607] : memref<8x128xi32, #tpu.memory_space<vmem>> -> memref<1x128xi32, #tpu.memory_space<vmem>>
      %dma_start3A_609 = tpu.memref_squeeze %dma_start3A_608 : memref<1x128xi32, #tpu.memory_space<vmem>> -> memref<128xi32, #tpu.memory_space<vmem>>
      %dma_start3A_610 = arith.constant 0 : i32
      %dma_start3A_611 = arith.constant 0 : i32
      %dma_start3A_612 = tpu.memref_slice %arg7[%dma_start3A_610, %dma_start3A_611] : memref<100096x8xf32, #tpu.memory_space<vmem_shared>> -> memref<100096x8xf32, #tpu.memory_space<vmem_shared>>
      tpu.enqueue_indirect_dma source(%dma_start3A_606 : memref<128x8xf32, #tpu.memory_space<vmem>>) target(%dma_start3A_612 : memref<100096x8xf32, #tpu.memory_space<vmem_shared>>) offsets(%dma_start3A_609 : memref<128xi32, #tpu.memory_space<vmem>>) semaphore(%arg16 : memref<!tpu.dma_semaphore, #tpu.memory_space<semaphore_mem>>) {add = true}
      %dma_start3A_613 = arith.constant 2 : i32
      %dma_start3A_614 = arith.constant 2 : i32
      %dma_start3A_615 = arith.constant 0 : i32
      %dma_start3A_616 = arith.constant 0 : i32
      %dma_start3A_617 = tpu.memref_slice %arg13[%dma_start3A_613, %dma_start3A_615, %dma_start3A_616] : memref<8x128x8xf32, #tpu.memory_space<vmem>> -> memref<1x128x8xf32, #tpu.memory_space<vmem>>
      %dma_start3A_618 = tpu.memref_squeeze %dma_start3A_617 : memref<1x128x8xf32, #tpu.memory_space<vmem>> -> memref<128x8xf32, #tpu.memory_space<vmem>>
      %dma_start3A_619 = arith.constant 0 : i32
      %dma_start3A_620 = tpu.memref_slice %arg10[%dma_start3A_614, %dma_start3A_619] : memref<8x128xi32, #tpu.memory_space<vmem>> -> memref<1x128xi32, #tpu.memory_space<vmem>>
      %dma_start3A_621 = tpu.memref_squeeze %dma_start3A_620 : memref<1x128xi32, #tpu.memory_space<vmem>> -> memref<128xi32, #tpu.memory_space<vmem>>
      %dma_start3A_622 = arith.constant 0 : i32
      %dma_start3A_623 = arith.constant 0 : i32
      %dma_start3A_624 = tpu.memref_slice %arg7[%dma_start3A_622, %dma_start3A_623] : memref<100096x8xf32, #tpu.memory_space<vmem_shared>> -> memref<100096x8xf32, #tpu.memory_space<vmem_shared>>
      tpu.enqueue_indirect_dma source(%dma_start3A_618 : memref<128x8xf32, #tpu.memory_space<vmem>>) target(%dma_start3A_624 : memref<100096x8xf32, #tpu.memory_space<vmem_shared>>) offsets(%dma_start3A_621 : memref<128xi32, #tpu.memory_space<vmem>>) semaphore(%arg16 : memref<!tpu.dma_semaphore, #tpu.memory_space<semaphore_mem>>) {add = true}
      %dma_start3A_625 = arith.constant 3 : i32
      %dma_start3A_626 = arith.constant 3 : i32
      %dma_start3A_627 = arith.constant 0 : i32
      %dma_start3A_628 = arith.constant 0 : i32
      %dma_start3A_629 = tpu.memref_slice %arg13[%dma_start3A_625, %dma_start3A_627, %dma_start3A_628] : memref<8x128x8xf32, #tpu.memory_space<vmem>> -> memref<1x128x8xf32, #tpu.memory_space<vmem>>
      %dma_start3A_630 = tpu.memref_squeeze %dma_start3A_629 : memref<1x128x8xf32, #tpu.memory_space<vmem>> -> memref<128x8xf32, #tpu.memory_space<vmem>>
      %dma_start3A_631 = arith.constant 0 : i32
      %dma_start3A_632 = tpu.memref_slice %arg10[%dma_start3A_626, %dma_start3A_631] : memref<8x128xi32, #tpu.memory_space<vmem>> -> memref<1x128xi32, #tpu.memory_space<vmem>>
      %dma_start3A_633 = tpu.memref_squeeze %dma_start3A_632 : memref<1x128xi32, #tpu.memory_space<vmem>> -> memref<128xi32, #tpu.memory_space<vmem>>
      %dma_start3A_634 = arith.constant 0 : i32
      %dma_start3A_635 = arith.constant 0 : i32
      %dma_start3A_636 = tpu.memref_slice %arg7[%dma_start3A_634, %dma_start3A_635] : memref<100096x8xf32, #tpu.memory_space<vmem_shared>> -> memref<100096x8xf32, #tpu.memory_space<vmem_shared>>
      tpu.enqueue_indirect_dma source(%dma_start3A_630 : memref<128x8xf32, #tpu.memory_space<vmem>>) target(%dma_start3A_636 : memref<100096x8xf32, #tpu.memory_space<vmem_shared>>) offsets(%dma_start3A_633 : memref<128xi32, #tpu.memory_space<vmem>>) semaphore(%arg16 : memref<!tpu.dma_semaphore, #tpu.memory_space<semaphore_mem>>) {add = true}
      %dma_start3A_637 = arith.constant 4 : i32
      %dma_start3A_638 = arith.constant 4 : i32
      %dma_start3A_639 = arith.constant 0 : i32
      %dma_start3A_640 = arith.constant 0 : i32
      %dma_start3A_641 = tpu.memref_slice %arg13[%dma_start3A_637, %dma_start3A_639, %dma_start3A_640] : memref<8x128x8xf32, #tpu.memory_space<vmem>> -> memref<1x128x8xf32, #tpu.memory_space<vmem>>
      %dma_start3A_642 = tpu.memref_squeeze %dma_start3A_641 : memref<1x128x8xf32, #tpu.memory_space<vmem>> -> memref<128x8xf32, #tpu.memory_space<vmem>>
      %dma_start3A_643 = arith.constant 0 : i32
      %dma_start3A_644 = tpu.memref_slice %arg10[%dma_start3A_638, %dma_start3A_643] : memref<8x128xi32, #tpu.memory_space<vmem>> -> memref<1x128xi32, #tpu.memory_space<vmem>>
      %dma_start3A_645 = tpu.memref_squeeze %dma_start3A_644 : memref<1x128xi32, #tpu.memory_space<vmem>> -> memref<128xi32, #tpu.memory_space<vmem>>
      %dma_start3A_646 = arith.constant 0 : i32
      %dma_start3A_647 = arith.constant 0 : i32
      %dma_start3A_648 = tpu.memref_slice %arg7[%dma_start3A_646, %dma_start3A_647] : memref<100096x8xf32, #tpu.memory_space<vmem_shared>> -> memref<100096x8xf32, #tpu.memory_space<vmem_shared>>
      tpu.enqueue_indirect_dma source(%dma_start3A_642 : memref<128x8xf32, #tpu.memory_space<vmem>>) target(%dma_start3A_648 : memref<100096x8xf32, #tpu.memory_space<vmem_shared>>) offsets(%dma_start3A_645 : memref<128xi32, #tpu.memory_space<vmem>>) semaphore(%arg16 : memref<!tpu.dma_semaphore, #tpu.memory_space<semaphore_mem>>) {add = true}
      %dma_start3A_649 = arith.constant 5 : i32
      %dma_start3A_650 = arith.constant 5 : i32
      %dma_start3A_651 = arith.constant 0 : i32
      %dma_start3A_652 = arith.constant 0 : i32
      %dma_start3A_653 = tpu.memref_slice %arg13[%dma_start3A_649, %dma_start3A_651, %dma_start3A_652] : memref<8x128x8xf32, #tpu.memory_space<vmem>> -> memref<1x128x8xf32, #tpu.memory_space<vmem>>
      %dma_start3A_654 = tpu.memref_squeeze %dma_start3A_653 : memref<1x128x8xf32, #tpu.memory_space<vmem>> -> memref<128x8xf32, #tpu.memory_space<vmem>>
      %dma_start3A_655 = arith.constant 0 : i32
      %dma_start3A_656 = tpu.memref_slice %arg10[%dma_start3A_650, %dma_start3A_655] : memref<8x128xi32, #tpu.memory_space<vmem>> -> memref<1x128xi32, #tpu.memory_space<vmem>>
      %dma_start3A_657 = tpu.memref_squeeze %dma_start3A_656 : memref<1x128xi32, #tpu.memory_space<vmem>> -> memref<128xi32, #tpu.memory_space<vmem>>
      %dma_start3A_658 = arith.constant 0 : i32
      %dma_start3A_659 = arith.constant 0 : i32
      %dma_start3A_660 = tpu.memref_slice %arg7[%dma_start3A_658, %dma_start3A_659] : memref<100096x8xf32, #tpu.memory_space<vmem_shared>> -> memref<100096x8xf32, #tpu.memory_space<vmem_shared>>
      tpu.enqueue_indirect_dma source(%dma_start3A_654 : memref<128x8xf32, #tpu.memory_space<vmem>>) target(%dma_start3A_660 : memref<100096x8xf32, #tpu.memory_space<vmem_shared>>) offsets(%dma_start3A_657 : memref<128xi32, #tpu.memory_space<vmem>>) semaphore(%arg16 : memref<!tpu.dma_semaphore, #tpu.memory_space<semaphore_mem>>) {add = true}
      %dma_start3A_661 = arith.constant 6 : i32
      %dma_start3A_662 = arith.constant 6 : i32
      %dma_start3A_663 = arith.constant 0 : i32
      %dma_start3A_664 = arith.constant 0 : i32
      %dma_start3A_665 = tpu.memref_slice %arg13[%dma_start3A_661, %dma_start3A_663, %dma_start3A_664] : memref<8x128x8xf32, #tpu.memory_space<vmem>> -> memref<1x128x8xf32, #tpu.memory_space<vmem>>
      %dma_start3A_666 = tpu.memref_squeeze %dma_start3A_665 : memref<1x128x8xf32, #tpu.memory_space<vmem>> -> memref<128x8xf32, #tpu.memory_space<vmem>>
      %dma_start3A_667 = arith.constant 0 : i32
      %dma_start3A_668 = tpu.memref_slice %arg10[%dma_start3A_662, %dma_start3A_667] : memref<8x128xi32, #tpu.memory_space<vmem>> -> memref<1x128xi32, #tpu.memory_space<vmem>>
      %dma_start3A_669 = tpu.memref_squeeze %dma_start3A_668 : memref<1x128xi32, #tpu.memory_space<vmem>> -> memref<128xi32, #tpu.memory_space<vmem>>
      %dma_start3A_670 = arith.constant 0 : i32
      %dma_start3A_671 = arith.constant 0 : i32
      %dma_start3A_672 = tpu.memref_slice %arg7[%dma_start3A_670, %dma_start3A_671] : memref<100096x8xf32, #tpu.memory_space<vmem_shared>> -> memref<100096x8xf32, #tpu.memory_space<vmem_shared>>
      tpu.enqueue_indirect_dma source(%dma_start3A_666 : memref<128x8xf32, #tpu.memory_space<vmem>>) target(%dma_start3A_672 : memref<100096x8xf32, #tpu.memory_space<vmem_shared>>) offsets(%dma_start3A_669 : memref<128xi32, #tpu.memory_space<vmem>>) semaphore(%arg16 : memref<!tpu.dma_semaphore, #tpu.memory_space<semaphore_mem>>) {add = true}
      %dma_start3A_673 = arith.constant 7 : i32
      %dma_start3A_674 = arith.constant 7 : i32
      %dma_start3A_675 = arith.constant 0 : i32
      %dma_start3A_676 = arith.constant 0 : i32
      %dma_start3A_677 = tpu.memref_slice %arg13[%dma_start3A_673, %dma_start3A_675, %dma_start3A_676] : memref<8x128x8xf32, #tpu.memory_space<vmem>> -> memref<1x128x8xf32, #tpu.memory_space<vmem>>
      %dma_start3A_678 = tpu.memref_squeeze %dma_start3A_677 : memref<1x128x8xf32, #tpu.memory_space<vmem>> -> memref<128x8xf32, #tpu.memory_space<vmem>>
      %dma_start3A_679 = arith.constant 0 : i32
      %dma_start3A_680 = tpu.memref_slice %arg10[%dma_start3A_674, %dma_start3A_679] : memref<8x128xi32, #tpu.memory_space<vmem>> -> memref<1x128xi32, #tpu.memory_space<vmem>>
      %dma_start3A_681 = tpu.memref_squeeze %dma_start3A_680 : memref<1x128xi32, #tpu.memory_space<vmem>> -> memref<128xi32, #tpu.memory_space<vmem>>
      %dma_start3A_682 = arith.constant 0 : i32
      %dma_start3A_683 = arith.constant 0 : i32
      %dma_start3A_684 = tpu.memref_slice %arg7[%dma_start3A_682, %dma_start3A_683] : memref<100096x8xf32, #tpu.memory_space<vmem_shared>> -> memref<100096x8xf32, #tpu.memory_space<vmem_shared>>
      tpu.enqueue_indirect_dma source(%dma_start3A_678 : memref<128x8xf32, #tpu.memory_space<vmem>>) target(%dma_start3A_684 : memref<100096x8xf32, #tpu.memory_space<vmem_shared>>) offsets(%dma_start3A_681 : memref<128xi32, #tpu.memory_space<vmem>>) semaphore(%arg16 : memref<!tpu.dma_semaphore, #tpu.memory_space<semaphore_mem>>) {add = true}
      %dma_wait3A_685 = arith.constant 0 : i32
      %dma_wait3A_686 = arith.constant 0 : i32
      %dma_wait3A_687 = arith.constant 0 : i32
      %dma_wait3A_688 = arith.constant 0 : i32
      %dma_wait3A_689 = tpu.memref_slice %arg14[%dma_wait3A_686, %dma_wait3A_687, %dma_wait3A_688] : memref<8x128x8xf32, #tpu.memory_space<vmem>> -> memref<1x128x8xf32, #tpu.memory_space<vmem>>
      %dma_wait3A_690 = tpu.memref_squeeze %dma_wait3A_689 : memref<1x128x8xf32, #tpu.memory_space<vmem>> -> memref<128x8xf32, #tpu.memory_space<vmem>>
      %dma_wait3A_691 = arith.constant 0 : i32
      %dma_wait3A_692 = tpu.memref_slice %arg11[%dma_wait3A_685, %dma_wait3A_691] : memref<8x128xi32, #tpu.memory_space<vmem>> -> memref<1x128xi32, #tpu.memory_space<vmem>>
      %dma_wait3A_693 = tpu.memref_squeeze %dma_wait3A_692 : memref<1x128xi32, #tpu.memory_space<vmem>> -> memref<128xi32, #tpu.memory_space<vmem>>
      %dma_wait3A_694 = arith.constant 0 : i32
      %dma_wait3A_695 = arith.constant 0 : i32
      %dma_wait3A_696 = tpu.memref_slice %arg8[%dma_wait3A_694, %dma_wait3A_695] : memref<100096x8xf32, #tpu.memory_space<vmem_shared>> -> memref<100096x8xf32, #tpu.memory_space<vmem_shared>>
      tpu.wait_indirect_dma semaphore(%arg15 : memref<!tpu.dma_semaphore, #tpu.memory_space<semaphore_mem>>) src(%dma_wait3A_696 : memref<100096x8xf32, #tpu.memory_space<vmem_shared>>) dst(%dma_wait3A_690 : memref<128x8xf32, #tpu.memory_space<vmem>>)
      %dma_wait3A_697 = arith.constant 1 : i32
      %dma_wait3A_698 = arith.constant 1 : i32
      %dma_wait3A_699 = arith.constant 0 : i32
      %dma_wait3A_700 = arith.constant 0 : i32
      %dma_wait3A_701 = tpu.memref_slice %arg14[%dma_wait3A_698, %dma_wait3A_699, %dma_wait3A_700] : memref<8x128x8xf32, #tpu.memory_space<vmem>> -> memref<1x128x8xf32, #tpu.memory_space<vmem>>
      %dma_wait3A_702 = tpu.memref_squeeze %dma_wait3A_701 : memref<1x128x8xf32, #tpu.memory_space<vmem>> -> memref<128x8xf32, #tpu.memory_space<vmem>>
      %dma_wait3A_703 = arith.constant 0 : i32
      %dma_wait3A_704 = tpu.memref_slice %arg11[%dma_wait3A_697, %dma_wait3A_703] : memref<8x128xi32, #tpu.memory_space<vmem>> -> memref<1x128xi32, #tpu.memory_space<vmem>>
      %dma_wait3A_705 = tpu.memref_squeeze %dma_wait3A_704 : memref<1x128xi32, #tpu.memory_space<vmem>> -> memref<128xi32, #tpu.memory_space<vmem>>
      %dma_wait3A_706 = arith.constant 0 : i32
      %dma_wait3A_707 = arith.constant 0 : i32
      %dma_wait3A_708 = tpu.memref_slice %arg8[%dma_wait3A_706, %dma_wait3A_707] : memref<100096x8xf32, #tpu.memory_space<vmem_shared>> -> memref<100096x8xf32, #tpu.memory_space<vmem_shared>>
      tpu.wait_indirect_dma semaphore(%arg15 : memref<!tpu.dma_semaphore, #tpu.memory_space<semaphore_mem>>) src(%dma_wait3A_708 : memref<100096x8xf32, #tpu.memory_space<vmem_shared>>) dst(%dma_wait3A_702 : memref<128x8xf32, #tpu.memory_space<vmem>>)
      %dma_wait3A_709 = arith.constant 2 : i32
      %dma_wait3A_710 = arith.constant 2 : i32
      %dma_wait3A_711 = arith.constant 0 : i32
      %dma_wait3A_712 = arith.constant 0 : i32
      %dma_wait3A_713 = tpu.memref_slice %arg14[%dma_wait3A_710, %dma_wait3A_711, %dma_wait3A_712] : memref<8x128x8xf32, #tpu.memory_space<vmem>> -> memref<1x128x8xf32, #tpu.memory_space<vmem>>
      %dma_wait3A_714 = tpu.memref_squeeze %dma_wait3A_713 : memref<1x128x8xf32, #tpu.memory_space<vmem>> -> memref<128x8xf32, #tpu.memory_space<vmem>>
      %dma_wait3A_715 = arith.constant 0 : i32
      %dma_wait3A_716 = tpu.memref_slice %arg11[%dma_wait3A_709, %dma_wait3A_715] : memref<8x128xi32, #tpu.memory_space<vmem>> -> memref<1x128xi32, #tpu.memory_space<vmem>>
      %dma_wait3A_717 = tpu.memref_squeeze %dma_wait3A_716 : memref<1x128xi32, #tpu.memory_space<vmem>> -> memref<128xi32, #tpu.memory_space<vmem>>
      %dma_wait3A_718 = arith.constant 0 : i32
      %dma_wait3A_719 = arith.constant 0 : i32
      %dma_wait3A_720 = tpu.memref_slice %arg8[%dma_wait3A_718, %dma_wait3A_719] : memref<100096x8xf32, #tpu.memory_space<vmem_shared>> -> memref<100096x8xf32, #tpu.memory_space<vmem_shared>>
      tpu.wait_indirect_dma semaphore(%arg15 : memref<!tpu.dma_semaphore, #tpu.memory_space<semaphore_mem>>) src(%dma_wait3A_720 : memref<100096x8xf32, #tpu.memory_space<vmem_shared>>) dst(%dma_wait3A_714 : memref<128x8xf32, #tpu.memory_space<vmem>>)
      %dma_wait3A_721 = arith.constant 3 : i32
      %dma_wait3A_722 = arith.constant 3 : i32
      %dma_wait3A_723 = arith.constant 0 : i32
      %dma_wait3A_724 = arith.constant 0 : i32
      %dma_wait3A_725 = tpu.memref_slice %arg14[%dma_wait3A_722, %dma_wait3A_723, %dma_wait3A_724] : memref<8x128x8xf32, #tpu.memory_space<vmem>> -> memref<1x128x8xf32, #tpu.memory_space<vmem>>
      %dma_wait3A_726 = tpu.memref_squeeze %dma_wait3A_725 : memref<1x128x8xf32, #tpu.memory_space<vmem>> -> memref<128x8xf32, #tpu.memory_space<vmem>>
      %dma_wait3A_727 = arith.constant 0 : i32
      %dma_wait3A_728 = tpu.memref_slice %arg11[%dma_wait3A_721, %dma_wait3A_727] : memref<8x128xi32, #tpu.memory_space<vmem>> -> memref<1x128xi32, #tpu.memory_space<vmem>>
      %dma_wait3A_729 = tpu.memref_squeeze %dma_wait3A_728 : memref<1x128xi32, #tpu.memory_space<vmem>> -> memref<128xi32, #tpu.memory_space<vmem>>
      %dma_wait3A_730 = arith.constant 0 : i32
      %dma_wait3A_731 = arith.constant 0 : i32
      %dma_wait3A_732 = tpu.memref_slice %arg8[%dma_wait3A_730, %dma_wait3A_731] : memref<100096x8xf32, #tpu.memory_space<vmem_shared>> -> memref<100096x8xf32, #tpu.memory_space<vmem_shared>>
      tpu.wait_indirect_dma semaphore(%arg15 : memref<!tpu.dma_semaphore, #tpu.memory_space<semaphore_mem>>) src(%dma_wait3A_732 : memref<100096x8xf32, #tpu.memory_space<vmem_shared>>) dst(%dma_wait3A_726 : memref<128x8xf32, #tpu.memory_space<vmem>>)
      %dma_wait3A_733 = arith.constant 4 : i32
      %dma_wait3A_734 = arith.constant 4 : i32
      %dma_wait3A_735 = arith.constant 0 : i32
      %dma_wait3A_736 = arith.constant 0 : i32
      %dma_wait3A_737 = tpu.memref_slice %arg14[%dma_wait3A_734, %dma_wait3A_735, %dma_wait3A_736] : memref<8x128x8xf32, #tpu.memory_space<vmem>> -> memref<1x128x8xf32, #tpu.memory_space<vmem>>
      %dma_wait3A_738 = tpu.memref_squeeze %dma_wait3A_737 : memref<1x128x8xf32, #tpu.memory_space<vmem>> -> memref<128x8xf32, #tpu.memory_space<vmem>>
      %dma_wait3A_739 = arith.constant 0 : i32
      %dma_wait3A_740 = tpu.memref_slice %arg11[%dma_wait3A_733, %dma_wait3A_739] : memref<8x128xi32, #tpu.memory_space<vmem>> -> memref<1x128xi32, #tpu.memory_space<vmem>>
      %dma_wait3A_741 = tpu.memref_squeeze %dma_wait3A_740 : memref<1x128xi32, #tpu.memory_space<vmem>> -> memref<128xi32, #tpu.memory_space<vmem>>
      %dma_wait3A_742 = arith.constant 0 : i32
      %dma_wait3A_743 = arith.constant 0 : i32
      %dma_wait3A_744 = tpu.memref_slice %arg8[%dma_wait3A_742, %dma_wait3A_743] : memref<100096x8xf32, #tpu.memory_space<vmem_shared>> -> memref<100096x8xf32, #tpu.memory_space<vmem_shared>>
      tpu.wait_indirect_dma semaphore(%arg15 : memref<!tpu.dma_semaphore, #tpu.memory_space<semaphore_mem>>) src(%dma_wait3A_744 : memref<100096x8xf32, #tpu.memory_space<vmem_shared>>) dst(%dma_wait3A_738 : memref<128x8xf32, #tpu.memory_space<vmem>>)
      %dma_wait3A_745 = arith.constant 5 : i32
      %dma_wait3A_746 = arith.constant 5 : i32
      %dma_wait3A_747 = arith.constant 0 : i32
      %dma_wait3A_748 = arith.constant 0 : i32
      %dma_wait3A_749 = tpu.memref_slice %arg14[%dma_wait3A_746, %dma_wait3A_747, %dma_wait3A_748] : memref<8x128x8xf32, #tpu.memory_space<vmem>> -> memref<1x128x8xf32, #tpu.memory_space<vmem>>
      %dma_wait3A_750 = tpu.memref_squeeze %dma_wait3A_749 : memref<1x128x8xf32, #tpu.memory_space<vmem>> -> memref<128x8xf32, #tpu.memory_space<vmem>>
      %dma_wait3A_751 = arith.constant 0 : i32
      %dma_wait3A_752 = tpu.memref_slice %arg11[%dma_wait3A_745, %dma_wait3A_751] : memref<8x128xi32, #tpu.memory_space<vmem>> -> memref<1x128xi32, #tpu.memory_space<vmem>>
      %dma_wait3A_753 = tpu.memref_squeeze %dma_wait3A_752 : memref<1x128xi32, #tpu.memory_space<vmem>> -> memref<128xi32, #tpu.memory_space<vmem>>
      %dma_wait3A_754 = arith.constant 0 : i32
      %dma_wait3A_755 = arith.constant 0 : i32
      %dma_wait3A_756 = tpu.memref_slice %arg8[%dma_wait3A_754, %dma_wait3A_755] : memref<100096x8xf32, #tpu.memory_space<vmem_shared>> -> memref<100096x8xf32, #tpu.memory_space<vmem_shared>>
      tpu.wait_indirect_dma semaphore(%arg15 : memref<!tpu.dma_semaphore, #tpu.memory_space<semaphore_mem>>) src(%dma_wait3A_756 : memref<100096x8xf32, #tpu.memory_space<vmem_shared>>) dst(%dma_wait3A_750 : memref<128x8xf32, #tpu.memory_space<vmem>>)
      %dma_wait3A_757 = arith.constant 6 : i32
      %dma_wait3A_758 = arith.constant 6 : i32
      %dma_wait3A_759 = arith.constant 0 : i32
      %dma_wait3A_760 = arith.constant 0 : i32
      %dma_wait3A_761 = tpu.memref_slice %arg14[%dma_wait3A_758, %dma_wait3A_759, %dma_wait3A_760] : memref<8x128x8xf32, #tpu.memory_space<vmem>> -> memref<1x128x8xf32, #tpu.memory_space<vmem>>
      %dma_wait3A_762 = tpu.memref_squeeze %dma_wait3A_761 : memref<1x128x8xf32, #tpu.memory_space<vmem>> -> memref<128x8xf32, #tpu.memory_space<vmem>>
      %dma_wait3A_763 = arith.constant 0 : i32
      %dma_wait3A_764 = tpu.memref_slice %arg11[%dma_wait3A_757, %dma_wait3A_763] : memref<8x128xi32, #tpu.memory_space<vmem>> -> memref<1x128xi32, #tpu.memory_space<vmem>>
      %dma_wait3A_765 = tpu.memref_squeeze %dma_wait3A_764 : memref<1x128xi32, #tpu.memory_space<vmem>> -> memref<128xi32, #tpu.memory_space<vmem>>
      %dma_wait3A_766 = arith.constant 0 : i32
      %dma_wait3A_767 = arith.constant 0 : i32
      %dma_wait3A_768 = tpu.memref_slice %arg8[%dma_wait3A_766, %dma_wait3A_767] : memref<100096x8xf32, #tpu.memory_space<vmem_shared>> -> memref<100096x8xf32, #tpu.memory_space<vmem_shared>>
      tpu.wait_indirect_dma semaphore(%arg15 : memref<!tpu.dma_semaphore, #tpu.memory_space<semaphore_mem>>) src(%dma_wait3A_768 : memref<100096x8xf32, #tpu.memory_space<vmem_shared>>) dst(%dma_wait3A_762 : memref<128x8xf32, #tpu.memory_space<vmem>>)
      %dma_wait3A_769 = arith.constant 7 : i32
      %dma_wait3A_770 = arith.constant 7 : i32
      %dma_wait3A_771 = arith.constant 0 : i32
      %dma_wait3A_772 = arith.constant 0 : i32
      %dma_wait3A_773 = tpu.memref_slice %arg14[%dma_wait3A_770, %dma_wait3A_771, %dma_wait3A_772] : memref<8x128x8xf32, #tpu.memory_space<vmem>> -> memref<1x128x8xf32, #tpu.memory_space<vmem>>
      %dma_wait3A_774 = tpu.memref_squeeze %dma_wait3A_773 : memref<1x128x8xf32, #tpu.memory_space<vmem>> -> memref<128x8xf32, #tpu.memory_space<vmem>>
      %dma_wait3A_775 = arith.constant 0 : i32
      %dma_wait3A_776 = tpu.memref_slice %arg11[%dma_wait3A_769, %dma_wait3A_775] : memref<8x128xi32, #tpu.memory_space<vmem>> -> memref<1x128xi32, #tpu.memory_space<vmem>>
      %dma_wait3A_777 = tpu.memref_squeeze %dma_wait3A_776 : memref<1x128xi32, #tpu.memory_space<vmem>> -> memref<128xi32, #tpu.memory_space<vmem>>
      %dma_wait3A_778 = arith.constant 0 : i32
      %dma_wait3A_779 = arith.constant 0 : i32
      %dma_wait3A_780 = tpu.memref_slice %arg8[%dma_wait3A_778, %dma_wait3A_779] : memref<100096x8xf32, #tpu.memory_space<vmem_shared>> -> memref<100096x8xf32, #tpu.memory_space<vmem_shared>>
      tpu.wait_indirect_dma semaphore(%arg15 : memref<!tpu.dma_semaphore, #tpu.memory_space<semaphore_mem>>) src(%dma_wait3A_780 : memref<100096x8xf32, #tpu.memory_space<vmem_shared>>) dst(%dma_wait3A_774 : memref<128x8xf32, #tpu.memory_space<vmem>>)
      %dma_start3A_781 = arith.constant 0 : i32
      %dma_start3A_782 = arith.constant 0 : i32
      %dma_start3A_783 = arith.constant 0 : i32
      %dma_start3A_784 = arith.constant 0 : i32
      %dma_start3A_785 = tpu.memref_slice %arg14[%dma_start3A_781, %dma_start3A_783, %dma_start3A_784] : memref<8x128x8xf32, #tpu.memory_space<vmem>> -> memref<1x128x8xf32, #tpu.memory_space<vmem>>
      %dma_start3A_786 = tpu.memref_squeeze %dma_start3A_785 : memref<1x128x8xf32, #tpu.memory_space<vmem>> -> memref<128x8xf32, #tpu.memory_space<vmem>>
      %dma_start3A_787 = arith.constant 0 : i32
      %dma_start3A_788 = tpu.memref_slice %arg12[%dma_start3A_782, %dma_start3A_787] : memref<8x128xi32, #tpu.memory_space<vmem>> -> memref<1x128xi32, #tpu.memory_space<vmem>>
      %dma_start3A_789 = tpu.memref_squeeze %dma_start3A_788 : memref<1x128xi32, #tpu.memory_space<vmem>> -> memref<128xi32, #tpu.memory_space<vmem>>
      %dma_start3A_790 = arith.constant 0 : i32
      %dma_start3A_791 = arith.constant 0 : i32
      %dma_start3A_792 = tpu.memref_slice %arg7[%dma_start3A_790, %dma_start3A_791] : memref<100096x8xf32, #tpu.memory_space<vmem_shared>> -> memref<100096x8xf32, #tpu.memory_space<vmem_shared>>
      tpu.enqueue_indirect_dma source(%dma_start3A_786 : memref<128x8xf32, #tpu.memory_space<vmem>>) target(%dma_start3A_792 : memref<100096x8xf32, #tpu.memory_space<vmem_shared>>) offsets(%dma_start3A_789 : memref<128xi32, #tpu.memory_space<vmem>>) semaphore(%arg16 : memref<!tpu.dma_semaphore, #tpu.memory_space<semaphore_mem>>) {add = true}
      %dma_start3A_793 = arith.constant 1 : i32
      %dma_start3A_794 = arith.constant 1 : i32
      %dma_start3A_795 = arith.constant 0 : i32
      %dma_start3A_796 = arith.constant 0 : i32
      %dma_start3A_797 = tpu.memref_slice %arg14[%dma_start3A_793, %dma_start3A_795, %dma_start3A_796] : memref<8x128x8xf32, #tpu.memory_space<vmem>> -> memref<1x128x8xf32, #tpu.memory_space<vmem>>
      %dma_start3A_798 = tpu.memref_squeeze %dma_start3A_797 : memref<1x128x8xf32, #tpu.memory_space<vmem>> -> memref<128x8xf32, #tpu.memory_space<vmem>>
      %dma_start3A_799 = arith.constant 0 : i32
      %dma_start3A_800 = tpu.memref_slice %arg12[%dma_start3A_794, %dma_start3A_799] : memref<8x128xi32, #tpu.memory_space<vmem>> -> memref<1x128xi32, #tpu.memory_space<vmem>>
      %dma_start3A_801 = tpu.memref_squeeze %dma_start3A_800 : memref<1x128xi32, #tpu.memory_space<vmem>> -> memref<128xi32, #tpu.memory_space<vmem>>
      %dma_start3A_802 = arith.constant 0 : i32
      %dma_start3A_803 = arith.constant 0 : i32
      %dma_start3A_804 = tpu.memref_slice %arg7[%dma_start3A_802, %dma_start3A_803] : memref<100096x8xf32, #tpu.memory_space<vmem_shared>> -> memref<100096x8xf32, #tpu.memory_space<vmem_shared>>
      tpu.enqueue_indirect_dma source(%dma_start3A_798 : memref<128x8xf32, #tpu.memory_space<vmem>>) target(%dma_start3A_804 : memref<100096x8xf32, #tpu.memory_space<vmem_shared>>) offsets(%dma_start3A_801 : memref<128xi32, #tpu.memory_space<vmem>>) semaphore(%arg16 : memref<!tpu.dma_semaphore, #tpu.memory_space<semaphore_mem>>) {add = true}
      %dma_start3A_805 = arith.constant 2 : i32
      %dma_start3A_806 = arith.constant 2 : i32
      %dma_start3A_807 = arith.constant 0 : i32
      %dma_start3A_808 = arith.constant 0 : i32
      %dma_start3A_809 = tpu.memref_slice %arg14[%dma_start3A_805, %dma_start3A_807, %dma_start3A_808] : memref<8x128x8xf32, #tpu.memory_space<vmem>> -> memref<1x128x8xf32, #tpu.memory_space<vmem>>
      %dma_start3A_810 = tpu.memref_squeeze %dma_start3A_809 : memref<1x128x8xf32, #tpu.memory_space<vmem>> -> memref<128x8xf32, #tpu.memory_space<vmem>>
      %dma_start3A_811 = arith.constant 0 : i32
      %dma_start3A_812 = tpu.memref_slice %arg12[%dma_start3A_806, %dma_start3A_811] : memref<8x128xi32, #tpu.memory_space<vmem>> -> memref<1x128xi32, #tpu.memory_space<vmem>>
      %dma_start3A_813 = tpu.memref_squeeze %dma_start3A_812 : memref<1x128xi32, #tpu.memory_space<vmem>> -> memref<128xi32, #tpu.memory_space<vmem>>
      %dma_start3A_814 = arith.constant 0 : i32
      %dma_start3A_815 = arith.constant 0 : i32
      %dma_start3A_816 = tpu.memref_slice %arg7[%dma_start3A_814, %dma_start3A_815] : memref<100096x8xf32, #tpu.memory_space<vmem_shared>> -> memref<100096x8xf32, #tpu.memory_space<vmem_shared>>
      tpu.enqueue_indirect_dma source(%dma_start3A_810 : memref<128x8xf32, #tpu.memory_space<vmem>>) target(%dma_start3A_816 : memref<100096x8xf32, #tpu.memory_space<vmem_shared>>) offsets(%dma_start3A_813 : memref<128xi32, #tpu.memory_space<vmem>>) semaphore(%arg16 : memref<!tpu.dma_semaphore, #tpu.memory_space<semaphore_mem>>) {add = true}
      %dma_start3A_817 = arith.constant 3 : i32
      %dma_start3A_818 = arith.constant 3 : i32
      %dma_start3A_819 = arith.constant 0 : i32
      %dma_start3A_820 = arith.constant 0 : i32
      %dma_start3A_821 = tpu.memref_slice %arg14[%dma_start3A_817, %dma_start3A_819, %dma_start3A_820] : memref<8x128x8xf32, #tpu.memory_space<vmem>> -> memref<1x128x8xf32, #tpu.memory_space<vmem>>
      %dma_start3A_822 = tpu.memref_squeeze %dma_start3A_821 : memref<1x128x8xf32, #tpu.memory_space<vmem>> -> memref<128x8xf32, #tpu.memory_space<vmem>>
      %dma_start3A_823 = arith.constant 0 : i32
      %dma_start3A_824 = tpu.memref_slice %arg12[%dma_start3A_818, %dma_start3A_823] : memref<8x128xi32, #tpu.memory_space<vmem>> -> memref<1x128xi32, #tpu.memory_space<vmem>>
      %dma_start3A_825 = tpu.memref_squeeze %dma_start3A_824 : memref<1x128xi32, #tpu.memory_space<vmem>> -> memref<128xi32, #tpu.memory_space<vmem>>
      %dma_start3A_826 = arith.constant 0 : i32
      %dma_start3A_827 = arith.constant 0 : i32
      %dma_start3A_828 = tpu.memref_slice %arg7[%dma_start3A_826, %dma_start3A_827] : memref<100096x8xf32, #tpu.memory_space<vmem_shared>> -> memref<100096x8xf32, #tpu.memory_space<vmem_shared>>
      tpu.enqueue_indirect_dma source(%dma_start3A_822 : memref<128x8xf32, #tpu.memory_space<vmem>>) target(%dma_start3A_828 : memref<100096x8xf32, #tpu.memory_space<vmem_shared>>) offsets(%dma_start3A_825 : memref<128xi32, #tpu.memory_space<vmem>>) semaphore(%arg16 : memref<!tpu.dma_semaphore, #tpu.memory_space<semaphore_mem>>) {add = true}
      %dma_start3A_829 = arith.constant 4 : i32
      %dma_start3A_830 = arith.constant 4 : i32
      %dma_start3A_831 = arith.constant 0 : i32
      %dma_start3A_832 = arith.constant 0 : i32
      %dma_start3A_833 = tpu.memref_slice %arg14[%dma_start3A_829, %dma_start3A_831, %dma_start3A_832] : memref<8x128x8xf32, #tpu.memory_space<vmem>> -> memref<1x128x8xf32, #tpu.memory_space<vmem>>
      %dma_start3A_834 = tpu.memref_squeeze %dma_start3A_833 : memref<1x128x8xf32, #tpu.memory_space<vmem>> -> memref<128x8xf32, #tpu.memory_space<vmem>>
      %dma_start3A_835 = arith.constant 0 : i32
      %dma_start3A_836 = tpu.memref_slice %arg12[%dma_start3A_830, %dma_start3A_835] : memref<8x128xi32, #tpu.memory_space<vmem>> -> memref<1x128xi32, #tpu.memory_space<vmem>>
      %dma_start3A_837 = tpu.memref_squeeze %dma_start3A_836 : memref<1x128xi32, #tpu.memory_space<vmem>> -> memref<128xi32, #tpu.memory_space<vmem>>
      %dma_start3A_838 = arith.constant 0 : i32
      %dma_start3A_839 = arith.constant 0 : i32
      %dma_start3A_840 = tpu.memref_slice %arg7[%dma_start3A_838, %dma_start3A_839] : memref<100096x8xf32, #tpu.memory_space<vmem_shared>> -> memref<100096x8xf32, #tpu.memory_space<vmem_shared>>
      tpu.enqueue_indirect_dma source(%dma_start3A_834 : memref<128x8xf32, #tpu.memory_space<vmem>>) target(%dma_start3A_840 : memref<100096x8xf32, #tpu.memory_space<vmem_shared>>) offsets(%dma_start3A_837 : memref<128xi32, #tpu.memory_space<vmem>>) semaphore(%arg16 : memref<!tpu.dma_semaphore, #tpu.memory_space<semaphore_mem>>) {add = true}
      %dma_start3A_841 = arith.constant 5 : i32
      %dma_start3A_842 = arith.constant 5 : i32
      %dma_start3A_843 = arith.constant 0 : i32
      %dma_start3A_844 = arith.constant 0 : i32
      %dma_start3A_845 = tpu.memref_slice %arg14[%dma_start3A_841, %dma_start3A_843, %dma_start3A_844] : memref<8x128x8xf32, #tpu.memory_space<vmem>> -> memref<1x128x8xf32, #tpu.memory_space<vmem>>
      %dma_start3A_846 = tpu.memref_squeeze %dma_start3A_845 : memref<1x128x8xf32, #tpu.memory_space<vmem>> -> memref<128x8xf32, #tpu.memory_space<vmem>>
      %dma_start3A_847 = arith.constant 0 : i32
      %dma_start3A_848 = tpu.memref_slice %arg12[%dma_start3A_842, %dma_start3A_847] : memref<8x128xi32, #tpu.memory_space<vmem>> -> memref<1x128xi32, #tpu.memory_space<vmem>>
      %dma_start3A_849 = tpu.memref_squeeze %dma_start3A_848 : memref<1x128xi32, #tpu.memory_space<vmem>> -> memref<128xi32, #tpu.memory_space<vmem>>
      %dma_start3A_850 = arith.constant 0 : i32
      %dma_start3A_851 = arith.constant 0 : i32
      %dma_start3A_852 = tpu.memref_slice %arg7[%dma_start3A_850, %dma_start3A_851] : memref<100096x8xf32, #tpu.memory_space<vmem_shared>> -> memref<100096x8xf32, #tpu.memory_space<vmem_shared>>
      tpu.enqueue_indirect_dma source(%dma_start3A_846 : memref<128x8xf32, #tpu.memory_space<vmem>>) target(%dma_start3A_852 : memref<100096x8xf32, #tpu.memory_space<vmem_shared>>) offsets(%dma_start3A_849 : memref<128xi32, #tpu.memory_space<vmem>>) semaphore(%arg16 : memref<!tpu.dma_semaphore, #tpu.memory_space<semaphore_mem>>) {add = true}
      %dma_start3A_853 = arith.constant 6 : i32
      %dma_start3A_854 = arith.constant 6 : i32
      %dma_start3A_855 = arith.constant 0 : i32
      %dma_start3A_856 = arith.constant 0 : i32
      %dma_start3A_857 = tpu.memref_slice %arg14[%dma_start3A_853, %dma_start3A_855, %dma_start3A_856] : memref<8x128x8xf32, #tpu.memory_space<vmem>> -> memref<1x128x8xf32, #tpu.memory_space<vmem>>
      %dma_start3A_858 = tpu.memref_squeeze %dma_start3A_857 : memref<1x128x8xf32, #tpu.memory_space<vmem>> -> memref<128x8xf32, #tpu.memory_space<vmem>>
      %dma_start3A_859 = arith.constant 0 : i32
      %dma_start3A_860 = tpu.memref_slice %arg12[%dma_start3A_854, %dma_start3A_859] : memref<8x128xi32, #tpu.memory_space<vmem>> -> memref<1x128xi32, #tpu.memory_space<vmem>>
      %dma_start3A_861 = tpu.memref_squeeze %dma_start3A_860 : memref<1x128xi32, #tpu.memory_space<vmem>> -> memref<128xi32, #tpu.memory_space<vmem>>
      %dma_start3A_862 = arith.constant 0 : i32
      %dma_start3A_863 = arith.constant 0 : i32
      %dma_start3A_864 = tpu.memref_slice %arg7[%dma_start3A_862, %dma_start3A_863] : memref<100096x8xf32, #tpu.memory_space<vmem_shared>> -> memref<100096x8xf32, #tpu.memory_space<vmem_shared>>
      tpu.enqueue_indirect_dma source(%dma_start3A_858 : memref<128x8xf32, #tpu.memory_space<vmem>>) target(%dma_start3A_864 : memref<100096x8xf32, #tpu.memory_space<vmem_shared>>) offsets(%dma_start3A_861 : memref<128xi32, #tpu.memory_space<vmem>>) semaphore(%arg16 : memref<!tpu.dma_semaphore, #tpu.memory_space<semaphore_mem>>) {add = true}
      %dma_start3A_865 = arith.constant 7 : i32
      %dma_start3A_866 = arith.constant 7 : i32
      %dma_start3A_867 = arith.constant 0 : i32
      %dma_start3A_868 = arith.constant 0 : i32
      %dma_start3A_869 = tpu.memref_slice %arg14[%dma_start3A_865, %dma_start3A_867, %dma_start3A_868] : memref<8x128x8xf32, #tpu.memory_space<vmem>> -> memref<1x128x8xf32, #tpu.memory_space<vmem>>
      %dma_start3A_870 = tpu.memref_squeeze %dma_start3A_869 : memref<1x128x8xf32, #tpu.memory_space<vmem>> -> memref<128x8xf32, #tpu.memory_space<vmem>>
      %dma_start3A_871 = arith.constant 0 : i32
      %dma_start3A_872 = tpu.memref_slice %arg12[%dma_start3A_866, %dma_start3A_871] : memref<8x128xi32, #tpu.memory_space<vmem>> -> memref<1x128xi32, #tpu.memory_space<vmem>>
      %dma_start3A_873 = tpu.memref_squeeze %dma_start3A_872 : memref<1x128xi32, #tpu.memory_space<vmem>> -> memref<128xi32, #tpu.memory_space<vmem>>
      %dma_start3A_874 = arith.constant 0 : i32
      %dma_start3A_875 = arith.constant 0 : i32
      %dma_start3A_876 = tpu.memref_slice %arg7[%dma_start3A_874, %dma_start3A_875] : memref<100096x8xf32, #tpu.memory_space<vmem_shared>> -> memref<100096x8xf32, #tpu.memory_space<vmem_shared>>
      tpu.enqueue_indirect_dma source(%dma_start3A_870 : memref<128x8xf32, #tpu.memory_space<vmem>>) target(%dma_start3A_876 : memref<100096x8xf32, #tpu.memory_space<vmem_shared>>) offsets(%dma_start3A_873 : memref<128xi32, #tpu.memory_space<vmem>>) semaphore(%arg16 : memref<!tpu.dma_semaphore, #tpu.memory_space<semaphore_mem>>) {add = true}
    }
    %scan3A_15 = arith.constant 25 : i32
    %dma_wait3A = arith.constant 0 : i32
    %dma_wait3A_16 = arith.constant 0 : i32
    %dma_wait3A_17 = arith.constant 0 : i32
    %dma_wait3A_18 = tpu.memref_slice %arg13[%dma_wait3A, %dma_wait3A_16, %dma_wait3A_17] : memref<8x128x8xf32, #tpu.memory_space<vmem>> -> memref<1x128x8xf32, #tpu.memory_space<vmem>>
    %dma_wait3A_19 = tpu.memref_squeeze %dma_wait3A_18 : memref<1x128x8xf32, #tpu.memory_space<vmem>> -> memref<128x8xf32, #tpu.memory_space<vmem>>
    %dma_wait3A_20 = arith.constant 0 : i32
    %dma_wait3A_21 = arith.constant 0 : i32
    %dma_wait3A_22 = tpu.memref_slice %arg5[%dma_wait3A_20, %dma_wait3A_21] : memref<100096x8xf32, #tpu.memory_space<hbm>> -> memref<128x8xf32, #tpu.memory_space<hbm>>
    %dma_wait3A_23 = arith.constant 0 : i32
    %dma_wait3A_24 = arith.constant 0 : i32
    %dma_wait3A_25 = tpu.memref_slice %arg13[%dma_wait3A, %dma_wait3A_23, %dma_wait3A_24] : memref<8x128x8xf32, #tpu.memory_space<vmem>> -> memref<1x128x8xf32, #tpu.memory_space<vmem>>
    %dma_wait3A_26 = tpu.memref_squeeze %dma_wait3A_25 : memref<1x128x8xf32, #tpu.memory_space<vmem>> -> memref<128x8xf32, #tpu.memory_space<vmem>>
    %dma_wait3A_27 = arith.constant 0 : i32
    %dma_wait3A_28 = arith.constant 0 : i32
    %dma_wait3A_29 = tpu.memref_slice %arg5[%dma_wait3A_27, %dma_wait3A_28] : memref<100096x8xf32, #tpu.memory_space<hbm>> -> memref<128x8xf32, #tpu.memory_space<hbm>>
    tpu.wait_dma2 semaphore(%arg16 : memref<!tpu.dma_semaphore, #tpu.memory_space<semaphore_mem>>) src(%dma_wait3A_29 : memref<128x8xf32, #tpu.memory_space<hbm>>) dst(%dma_wait3A_26 : memref<128x8xf32, #tpu.memory_space<vmem>>)
    %dma_wait3A_30 = arith.constant 0 : i32
    %dma_wait3A_31 = arith.constant 0 : i32
    %dma_wait3A_32 = arith.constant 0 : i32
    %dma_wait3A_33 = tpu.memref_slice %arg13[%dma_wait3A_30, %dma_wait3A_31, %dma_wait3A_32] : memref<8x128x8xf32, #tpu.memory_space<vmem>> -> memref<1x128x8xf32, #tpu.memory_space<vmem>>
    %dma_wait3A_34 = tpu.memref_squeeze %dma_wait3A_33 : memref<1x128x8xf32, #tpu.memory_space<vmem>> -> memref<128x8xf32, #tpu.memory_space<vmem>>
    %dma_wait3A_35 = arith.constant 0 : i32
    %dma_wait3A_36 = arith.constant 0 : i32
    %dma_wait3A_37 = tpu.memref_slice %arg5[%dma_wait3A_35, %dma_wait3A_36] : memref<100096x8xf32, #tpu.memory_space<hbm>> -> memref<128x8xf32, #tpu.memory_space<hbm>>
    %dma_wait3A_38 = arith.constant 0 : i32
    %dma_wait3A_39 = arith.constant 0 : i32
    %dma_wait3A_40 = tpu.memref_slice %arg13[%dma_wait3A_30, %dma_wait3A_38, %dma_wait3A_39] : memref<8x128x8xf32, #tpu.memory_space<vmem>> -> memref<1x128x8xf32, #tpu.memory_space<vmem>>
    %dma_wait3A_41 = tpu.memref_squeeze %dma_wait3A_40 : memref<1x128x8xf32, #tpu.memory_space<vmem>> -> memref<128x8xf32, #tpu.memory_space<vmem>>
    %dma_wait3A_42 = arith.constant 0 : i32
    %dma_wait3A_43 = arith.constant 0 : i32
    %dma_wait3A_44 = tpu.memref_slice %arg5[%dma_wait3A_42, %dma_wait3A_43] : memref<100096x8xf32, #tpu.memory_space<hbm>> -> memref<128x8xf32, #tpu.memory_space<hbm>>
    tpu.wait_dma2 semaphore(%arg16 : memref<!tpu.dma_semaphore, #tpu.memory_space<semaphore_mem>>) src(%dma_wait3A_44 : memref<128x8xf32, #tpu.memory_space<hbm>>) dst(%dma_wait3A_41 : memref<128x8xf32, #tpu.memory_space<vmem>>)
    %dma_wait3A_45 = arith.constant 0 : i32
    %dma_wait3A_46 = arith.constant 0 : i32
    %dma_wait3A_47 = arith.constant 0 : i32
    %dma_wait3A_48 = tpu.memref_slice %arg13[%dma_wait3A_45, %dma_wait3A_46, %dma_wait3A_47] : memref<8x128x8xf32, #tpu.memory_space<vmem>> -> memref<1x128x8xf32, #tpu.memory_space<vmem>>
    %dma_wait3A_49 = tpu.memref_squeeze %dma_wait3A_48 : memref<1x128x8xf32, #tpu.memory_space<vmem>> -> memref<128x8xf32, #tpu.memory_space<vmem>>
    %dma_wait3A_50 = arith.constant 0 : i32
    %dma_wait3A_51 = arith.constant 0 : i32
    %dma_wait3A_52 = tpu.memref_slice %arg5[%dma_wait3A_50, %dma_wait3A_51] : memref<100096x8xf32, #tpu.memory_space<hbm>> -> memref<128x8xf32, #tpu.memory_space<hbm>>
    %dma_wait3A_53 = arith.constant 0 : i32
    %dma_wait3A_54 = arith.constant 0 : i32
    %dma_wait3A_55 = tpu.memref_slice %arg13[%dma_wait3A_45, %dma_wait3A_53, %dma_wait3A_54] : memref<8x128x8xf32, #tpu.memory_space<vmem>> -> memref<1x128x8xf32, #tpu.memory_space<vmem>>
    %dma_wait3A_56 = tpu.memref_squeeze %dma_wait3A_55 : memref<1x128x8xf32, #tpu.memory_space<vmem>> -> memref<128x8xf32, #tpu.memory_space<vmem>>
    %dma_wait3A_57 = arith.constant 0 : i32
    %dma_wait3A_58 = arith.constant 0 : i32
    %dma_wait3A_59 = tpu.memref_slice %arg5[%dma_wait3A_57, %dma_wait3A_58] : memref<100096x8xf32, #tpu.memory_space<hbm>> -> memref<128x8xf32, #tpu.memory_space<hbm>>
    tpu.wait_dma2 semaphore(%arg16 : memref<!tpu.dma_semaphore, #tpu.memory_space<semaphore_mem>>) src(%dma_wait3A_59 : memref<128x8xf32, #tpu.memory_space<hbm>>) dst(%dma_wait3A_56 : memref<128x8xf32, #tpu.memory_space<vmem>>)
    %dma_wait3A_60 = arith.constant 0 : i32
    %dma_wait3A_61 = arith.constant 0 : i32
    %dma_wait3A_62 = arith.constant 0 : i32
    %dma_wait3A_63 = tpu.memref_slice %arg13[%dma_wait3A_60, %dma_wait3A_61, %dma_wait3A_62] : memref<8x128x8xf32, #tpu.memory_space<vmem>> -> memref<1x128x8xf32, #tpu.memory_space<vmem>>
    %dma_wait3A_64 = tpu.memref_squeeze %dma_wait3A_63 : memref<1x128x8xf32, #tpu.memory_space<vmem>> -> memref<128x8xf32, #tpu.memory_space<vmem>>
    %dma_wait3A_65 = arith.constant 0 : i32
    %dma_wait3A_66 = arith.constant 0 : i32
    %dma_wait3A_67 = tpu.memref_slice %arg5[%dma_wait3A_65, %dma_wait3A_66] : memref<100096x8xf32, #tpu.memory_space<hbm>> -> memref<128x8xf32, #tpu.memory_space<hbm>>
    %dma_wait3A_68 = arith.constant 0 : i32
    %dma_wait3A_69 = arith.constant 0 : i32
    %dma_wait3A_70 = tpu.memref_slice %arg13[%dma_wait3A_60, %dma_wait3A_68, %dma_wait3A_69] : memref<8x128x8xf32, #tpu.memory_space<vmem>> -> memref<1x128x8xf32, #tpu.memory_space<vmem>>
    %dma_wait3A_71 = tpu.memref_squeeze %dma_wait3A_70 : memref<1x128x8xf32, #tpu.memory_space<vmem>> -> memref<128x8xf32, #tpu.memory_space<vmem>>
    %dma_wait3A_72 = arith.constant 0 : i32
    %dma_wait3A_73 = arith.constant 0 : i32
    %dma_wait3A_74 = tpu.memref_slice %arg5[%dma_wait3A_72, %dma_wait3A_73] : memref<100096x8xf32, #tpu.memory_space<hbm>> -> memref<128x8xf32, #tpu.memory_space<hbm>>
    tpu.wait_dma2 semaphore(%arg16 : memref<!tpu.dma_semaphore, #tpu.memory_space<semaphore_mem>>) src(%dma_wait3A_74 : memref<128x8xf32, #tpu.memory_space<hbm>>) dst(%dma_wait3A_71 : memref<128x8xf32, #tpu.memory_space<vmem>>)
    %dma_wait3A_75 = arith.constant 0 : i32
    %dma_wait3A_76 = arith.constant 0 : i32
    %dma_wait3A_77 = arith.constant 0 : i32
    %dma_wait3A_78 = tpu.memref_slice %arg13[%dma_wait3A_75, %dma_wait3A_76, %dma_wait3A_77] : memref<8x128x8xf32, #tpu.memory_space<vmem>> -> memref<1x128x8xf32, #tpu.memory_space<vmem>>
    %dma_wait3A_79 = tpu.memref_squeeze %dma_wait3A_78 : memref<1x128x8xf32, #tpu.memory_space<vmem>> -> memref<128x8xf32, #tpu.memory_space<vmem>>
    %dma_wait3A_80 = arith.constant 0 : i32
    %dma_wait3A_81 = arith.constant 0 : i32
    %dma_wait3A_82 = tpu.memref_slice %arg5[%dma_wait3A_80, %dma_wait3A_81] : memref<100096x8xf32, #tpu.memory_space<hbm>> -> memref<128x8xf32, #tpu.memory_space<hbm>>
    %dma_wait3A_83 = arith.constant 0 : i32
    %dma_wait3A_84 = arith.constant 0 : i32
    %dma_wait3A_85 = tpu.memref_slice %arg13[%dma_wait3A_75, %dma_wait3A_83, %dma_wait3A_84] : memref<8x128x8xf32, #tpu.memory_space<vmem>> -> memref<1x128x8xf32, #tpu.memory_space<vmem>>
    %dma_wait3A_86 = tpu.memref_squeeze %dma_wait3A_85 : memref<1x128x8xf32, #tpu.memory_space<vmem>> -> memref<128x8xf32, #tpu.memory_space<vmem>>
    %dma_wait3A_87 = arith.constant 0 : i32
    %dma_wait3A_88 = arith.constant 0 : i32
    %dma_wait3A_89 = tpu.memref_slice %arg5[%dma_wait3A_87, %dma_wait3A_88] : memref<100096x8xf32, #tpu.memory_space<hbm>> -> memref<128x8xf32, #tpu.memory_space<hbm>>
    tpu.wait_dma2 semaphore(%arg16 : memref<!tpu.dma_semaphore, #tpu.memory_space<semaphore_mem>>) src(%dma_wait3A_89 : memref<128x8xf32, #tpu.memory_space<hbm>>) dst(%dma_wait3A_86 : memref<128x8xf32, #tpu.memory_space<vmem>>)
    %dma_wait3A_90 = arith.constant 0 : i32
    %dma_wait3A_91 = arith.constant 0 : i32
    %dma_wait3A_92 = arith.constant 0 : i32
    %dma_wait3A_93 = tpu.memref_slice %arg13[%dma_wait3A_90, %dma_wait3A_91, %dma_wait3A_92] : memref<8x128x8xf32, #tpu.memory_space<vmem>> -> memref<1x128x8xf32, #tpu.memory_space<vmem>>
    %dma_wait3A_94 = tpu.memref_squeeze %dma_wait3A_93 : memref<1x128x8xf32, #tpu.memory_space<vmem>> -> memref<128x8xf32, #tpu.memory_space<vmem>>
    %dma_wait3A_95 = arith.constant 0 : i32
    %dma_wait3A_96 = arith.constant 0 : i32
    %dma_wait3A_97 = tpu.memref_slice %arg5[%dma_wait3A_95, %dma_wait3A_96] : memref<100096x8xf32, #tpu.memory_space<hbm>> -> memref<128x8xf32, #tpu.memory_space<hbm>>
    %dma_wait3A_98 = arith.constant 0 : i32
    %dma_wait3A_99 = arith.constant 0 : i32
    %dma_wait3A_100 = tpu.memref_slice %arg13[%dma_wait3A_90, %dma_wait3A_98, %dma_wait3A_99] : memref<8x128x8xf32, #tpu.memory_space<vmem>> -> memref<1x128x8xf32, #tpu.memory_space<vmem>>
    %dma_wait3A_101 = tpu.memref_squeeze %dma_wait3A_100 : memref<1x128x8xf32, #tpu.memory_space<vmem>> -> memref<128x8xf32, #tpu.memory_space<vmem>>
    %dma_wait3A_102 = arith.constant 0 : i32
    %dma_wait3A_103 = arith.constant 0 : i32
    %dma_wait3A_104 = tpu.memref_slice %arg5[%dma_wait3A_102, %dma_wait3A_103] : memref<100096x8xf32, #tpu.memory_space<hbm>> -> memref<128x8xf32, #tpu.memory_space<hbm>>
    tpu.wait_dma2 semaphore(%arg16 : memref<!tpu.dma_semaphore, #tpu.memory_space<semaphore_mem>>) src(%dma_wait3A_104 : memref<128x8xf32, #tpu.memory_space<hbm>>) dst(%dma_wait3A_101 : memref<128x8xf32, #tpu.memory_space<vmem>>)
    %dma_wait3A_105 = arith.constant 0 : i32
    %dma_wait3A_106 = arith.constant 0 : i32
    %dma_wait3A_107 = arith.constant 0 : i32
    %dma_wait3A_108 = tpu.memref_slice %arg13[%dma_wait3A_105, %dma_wait3A_106, %dma_wait3A_107] : memref<8x128x8xf32, #tpu.memory_space<vmem>> -> memref<1x128x8xf32, #tpu.memory_space<vmem>>
    %dma_wait3A_109 = tpu.memref_squeeze %dma_wait3A_108 : memref<1x128x8xf32, #tpu.memory_space<vmem>> -> memref<128x8xf32, #tpu.memory_space<vmem>>
    %dma_wait3A_110 = arith.constant 0 : i32
    %dma_wait3A_111 = arith.constant 0 : i32
    %dma_wait3A_112 = tpu.memref_slice %arg5[%dma_wait3A_110, %dma_wait3A_111] : memref<100096x8xf32, #tpu.memory_space<hbm>> -> memref<128x8xf32, #tpu.memory_space<hbm>>
    %dma_wait3A_113 = arith.constant 0 : i32
    %dma_wait3A_114 = arith.constant 0 : i32
    %dma_wait3A_115 = tpu.memref_slice %arg13[%dma_wait3A_105, %dma_wait3A_113, %dma_wait3A_114] : memref<8x128x8xf32, #tpu.memory_space<vmem>> -> memref<1x128x8xf32, #tpu.memory_space<vmem>>
    %dma_wait3A_116 = tpu.memref_squeeze %dma_wait3A_115 : memref<1x128x8xf32, #tpu.memory_space<vmem>> -> memref<128x8xf32, #tpu.memory_space<vmem>>
    %dma_wait3A_117 = arith.constant 0 : i32
    %dma_wait3A_118 = arith.constant 0 : i32
    %dma_wait3A_119 = tpu.memref_slice %arg5[%dma_wait3A_117, %dma_wait3A_118] : memref<100096x8xf32, #tpu.memory_space<hbm>> -> memref<128x8xf32, #tpu.memory_space<hbm>>
    tpu.wait_dma2 semaphore(%arg16 : memref<!tpu.dma_semaphore, #tpu.memory_space<semaphore_mem>>) src(%dma_wait3A_119 : memref<128x8xf32, #tpu.memory_space<hbm>>) dst(%dma_wait3A_116 : memref<128x8xf32, #tpu.memory_space<vmem>>)
    %dma_wait3A_120 = arith.constant 0 : i32
    %dma_wait3A_121 = arith.constant 0 : i32
    %dma_wait3A_122 = arith.constant 0 : i32
    %dma_wait3A_123 = tpu.memref_slice %arg13[%dma_wait3A_120, %dma_wait3A_121, %dma_wait3A_122] : memref<8x128x8xf32, #tpu.memory_space<vmem>> -> memref<1x128x8xf32, #tpu.memory_space<vmem>>
    %dma_wait3A_124 = tpu.memref_squeeze %dma_wait3A_123 : memref<1x128x8xf32, #tpu.memory_space<vmem>> -> memref<128x8xf32, #tpu.memory_space<vmem>>
    %dma_wait3A_125 = arith.constant 0 : i32
    %dma_wait3A_126 = arith.constant 0 : i32
    %dma_wait3A_127 = tpu.memref_slice %arg5[%dma_wait3A_125, %dma_wait3A_126] : memref<100096x8xf32, #tpu.memory_space<hbm>> -> memref<128x8xf32, #tpu.memory_space<hbm>>
    %dma_wait3A_128 = arith.constant 0 : i32
    %dma_wait3A_129 = arith.constant 0 : i32
    %dma_wait3A_130 = tpu.memref_slice %arg13[%dma_wait3A_120, %dma_wait3A_128, %dma_wait3A_129] : memref<8x128x8xf32, #tpu.memory_space<vmem>> -> memref<1x128x8xf32, #tpu.memory_space<vmem>>
    %dma_wait3A_131 = tpu.memref_squeeze %dma_wait3A_130 : memref<1x128x8xf32, #tpu.memory_space<vmem>> -> memref<128x8xf32, #tpu.memory_space<vmem>>
    %dma_wait3A_132 = arith.constant 0 : i32
    %dma_wait3A_133 = arith.constant 0 : i32
    %dma_wait3A_134 = tpu.memref_slice %arg5[%dma_wait3A_132, %dma_wait3A_133] : memref<100096x8xf32, #tpu.memory_space<hbm>> -> memref<128x8xf32, #tpu.memory_space<hbm>>
    tpu.wait_dma2 semaphore(%arg16 : memref<!tpu.dma_semaphore, #tpu.memory_space<semaphore_mem>>) src(%dma_wait3A_134 : memref<128x8xf32, #tpu.memory_space<hbm>>) dst(%dma_wait3A_131 : memref<128x8xf32, #tpu.memory_space<vmem>>)
    %dma_wait3A_135 = arith.constant 0 : i32
    %dma_wait3A_136 = arith.constant 0 : i32
    %dma_wait3A_137 = arith.constant 0 : i32
    %dma_wait3A_138 = tpu.memref_slice %arg13[%dma_wait3A_135, %dma_wait3A_136, %dma_wait3A_137] : memref<8x128x8xf32, #tpu.memory_space<vmem>> -> memref<1x128x8xf32, #tpu.memory_space<vmem>>
    %dma_wait3A_139 = tpu.memref_squeeze %dma_wait3A_138 : memref<1x128x8xf32, #tpu.memory_space<vmem>> -> memref<128x8xf32, #tpu.memory_space<vmem>>
    %dma_wait3A_140 = arith.constant 0 : i32
    %dma_wait3A_141 = arith.constant 0 : i32
    %dma_wait3A_142 = tpu.memref_slice %arg5[%dma_wait3A_140, %dma_wait3A_141] : memref<100096x8xf32, #tpu.memory_space<hbm>> -> memref<128x8xf32, #tpu.memory_space<hbm>>
    %dma_wait3A_143 = arith.constant 0 : i32
    %dma_wait3A_144 = arith.constant 0 : i32
    %dma_wait3A_145 = tpu.memref_slice %arg13[%dma_wait3A_135, %dma_wait3A_143, %dma_wait3A_144] : memref<8x128x8xf32, #tpu.memory_space<vmem>> -> memref<1x128x8xf32, #tpu.memory_space<vmem>>
    %dma_wait3A_146 = tpu.memref_squeeze %dma_wait3A_145 : memref<1x128x8xf32, #tpu.memory_space<vmem>> -> memref<128x8xf32, #tpu.memory_space<vmem>>
    %dma_wait3A_147 = arith.constant 0 : i32
    %dma_wait3A_148 = arith.constant 0 : i32
    %dma_wait3A_149 = tpu.memref_slice %arg5[%dma_wait3A_147, %dma_wait3A_148] : memref<100096x8xf32, #tpu.memory_space<hbm>> -> memref<128x8xf32, #tpu.memory_space<hbm>>
    tpu.wait_dma2 semaphore(%arg16 : memref<!tpu.dma_semaphore, #tpu.memory_space<semaphore_mem>>) src(%dma_wait3A_149 : memref<128x8xf32, #tpu.memory_space<hbm>>) dst(%dma_wait3A_146 : memref<128x8xf32, #tpu.memory_space<vmem>>)
    %dma_wait3A_150 = arith.constant 0 : i32
    %dma_wait3A_151 = arith.constant 0 : i32
    %dma_wait3A_152 = arith.constant 0 : i32
    %dma_wait3A_153 = tpu.memref_slice %arg13[%dma_wait3A_150, %dma_wait3A_151, %dma_wait3A_152] : memref<8x128x8xf32, #tpu.memory_space<vmem>> -> memref<1x128x8xf32, #tpu.memory_space<vmem>>
    %dma_wait3A_154 = tpu.memref_squeeze %dma_wait3A_153 : memref<1x128x8xf32, #tpu.memory_space<vmem>> -> memref<128x8xf32, #tpu.memory_space<vmem>>
    %dma_wait3A_155 = arith.constant 0 : i32
    %dma_wait3A_156 = arith.constant 0 : i32
    %dma_wait3A_157 = tpu.memref_slice %arg5[%dma_wait3A_155, %dma_wait3A_156] : memref<100096x8xf32, #tpu.memory_space<hbm>> -> memref<128x8xf32, #tpu.memory_space<hbm>>
    %dma_wait3A_158 = arith.constant 0 : i32
    %dma_wait3A_159 = arith.constant 0 : i32
    %dma_wait3A_160 = tpu.memref_slice %arg13[%dma_wait3A_150, %dma_wait3A_158, %dma_wait3A_159] : memref<8x128x8xf32, #tpu.memory_space<vmem>> -> memref<1x128x8xf32, #tpu.memory_space<vmem>>
    %dma_wait3A_161 = tpu.memref_squeeze %dma_wait3A_160 : memref<1x128x8xf32, #tpu.memory_space<vmem>> -> memref<128x8xf32, #tpu.memory_space<vmem>>
    %dma_wait3A_162 = arith.constant 0 : i32
    %dma_wait3A_163 = arith.constant 0 : i32
    %dma_wait3A_164 = tpu.memref_slice %arg5[%dma_wait3A_162, %dma_wait3A_163] : memref<100096x8xf32, #tpu.memory_space<hbm>> -> memref<128x8xf32, #tpu.memory_space<hbm>>
    tpu.wait_dma2 semaphore(%arg16 : memref<!tpu.dma_semaphore, #tpu.memory_space<semaphore_mem>>) src(%dma_wait3A_164 : memref<128x8xf32, #tpu.memory_space<hbm>>) dst(%dma_wait3A_161 : memref<128x8xf32, #tpu.memory_space<vmem>>)
    %dma_wait3A_165 = arith.constant 0 : i32
    %dma_wait3A_166 = arith.constant 0 : i32
    %dma_wait3A_167 = arith.constant 0 : i32
    %dma_wait3A_168 = tpu.memref_slice %arg13[%dma_wait3A_165, %dma_wait3A_166, %dma_wait3A_167] : memref<8x128x8xf32, #tpu.memory_space<vmem>> -> memref<1x128x8xf32, #tpu.memory_space<vmem>>
    %dma_wait3A_169 = tpu.memref_squeeze %dma_wait3A_168 : memref<1x128x8xf32, #tpu.memory_space<vmem>> -> memref<128x8xf32, #tpu.memory_space<vmem>>
    %dma_wait3A_170 = arith.constant 0 : i32
    %dma_wait3A_171 = arith.constant 0 : i32
    %dma_wait3A_172 = tpu.memref_slice %arg5[%dma_wait3A_170, %dma_wait3A_171] : memref<100096x8xf32, #tpu.memory_space<hbm>> -> memref<128x8xf32, #tpu.memory_space<hbm>>
    %dma_wait3A_173 = arith.constant 0 : i32
    %dma_wait3A_174 = arith.constant 0 : i32
    %dma_wait3A_175 = tpu.memref_slice %arg13[%dma_wait3A_165, %dma_wait3A_173, %dma_wait3A_174] : memref<8x128x8xf32, #tpu.memory_space<vmem>> -> memref<1x128x8xf32, #tpu.memory_space<vmem>>
    %dma_wait3A_176 = tpu.memref_squeeze %dma_wait3A_175 : memref<1x128x8xf32, #tpu.memory_space<vmem>> -> memref<128x8xf32, #tpu.memory_space<vmem>>
    %dma_wait3A_177 = arith.constant 0 : i32
    %dma_wait3A_178 = arith.constant 0 : i32
    %dma_wait3A_179 = tpu.memref_slice %arg5[%dma_wait3A_177, %dma_wait3A_178] : memref<100096x8xf32, #tpu.memory_space<hbm>> -> memref<128x8xf32, #tpu.memory_space<hbm>>
    tpu.wait_dma2 semaphore(%arg16 : memref<!tpu.dma_semaphore, #tpu.memory_space<semaphore_mem>>) src(%dma_wait3A_179 : memref<128x8xf32, #tpu.memory_space<hbm>>) dst(%dma_wait3A_176 : memref<128x8xf32, #tpu.memory_space<vmem>>)
    %dma_wait3A_180 = arith.constant 0 : i32
    %dma_wait3A_181 = arith.constant 0 : i32
    %dma_wait3A_182 = arith.constant 0 : i32
    %dma_wait3A_183 = tpu.memref_slice %arg13[%dma_wait3A_180, %dma_wait3A_181, %dma_wait3A_182] : memref<8x128x8xf32, #tpu.memory_space<vmem>> -> memref<1x128x8xf32, #tpu.memory_space<vmem>>
    %dma_wait3A_184 = tpu.memref_squeeze %dma_wait3A_183 : memref<1x128x8xf32, #tpu.memory_space<vmem>> -> memref<128x8xf32, #tpu.memory_space<vmem>>
    %dma_wait3A_185 = arith.constant 0 : i32
    %dma_wait3A_186 = arith.constant 0 : i32
    %dma_wait3A_187 = tpu.memref_slice %arg5[%dma_wait3A_185, %dma_wait3A_186] : memref<100096x8xf32, #tpu.memory_space<hbm>> -> memref<128x8xf32, #tpu.memory_space<hbm>>
    %dma_wait3A_188 = arith.constant 0 : i32
    %dma_wait3A_189 = arith.constant 0 : i32
    %dma_wait3A_190 = tpu.memref_slice %arg13[%dma_wait3A_180, %dma_wait3A_188, %dma_wait3A_189] : memref<8x128x8xf32, #tpu.memory_space<vmem>> -> memref<1x128x8xf32, #tpu.memory_space<vmem>>
    %dma_wait3A_191 = tpu.memref_squeeze %dma_wait3A_190 : memref<1x128x8xf32, #tpu.memory_space<vmem>> -> memref<128x8xf32, #tpu.memory_space<vmem>>
    %dma_wait3A_192 = arith.constant 0 : i32
    %dma_wait3A_193 = arith.constant 0 : i32
    %dma_wait3A_194 = tpu.memref_slice %arg5[%dma_wait3A_192, %dma_wait3A_193] : memref<100096x8xf32, #tpu.memory_space<hbm>> -> memref<128x8xf32, #tpu.memory_space<hbm>>
    tpu.wait_dma2 semaphore(%arg16 : memref<!tpu.dma_semaphore, #tpu.memory_space<semaphore_mem>>) src(%dma_wait3A_194 : memref<128x8xf32, #tpu.memory_space<hbm>>) dst(%dma_wait3A_191 : memref<128x8xf32, #tpu.memory_space<vmem>>)
    %dma_wait3A_195 = arith.constant 0 : i32
    %dma_wait3A_196 = arith.constant 0 : i32
    %dma_wait3A_197 = arith.constant 0 : i32
    %dma_wait3A_198 = tpu.memref_slice %arg13[%dma_wait3A_195, %dma_wait3A_196, %dma_wait3A_197] : memref<8x128x8xf32, #tpu.memory_space<vmem>> -> memref<1x128x8xf32, #tpu.memory_space<vmem>>
    %dma_wait3A_199 = tpu.memref_squeeze %dma_wait3A_198 : memref<1x128x8xf32, #tpu.memory_space<vmem>> -> memref<128x8xf32, #tpu.memory_space<vmem>>
    %dma_wait3A_200 = arith.constant 0 : i32
    %dma_wait3A_201 = arith.constant 0 : i32
    %dma_wait3A_202 = tpu.memref_slice %arg5[%dma_wait3A_200, %dma_wait3A_201] : memref<100096x8xf32, #tpu.memory_space<hbm>> -> memref<128x8xf32, #tpu.memory_space<hbm>>
    %dma_wait3A_203 = arith.constant 0 : i32
    %dma_wait3A_204 = arith.constant 0 : i32
    %dma_wait3A_205 = tpu.memref_slice %arg13[%dma_wait3A_195, %dma_wait3A_203, %dma_wait3A_204] : memref<8x128x8xf32, #tpu.memory_space<vmem>> -> memref<1x128x8xf32, #tpu.memory_space<vmem>>
    %dma_wait3A_206 = tpu.memref_squeeze %dma_wait3A_205 : memref<1x128x8xf32, #tpu.memory_space<vmem>> -> memref<128x8xf32, #tpu.memory_space<vmem>>
    %dma_wait3A_207 = arith.constant 0 : i32
    %dma_wait3A_208 = arith.constant 0 : i32
    %dma_wait3A_209 = tpu.memref_slice %arg5[%dma_wait3A_207, %dma_wait3A_208] : memref<100096x8xf32, #tpu.memory_space<hbm>> -> memref<128x8xf32, #tpu.memory_space<hbm>>
    tpu.wait_dma2 semaphore(%arg16 : memref<!tpu.dma_semaphore, #tpu.memory_space<semaphore_mem>>) src(%dma_wait3A_209 : memref<128x8xf32, #tpu.memory_space<hbm>>) dst(%dma_wait3A_206 : memref<128x8xf32, #tpu.memory_space<vmem>>)
    %dma_wait3A_210 = arith.constant 0 : i32
    %dma_wait3A_211 = arith.constant 0 : i32
    %dma_wait3A_212 = arith.constant 0 : i32
    %dma_wait3A_213 = tpu.memref_slice %arg13[%dma_wait3A_210, %dma_wait3A_211, %dma_wait3A_212] : memref<8x128x8xf32, #tpu.memory_space<vmem>> -> memref<1x128x8xf32, #tpu.memory_space<vmem>>
    %dma_wait3A_214 = tpu.memref_squeeze %dma_wait3A_213 : memref<1x128x8xf32, #tpu.memory_space<vmem>> -> memref<128x8xf32, #tpu.memory_space<vmem>>
    %dma_wait3A_215 = arith.constant 0 : i32
    %dma_wait3A_216 = arith.constant 0 : i32
    %dma_wait3A_217 = tpu.memref_slice %arg5[%dma_wait3A_215, %dma_wait3A_216] : memref<100096x8xf32, #tpu.memory_space<hbm>> -> memref<128x8xf32, #tpu.memory_space<hbm>>
    %dma_wait3A_218 = arith.constant 0 : i32
    %dma_wait3A_219 = arith.constant 0 : i32
    %dma_wait3A_220 = tpu.memref_slice %arg13[%dma_wait3A_210, %dma_wait3A_218, %dma_wait3A_219] : memref<8x128x8xf32, #tpu.memory_space<vmem>> -> memref<1x128x8xf32, #tpu.memory_space<vmem>>
    %dma_wait3A_221 = tpu.memref_squeeze %dma_wait3A_220 : memref<1x128x8xf32, #tpu.memory_space<vmem>> -> memref<128x8xf32, #tpu.memory_space<vmem>>
    %dma_wait3A_222 = arith.constant 0 : i32
    %dma_wait3A_223 = arith.constant 0 : i32
    %dma_wait3A_224 = tpu.memref_slice %arg5[%dma_wait3A_222, %dma_wait3A_223] : memref<100096x8xf32, #tpu.memory_space<hbm>> -> memref<128x8xf32, #tpu.memory_space<hbm>>
    tpu.wait_dma2 semaphore(%arg16 : memref<!tpu.dma_semaphore, #tpu.memory_space<semaphore_mem>>) src(%dma_wait3A_224 : memref<128x8xf32, #tpu.memory_space<hbm>>) dst(%dma_wait3A_221 : memref<128x8xf32, #tpu.memory_space<vmem>>)
    %dma_wait3A_225 = arith.constant 0 : i32
    %dma_wait3A_226 = arith.constant 0 : i32
    %dma_wait3A_227 = arith.constant 0 : i32
    %dma_wait3A_228 = tpu.memref_slice %arg13[%dma_wait3A_225, %dma_wait3A_226, %dma_wait3A_227] : memref<8x128x8xf32, #tpu.memory_space<vmem>> -> memref<1x128x8xf32, #tpu.memory_space<vmem>>
    %dma_wait3A_229 = tpu.memref_squeeze %dma_wait3A_228 : memref<1x128x8xf32, #tpu.memory_space<vmem>> -> memref<128x8xf32, #tpu.memory_space<vmem>>
    %dma_wait3A_230 = arith.constant 0 : i32
    %dma_wait3A_231 = arith.constant 0 : i32
    %dma_wait3A_232 = tpu.memref_slice %arg5[%dma_wait3A_230, %dma_wait3A_231] : memref<100096x8xf32, #tpu.memory_space<hbm>> -> memref<128x8xf32, #tpu.memory_space<hbm>>
    %dma_wait3A_233 = arith.constant 0 : i32
    %dma_wait3A_234 = arith.constant 0 : i32
    %dma_wait3A_235 = tpu.memref_slice %arg13[%dma_wait3A_225, %dma_wait3A_233, %dma_wait3A_234] : memref<8x128x8xf32, #tpu.memory_space<vmem>> -> memref<1x128x8xf32, #tpu.memory_space<vmem>>
    %dma_wait3A_236 = tpu.memref_squeeze %dma_wait3A_235 : memref<1x128x8xf32, #tpu.memory_space<vmem>> -> memref<128x8xf32, #tpu.memory_space<vmem>>
    %dma_wait3A_237 = arith.constant 0 : i32
    %dma_wait3A_238 = arith.constant 0 : i32
    %dma_wait3A_239 = tpu.memref_slice %arg5[%dma_wait3A_237, %dma_wait3A_238] : memref<100096x8xf32, #tpu.memory_space<hbm>> -> memref<128x8xf32, #tpu.memory_space<hbm>>
    tpu.wait_dma2 semaphore(%arg16 : memref<!tpu.dma_semaphore, #tpu.memory_space<semaphore_mem>>) src(%dma_wait3A_239 : memref<128x8xf32, #tpu.memory_space<hbm>>) dst(%dma_wait3A_236 : memref<128x8xf32, #tpu.memory_space<vmem>>)
    %dma_wait3A_240 = arith.constant 0 : i32
    %dma_wait3A_241 = arith.constant 0 : i32
    %dma_wait3A_242 = arith.constant 0 : i32
    %dma_wait3A_243 = tpu.memref_slice %arg13[%dma_wait3A_240, %dma_wait3A_241, %dma_wait3A_242] : memref<8x128x8xf32, #tpu.memory_space<vmem>> -> memref<1x128x8xf32, #tpu.memory_space<vmem>>
    %dma_wait3A_244 = tpu.memref_squeeze %dma_wait3A_243 : memref<1x128x8xf32, #tpu.memory_space<vmem>> -> memref<128x8xf32, #tpu.memory_space<vmem>>
    %dma_wait3A_245 = arith.constant 0 : i32
    %dma_wait3A_246 = arith.constant 0 : i32
    %dma_wait3A_247 = tpu.memref_slice %arg5[%dma_wait3A_245, %dma_wait3A_246] : memref<100096x8xf32, #tpu.memory_space<hbm>> -> memref<128x8xf32, #tpu.memory_space<hbm>>
    %dma_wait3A_248 = arith.constant 0 : i32
    %dma_wait3A_249 = arith.constant 0 : i32
    %dma_wait3A_250 = tpu.memref_slice %arg13[%dma_wait3A_240, %dma_wait3A_248, %dma_wait3A_249] : memref<8x128x8xf32, #tpu.memory_space<vmem>> -> memref<1x128x8xf32, #tpu.memory_space<vmem>>
    %dma_wait3A_251 = tpu.memref_squeeze %dma_wait3A_250 : memref<1x128x8xf32, #tpu.memory_space<vmem>> -> memref<128x8xf32, #tpu.memory_space<vmem>>
    %dma_wait3A_252 = arith.constant 0 : i32
    %dma_wait3A_253 = arith.constant 0 : i32
    %dma_wait3A_254 = tpu.memref_slice %arg5[%dma_wait3A_252, %dma_wait3A_253] : memref<100096x8xf32, #tpu.memory_space<hbm>> -> memref<128x8xf32, #tpu.memory_space<hbm>>
    tpu.wait_dma2 semaphore(%arg16 : memref<!tpu.dma_semaphore, #tpu.memory_space<semaphore_mem>>) src(%dma_wait3A_254 : memref<128x8xf32, #tpu.memory_space<hbm>>) dst(%dma_wait3A_251 : memref<128x8xf32, #tpu.memory_space<vmem>>)
    %barrier3A_255 = arith.constant 0 : index
    tpu.barrier barrier_id(%barrier3A_255)
    %mul3A_256 = arith.constant 6256 : i32
    %mul3A_257 = arith.muli %arg1, %mul3A_256 : i32
    %mul3A_258 = arith.constant 6256 : i32
    %mul3A_259 = arith.muli %arg1, %mul3A_258 : i32
    "tpu.region"() ({
      %run_scoped3A = tpu.sem_alloc : memref<!tpu.dma_semaphore, #tpu.memory_space<semaphore_mem>>
      %dma_start3A = arith.constant 0 : i32
      %dma_start3A_260 = tpu.memref_slice %arg6[%arg0, %mul3A_259, %dma_start3A] : memref<2x100096x8xf32, #tpu.memory_space<hbm>> -> memref<1x6256x8xf32, #tpu.memory_space<hbm>>
      %dma_start3A_261 = tpu.memref_squeeze %dma_start3A_260 : memref<1x6256x8xf32, #tpu.memory_space<hbm>> -> memref<6256x8xf32, #tpu.memory_space<hbm>>
      %dma_start3A_262 = arith.constant 0 : i32
      %dma_start3A_263 = tpu.memref_slice %arg7[%mul3A_257, %dma_start3A_262] : memref<100096x8xf32, #tpu.memory_space<vmem_shared>> -> memref<6256x8xf32, #tpu.memory_space<vmem_shared>>
      tpu.enqueue_dma source(%dma_start3A_263 : memref<6256x8xf32, #tpu.memory_space<vmem_shared>>) target(%dma_start3A_261 : memref<6256x8xf32, #tpu.memory_space<hbm>>) target_semaphore(%run_scoped3A : memref<!tpu.dma_semaphore, #tpu.memory_space<semaphore_mem>>)
      %dma_wait3A_264 = arith.constant 0 : i32
      %dma_wait3A_265 = tpu.memref_slice %arg6[%arg0, %mul3A_259, %dma_wait3A_264] : memref<2x100096x8xf32, #tpu.memory_space<hbm>> -> memref<1x6256x8xf32, #tpu.memory_space<hbm>>
      %dma_wait3A_266 = tpu.memref_squeeze %dma_wait3A_265 : memref<1x6256x8xf32, #tpu.memory_space<hbm>> -> memref<6256x8xf32, #tpu.memory_space<hbm>>
      %dma_wait3A_267 = arith.constant 0 : i32
      %dma_wait3A_268 = tpu.memref_slice %arg7[%mul3A_257, %dma_wait3A_267] : memref<100096x8xf32, #tpu.memory_space<vmem_shared>> -> memref<6256x8xf32, #tpu.memory_space<vmem_shared>>
      tpu.wait_dma2 semaphore(%run_scoped3A : memref<!tpu.dma_semaphore, #tpu.memory_space<semaphore_mem>>) src(%dma_wait3A_268 : memref<6256x8xf32, #tpu.memory_space<vmem_shared>>) dst(%dma_wait3A_266 : memref<6256x8xf32, #tpu.memory_space<hbm>>)
      tpu.yield
    }) : () -> ()
    return
  }
}

#map = affine_map<(d0, d1) -> (0, 0)>
#map1 = affine_map<(d0, d1) -> (0, 0, 0)>
module attributes {stable_mosaic.version = 14 : i64} {
  func.func @k(%arg0: i32, %arg1: i32, %arg2: memref<12800x128xi32, #tpu.memory_space<hbm>>, %arg3: memref<128x8xf32, #tpu.memory_space<hbm>>, %arg4: memref<100096x8xf32, #tpu.memory_space<hbm>>, %arg5: memref<2x100096x8xf32, #tpu.memory_space<hbm>>, %arg6: memref<100096x8xf32, #tpu.memory_space<vmem_shared>>, %arg7: memref<8x128xi32, #tpu.memory_space<vmem>>, %arg8: memref<8x128xi32, #tpu.memory_space<vmem>>, %arg9: memref<128x8xf32, #tpu.memory_space<vmem>>, %arg10: memref<!tpu.dma_semaphore, #tpu.memory_space<semaphore_mem>>, %arg11: memref<!tpu.dma_semaphore, #tpu.memory_space<semaphore_mem>>) attributes {dimension_semantics = [#tpu.dimension_semantics<core_parallel>, #tpu.dimension_semantics<subcore_parallel>], iteration_bounds = array<i64: 2, 16>, scalar_prefetch = 0 : i64, scratch_operands = 6 : i64, tpu.core_type = #tpu.core_type<sc_vector_subcore>, window_params = [{transform_indices = #map}, {transform_indices = #map}, {transform_indices = #map}, {transform_indices = #map1}]} {
    %mul3A = arith.constant 2 : i32
    %mul3A_0 = arith.muli %arg1, %mul3A : i32
    %add3A = arith.addi %mul3A_0, %arg0 : i32
    %mul3A_1 = arith.constant 6256 : i32
    %mul3A_2 = arith.muli %arg1, %mul3A_1 : i32
    %mul3A_3 = arith.constant 6256 : i32
    %mul3A_4 = arith.muli %arg1, %mul3A_3 : i32
    "tpu.region"() ({
      %run_scoped3A = tpu.sem_alloc : memref<!tpu.dma_semaphore, #tpu.memory_space<semaphore_mem>>
      %dma_start3A = arith.constant 0 : i32
      %dma_start3A_112 = tpu.memref_slice %arg6[%mul3A_4, %dma_start3A] : memref<100096x8xf32, #tpu.memory_space<vmem_shared>> -> memref<6256x8xf32, #tpu.memory_space<vmem_shared>>
      %dma_start3A_113 = arith.constant 0 : i32
      %dma_start3A_114 = tpu.memref_slice %arg4[%mul3A_2, %dma_start3A_113] : memref<100096x8xf32, #tpu.memory_space<hbm>> -> memref<6256x8xf32, #tpu.memory_space<hbm>>
      tpu.enqueue_dma source(%dma_start3A_114 : memref<6256x8xf32, #tpu.memory_space<hbm>>) target(%dma_start3A_112 : memref<6256x8xf32, #tpu.memory_space<vmem_shared>>) target_semaphore(%run_scoped3A : memref<!tpu.dma_semaphore, #tpu.memory_space<semaphore_mem>>)
      %dma_wait3A_115 = arith.constant 0 : i32
      %dma_wait3A_116 = tpu.memref_slice %arg6[%mul3A_4, %dma_wait3A_115] : memref<100096x8xf32, #tpu.memory_space<vmem_shared>> -> memref<6256x8xf32, #tpu.memory_space<vmem_shared>>
      %dma_wait3A_117 = arith.constant 0 : i32
      %dma_wait3A_118 = tpu.memref_slice %arg4[%mul3A_2, %dma_wait3A_117] : memref<100096x8xf32, #tpu.memory_space<hbm>> -> memref<6256x8xf32, #tpu.memory_space<hbm>>
      tpu.wait_dma2 semaphore(%run_scoped3A : memref<!tpu.dma_semaphore, #tpu.memory_space<semaphore_mem>>) src(%dma_wait3A_118 : memref<6256x8xf32, #tpu.memory_space<hbm>>) dst(%dma_wait3A_116 : memref<6256x8xf32, #tpu.memory_space<vmem_shared>>)
      tpu.yield
    }) : () -> ()
    "tpu.region"() ({
      %run_scoped3A = tpu.sem_alloc : memref<!tpu.dma_semaphore, #tpu.memory_space<semaphore_mem>>
      tpu.enqueue_dma source(%arg3 : memref<128x8xf32, #tpu.memory_space<hbm>>) target(%arg9 : memref<128x8xf32, #tpu.memory_space<vmem>>) target_semaphore(%run_scoped3A : memref<!tpu.dma_semaphore, #tpu.memory_space<semaphore_mem>>)
      tpu.wait_dma2 semaphore(%run_scoped3A : memref<!tpu.dma_semaphore, #tpu.memory_space<semaphore_mem>>) src(%arg3 : memref<128x8xf32, #tpu.memory_space<hbm>>) dst(%arg9 : memref<128x8xf32, #tpu.memory_space<vmem>>)
      tpu.yield
    }) : () -> ()
    %barrier3A = arith.constant 0 : index
    tpu.barrier barrier_id(%barrier3A)
    %mul3A_5 = arith.constant 400 : i32
    %mul3A_6 = arith.muli %add3A, %mul3A_5 : i32
    %scan3A = arith.constant 0 : i32
    %scan3A_7 = arith.constant 0 : i32
    %scan3A_8 = arith.constant 25 : i32
    %scan3A_9 = arith.addi %scan3A_7, %scan3A_8 : i32
    %scan3A_10 = arith.constant 1 : i32
    scf.for %scan3A_112 = %scan3A_7 to %scan3A_9 step %scan3A_10  : i32 {
      %mul3A_113 = arith.constant 2 : i32
      %mul3A_114 = arith.muli %mul3A_113, %scan3A_112 : i32
      %mul3A_115 = arith.constant 8 : i32
      %mul3A_116 = arith.muli %mul3A_114, %mul3A_115 : i32
      %add3A_117 = arith.addi %mul3A_6, %mul3A_116 : i32
      %add3A_118 = arith.constant 8 : i32
      %add3A_119 = arith.addi %add3A_117, %add3A_118 : i32
      %gt3A = arith.constant 0 : i32
      %gt3A_120 = arith.cmpi sgt, %scan3A_112, %gt3A : i32
      %convert_element_type3A = arith.extui %gt3A_120 : i1 to i32
      %cond3A = arith.constant 0 : i32
      %cond3A_121 = arith.cmpi ne, %convert_element_type3A, %cond3A : i32
      scf.if %cond3A_121 {
        %dma_wait3A_249 = arith.constant 0 : i32
        %dma_wait3A_250 = arith.constant 0 : i32
        %dma_wait3A_251 = tpu.memref_slice %arg4[%dma_wait3A_249, %dma_wait3A_250] : memref<100096x8xf32, #tpu.memory_space<hbm>> -> memref<128x8xf32, #tpu.memory_space<hbm>>
        %dma_wait3A_252 = arith.constant 0 : i32
        %dma_wait3A_253 = arith.constant 0 : i32
        %dma_wait3A_254 = tpu.memref_slice %arg4[%dma_wait3A_252, %dma_wait3A_253] : memref<100096x8xf32, #tpu.memory_space<hbm>> -> memref<128x8xf32, #tpu.memory_space<hbm>>
        tpu.wait_dma2 semaphore(%arg10 : memref<!tpu.dma_semaphore, #tpu.memory_space<semaphore_mem>>) src(%dma_wait3A_254 : memref<128x8xf32, #tpu.memory_space<hbm>>) dst(%arg9 : memref<128x8xf32, #tpu.memory_space<vmem>>)
        %dma_wait3A_255 = arith.constant 0 : i32
        %dma_wait3A_256 = arith.constant 0 : i32
        %dma_wait3A_257 = tpu.memref_slice %arg4[%dma_wait3A_255, %dma_wait3A_256] : memref<100096x8xf32, #tpu.memory_space<hbm>> -> memref<128x8xf32, #tpu.memory_space<hbm>>
        %dma_wait3A_258 = arith.constant 0 : i32
        %dma_wait3A_259 = arith.constant 0 : i32
        %dma_wait3A_260 = tpu.memref_slice %arg4[%dma_wait3A_258, %dma_wait3A_259] : memref<100096x8xf32, #tpu.memory_space<hbm>> -> memref<128x8xf32, #tpu.memory_space<hbm>>
        tpu.wait_dma2 semaphore(%arg10 : memref<!tpu.dma_semaphore, #tpu.memory_space<semaphore_mem>>) src(%dma_wait3A_260 : memref<128x8xf32, #tpu.memory_space<hbm>>) dst(%arg9 : memref<128x8xf32, #tpu.memory_space<vmem>>)
        %dma_wait3A_261 = arith.constant 0 : i32
        %dma_wait3A_262 = arith.constant 0 : i32
        %dma_wait3A_263 = tpu.memref_slice %arg4[%dma_wait3A_261, %dma_wait3A_262] : memref<100096x8xf32, #tpu.memory_space<hbm>> -> memref<128x8xf32, #tpu.memory_space<hbm>>
        %dma_wait3A_264 = arith.constant 0 : i32
        %dma_wait3A_265 = arith.constant 0 : i32
        %dma_wait3A_266 = tpu.memref_slice %arg4[%dma_wait3A_264, %dma_wait3A_265] : memref<100096x8xf32, #tpu.memory_space<hbm>> -> memref<128x8xf32, #tpu.memory_space<hbm>>
        tpu.wait_dma2 semaphore(%arg10 : memref<!tpu.dma_semaphore, #tpu.memory_space<semaphore_mem>>) src(%dma_wait3A_266 : memref<128x8xf32, #tpu.memory_space<hbm>>) dst(%arg9 : memref<128x8xf32, #tpu.memory_space<vmem>>)
        %dma_wait3A_267 = arith.constant 0 : i32
        %dma_wait3A_268 = arith.constant 0 : i32
        %dma_wait3A_269 = tpu.memref_slice %arg4[%dma_wait3A_267, %dma_wait3A_268] : memref<100096x8xf32, #tpu.memory_space<hbm>> -> memref<128x8xf32, #tpu.memory_space<hbm>>
        %dma_wait3A_270 = arith.constant 0 : i32
        %dma_wait3A_271 = arith.constant 0 : i32
        %dma_wait3A_272 = tpu.memref_slice %arg4[%dma_wait3A_270, %dma_wait3A_271] : memref<100096x8xf32, #tpu.memory_space<hbm>> -> memref<128x8xf32, #tpu.memory_space<hbm>>
        tpu.wait_dma2 semaphore(%arg10 : memref<!tpu.dma_semaphore, #tpu.memory_space<semaphore_mem>>) src(%dma_wait3A_272 : memref<128x8xf32, #tpu.memory_space<hbm>>) dst(%arg9 : memref<128x8xf32, #tpu.memory_space<vmem>>)
        %dma_wait3A_273 = arith.constant 0 : i32
        %dma_wait3A_274 = arith.constant 0 : i32
        %dma_wait3A_275 = tpu.memref_slice %arg4[%dma_wait3A_273, %dma_wait3A_274] : memref<100096x8xf32, #tpu.memory_space<hbm>> -> memref<128x8xf32, #tpu.memory_space<hbm>>
        %dma_wait3A_276 = arith.constant 0 : i32
        %dma_wait3A_277 = arith.constant 0 : i32
        %dma_wait3A_278 = tpu.memref_slice %arg4[%dma_wait3A_276, %dma_wait3A_277] : memref<100096x8xf32, #tpu.memory_space<hbm>> -> memref<128x8xf32, #tpu.memory_space<hbm>>
        tpu.wait_dma2 semaphore(%arg10 : memref<!tpu.dma_semaphore, #tpu.memory_space<semaphore_mem>>) src(%dma_wait3A_278 : memref<128x8xf32, #tpu.memory_space<hbm>>) dst(%arg9 : memref<128x8xf32, #tpu.memory_space<vmem>>)
        %dma_wait3A_279 = arith.constant 0 : i32
        %dma_wait3A_280 = arith.constant 0 : i32
        %dma_wait3A_281 = tpu.memref_slice %arg4[%dma_wait3A_279, %dma_wait3A_280] : memref<100096x8xf32, #tpu.memory_space<hbm>> -> memref<128x8xf32, #tpu.memory_space<hbm>>
        %dma_wait3A_282 = arith.constant 0 : i32
        %dma_wait3A_283 = arith.constant 0 : i32
        %dma_wait3A_284 = tpu.memref_slice %arg4[%dma_wait3A_282, %dma_wait3A_283] : memref<100096x8xf32, #tpu.memory_space<hbm>> -> memref<128x8xf32, #tpu.memory_space<hbm>>
        tpu.wait_dma2 semaphore(%arg10 : memref<!tpu.dma_semaphore, #tpu.memory_space<semaphore_mem>>) src(%dma_wait3A_284 : memref<128x8xf32, #tpu.memory_space<hbm>>) dst(%arg9 : memref<128x8xf32, #tpu.memory_space<vmem>>)
        %dma_wait3A_285 = arith.constant 0 : i32
        %dma_wait3A_286 = arith.constant 0 : i32
        %dma_wait3A_287 = tpu.memref_slice %arg4[%dma_wait3A_285, %dma_wait3A_286] : memref<100096x8xf32, #tpu.memory_space<hbm>> -> memref<128x8xf32, #tpu.memory_space<hbm>>
        %dma_wait3A_288 = arith.constant 0 : i32
        %dma_wait3A_289 = arith.constant 0 : i32
        %dma_wait3A_290 = tpu.memref_slice %arg4[%dma_wait3A_288, %dma_wait3A_289] : memref<100096x8xf32, #tpu.memory_space<hbm>> -> memref<128x8xf32, #tpu.memory_space<hbm>>
        tpu.wait_dma2 semaphore(%arg10 : memref<!tpu.dma_semaphore, #tpu.memory_space<semaphore_mem>>) src(%dma_wait3A_290 : memref<128x8xf32, #tpu.memory_space<hbm>>) dst(%arg9 : memref<128x8xf32, #tpu.memory_space<vmem>>)
        %dma_wait3A_291 = arith.constant 0 : i32
        %dma_wait3A_292 = arith.constant 0 : i32
        %dma_wait3A_293 = tpu.memref_slice %arg4[%dma_wait3A_291, %dma_wait3A_292] : memref<100096x8xf32, #tpu.memory_space<hbm>> -> memref<128x8xf32, #tpu.memory_space<hbm>>
        %dma_wait3A_294 = arith.constant 0 : i32
        %dma_wait3A_295 = arith.constant 0 : i32
        %dma_wait3A_296 = tpu.memref_slice %arg4[%dma_wait3A_294, %dma_wait3A_295] : memref<100096x8xf32, #tpu.memory_space<hbm>> -> memref<128x8xf32, #tpu.memory_space<hbm>>
        tpu.wait_dma2 semaphore(%arg10 : memref<!tpu.dma_semaphore, #tpu.memory_space<semaphore_mem>>) src(%dma_wait3A_296 : memref<128x8xf32, #tpu.memory_space<hbm>>) dst(%arg9 : memref<128x8xf32, #tpu.memory_space<vmem>>)
        %dma_wait3A_297 = arith.constant 0 : i32
        %dma_wait3A_298 = arith.constant 0 : i32
        %dma_wait3A_299 = tpu.memref_slice %arg4[%dma_wait3A_297, %dma_wait3A_298] : memref<100096x8xf32, #tpu.memory_space<hbm>> -> memref<128x8xf32, #tpu.memory_space<hbm>>
        %dma_wait3A_300 = arith.constant 0 : i32
        %dma_wait3A_301 = arith.constant 0 : i32
        %dma_wait3A_302 = tpu.memref_slice %arg4[%dma_wait3A_300, %dma_wait3A_301] : memref<100096x8xf32, #tpu.memory_space<hbm>> -> memref<128x8xf32, #tpu.memory_space<hbm>>
        tpu.wait_dma2 semaphore(%arg10 : memref<!tpu.dma_semaphore, #tpu.memory_space<semaphore_mem>>) src(%dma_wait3A_302 : memref<128x8xf32, #tpu.memory_space<hbm>>) dst(%arg9 : memref<128x8xf32, #tpu.memory_space<vmem>>)
        %dma_wait3A_303 = arith.constant 0 : i32
        %dma_wait3A_304 = arith.constant 0 : i32
        %dma_wait3A_305 = tpu.memref_slice %arg4[%dma_wait3A_303, %dma_wait3A_304] : memref<100096x8xf32, #tpu.memory_space<hbm>> -> memref<128x8xf32, #tpu.memory_space<hbm>>
        %dma_wait3A_306 = arith.constant 0 : i32
        %dma_wait3A_307 = arith.constant 0 : i32
        %dma_wait3A_308 = tpu.memref_slice %arg4[%dma_wait3A_306, %dma_wait3A_307] : memref<100096x8xf32, #tpu.memory_space<hbm>> -> memref<128x8xf32, #tpu.memory_space<hbm>>
        tpu.wait_dma2 semaphore(%arg10 : memref<!tpu.dma_semaphore, #tpu.memory_space<semaphore_mem>>) src(%dma_wait3A_308 : memref<128x8xf32, #tpu.memory_space<hbm>>) dst(%arg9 : memref<128x8xf32, #tpu.memory_space<vmem>>)
        %dma_wait3A_309 = arith.constant 0 : i32
        %dma_wait3A_310 = arith.constant 0 : i32
        %dma_wait3A_311 = tpu.memref_slice %arg4[%dma_wait3A_309, %dma_wait3A_310] : memref<100096x8xf32, #tpu.memory_space<hbm>> -> memref<128x8xf32, #tpu.memory_space<hbm>>
        %dma_wait3A_312 = arith.constant 0 : i32
        %dma_wait3A_313 = arith.constant 0 : i32
        %dma_wait3A_314 = tpu.memref_slice %arg4[%dma_wait3A_312, %dma_wait3A_313] : memref<100096x8xf32, #tpu.memory_space<hbm>> -> memref<128x8xf32, #tpu.memory_space<hbm>>
        tpu.wait_dma2 semaphore(%arg10 : memref<!tpu.dma_semaphore, #tpu.memory_space<semaphore_mem>>) src(%dma_wait3A_314 : memref<128x8xf32, #tpu.memory_space<hbm>>) dst(%arg9 : memref<128x8xf32, #tpu.memory_space<vmem>>)
        %dma_wait3A_315 = arith.constant 0 : i32
        %dma_wait3A_316 = arith.constant 0 : i32
        %dma_wait3A_317 = tpu.memref_slice %arg4[%dma_wait3A_315, %dma_wait3A_316] : memref<100096x8xf32, #tpu.memory_space<hbm>> -> memref<128x8xf32, #tpu.memory_space<hbm>>
        %dma_wait3A_318 = arith.constant 0 : i32
        %dma_wait3A_319 = arith.constant 0 : i32
        %dma_wait3A_320 = tpu.memref_slice %arg4[%dma_wait3A_318, %dma_wait3A_319] : memref<100096x8xf32, #tpu.memory_space<hbm>> -> memref<128x8xf32, #tpu.memory_space<hbm>>
        tpu.wait_dma2 semaphore(%arg10 : memref<!tpu.dma_semaphore, #tpu.memory_space<semaphore_mem>>) src(%dma_wait3A_320 : memref<128x8xf32, #tpu.memory_space<hbm>>) dst(%arg9 : memref<128x8xf32, #tpu.memory_space<vmem>>)
        %dma_wait3A_321 = arith.constant 0 : i32
        %dma_wait3A_322 = arith.constant 0 : i32
        %dma_wait3A_323 = tpu.memref_slice %arg4[%dma_wait3A_321, %dma_wait3A_322] : memref<100096x8xf32, #tpu.memory_space<hbm>> -> memref<128x8xf32, #tpu.memory_space<hbm>>
        %dma_wait3A_324 = arith.constant 0 : i32
        %dma_wait3A_325 = arith.constant 0 : i32
        %dma_wait3A_326 = tpu.memref_slice %arg4[%dma_wait3A_324, %dma_wait3A_325] : memref<100096x8xf32, #tpu.memory_space<hbm>> -> memref<128x8xf32, #tpu.memory_space<hbm>>
        tpu.wait_dma2 semaphore(%arg10 : memref<!tpu.dma_semaphore, #tpu.memory_space<semaphore_mem>>) src(%dma_wait3A_326 : memref<128x8xf32, #tpu.memory_space<hbm>>) dst(%arg9 : memref<128x8xf32, #tpu.memory_space<vmem>>)
        %dma_wait3A_327 = arith.constant 0 : i32
        %dma_wait3A_328 = arith.constant 0 : i32
        %dma_wait3A_329 = tpu.memref_slice %arg4[%dma_wait3A_327, %dma_wait3A_328] : memref<100096x8xf32, #tpu.memory_space<hbm>> -> memref<128x8xf32, #tpu.memory_space<hbm>>
        %dma_wait3A_330 = arith.constant 0 : i32
        %dma_wait3A_331 = arith.constant 0 : i32
        %dma_wait3A_332 = tpu.memref_slice %arg4[%dma_wait3A_330, %dma_wait3A_331] : memref<100096x8xf32, #tpu.memory_space<hbm>> -> memref<128x8xf32, #tpu.memory_space<hbm>>
        tpu.wait_dma2 semaphore(%arg10 : memref<!tpu.dma_semaphore, #tpu.memory_space<semaphore_mem>>) src(%dma_wait3A_332 : memref<128x8xf32, #tpu.memory_space<hbm>>) dst(%arg9 : memref<128x8xf32, #tpu.memory_space<vmem>>)
        %dma_wait3A_333 = arith.constant 0 : i32
        %dma_wait3A_334 = arith.constant 0 : i32
        %dma_wait3A_335 = tpu.memref_slice %arg4[%dma_wait3A_333, %dma_wait3A_334] : memref<100096x8xf32, #tpu.memory_space<hbm>> -> memref<128x8xf32, #tpu.memory_space<hbm>>
        %dma_wait3A_336 = arith.constant 0 : i32
        %dma_wait3A_337 = arith.constant 0 : i32
        %dma_wait3A_338 = tpu.memref_slice %arg4[%dma_wait3A_336, %dma_wait3A_337] : memref<100096x8xf32, #tpu.memory_space<hbm>> -> memref<128x8xf32, #tpu.memory_space<hbm>>
        tpu.wait_dma2 semaphore(%arg10 : memref<!tpu.dma_semaphore, #tpu.memory_space<semaphore_mem>>) src(%dma_wait3A_338 : memref<128x8xf32, #tpu.memory_space<hbm>>) dst(%arg9 : memref<128x8xf32, #tpu.memory_space<vmem>>)
        %dma_wait3A_339 = arith.constant 0 : i32
        %dma_wait3A_340 = arith.constant 0 : i32
        %dma_wait3A_341 = tpu.memref_slice %arg4[%dma_wait3A_339, %dma_wait3A_340] : memref<100096x8xf32, #tpu.memory_space<hbm>> -> memref<128x8xf32, #tpu.memory_space<hbm>>
        %dma_wait3A_342 = arith.constant 0 : i32
        %dma_wait3A_343 = arith.constant 0 : i32
        %dma_wait3A_344 = tpu.memref_slice %arg4[%dma_wait3A_342, %dma_wait3A_343] : memref<100096x8xf32, #tpu.memory_space<hbm>> -> memref<128x8xf32, #tpu.memory_space<hbm>>
        tpu.wait_dma2 semaphore(%arg10 : memref<!tpu.dma_semaphore, #tpu.memory_space<semaphore_mem>>) src(%dma_wait3A_344 : memref<128x8xf32, #tpu.memory_space<hbm>>) dst(%arg9 : memref<128x8xf32, #tpu.memory_space<vmem>>)
      } else {
      }
      %dma_start3A = arith.constant 0 : i32
      %dma_start3A_122 = tpu.memref_slice %arg2[%add3A_117, %dma_start3A] : memref<12800x128xi32, #tpu.memory_space<hbm>> -> memref<8x128xi32, #tpu.memory_space<hbm>>
      %dma_start3A_123 = arith.constant 0 : i32
      %dma_start3A_124 = tpu.memref_slice %arg2[%add3A_117, %dma_start3A_123] : memref<12800x128xi32, #tpu.memory_space<hbm>> -> memref<8x128xi32, #tpu.memory_space<hbm>>
      tpu.enqueue_dma source(%dma_start3A_124 : memref<8x128xi32, #tpu.memory_space<hbm>>) target(%arg7 : memref<8x128xi32, #tpu.memory_space<vmem>>) target_semaphore(%arg11 : memref<!tpu.dma_semaphore, #tpu.memory_space<semaphore_mem>>)
      %dma_start3A_125 = arith.constant 0 : i32
      %dma_start3A_126 = tpu.memref_slice %arg2[%add3A_119, %dma_start3A_125] : memref<12800x128xi32, #tpu.memory_space<hbm>> -> memref<8x128xi32, #tpu.memory_space<hbm>>
      %dma_start3A_127 = arith.constant 0 : i32
      %dma_start3A_128 = tpu.memref_slice %arg2[%add3A_119, %dma_start3A_127] : memref<12800x128xi32, #tpu.memory_space<hbm>> -> memref<8x128xi32, #tpu.memory_space<hbm>>
      tpu.enqueue_dma source(%dma_start3A_128 : memref<8x128xi32, #tpu.memory_space<hbm>>) target(%arg8 : memref<8x128xi32, #tpu.memory_space<vmem>>) target_semaphore(%arg11 : memref<!tpu.dma_semaphore, #tpu.memory_space<semaphore_mem>>)
      %dma_wait3A_129 = arith.constant 0 : i32
      %dma_wait3A_130 = tpu.memref_slice %arg2[%add3A_117, %dma_wait3A_129] : memref<12800x128xi32, #tpu.memory_space<hbm>> -> memref<8x128xi32, #tpu.memory_space<hbm>>
      %dma_wait3A_131 = arith.constant 0 : i32
      %dma_wait3A_132 = tpu.memref_slice %arg2[%add3A_117, %dma_wait3A_131] : memref<12800x128xi32, #tpu.memory_space<hbm>> -> memref<8x128xi32, #tpu.memory_space<hbm>>
      tpu.wait_dma2 semaphore(%arg11 : memref<!tpu.dma_semaphore, #tpu.memory_space<semaphore_mem>>) src(%dma_wait3A_132 : memref<8x128xi32, #tpu.memory_space<hbm>>) dst(%arg7 : memref<8x128xi32, #tpu.memory_space<vmem>>)
      %dma_wait3A_133 = arith.constant 0 : i32
      %dma_wait3A_134 = tpu.memref_slice %arg2[%add3A_119, %dma_wait3A_133] : memref<12800x128xi32, #tpu.memory_space<hbm>> -> memref<8x128xi32, #tpu.memory_space<hbm>>
      %dma_wait3A_135 = arith.constant 0 : i32
      %dma_wait3A_136 = tpu.memref_slice %arg2[%add3A_119, %dma_wait3A_135] : memref<12800x128xi32, #tpu.memory_space<hbm>> -> memref<8x128xi32, #tpu.memory_space<hbm>>
      tpu.wait_dma2 semaphore(%arg11 : memref<!tpu.dma_semaphore, #tpu.memory_space<semaphore_mem>>) src(%dma_wait3A_136 : memref<8x128xi32, #tpu.memory_space<hbm>>) dst(%arg8 : memref<8x128xi32, #tpu.memory_space<vmem>>)
      %dma_start3A_137 = arith.constant 0 : i32
      %dma_start3A_138 = arith.constant 0 : i32
      %dma_start3A_139 = tpu.memref_slice %arg7[%dma_start3A_137, %dma_start3A_138] : memref<8x128xi32, #tpu.memory_space<vmem>> -> memref<1x128xi32, #tpu.memory_space<vmem>>
      %dma_start3A_140 = tpu.memref_squeeze %dma_start3A_139 : memref<1x128xi32, #tpu.memory_space<vmem>> -> memref<128xi32, #tpu.memory_space<vmem>>
      %dma_start3A_141 = arith.constant 0 : i32
      %dma_start3A_142 = arith.constant 0 : i32
      %dma_start3A_143 = tpu.memref_slice %arg6[%dma_start3A_141, %dma_start3A_142] : memref<100096x8xf32, #tpu.memory_space<vmem_shared>> -> memref<100096x8xf32, #tpu.memory_space<vmem_shared>>
      tpu.enqueue_indirect_dma source(%arg9 : memref<128x8xf32, #tpu.memory_space<vmem>>) target(%dma_start3A_143 : memref<100096x8xf32, #tpu.memory_space<vmem_shared>>) offsets(%dma_start3A_140 : memref<128xi32, #tpu.memory_space<vmem>>) semaphore(%arg10 : memref<!tpu.dma_semaphore, #tpu.memory_space<semaphore_mem>>) {add = true}
      %dma_start3A_144 = arith.constant 1 : i32
      %dma_start3A_145 = arith.constant 0 : i32
      %dma_start3A_146 = tpu.memref_slice %arg7[%dma_start3A_144, %dma_start3A_145] : memref<8x128xi32, #tpu.memory_space<vmem>> -> memref<1x128xi32, #tpu.memory_space<vmem>>
      %dma_start3A_147 = tpu.memref_squeeze %dma_start3A_146 : memref<1x128xi32, #tpu.memory_space<vmem>> -> memref<128xi32, #tpu.memory_space<vmem>>
      %dma_start3A_148 = arith.constant 0 : i32
      %dma_start3A_149 = arith.constant 0 : i32
      %dma_start3A_150 = tpu.memref_slice %arg6[%dma_start3A_148, %dma_start3A_149] : memref<100096x8xf32, #tpu.memory_space<vmem_shared>> -> memref<100096x8xf32, #tpu.memory_space<vmem_shared>>
      tpu.enqueue_indirect_dma source(%arg9 : memref<128x8xf32, #tpu.memory_space<vmem>>) target(%dma_start3A_150 : memref<100096x8xf32, #tpu.memory_space<vmem_shared>>) offsets(%dma_start3A_147 : memref<128xi32, #tpu.memory_space<vmem>>) semaphore(%arg10 : memref<!tpu.dma_semaphore, #tpu.memory_space<semaphore_mem>>) {add = true}
      %dma_start3A_151 = arith.constant 2 : i32
      %dma_start3A_152 = arith.constant 0 : i32
      %dma_start3A_153 = tpu.memref_slice %arg7[%dma_start3A_151, %dma_start3A_152] : memref<8x128xi32, #tpu.memory_space<vmem>> -> memref<1x128xi32, #tpu.memory_space<vmem>>
      %dma_start3A_154 = tpu.memref_squeeze %dma_start3A_153 : memref<1x128xi32, #tpu.memory_space<vmem>> -> memref<128xi32, #tpu.memory_space<vmem>>
      %dma_start3A_155 = arith.constant 0 : i32
      %dma_start3A_156 = arith.constant 0 : i32
      %dma_start3A_157 = tpu.memref_slice %arg6[%dma_start3A_155, %dma_start3A_156] : memref<100096x8xf32, #tpu.memory_space<vmem_shared>> -> memref<100096x8xf32, #tpu.memory_space<vmem_shared>>
      tpu.enqueue_indirect_dma source(%arg9 : memref<128x8xf32, #tpu.memory_space<vmem>>) target(%dma_start3A_157 : memref<100096x8xf32, #tpu.memory_space<vmem_shared>>) offsets(%dma_start3A_154 : memref<128xi32, #tpu.memory_space<vmem>>) semaphore(%arg10 : memref<!tpu.dma_semaphore, #tpu.memory_space<semaphore_mem>>) {add = true}
      %dma_start3A_158 = arith.constant 3 : i32
      %dma_start3A_159 = arith.constant 0 : i32
      %dma_start3A_160 = tpu.memref_slice %arg7[%dma_start3A_158, %dma_start3A_159] : memref<8x128xi32, #tpu.memory_space<vmem>> -> memref<1x128xi32, #tpu.memory_space<vmem>>
      %dma_start3A_161 = tpu.memref_squeeze %dma_start3A_160 : memref<1x128xi32, #tpu.memory_space<vmem>> -> memref<128xi32, #tpu.memory_space<vmem>>
      %dma_start3A_162 = arith.constant 0 : i32
      %dma_start3A_163 = arith.constant 0 : i32
      %dma_start3A_164 = tpu.memref_slice %arg6[%dma_start3A_162, %dma_start3A_163] : memref<100096x8xf32, #tpu.memory_space<vmem_shared>> -> memref<100096x8xf32, #tpu.memory_space<vmem_shared>>
      tpu.enqueue_indirect_dma source(%arg9 : memref<128x8xf32, #tpu.memory_space<vmem>>) target(%dma_start3A_164 : memref<100096x8xf32, #tpu.memory_space<vmem_shared>>) offsets(%dma_start3A_161 : memref<128xi32, #tpu.memory_space<vmem>>) semaphore(%arg10 : memref<!tpu.dma_semaphore, #tpu.memory_space<semaphore_mem>>) {add = true}
      %dma_start3A_165 = arith.constant 4 : i32
      %dma_start3A_166 = arith.constant 0 : i32
      %dma_start3A_167 = tpu.memref_slice %arg7[%dma_start3A_165, %dma_start3A_166] : memref<8x128xi32, #tpu.memory_space<vmem>> -> memref<1x128xi32, #tpu.memory_space<vmem>>
      %dma_start3A_168 = tpu.memref_squeeze %dma_start3A_167 : memref<1x128xi32, #tpu.memory_space<vmem>> -> memref<128xi32, #tpu.memory_space<vmem>>
      %dma_start3A_169 = arith.constant 0 : i32
      %dma_start3A_170 = arith.constant 0 : i32
      %dma_start3A_171 = tpu.memref_slice %arg6[%dma_start3A_169, %dma_start3A_170] : memref<100096x8xf32, #tpu.memory_space<vmem_shared>> -> memref<100096x8xf32, #tpu.memory_space<vmem_shared>>
      tpu.enqueue_indirect_dma source(%arg9 : memref<128x8xf32, #tpu.memory_space<vmem>>) target(%dma_start3A_171 : memref<100096x8xf32, #tpu.memory_space<vmem_shared>>) offsets(%dma_start3A_168 : memref<128xi32, #tpu.memory_space<vmem>>) semaphore(%arg10 : memref<!tpu.dma_semaphore, #tpu.memory_space<semaphore_mem>>) {add = true}
      %dma_start3A_172 = arith.constant 5 : i32
      %dma_start3A_173 = arith.constant 0 : i32
      %dma_start3A_174 = tpu.memref_slice %arg7[%dma_start3A_172, %dma_start3A_173] : memref<8x128xi32, #tpu.memory_space<vmem>> -> memref<1x128xi32, #tpu.memory_space<vmem>>
      %dma_start3A_175 = tpu.memref_squeeze %dma_start3A_174 : memref<1x128xi32, #tpu.memory_space<vmem>> -> memref<128xi32, #tpu.memory_space<vmem>>
      %dma_start3A_176 = arith.constant 0 : i32
      %dma_start3A_177 = arith.constant 0 : i32
      %dma_start3A_178 = tpu.memref_slice %arg6[%dma_start3A_176, %dma_start3A_177] : memref<100096x8xf32, #tpu.memory_space<vmem_shared>> -> memref<100096x8xf32, #tpu.memory_space<vmem_shared>>
      tpu.enqueue_indirect_dma source(%arg9 : memref<128x8xf32, #tpu.memory_space<vmem>>) target(%dma_start3A_178 : memref<100096x8xf32, #tpu.memory_space<vmem_shared>>) offsets(%dma_start3A_175 : memref<128xi32, #tpu.memory_space<vmem>>) semaphore(%arg10 : memref<!tpu.dma_semaphore, #tpu.memory_space<semaphore_mem>>) {add = true}
      %dma_start3A_179 = arith.constant 6 : i32
      %dma_start3A_180 = arith.constant 0 : i32
      %dma_start3A_181 = tpu.memref_slice %arg7[%dma_start3A_179, %dma_start3A_180] : memref<8x128xi32, #tpu.memory_space<vmem>> -> memref<1x128xi32, #tpu.memory_space<vmem>>
      %dma_start3A_182 = tpu.memref_squeeze %dma_start3A_181 : memref<1x128xi32, #tpu.memory_space<vmem>> -> memref<128xi32, #tpu.memory_space<vmem>>
      %dma_start3A_183 = arith.constant 0 : i32
      %dma_start3A_184 = arith.constant 0 : i32
      %dma_start3A_185 = tpu.memref_slice %arg6[%dma_start3A_183, %dma_start3A_184] : memref<100096x8xf32, #tpu.memory_space<vmem_shared>> -> memref<100096x8xf32, #tpu.memory_space<vmem_shared>>
      tpu.enqueue_indirect_dma source(%arg9 : memref<128x8xf32, #tpu.memory_space<vmem>>) target(%dma_start3A_185 : memref<100096x8xf32, #tpu.memory_space<vmem_shared>>) offsets(%dma_start3A_182 : memref<128xi32, #tpu.memory_space<vmem>>) semaphore(%arg10 : memref<!tpu.dma_semaphore, #tpu.memory_space<semaphore_mem>>) {add = true}
      %dma_start3A_186 = arith.constant 7 : i32
      %dma_start3A_187 = arith.constant 0 : i32
      %dma_start3A_188 = tpu.memref_slice %arg7[%dma_start3A_186, %dma_start3A_187] : memref<8x128xi32, #tpu.memory_space<vmem>> -> memref<1x128xi32, #tpu.memory_space<vmem>>
      %dma_start3A_189 = tpu.memref_squeeze %dma_start3A_188 : memref<1x128xi32, #tpu.memory_space<vmem>> -> memref<128xi32, #tpu.memory_space<vmem>>
      %dma_start3A_190 = arith.constant 0 : i32
      %dma_start3A_191 = arith.constant 0 : i32
      %dma_start3A_192 = tpu.memref_slice %arg6[%dma_start3A_190, %dma_start3A_191] : memref<100096x8xf32, #tpu.memory_space<vmem_shared>> -> memref<100096x8xf32, #tpu.memory_space<vmem_shared>>
      tpu.enqueue_indirect_dma source(%arg9 : memref<128x8xf32, #tpu.memory_space<vmem>>) target(%dma_start3A_192 : memref<100096x8xf32, #tpu.memory_space<vmem_shared>>) offsets(%dma_start3A_189 : memref<128xi32, #tpu.memory_space<vmem>>) semaphore(%arg10 : memref<!tpu.dma_semaphore, #tpu.memory_space<semaphore_mem>>) {add = true}
      %dma_start3A_193 = arith.constant 0 : i32
      %dma_start3A_194 = arith.constant 0 : i32
      %dma_start3A_195 = tpu.memref_slice %arg8[%dma_start3A_193, %dma_start3A_194] : memref<8x128xi32, #tpu.memory_space<vmem>> -> memref<1x128xi32, #tpu.memory_space<vmem>>
      %dma_start3A_196 = tpu.memref_squeeze %dma_start3A_195 : memref<1x128xi32, #tpu.memory_space<vmem>> -> memref<128xi32, #tpu.memory_space<vmem>>
      %dma_start3A_197 = arith.constant 0 : i32
      %dma_start3A_198 = arith.constant 0 : i32
      %dma_start3A_199 = tpu.memref_slice %arg6[%dma_start3A_197, %dma_start3A_198] : memref<100096x8xf32, #tpu.memory_space<vmem_shared>> -> memref<100096x8xf32, #tpu.memory_space<vmem_shared>>
      tpu.enqueue_indirect_dma source(%arg9 : memref<128x8xf32, #tpu.memory_space<vmem>>) target(%dma_start3A_199 : memref<100096x8xf32, #tpu.memory_space<vmem_shared>>) offsets(%dma_start3A_196 : memref<128xi32, #tpu.memory_space<vmem>>) semaphore(%arg10 : memref<!tpu.dma_semaphore, #tpu.memory_space<semaphore_mem>>) {add = true}
      %dma_start3A_200 = arith.constant 1 : i32
      %dma_start3A_201 = arith.constant 0 : i32
      %dma_start3A_202 = tpu.memref_slice %arg8[%dma_start3A_200, %dma_start3A_201] : memref<8x128xi32, #tpu.memory_space<vmem>> -> memref<1x128xi32, #tpu.memory_space<vmem>>
      %dma_start3A_203 = tpu.memref_squeeze %dma_start3A_202 : memref<1x128xi32, #tpu.memory_space<vmem>> -> memref<128xi32, #tpu.memory_space<vmem>>
      %dma_start3A_204 = arith.constant 0 : i32
      %dma_start3A_205 = arith.constant 0 : i32
      %dma_start3A_206 = tpu.memref_slice %arg6[%dma_start3A_204, %dma_start3A_205] : memref<100096x8xf32, #tpu.memory_space<vmem_shared>> -> memref<100096x8xf32, #tpu.memory_space<vmem_shared>>
      tpu.enqueue_indirect_dma source(%arg9 : memref<128x8xf32, #tpu.memory_space<vmem>>) target(%dma_start3A_206 : memref<100096x8xf32, #tpu.memory_space<vmem_shared>>) offsets(%dma_start3A_203 : memref<128xi32, #tpu.memory_space<vmem>>) semaphore(%arg10 : memref<!tpu.dma_semaphore, #tpu.memory_space<semaphore_mem>>) {add = true}
      %dma_start3A_207 = arith.constant 2 : i32
      %dma_start3A_208 = arith.constant 0 : i32
      %dma_start3A_209 = tpu.memref_slice %arg8[%dma_start3A_207, %dma_start3A_208] : memref<8x128xi32, #tpu.memory_space<vmem>> -> memref<1x128xi32, #tpu.memory_space<vmem>>
      %dma_start3A_210 = tpu.memref_squeeze %dma_start3A_209 : memref<1x128xi32, #tpu.memory_space<vmem>> -> memref<128xi32, #tpu.memory_space<vmem>>
      %dma_start3A_211 = arith.constant 0 : i32
      %dma_start3A_212 = arith.constant 0 : i32
      %dma_start3A_213 = tpu.memref_slice %arg6[%dma_start3A_211, %dma_start3A_212] : memref<100096x8xf32, #tpu.memory_space<vmem_shared>> -> memref<100096x8xf32, #tpu.memory_space<vmem_shared>>
      tpu.enqueue_indirect_dma source(%arg9 : memref<128x8xf32, #tpu.memory_space<vmem>>) target(%dma_start3A_213 : memref<100096x8xf32, #tpu.memory_space<vmem_shared>>) offsets(%dma_start3A_210 : memref<128xi32, #tpu.memory_space<vmem>>) semaphore(%arg10 : memref<!tpu.dma_semaphore, #tpu.memory_space<semaphore_mem>>) {add = true}
      %dma_start3A_214 = arith.constant 3 : i32
      %dma_start3A_215 = arith.constant 0 : i32
      %dma_start3A_216 = tpu.memref_slice %arg8[%dma_start3A_214, %dma_start3A_215] : memref<8x128xi32, #tpu.memory_space<vmem>> -> memref<1x128xi32, #tpu.memory_space<vmem>>
      %dma_start3A_217 = tpu.memref_squeeze %dma_start3A_216 : memref<1x128xi32, #tpu.memory_space<vmem>> -> memref<128xi32, #tpu.memory_space<vmem>>
      %dma_start3A_218 = arith.constant 0 : i32
      %dma_start3A_219 = arith.constant 0 : i32
      %dma_start3A_220 = tpu.memref_slice %arg6[%dma_start3A_218, %dma_start3A_219] : memref<100096x8xf32, #tpu.memory_space<vmem_shared>> -> memref<100096x8xf32, #tpu.memory_space<vmem_shared>>
      tpu.enqueue_indirect_dma source(%arg9 : memref<128x8xf32, #tpu.memory_space<vmem>>) target(%dma_start3A_220 : memref<100096x8xf32, #tpu.memory_space<vmem_shared>>) offsets(%dma_start3A_217 : memref<128xi32, #tpu.memory_space<vmem>>) semaphore(%arg10 : memref<!tpu.dma_semaphore, #tpu.memory_space<semaphore_mem>>) {add = true}
      %dma_start3A_221 = arith.constant 4 : i32
      %dma_start3A_222 = arith.constant 0 : i32
      %dma_start3A_223 = tpu.memref_slice %arg8[%dma_start3A_221, %dma_start3A_222] : memref<8x128xi32, #tpu.memory_space<vmem>> -> memref<1x128xi32, #tpu.memory_space<vmem>>
      %dma_start3A_224 = tpu.memref_squeeze %dma_start3A_223 : memref<1x128xi32, #tpu.memory_space<vmem>> -> memref<128xi32, #tpu.memory_space<vmem>>
      %dma_start3A_225 = arith.constant 0 : i32
      %dma_start3A_226 = arith.constant 0 : i32
      %dma_start3A_227 = tpu.memref_slice %arg6[%dma_start3A_225, %dma_start3A_226] : memref<100096x8xf32, #tpu.memory_space<vmem_shared>> -> memref<100096x8xf32, #tpu.memory_space<vmem_shared>>
      tpu.enqueue_indirect_dma source(%arg9 : memref<128x8xf32, #tpu.memory_space<vmem>>) target(%dma_start3A_227 : memref<100096x8xf32, #tpu.memory_space<vmem_shared>>) offsets(%dma_start3A_224 : memref<128xi32, #tpu.memory_space<vmem>>) semaphore(%arg10 : memref<!tpu.dma_semaphore, #tpu.memory_space<semaphore_mem>>) {add = true}
      %dma_start3A_228 = arith.constant 5 : i32
      %dma_start3A_229 = arith.constant 0 : i32
      %dma_start3A_230 = tpu.memref_slice %arg8[%dma_start3A_228, %dma_start3A_229] : memref<8x128xi32, #tpu.memory_space<vmem>> -> memref<1x128xi32, #tpu.memory_space<vmem>>
      %dma_start3A_231 = tpu.memref_squeeze %dma_start3A_230 : memref<1x128xi32, #tpu.memory_space<vmem>> -> memref<128xi32, #tpu.memory_space<vmem>>
      %dma_start3A_232 = arith.constant 0 : i32
      %dma_start3A_233 = arith.constant 0 : i32
      %dma_start3A_234 = tpu.memref_slice %arg6[%dma_start3A_232, %dma_start3A_233] : memref<100096x8xf32, #tpu.memory_space<vmem_shared>> -> memref<100096x8xf32, #tpu.memory_space<vmem_shared>>
      tpu.enqueue_indirect_dma source(%arg9 : memref<128x8xf32, #tpu.memory_space<vmem>>) target(%dma_start3A_234 : memref<100096x8xf32, #tpu.memory_space<vmem_shared>>) offsets(%dma_start3A_231 : memref<128xi32, #tpu.memory_space<vmem>>) semaphore(%arg10 : memref<!tpu.dma_semaphore, #tpu.memory_space<semaphore_mem>>) {add = true}
      %dma_start3A_235 = arith.constant 6 : i32
      %dma_start3A_236 = arith.constant 0 : i32
      %dma_start3A_237 = tpu.memref_slice %arg8[%dma_start3A_235, %dma_start3A_236] : memref<8x128xi32, #tpu.memory_space<vmem>> -> memref<1x128xi32, #tpu.memory_space<vmem>>
      %dma_start3A_238 = tpu.memref_squeeze %dma_start3A_237 : memref<1x128xi32, #tpu.memory_space<vmem>> -> memref<128xi32, #tpu.memory_space<vmem>>
      %dma_start3A_239 = arith.constant 0 : i32
      %dma_start3A_240 = arith.constant 0 : i32
      %dma_start3A_241 = tpu.memref_slice %arg6[%dma_start3A_239, %dma_start3A_240] : memref<100096x8xf32, #tpu.memory_space<vmem_shared>> -> memref<100096x8xf32, #tpu.memory_space<vmem_shared>>
      tpu.enqueue_indirect_dma source(%arg9 : memref<128x8xf32, #tpu.memory_space<vmem>>) target(%dma_start3A_241 : memref<100096x8xf32, #tpu.memory_space<vmem_shared>>) offsets(%dma_start3A_238 : memref<128xi32, #tpu.memory_space<vmem>>) semaphore(%arg10 : memref<!tpu.dma_semaphore, #tpu.memory_space<semaphore_mem>>) {add = true}
      %dma_start3A_242 = arith.constant 7 : i32
      %dma_start3A_243 = arith.constant 0 : i32
      %dma_start3A_244 = tpu.memref_slice %arg8[%dma_start3A_242, %dma_start3A_243] : memref<8x128xi32, #tpu.memory_space<vmem>> -> memref<1x128xi32, #tpu.memory_space<vmem>>
      %dma_start3A_245 = tpu.memref_squeeze %dma_start3A_244 : memref<1x128xi32, #tpu.memory_space<vmem>> -> memref<128xi32, #tpu.memory_space<vmem>>
      %dma_start3A_246 = arith.constant 0 : i32
      %dma_start3A_247 = arith.constant 0 : i32
      %dma_start3A_248 = tpu.memref_slice %arg6[%dma_start3A_246, %dma_start3A_247] : memref<100096x8xf32, #tpu.memory_space<vmem_shared>> -> memref<100096x8xf32, #tpu.memory_space<vmem_shared>>
      tpu.enqueue_indirect_dma source(%arg9 : memref<128x8xf32, #tpu.memory_space<vmem>>) target(%dma_start3A_248 : memref<100096x8xf32, #tpu.memory_space<vmem_shared>>) offsets(%dma_start3A_245 : memref<128xi32, #tpu.memory_space<vmem>>) semaphore(%arg10 : memref<!tpu.dma_semaphore, #tpu.memory_space<semaphore_mem>>) {add = true}
    }
    %scan3A_11 = arith.constant 25 : i32
    %dma_wait3A = arith.constant 0 : i32
    %dma_wait3A_12 = arith.constant 0 : i32
    %dma_wait3A_13 = tpu.memref_slice %arg4[%dma_wait3A, %dma_wait3A_12] : memref<100096x8xf32, #tpu.memory_space<hbm>> -> memref<128x8xf32, #tpu.memory_space<hbm>>
    %dma_wait3A_14 = arith.constant 0 : i32
    %dma_wait3A_15 = arith.constant 0 : i32
    %dma_wait3A_16 = tpu.memref_slice %arg4[%dma_wait3A_14, %dma_wait3A_15] : memref<100096x8xf32, #tpu.memory_space<hbm>> -> memref<128x8xf32, #tpu.memory_space<hbm>>
    tpu.wait_dma2 semaphore(%arg10 : memref<!tpu.dma_semaphore, #tpu.memory_space<semaphore_mem>>) src(%dma_wait3A_16 : memref<128x8xf32, #tpu.memory_space<hbm>>) dst(%arg9 : memref<128x8xf32, #tpu.memory_space<vmem>>)
    %dma_wait3A_17 = arith.constant 0 : i32
    %dma_wait3A_18 = arith.constant 0 : i32
    %dma_wait3A_19 = tpu.memref_slice %arg4[%dma_wait3A_17, %dma_wait3A_18] : memref<100096x8xf32, #tpu.memory_space<hbm>> -> memref<128x8xf32, #tpu.memory_space<hbm>>
    %dma_wait3A_20 = arith.constant 0 : i32
    %dma_wait3A_21 = arith.constant 0 : i32
    %dma_wait3A_22 = tpu.memref_slice %arg4[%dma_wait3A_20, %dma_wait3A_21] : memref<100096x8xf32, #tpu.memory_space<hbm>> -> memref<128x8xf32, #tpu.memory_space<hbm>>
    tpu.wait_dma2 semaphore(%arg10 : memref<!tpu.dma_semaphore, #tpu.memory_space<semaphore_mem>>) src(%dma_wait3A_22 : memref<128x8xf32, #tpu.memory_space<hbm>>) dst(%arg9 : memref<128x8xf32, #tpu.memory_space<vmem>>)
    %dma_wait3A_23 = arith.constant 0 : i32
    %dma_wait3A_24 = arith.constant 0 : i32
    %dma_wait3A_25 = tpu.memref_slice %arg4[%dma_wait3A_23, %dma_wait3A_24] : memref<100096x8xf32, #tpu.memory_space<hbm>> -> memref<128x8xf32, #tpu.memory_space<hbm>>
    %dma_wait3A_26 = arith.constant 0 : i32
    %dma_wait3A_27 = arith.constant 0 : i32
    %dma_wait3A_28 = tpu.memref_slice %arg4[%dma_wait3A_26, %dma_wait3A_27] : memref<100096x8xf32, #tpu.memory_space<hbm>> -> memref<128x8xf32, #tpu.memory_space<hbm>>
    tpu.wait_dma2 semaphore(%arg10 : memref<!tpu.dma_semaphore, #tpu.memory_space<semaphore_mem>>) src(%dma_wait3A_28 : memref<128x8xf32, #tpu.memory_space<hbm>>) dst(%arg9 : memref<128x8xf32, #tpu.memory_space<vmem>>)
    %dma_wait3A_29 = arith.constant 0 : i32
    %dma_wait3A_30 = arith.constant 0 : i32
    %dma_wait3A_31 = tpu.memref_slice %arg4[%dma_wait3A_29, %dma_wait3A_30] : memref<100096x8xf32, #tpu.memory_space<hbm>> -> memref<128x8xf32, #tpu.memory_space<hbm>>
    %dma_wait3A_32 = arith.constant 0 : i32
    %dma_wait3A_33 = arith.constant 0 : i32
    %dma_wait3A_34 = tpu.memref_slice %arg4[%dma_wait3A_32, %dma_wait3A_33] : memref<100096x8xf32, #tpu.memory_space<hbm>> -> memref<128x8xf32, #tpu.memory_space<hbm>>
    tpu.wait_dma2 semaphore(%arg10 : memref<!tpu.dma_semaphore, #tpu.memory_space<semaphore_mem>>) src(%dma_wait3A_34 : memref<128x8xf32, #tpu.memory_space<hbm>>) dst(%arg9 : memref<128x8xf32, #tpu.memory_space<vmem>>)
    %dma_wait3A_35 = arith.constant 0 : i32
    %dma_wait3A_36 = arith.constant 0 : i32
    %dma_wait3A_37 = tpu.memref_slice %arg4[%dma_wait3A_35, %dma_wait3A_36] : memref<100096x8xf32, #tpu.memory_space<hbm>> -> memref<128x8xf32, #tpu.memory_space<hbm>>
    %dma_wait3A_38 = arith.constant 0 : i32
    %dma_wait3A_39 = arith.constant 0 : i32
    %dma_wait3A_40 = tpu.memref_slice %arg4[%dma_wait3A_38, %dma_wait3A_39] : memref<100096x8xf32, #tpu.memory_space<hbm>> -> memref<128x8xf32, #tpu.memory_space<hbm>>
    tpu.wait_dma2 semaphore(%arg10 : memref<!tpu.dma_semaphore, #tpu.memory_space<semaphore_mem>>) src(%dma_wait3A_40 : memref<128x8xf32, #tpu.memory_space<hbm>>) dst(%arg9 : memref<128x8xf32, #tpu.memory_space<vmem>>)
    %dma_wait3A_41 = arith.constant 0 : i32
    %dma_wait3A_42 = arith.constant 0 : i32
    %dma_wait3A_43 = tpu.memref_slice %arg4[%dma_wait3A_41, %dma_wait3A_42] : memref<100096x8xf32, #tpu.memory_space<hbm>> -> memref<128x8xf32, #tpu.memory_space<hbm>>
    %dma_wait3A_44 = arith.constant 0 : i32
    %dma_wait3A_45 = arith.constant 0 : i32
    %dma_wait3A_46 = tpu.memref_slice %arg4[%dma_wait3A_44, %dma_wait3A_45] : memref<100096x8xf32, #tpu.memory_space<hbm>> -> memref<128x8xf32, #tpu.memory_space<hbm>>
    tpu.wait_dma2 semaphore(%arg10 : memref<!tpu.dma_semaphore, #tpu.memory_space<semaphore_mem>>) src(%dma_wait3A_46 : memref<128x8xf32, #tpu.memory_space<hbm>>) dst(%arg9 : memref<128x8xf32, #tpu.memory_space<vmem>>)
    %dma_wait3A_47 = arith.constant 0 : i32
    %dma_wait3A_48 = arith.constant 0 : i32
    %dma_wait3A_49 = tpu.memref_slice %arg4[%dma_wait3A_47, %dma_wait3A_48] : memref<100096x8xf32, #tpu.memory_space<hbm>> -> memref<128x8xf32, #tpu.memory_space<hbm>>
    %dma_wait3A_50 = arith.constant 0 : i32
    %dma_wait3A_51 = arith.constant 0 : i32
    %dma_wait3A_52 = tpu.memref_slice %arg4[%dma_wait3A_50, %dma_wait3A_51] : memref<100096x8xf32, #tpu.memory_space<hbm>> -> memref<128x8xf32, #tpu.memory_space<hbm>>
    tpu.wait_dma2 semaphore(%arg10 : memref<!tpu.dma_semaphore, #tpu.memory_space<semaphore_mem>>) src(%dma_wait3A_52 : memref<128x8xf32, #tpu.memory_space<hbm>>) dst(%arg9 : memref<128x8xf32, #tpu.memory_space<vmem>>)
    %dma_wait3A_53 = arith.constant 0 : i32
    %dma_wait3A_54 = arith.constant 0 : i32
    %dma_wait3A_55 = tpu.memref_slice %arg4[%dma_wait3A_53, %dma_wait3A_54] : memref<100096x8xf32, #tpu.memory_space<hbm>> -> memref<128x8xf32, #tpu.memory_space<hbm>>
    %dma_wait3A_56 = arith.constant 0 : i32
    %dma_wait3A_57 = arith.constant 0 : i32
    %dma_wait3A_58 = tpu.memref_slice %arg4[%dma_wait3A_56, %dma_wait3A_57] : memref<100096x8xf32, #tpu.memory_space<hbm>> -> memref<128x8xf32, #tpu.memory_space<hbm>>
    tpu.wait_dma2 semaphore(%arg10 : memref<!tpu.dma_semaphore, #tpu.memory_space<semaphore_mem>>) src(%dma_wait3A_58 : memref<128x8xf32, #tpu.memory_space<hbm>>) dst(%arg9 : memref<128x8xf32, #tpu.memory_space<vmem>>)
    %dma_wait3A_59 = arith.constant 0 : i32
    %dma_wait3A_60 = arith.constant 0 : i32
    %dma_wait3A_61 = tpu.memref_slice %arg4[%dma_wait3A_59, %dma_wait3A_60] : memref<100096x8xf32, #tpu.memory_space<hbm>> -> memref<128x8xf32, #tpu.memory_space<hbm>>
    %dma_wait3A_62 = arith.constant 0 : i32
    %dma_wait3A_63 = arith.constant 0 : i32
    %dma_wait3A_64 = tpu.memref_slice %arg4[%dma_wait3A_62, %dma_wait3A_63] : memref<100096x8xf32, #tpu.memory_space<hbm>> -> memref<128x8xf32, #tpu.memory_space<hbm>>
    tpu.wait_dma2 semaphore(%arg10 : memref<!tpu.dma_semaphore, #tpu.memory_space<semaphore_mem>>) src(%dma_wait3A_64 : memref<128x8xf32, #tpu.memory_space<hbm>>) dst(%arg9 : memref<128x8xf32, #tpu.memory_space<vmem>>)
    %dma_wait3A_65 = arith.constant 0 : i32
    %dma_wait3A_66 = arith.constant 0 : i32
    %dma_wait3A_67 = tpu.memref_slice %arg4[%dma_wait3A_65, %dma_wait3A_66] : memref<100096x8xf32, #tpu.memory_space<hbm>> -> memref<128x8xf32, #tpu.memory_space<hbm>>
    %dma_wait3A_68 = arith.constant 0 : i32
    %dma_wait3A_69 = arith.constant 0 : i32
    %dma_wait3A_70 = tpu.memref_slice %arg4[%dma_wait3A_68, %dma_wait3A_69] : memref<100096x8xf32, #tpu.memory_space<hbm>> -> memref<128x8xf32, #tpu.memory_space<hbm>>
    tpu.wait_dma2 semaphore(%arg10 : memref<!tpu.dma_semaphore, #tpu.memory_space<semaphore_mem>>) src(%dma_wait3A_70 : memref<128x8xf32, #tpu.memory_space<hbm>>) dst(%arg9 : memref<128x8xf32, #tpu.memory_space<vmem>>)
    %dma_wait3A_71 = arith.constant 0 : i32
    %dma_wait3A_72 = arith.constant 0 : i32
    %dma_wait3A_73 = tpu.memref_slice %arg4[%dma_wait3A_71, %dma_wait3A_72] : memref<100096x8xf32, #tpu.memory_space<hbm>> -> memref<128x8xf32, #tpu.memory_space<hbm>>
    %dma_wait3A_74 = arith.constant 0 : i32
    %dma_wait3A_75 = arith.constant 0 : i32
    %dma_wait3A_76 = tpu.memref_slice %arg4[%dma_wait3A_74, %dma_wait3A_75] : memref<100096x8xf32, #tpu.memory_space<hbm>> -> memref<128x8xf32, #tpu.memory_space<hbm>>
    tpu.wait_dma2 semaphore(%arg10 : memref<!tpu.dma_semaphore, #tpu.memory_space<semaphore_mem>>) src(%dma_wait3A_76 : memref<128x8xf32, #tpu.memory_space<hbm>>) dst(%arg9 : memref<128x8xf32, #tpu.memory_space<vmem>>)
    %dma_wait3A_77 = arith.constant 0 : i32
    %dma_wait3A_78 = arith.constant 0 : i32
    %dma_wait3A_79 = tpu.memref_slice %arg4[%dma_wait3A_77, %dma_wait3A_78] : memref<100096x8xf32, #tpu.memory_space<hbm>> -> memref<128x8xf32, #tpu.memory_space<hbm>>
    %dma_wait3A_80 = arith.constant 0 : i32
    %dma_wait3A_81 = arith.constant 0 : i32
    %dma_wait3A_82 = tpu.memref_slice %arg4[%dma_wait3A_80, %dma_wait3A_81] : memref<100096x8xf32, #tpu.memory_space<hbm>> -> memref<128x8xf32, #tpu.memory_space<hbm>>
    tpu.wait_dma2 semaphore(%arg10 : memref<!tpu.dma_semaphore, #tpu.memory_space<semaphore_mem>>) src(%dma_wait3A_82 : memref<128x8xf32, #tpu.memory_space<hbm>>) dst(%arg9 : memref<128x8xf32, #tpu.memory_space<vmem>>)
    %dma_wait3A_83 = arith.constant 0 : i32
    %dma_wait3A_84 = arith.constant 0 : i32
    %dma_wait3A_85 = tpu.memref_slice %arg4[%dma_wait3A_83, %dma_wait3A_84] : memref<100096x8xf32, #tpu.memory_space<hbm>> -> memref<128x8xf32, #tpu.memory_space<hbm>>
    %dma_wait3A_86 = arith.constant 0 : i32
    %dma_wait3A_87 = arith.constant 0 : i32
    %dma_wait3A_88 = tpu.memref_slice %arg4[%dma_wait3A_86, %dma_wait3A_87] : memref<100096x8xf32, #tpu.memory_space<hbm>> -> memref<128x8xf32, #tpu.memory_space<hbm>>
    tpu.wait_dma2 semaphore(%arg10 : memref<!tpu.dma_semaphore, #tpu.memory_space<semaphore_mem>>) src(%dma_wait3A_88 : memref<128x8xf32, #tpu.memory_space<hbm>>) dst(%arg9 : memref<128x8xf32, #tpu.memory_space<vmem>>)
    %dma_wait3A_89 = arith.constant 0 : i32
    %dma_wait3A_90 = arith.constant 0 : i32
    %dma_wait3A_91 = tpu.memref_slice %arg4[%dma_wait3A_89, %dma_wait3A_90] : memref<100096x8xf32, #tpu.memory_space<hbm>> -> memref<128x8xf32, #tpu.memory_space<hbm>>
    %dma_wait3A_92 = arith.constant 0 : i32
    %dma_wait3A_93 = arith.constant 0 : i32
    %dma_wait3A_94 = tpu.memref_slice %arg4[%dma_wait3A_92, %dma_wait3A_93] : memref<100096x8xf32, #tpu.memory_space<hbm>> -> memref<128x8xf32, #tpu.memory_space<hbm>>
    tpu.wait_dma2 semaphore(%arg10 : memref<!tpu.dma_semaphore, #tpu.memory_space<semaphore_mem>>) src(%dma_wait3A_94 : memref<128x8xf32, #tpu.memory_space<hbm>>) dst(%arg9 : memref<128x8xf32, #tpu.memory_space<vmem>>)
    %dma_wait3A_95 = arith.constant 0 : i32
    %dma_wait3A_96 = arith.constant 0 : i32
    %dma_wait3A_97 = tpu.memref_slice %arg4[%dma_wait3A_95, %dma_wait3A_96] : memref<100096x8xf32, #tpu.memory_space<hbm>> -> memref<128x8xf32, #tpu.memory_space<hbm>>
    %dma_wait3A_98 = arith.constant 0 : i32
    %dma_wait3A_99 = arith.constant 0 : i32
    %dma_wait3A_100 = tpu.memref_slice %arg4[%dma_wait3A_98, %dma_wait3A_99] : memref<100096x8xf32, #tpu.memory_space<hbm>> -> memref<128x8xf32, #tpu.memory_space<hbm>>
    tpu.wait_dma2 semaphore(%arg10 : memref<!tpu.dma_semaphore, #tpu.memory_space<semaphore_mem>>) src(%dma_wait3A_100 : memref<128x8xf32, #tpu.memory_space<hbm>>) dst(%arg9 : memref<128x8xf32, #tpu.memory_space<vmem>>)
    %dma_wait3A_101 = arith.constant 0 : i32
    %dma_wait3A_102 = arith.constant 0 : i32
    %dma_wait3A_103 = tpu.memref_slice %arg4[%dma_wait3A_101, %dma_wait3A_102] : memref<100096x8xf32, #tpu.memory_space<hbm>> -> memref<128x8xf32, #tpu.memory_space<hbm>>
    %dma_wait3A_104 = arith.constant 0 : i32
    %dma_wait3A_105 = arith.constant 0 : i32
    %dma_wait3A_106 = tpu.memref_slice %arg4[%dma_wait3A_104, %dma_wait3A_105] : memref<100096x8xf32, #tpu.memory_space<hbm>> -> memref<128x8xf32, #tpu.memory_space<hbm>>
    tpu.wait_dma2 semaphore(%arg10 : memref<!tpu.dma_semaphore, #tpu.memory_space<semaphore_mem>>) src(%dma_wait3A_106 : memref<128x8xf32, #tpu.memory_space<hbm>>) dst(%arg9 : memref<128x8xf32, #tpu.memory_space<vmem>>)
    %barrier3A_107 = arith.constant 0 : index
    tpu.barrier barrier_id(%barrier3A_107)
    %mul3A_108 = arith.constant 6256 : i32
    %mul3A_109 = arith.muli %arg1, %mul3A_108 : i32
    %mul3A_110 = arith.constant 6256 : i32
    %mul3A_111 = arith.muli %arg1, %mul3A_110 : i32
    "tpu.region"() ({
      %run_scoped3A = tpu.sem_alloc : memref<!tpu.dma_semaphore, #tpu.memory_space<semaphore_mem>>
      %dma_start3A = arith.constant 0 : i32
      %dma_start3A_112 = tpu.memref_slice %arg5[%arg0, %mul3A_111, %dma_start3A] : memref<2x100096x8xf32, #tpu.memory_space<hbm>> -> memref<1x6256x8xf32, #tpu.memory_space<hbm>>
      %dma_start3A_113 = tpu.memref_squeeze %dma_start3A_112 : memref<1x6256x8xf32, #tpu.memory_space<hbm>> -> memref<6256x8xf32, #tpu.memory_space<hbm>>
      %dma_start3A_114 = arith.constant 0 : i32
      %dma_start3A_115 = tpu.memref_slice %arg6[%mul3A_109, %dma_start3A_114] : memref<100096x8xf32, #tpu.memory_space<vmem_shared>> -> memref<6256x8xf32, #tpu.memory_space<vmem_shared>>
      tpu.enqueue_dma source(%dma_start3A_115 : memref<6256x8xf32, #tpu.memory_space<vmem_shared>>) target(%dma_start3A_113 : memref<6256x8xf32, #tpu.memory_space<hbm>>) target_semaphore(%run_scoped3A : memref<!tpu.dma_semaphore, #tpu.memory_space<semaphore_mem>>)
      %dma_wait3A_116 = arith.constant 0 : i32
      %dma_wait3A_117 = tpu.memref_slice %arg5[%arg0, %mul3A_111, %dma_wait3A_116] : memref<2x100096x8xf32, #tpu.memory_space<hbm>> -> memref<1x6256x8xf32, #tpu.memory_space<hbm>>
      %dma_wait3A_118 = tpu.memref_squeeze %dma_wait3A_117 : memref<1x6256x8xf32, #tpu.memory_space<hbm>> -> memref<6256x8xf32, #tpu.memory_space<hbm>>
      %dma_wait3A_119 = arith.constant 0 : i32
      %dma_wait3A_120 = tpu.memref_slice %arg6[%mul3A_109, %dma_wait3A_119] : memref<100096x8xf32, #tpu.memory_space<vmem_shared>> -> memref<6256x8xf32, #tpu.memory_space<vmem_shared>>
      tpu.wait_dma2 semaphore(%run_scoped3A : memref<!tpu.dma_semaphore, #tpu.memory_space<semaphore_mem>>) src(%dma_wait3A_120 : memref<6256x8xf32, #tpu.memory_space<vmem_shared>>) dst(%dma_wait3A_118 : memref<6256x8xf32, #tpu.memory_space<hbm>>)
      tpu.yield
    }) : () -> ()
    return
  }
}

#map = affine_map<(d0, d1) -> (0, 0)>
#map1 = affine_map<(d0, d1) -> (0, 0, 0)>
module attributes {stable_mosaic.version = 14 : i64} {
  func.func @k(%arg0: i32, %arg1: i32, %arg2: memref<12800x128xi32, #tpu.memory_space<hbm>>, %arg3: memref<12800x128xi32, #tpu.memory_space<hbm>>, %arg4: memref<100096x8xf32, #tpu.memory_space<hbm>>, %arg5: memref<100096x8xf32, #tpu.memory_space<hbm>>, %arg6: memref<2x100096x8xf32, #tpu.memory_space<hbm>>, %arg7: memref<100096x8xf32, #tpu.memory_space<vmem_shared>>, %arg8: memref<100096x8xf32, #tpu.memory_space<vmem_shared>>, %arg9: memref<8x128xi32, #tpu.memory_space<vmem>>, %arg10: memref<8x128xi32, #tpu.memory_space<vmem>>, %arg11: memref<8x128xi32, #tpu.memory_space<vmem>>, %arg12: memref<8x128xi32, #tpu.memory_space<vmem>>, %arg13: memref<8x128x8xf32, #tpu.memory_space<vmem>>, %arg14: memref<8x128x8xf32, #tpu.memory_space<vmem>>, %arg15: memref<!tpu.dma_semaphore, #tpu.memory_space<semaphore_mem>>, %arg16: memref<!tpu.dma_semaphore, #tpu.memory_space<semaphore_mem>>, %arg17: memref<!tpu.dma_semaphore, #tpu.memory_space<semaphore_mem>>) attributes {dimension_semantics = [#tpu.dimension_semantics<core_parallel>, #tpu.dimension_semantics<subcore_parallel>], iteration_bounds = array<i64: 2, 16>, scalar_prefetch = 0 : i64, scratch_operands = 11 : i64, tpu.core_type = #tpu.core_type<sc_vector_subcore>, window_params = [{transform_indices = #map}, {transform_indices = #map}, {transform_indices = #map}, {transform_indices = #map}, {transform_indices = #map1}]} {
    %mul3A = arith.constant 2 : i32
    %mul3A_0 = arith.muli %arg1, %mul3A : i32
    %add3A = arith.addi %mul3A_0, %arg0 : i32
    %mul3A_1 = arith.constant 6256 : i32
    %mul3A_2 = arith.muli %arg1, %mul3A_1 : i32
    %mul3A_3 = arith.constant 6256 : i32
    %mul3A_4 = arith.muli %arg1, %mul3A_3 : i32
    "tpu.region"() ({
      %run_scoped3A = tpu.sem_alloc : memref<!tpu.dma_semaphore, #tpu.memory_space<semaphore_mem>>
      %dma_start3A = arith.constant 0 : i32
      %dma_start3A_260 = tpu.memref_slice %arg7[%mul3A_4, %dma_start3A] : memref<100096x8xf32, #tpu.memory_space<vmem_shared>> -> memref<6256x8xf32, #tpu.memory_space<vmem_shared>>
      %dma_start3A_261 = arith.constant 0 : i32
      %dma_start3A_262 = tpu.memref_slice %arg5[%mul3A_2, %dma_start3A_261] : memref<100096x8xf32, #tpu.memory_space<hbm>> -> memref<6256x8xf32, #tpu.memory_space<hbm>>
      tpu.enqueue_dma source(%dma_start3A_262 : memref<6256x8xf32, #tpu.memory_space<hbm>>) target(%dma_start3A_260 : memref<6256x8xf32, #tpu.memory_space<vmem_shared>>) target_semaphore(%run_scoped3A : memref<!tpu.dma_semaphore, #tpu.memory_space<semaphore_mem>>)
      %dma_wait3A_263 = arith.constant 0 : i32
      %dma_wait3A_264 = tpu.memref_slice %arg7[%mul3A_4, %dma_wait3A_263] : memref<100096x8xf32, #tpu.memory_space<vmem_shared>> -> memref<6256x8xf32, #tpu.memory_space<vmem_shared>>
      %dma_wait3A_265 = arith.constant 0 : i32
      %dma_wait3A_266 = tpu.memref_slice %arg5[%mul3A_2, %dma_wait3A_265] : memref<100096x8xf32, #tpu.memory_space<hbm>> -> memref<6256x8xf32, #tpu.memory_space<hbm>>
      tpu.wait_dma2 semaphore(%run_scoped3A : memref<!tpu.dma_semaphore, #tpu.memory_space<semaphore_mem>>) src(%dma_wait3A_266 : memref<6256x8xf32, #tpu.memory_space<hbm>>) dst(%dma_wait3A_264 : memref<6256x8xf32, #tpu.memory_space<vmem_shared>>)
      tpu.yield
    }) : () -> ()
    %mul3A_5 = arith.constant 6256 : i32
    %mul3A_6 = arith.muli %arg1, %mul3A_5 : i32
    %mul3A_7 = arith.constant 6256 : i32
    %mul3A_8 = arith.muli %arg1, %mul3A_7 : i32
    "tpu.region"() ({
      %run_scoped3A = tpu.sem_alloc : memref<!tpu.dma_semaphore, #tpu.memory_space<semaphore_mem>>
      %dma_start3A = arith.constant 0 : i32
      %dma_start3A_260 = tpu.memref_slice %arg8[%mul3A_8, %dma_start3A] : memref<100096x8xf32, #tpu.memory_space<vmem_shared>> -> memref<6256x8xf32, #tpu.memory_space<vmem_shared>>
      %dma_start3A_261 = arith.constant 0 : i32
      %dma_start3A_262 = tpu.memref_slice %arg4[%mul3A_6, %dma_start3A_261] : memref<100096x8xf32, #tpu.memory_space<hbm>> -> memref<6256x8xf32, #tpu.memory_space<hbm>>
      tpu.enqueue_dma source(%dma_start3A_262 : memref<6256x8xf32, #tpu.memory_space<hbm>>) target(%dma_start3A_260 : memref<6256x8xf32, #tpu.memory_space<vmem_shared>>) target_semaphore(%run_scoped3A : memref<!tpu.dma_semaphore, #tpu.memory_space<semaphore_mem>>)
      %dma_wait3A_263 = arith.constant 0 : i32
      %dma_wait3A_264 = tpu.memref_slice %arg8[%mul3A_8, %dma_wait3A_263] : memref<100096x8xf32, #tpu.memory_space<vmem_shared>> -> memref<6256x8xf32, #tpu.memory_space<vmem_shared>>
      %dma_wait3A_265 = arith.constant 0 : i32
      %dma_wait3A_266 = tpu.memref_slice %arg4[%mul3A_6, %dma_wait3A_265] : memref<100096x8xf32, #tpu.memory_space<hbm>> -> memref<6256x8xf32, #tpu.memory_space<hbm>>
      tpu.wait_dma2 semaphore(%run_scoped3A : memref<!tpu.dma_semaphore, #tpu.memory_space<semaphore_mem>>) src(%dma_wait3A_266 : memref<6256x8xf32, #tpu.memory_space<hbm>>) dst(%dma_wait3A_264 : memref<6256x8xf32, #tpu.memory_space<vmem_shared>>)
      tpu.yield
    }) : () -> ()
    %barrier3A = arith.constant 0 : index
    tpu.barrier barrier_id(%barrier3A)
    %mul3A_9 = arith.constant 400 : i32
    %mul3A_10 = arith.muli %add3A, %mul3A_9 : i32
    %scan3A = arith.constant 0 : i32
    %scan3A_11 = arith.constant 0 : i32
    %scan3A_12 = arith.constant 25 : i32
    %scan3A_13 = arith.addi %scan3A_11, %scan3A_12 : i32
    %scan3A_14 = arith.constant 1 : i32
    scf.for %scan3A_260 = %scan3A_11 to %scan3A_13 step %scan3A_14  : i32 {
      %mul3A_261 = arith.constant 2 : i32
      %mul3A_262 = arith.muli %mul3A_261, %scan3A_260 : i32
      %mul3A_263 = arith.constant 8 : i32
      %mul3A_264 = arith.muli %mul3A_262, %mul3A_263 : i32
      %add3A_265 = arith.addi %mul3A_10, %mul3A_264 : i32
      %add3A_266 = arith.constant 8 : i32
      %add3A_267 = arith.addi %add3A_265, %add3A_266 : i32
      %gt3A = arith.constant 0 : i32
      %gt3A_268 = arith.cmpi sgt, %scan3A_260, %gt3A : i32
      %convert_element_type3A = arith.extui %gt3A_268 : i1 to i32
      %cond3A = arith.constant 0 : i32
      %cond3A_269 = arith.cmpi ne, %convert_element_type3A, %cond3A : i32
      scf.if %cond3A_269 {
        %dma_wait3A_877 = arith.constant 0 : i32
        %dma_wait3A_878 = arith.constant 0 : i32
        %dma_wait3A_879 = arith.constant 0 : i32
        %dma_wait3A_880 = tpu.memref_slice %arg13[%dma_wait3A_877, %dma_wait3A_878, %dma_wait3A_879] : memref<8x128x8xf32, #tpu.memory_space<vmem>> -> memref<1x128x8xf32, #tpu.memory_space<vmem>>
        %dma_wait3A_881 = tpu.memref_squeeze %dma_wait3A_880 : memref<1x128x8xf32, #tpu.memory_space<vmem>> -> memref<128x8xf32, #tpu.memory_space<vmem>>
        %dma_wait3A_882 = arith.constant 0 : i32
        %dma_wait3A_883 = arith.constant 0 : i32
        %dma_wait3A_884 = tpu.memref_slice %arg5[%dma_wait3A_882, %dma_wait3A_883] : memref<100096x8xf32, #tpu.memory_space<hbm>> -> memref<128x8xf32, #tpu.memory_space<hbm>>
        %dma_wait3A_885 = arith.constant 0 : i32
        %dma_wait3A_886 = arith.constant 0 : i32
        %dma_wait3A_887 = tpu.memref_slice %arg13[%dma_wait3A_877, %dma_wait3A_885, %dma_wait3A_886] : memref<8x128x8xf32, #tpu.memory_space<vmem>> -> memref<1x128x8xf32, #tpu.memory_space<vmem>>
        %dma_wait3A_888 = tpu.memref_squeeze %dma_wait3A_887 : memref<1x128x8xf32, #tpu.memory_space<vmem>> -> memref<128x8xf32, #tpu.memory_space<vmem>>
        %dma_wait3A_889 = arith.constant 0 : i32
        %dma_wait3A_890 = arith.constant 0 : i32
        %dma_wait3A_891 = tpu.memref_slice %arg5[%dma_wait3A_889, %dma_wait3A_890] : memref<100096x8xf32, #tpu.memory_space<hbm>> -> memref<128x8xf32, #tpu.memory_space<hbm>>
        tpu.wait_dma2 semaphore(%arg16 : memref<!tpu.dma_semaphore, #tpu.memory_space<semaphore_mem>>) src(%dma_wait3A_891 : memref<128x8xf32, #tpu.memory_space<hbm>>) dst(%dma_wait3A_888 : memref<128x8xf32, #tpu.memory_space<vmem>>)
        %dma_wait3A_892 = arith.constant 0 : i32
        %dma_wait3A_893 = arith.constant 0 : i32
        %dma_wait3A_894 = arith.constant 0 : i32
        %dma_wait3A_895 = tpu.memref_slice %arg13[%dma_wait3A_892, %dma_wait3A_893, %dma_wait3A_894] : memref<8x128x8xf32, #tpu.memory_space<vmem>> -> memref<1x128x8xf32, #tpu.memory_space<vmem>>
        %dma_wait3A_896 = tpu.memref_squeeze %dma_wait3A_895 : memref<1x128x8xf32, #tpu.memory_space<vmem>> -> memref<128x8xf32, #tpu.memory_space<vmem>>
        %dma_wait3A_897 = arith.constant 0 : i32
        %dma_wait3A_898 = arith.constant 0 : i32
        %dma_wait3A_899 = tpu.memref_slice %arg5[%dma_wait3A_897, %dma_wait3A_898] : memref<100096x8xf32, #tpu.memory_space<hbm>> -> memref<128x8xf32, #tpu.memory_space<hbm>>
        %dma_wait3A_900 = arith.constant 0 : i32
        %dma_wait3A_901 = arith.constant 0 : i32
        %dma_wait3A_902 = tpu.memref_slice %arg13[%dma_wait3A_892, %dma_wait3A_900, %dma_wait3A_901] : memref<8x128x8xf32, #tpu.memory_space<vmem>> -> memref<1x128x8xf32, #tpu.memory_space<vmem>>
        %dma_wait3A_903 = tpu.memref_squeeze %dma_wait3A_902 : memref<1x128x8xf32, #tpu.memory_space<vmem>> -> memref<128x8xf32, #tpu.memory_space<vmem>>
        %dma_wait3A_904 = arith.constant 0 : i32
        %dma_wait3A_905 = arith.constant 0 : i32
        %dma_wait3A_906 = tpu.memref_slice %arg5[%dma_wait3A_904, %dma_wait3A_905] : memref<100096x8xf32, #tpu.memory_space<hbm>> -> memref<128x8xf32, #tpu.memory_space<hbm>>
        tpu.wait_dma2 semaphore(%arg16 : memref<!tpu.dma_semaphore, #tpu.memory_space<semaphore_mem>>) src(%dma_wait3A_906 : memref<128x8xf32, #tpu.memory_space<hbm>>) dst(%dma_wait3A_903 : memref<128x8xf32, #tpu.memory_space<vmem>>)
        %dma_wait3A_907 = arith.constant 0 : i32
        %dma_wait3A_908 = arith.constant 0 : i32
        %dma_wait3A_909 = arith.constant 0 : i32
        %dma_wait3A_910 = tpu.memref_slice %arg13[%dma_wait3A_907, %dma_wait3A_908, %dma_wait3A_909] : memref<8x128x8xf32, #tpu.memory_space<vmem>> -> memref<1x128x8xf32, #tpu.memory_space<vmem>>
        %dma_wait3A_911 = tpu.memref_squeeze %dma_wait3A_910 : memref<1x128x8xf32, #tpu.memory_space<vmem>> -> memref<128x8xf32, #tpu.memory_space<vmem>>
        %dma_wait3A_912 = arith.constant 0 : i32
        %dma_wait3A_913 = arith.constant 0 : i32
        %dma_wait3A_914 = tpu.memref_slice %arg5[%dma_wait3A_912, %dma_wait3A_913] : memref<100096x8xf32, #tpu.memory_space<hbm>> -> memref<128x8xf32, #tpu.memory_space<hbm>>
        %dma_wait3A_915 = arith.constant 0 : i32
        %dma_wait3A_916 = arith.constant 0 : i32
        %dma_wait3A_917 = tpu.memref_slice %arg13[%dma_wait3A_907, %dma_wait3A_915, %dma_wait3A_916] : memref<8x128x8xf32, #tpu.memory_space<vmem>> -> memref<1x128x8xf32, #tpu.memory_space<vmem>>
        %dma_wait3A_918 = tpu.memref_squeeze %dma_wait3A_917 : memref<1x128x8xf32, #tpu.memory_space<vmem>> -> memref<128x8xf32, #tpu.memory_space<vmem>>
        %dma_wait3A_919 = arith.constant 0 : i32
        %dma_wait3A_920 = arith.constant 0 : i32
        %dma_wait3A_921 = tpu.memref_slice %arg5[%dma_wait3A_919, %dma_wait3A_920] : memref<100096x8xf32, #tpu.memory_space<hbm>> -> memref<128x8xf32, #tpu.memory_space<hbm>>
        tpu.wait_dma2 semaphore(%arg16 : memref<!tpu.dma_semaphore, #tpu.memory_space<semaphore_mem>>) src(%dma_wait3A_921 : memref<128x8xf32, #tpu.memory_space<hbm>>) dst(%dma_wait3A_918 : memref<128x8xf32, #tpu.memory_space<vmem>>)
        %dma_wait3A_922 = arith.constant 0 : i32
        %dma_wait3A_923 = arith.constant 0 : i32
        %dma_wait3A_924 = arith.constant 0 : i32
        %dma_wait3A_925 = tpu.memref_slice %arg13[%dma_wait3A_922, %dma_wait3A_923, %dma_wait3A_924] : memref<8x128x8xf32, #tpu.memory_space<vmem>> -> memref<1x128x8xf32, #tpu.memory_space<vmem>>
        %dma_wait3A_926 = tpu.memref_squeeze %dma_wait3A_925 : memref<1x128x8xf32, #tpu.memory_space<vmem>> -> memref<128x8xf32, #tpu.memory_space<vmem>>
        %dma_wait3A_927 = arith.constant 0 : i32
        %dma_wait3A_928 = arith.constant 0 : i32
        %dma_wait3A_929 = tpu.memref_slice %arg5[%dma_wait3A_927, %dma_wait3A_928] : memref<100096x8xf32, #tpu.memory_space<hbm>> -> memref<128x8xf32, #tpu.memory_space<hbm>>
        %dma_wait3A_930 = arith.constant 0 : i32
        %dma_wait3A_931 = arith.constant 0 : i32
        %dma_wait3A_932 = tpu.memref_slice %arg13[%dma_wait3A_922, %dma_wait3A_930, %dma_wait3A_931] : memref<8x128x8xf32, #tpu.memory_space<vmem>> -> memref<1x128x8xf32, #tpu.memory_space<vmem>>
        %dma_wait3A_933 = tpu.memref_squeeze %dma_wait3A_932 : memref<1x128x8xf32, #tpu.memory_space<vmem>> -> memref<128x8xf32, #tpu.memory_space<vmem>>
        %dma_wait3A_934 = arith.constant 0 : i32
        %dma_wait3A_935 = arith.constant 0 : i32
        %dma_wait3A_936 = tpu.memref_slice %arg5[%dma_wait3A_934, %dma_wait3A_935] : memref<100096x8xf32, #tpu.memory_space<hbm>> -> memref<128x8xf32, #tpu.memory_space<hbm>>
        tpu.wait_dma2 semaphore(%arg16 : memref<!tpu.dma_semaphore, #tpu.memory_space<semaphore_mem>>) src(%dma_wait3A_936 : memref<128x8xf32, #tpu.memory_space<hbm>>) dst(%dma_wait3A_933 : memref<128x8xf32, #tpu.memory_space<vmem>>)
        %dma_wait3A_937 = arith.constant 0 : i32
        %dma_wait3A_938 = arith.constant 0 : i32
        %dma_wait3A_939 = arith.constant 0 : i32
        %dma_wait3A_940 = tpu.memref_slice %arg13[%dma_wait3A_937, %dma_wait3A_938, %dma_wait3A_939] : memref<8x128x8xf32, #tpu.memory_space<vmem>> -> memref<1x128x8xf32, #tpu.memory_space<vmem>>
        %dma_wait3A_941 = tpu.memref_squeeze %dma_wait3A_940 : memref<1x128x8xf32, #tpu.memory_space<vmem>> -> memref<128x8xf32, #tpu.memory_space<vmem>>
        %dma_wait3A_942 = arith.constant 0 : i32
        %dma_wait3A_943 = arith.constant 0 : i32
        %dma_wait3A_944 = tpu.memref_slice %arg5[%dma_wait3A_942, %dma_wait3A_943] : memref<100096x8xf32, #tpu.memory_space<hbm>> -> memref<128x8xf32, #tpu.memory_space<hbm>>
        %dma_wait3A_945 = arith.constant 0 : i32
        %dma_wait3A_946 = arith.constant 0 : i32
        %dma_wait3A_947 = tpu.memref_slice %arg13[%dma_wait3A_937, %dma_wait3A_945, %dma_wait3A_946] : memref<8x128x8xf32, #tpu.memory_space<vmem>> -> memref<1x128x8xf32, #tpu.memory_space<vmem>>
        %dma_wait3A_948 = tpu.memref_squeeze %dma_wait3A_947 : memref<1x128x8xf32, #tpu.memory_space<vmem>> -> memref<128x8xf32, #tpu.memory_space<vmem>>
        %dma_wait3A_949 = arith.constant 0 : i32
        %dma_wait3A_950 = arith.constant 0 : i32
        %dma_wait3A_951 = tpu.memref_slice %arg5[%dma_wait3A_949, %dma_wait3A_950] : memref<100096x8xf32, #tpu.memory_space<hbm>> -> memref<128x8xf32, #tpu.memory_space<hbm>>
        tpu.wait_dma2 semaphore(%arg16 : memref<!tpu.dma_semaphore, #tpu.memory_space<semaphore_mem>>) src(%dma_wait3A_951 : memref<128x8xf32, #tpu.memory_space<hbm>>) dst(%dma_wait3A_948 : memref<128x8xf32, #tpu.memory_space<vmem>>)
        %dma_wait3A_952 = arith.constant 0 : i32
        %dma_wait3A_953 = arith.constant 0 : i32
        %dma_wait3A_954 = arith.constant 0 : i32
        %dma_wait3A_955 = tpu.memref_slice %arg13[%dma_wait3A_952, %dma_wait3A_953, %dma_wait3A_954] : memref<8x128x8xf32, #tpu.memory_space<vmem>> -> memref<1x128x8xf32, #tpu.memory_space<vmem>>
        %dma_wait3A_956 = tpu.memref_squeeze %dma_wait3A_955 : memref<1x128x8xf32, #tpu.memory_space<vmem>> -> memref<128x8xf32, #tpu.memory_space<vmem>>
        %dma_wait3A_957 = arith.constant 0 : i32
        %dma_wait3A_958 = arith.constant 0 : i32
        %dma_wait3A_959 = tpu.memref_slice %arg5[%dma_wait3A_957, %dma_wait3A_958] : memref<100096x8xf32, #tpu.memory_space<hbm>> -> memref<128x8xf32, #tpu.memory_space<hbm>>
        %dma_wait3A_960 = arith.constant 0 : i32
        %dma_wait3A_961 = arith.constant 0 : i32
        %dma_wait3A_962 = tpu.memref_slice %arg13[%dma_wait3A_952, %dma_wait3A_960, %dma_wait3A_961] : memref<8x128x8xf32, #tpu.memory_space<vmem>> -> memref<1x128x8xf32, #tpu.memory_space<vmem>>
        %dma_wait3A_963 = tpu.memref_squeeze %dma_wait3A_962 : memref<1x128x8xf32, #tpu.memory_space<vmem>> -> memref<128x8xf32, #tpu.memory_space<vmem>>
        %dma_wait3A_964 = arith.constant 0 : i32
        %dma_wait3A_965 = arith.constant 0 : i32
        %dma_wait3A_966 = tpu.memref_slice %arg5[%dma_wait3A_964, %dma_wait3A_965] : memref<100096x8xf32, #tpu.memory_space<hbm>> -> memref<128x8xf32, #tpu.memory_space<hbm>>
        tpu.wait_dma2 semaphore(%arg16 : memref<!tpu.dma_semaphore, #tpu.memory_space<semaphore_mem>>) src(%dma_wait3A_966 : memref<128x8xf32, #tpu.memory_space<hbm>>) dst(%dma_wait3A_963 : memref<128x8xf32, #tpu.memory_space<vmem>>)
        %dma_wait3A_967 = arith.constant 0 : i32
        %dma_wait3A_968 = arith.constant 0 : i32
        %dma_wait3A_969 = arith.constant 0 : i32
        %dma_wait3A_970 = tpu.memref_slice %arg13[%dma_wait3A_967, %dma_wait3A_968, %dma_wait3A_969] : memref<8x128x8xf32, #tpu.memory_space<vmem>> -> memref<1x128x8xf32, #tpu.memory_space<vmem>>
        %dma_wait3A_971 = tpu.memref_squeeze %dma_wait3A_970 : memref<1x128x8xf32, #tpu.memory_space<vmem>> -> memref<128x8xf32, #tpu.memory_space<vmem>>
        %dma_wait3A_972 = arith.constant 0 : i32
        %dma_wait3A_973 = arith.constant 0 : i32
        %dma_wait3A_974 = tpu.memref_slice %arg5[%dma_wait3A_972, %dma_wait3A_973] : memref<100096x8xf32, #tpu.memory_space<hbm>> -> memref<128x8xf32, #tpu.memory_space<hbm>>
        %dma_wait3A_975 = arith.constant 0 : i32
        %dma_wait3A_976 = arith.constant 0 : i32
        %dma_wait3A_977 = tpu.memref_slice %arg13[%dma_wait3A_967, %dma_wait3A_975, %dma_wait3A_976] : memref<8x128x8xf32, #tpu.memory_space<vmem>> -> memref<1x128x8xf32, #tpu.memory_space<vmem>>
        %dma_wait3A_978 = tpu.memref_squeeze %dma_wait3A_977 : memref<1x128x8xf32, #tpu.memory_space<vmem>> -> memref<128x8xf32, #tpu.memory_space<vmem>>
        %dma_wait3A_979 = arith.constant 0 : i32
        %dma_wait3A_980 = arith.constant 0 : i32
        %dma_wait3A_981 = tpu.memref_slice %arg5[%dma_wait3A_979, %dma_wait3A_980] : memref<100096x8xf32, #tpu.memory_space<hbm>> -> memref<128x8xf32, #tpu.memory_space<hbm>>
        tpu.wait_dma2 semaphore(%arg16 : memref<!tpu.dma_semaphore, #tpu.memory_space<semaphore_mem>>) src(%dma_wait3A_981 : memref<128x8xf32, #tpu.memory_space<hbm>>) dst(%dma_wait3A_978 : memref<128x8xf32, #tpu.memory_space<vmem>>)
        %dma_wait3A_982 = arith.constant 0 : i32
        %dma_wait3A_983 = arith.constant 0 : i32
        %dma_wait3A_984 = arith.constant 0 : i32
        %dma_wait3A_985 = tpu.memref_slice %arg13[%dma_wait3A_982, %dma_wait3A_983, %dma_wait3A_984] : memref<8x128x8xf32, #tpu.memory_space<vmem>> -> memref<1x128x8xf32, #tpu.memory_space<vmem>>
        %dma_wait3A_986 = tpu.memref_squeeze %dma_wait3A_985 : memref<1x128x8xf32, #tpu.memory_space<vmem>> -> memref<128x8xf32, #tpu.memory_space<vmem>>
        %dma_wait3A_987 = arith.constant 0 : i32
        %dma_wait3A_988 = arith.constant 0 : i32
        %dma_wait3A_989 = tpu.memref_slice %arg5[%dma_wait3A_987, %dma_wait3A_988] : memref<100096x8xf32, #tpu.memory_space<hbm>> -> memref<128x8xf32, #tpu.memory_space<hbm>>
        %dma_wait3A_990 = arith.constant 0 : i32
        %dma_wait3A_991 = arith.constant 0 : i32
        %dma_wait3A_992 = tpu.memref_slice %arg13[%dma_wait3A_982, %dma_wait3A_990, %dma_wait3A_991] : memref<8x128x8xf32, #tpu.memory_space<vmem>> -> memref<1x128x8xf32, #tpu.memory_space<vmem>>
        %dma_wait3A_993 = tpu.memref_squeeze %dma_wait3A_992 : memref<1x128x8xf32, #tpu.memory_space<vmem>> -> memref<128x8xf32, #tpu.memory_space<vmem>>
        %dma_wait3A_994 = arith.constant 0 : i32
        %dma_wait3A_995 = arith.constant 0 : i32
        %dma_wait3A_996 = tpu.memref_slice %arg5[%dma_wait3A_994, %dma_wait3A_995] : memref<100096x8xf32, #tpu.memory_space<hbm>> -> memref<128x8xf32, #tpu.memory_space<hbm>>
        tpu.wait_dma2 semaphore(%arg16 : memref<!tpu.dma_semaphore, #tpu.memory_space<semaphore_mem>>) src(%dma_wait3A_996 : memref<128x8xf32, #tpu.memory_space<hbm>>) dst(%dma_wait3A_993 : memref<128x8xf32, #tpu.memory_space<vmem>>)
        %dma_wait3A_997 = arith.constant 0 : i32
        %dma_wait3A_998 = arith.constant 0 : i32
        %dma_wait3A_999 = arith.constant 0 : i32
        %dma_wait3A_1000 = tpu.memref_slice %arg13[%dma_wait3A_997, %dma_wait3A_998, %dma_wait3A_999] : memref<8x128x8xf32, #tpu.memory_space<vmem>> -> memref<1x128x8xf32, #tpu.memory_space<vmem>>
        %dma_wait3A_1001 = tpu.memref_squeeze %dma_wait3A_1000 : memref<1x128x8xf32, #tpu.memory_space<vmem>> -> memref<128x8xf32, #tpu.memory_space<vmem>>
        %dma_wait3A_1002 = arith.constant 0 : i32
        %dma_wait3A_1003 = arith.constant 0 : i32
        %dma_wait3A_1004 = tpu.memref_slice %arg5[%dma_wait3A_1002, %dma_wait3A_1003] : memref<100096x8xf32, #tpu.memory_space<hbm>> -> memref<128x8xf32, #tpu.memory_space<hbm>>
        %dma_wait3A_1005 = arith.constant 0 : i32
        %dma_wait3A_1006 = arith.constant 0 : i32
        %dma_wait3A_1007 = tpu.memref_slice %arg13[%dma_wait3A_997, %dma_wait3A_1005, %dma_wait3A_1006] : memref<8x128x8xf32, #tpu.memory_space<vmem>> -> memref<1x128x8xf32, #tpu.memory_space<vmem>>
        %dma_wait3A_1008 = tpu.memref_squeeze %dma_wait3A_1007 : memref<1x128x8xf32, #tpu.memory_space<vmem>> -> memref<128x8xf32, #tpu.memory_space<vmem>>
        %dma_wait3A_1009 = arith.constant 0 : i32
        %dma_wait3A_1010 = arith.constant 0 : i32
        %dma_wait3A_1011 = tpu.memref_slice %arg5[%dma_wait3A_1009, %dma_wait3A_1010] : memref<100096x8xf32, #tpu.memory_space<hbm>> -> memref<128x8xf32, #tpu.memory_space<hbm>>
        tpu.wait_dma2 semaphore(%arg16 : memref<!tpu.dma_semaphore, #tpu.memory_space<semaphore_mem>>) src(%dma_wait3A_1011 : memref<128x8xf32, #tpu.memory_space<hbm>>) dst(%dma_wait3A_1008 : memref<128x8xf32, #tpu.memory_space<vmem>>)
        %dma_wait3A_1012 = arith.constant 0 : i32
        %dma_wait3A_1013 = arith.constant 0 : i32
        %dma_wait3A_1014 = arith.constant 0 : i32
        %dma_wait3A_1015 = tpu.memref_slice %arg13[%dma_wait3A_1012, %dma_wait3A_1013, %dma_wait3A_1014] : memref<8x128x8xf32, #tpu.memory_space<vmem>> -> memref<1x128x8xf32, #tpu.memory_space<vmem>>
        %dma_wait3A_1016 = tpu.memref_squeeze %dma_wait3A_1015 : memref<1x128x8xf32, #tpu.memory_space<vmem>> -> memref<128x8xf32, #tpu.memory_space<vmem>>
        %dma_wait3A_1017 = arith.constant 0 : i32
        %dma_wait3A_1018 = arith.constant 0 : i32
        %dma_wait3A_1019 = tpu.memref_slice %arg5[%dma_wait3A_1017, %dma_wait3A_1018] : memref<100096x8xf32, #tpu.memory_space<hbm>> -> memref<128x8xf32, #tpu.memory_space<hbm>>
        %dma_wait3A_1020 = arith.constant 0 : i32
        %dma_wait3A_1021 = arith.constant 0 : i32
        %dma_wait3A_1022 = tpu.memref_slice %arg13[%dma_wait3A_1012, %dma_wait3A_1020, %dma_wait3A_1021] : memref<8x128x8xf32, #tpu.memory_space<vmem>> -> memref<1x128x8xf32, #tpu.memory_space<vmem>>
        %dma_wait3A_1023 = tpu.memref_squeeze %dma_wait3A_1022 : memref<1x128x8xf32, #tpu.memory_space<vmem>> -> memref<128x8xf32, #tpu.memory_space<vmem>>
        %dma_wait3A_1024 = arith.constant 0 : i32
        %dma_wait3A_1025 = arith.constant 0 : i32
        %dma_wait3A_1026 = tpu.memref_slice %arg5[%dma_wait3A_1024, %dma_wait3A_1025] : memref<100096x8xf32, #tpu.memory_space<hbm>> -> memref<128x8xf32, #tpu.memory_space<hbm>>
        tpu.wait_dma2 semaphore(%arg16 : memref<!tpu.dma_semaphore, #tpu.memory_space<semaphore_mem>>) src(%dma_wait3A_1026 : memref<128x8xf32, #tpu.memory_space<hbm>>) dst(%dma_wait3A_1023 : memref<128x8xf32, #tpu.memory_space<vmem>>)
        %dma_wait3A_1027 = arith.constant 0 : i32
        %dma_wait3A_1028 = arith.constant 0 : i32
        %dma_wait3A_1029 = arith.constant 0 : i32
        %dma_wait3A_1030 = tpu.memref_slice %arg13[%dma_wait3A_1027, %dma_wait3A_1028, %dma_wait3A_1029] : memref<8x128x8xf32, #tpu.memory_space<vmem>> -> memref<1x128x8xf32, #tpu.memory_space<vmem>>
        %dma_wait3A_1031 = tpu.memref_squeeze %dma_wait3A_1030 : memref<1x128x8xf32, #tpu.memory_space<vmem>> -> memref<128x8xf32, #tpu.memory_space<vmem>>
        %dma_wait3A_1032 = arith.constant 0 : i32
        %dma_wait3A_1033 = arith.constant 0 : i32
        %dma_wait3A_1034 = tpu.memref_slice %arg5[%dma_wait3A_1032, %dma_wait3A_1033] : memref<100096x8xf32, #tpu.memory_space<hbm>> -> memref<128x8xf32, #tpu.memory_space<hbm>>
        %dma_wait3A_1035 = arith.constant 0 : i32
        %dma_wait3A_1036 = arith.constant 0 : i32
        %dma_wait3A_1037 = tpu.memref_slice %arg13[%dma_wait3A_1027, %dma_wait3A_1035, %dma_wait3A_1036] : memref<8x128x8xf32, #tpu.memory_space<vmem>> -> memref<1x128x8xf32, #tpu.memory_space<vmem>>
        %dma_wait3A_1038 = tpu.memref_squeeze %dma_wait3A_1037 : memref<1x128x8xf32, #tpu.memory_space<vmem>> -> memref<128x8xf32, #tpu.memory_space<vmem>>
        %dma_wait3A_1039 = arith.constant 0 : i32
        %dma_wait3A_1040 = arith.constant 0 : i32
        %dma_wait3A_1041 = tpu.memref_slice %arg5[%dma_wait3A_1039, %dma_wait3A_1040] : memref<100096x8xf32, #tpu.memory_space<hbm>> -> memref<128x8xf32, #tpu.memory_space<hbm>>
        tpu.wait_dma2 semaphore(%arg16 : memref<!tpu.dma_semaphore, #tpu.memory_space<semaphore_mem>>) src(%dma_wait3A_1041 : memref<128x8xf32, #tpu.memory_space<hbm>>) dst(%dma_wait3A_1038 : memref<128x8xf32, #tpu.memory_space<vmem>>)
        %dma_wait3A_1042 = arith.constant 0 : i32
        %dma_wait3A_1043 = arith.constant 0 : i32
        %dma_wait3A_1044 = arith.constant 0 : i32
        %dma_wait3A_1045 = tpu.memref_slice %arg13[%dma_wait3A_1042, %dma_wait3A_1043, %dma_wait3A_1044] : memref<8x128x8xf32, #tpu.memory_space<vmem>> -> memref<1x128x8xf32, #tpu.memory_space<vmem>>
        %dma_wait3A_1046 = tpu.memref_squeeze %dma_wait3A_1045 : memref<1x128x8xf32, #tpu.memory_space<vmem>> -> memref<128x8xf32, #tpu.memory_space<vmem>>
        %dma_wait3A_1047 = arith.constant 0 : i32
        %dma_wait3A_1048 = arith.constant 0 : i32
        %dma_wait3A_1049 = tpu.memref_slice %arg5[%dma_wait3A_1047, %dma_wait3A_1048] : memref<100096x8xf32, #tpu.memory_space<hbm>> -> memref<128x8xf32, #tpu.memory_space<hbm>>
        %dma_wait3A_1050 = arith.constant 0 : i32
        %dma_wait3A_1051 = arith.constant 0 : i32
        %dma_wait3A_1052 = tpu.memref_slice %arg13[%dma_wait3A_1042, %dma_wait3A_1050, %dma_wait3A_1051] : memref<8x128x8xf32, #tpu.memory_space<vmem>> -> memref<1x128x8xf32, #tpu.memory_space<vmem>>
        %dma_wait3A_1053 = tpu.memref_squeeze %dma_wait3A_1052 : memref<1x128x8xf32, #tpu.memory_space<vmem>> -> memref<128x8xf32, #tpu.memory_space<vmem>>
        %dma_wait3A_1054 = arith.constant 0 : i32
        %dma_wait3A_1055 = arith.constant 0 : i32
        %dma_wait3A_1056 = tpu.memref_slice %arg5[%dma_wait3A_1054, %dma_wait3A_1055] : memref<100096x8xf32, #tpu.memory_space<hbm>> -> memref<128x8xf32, #tpu.memory_space<hbm>>
        tpu.wait_dma2 semaphore(%arg16 : memref<!tpu.dma_semaphore, #tpu.memory_space<semaphore_mem>>) src(%dma_wait3A_1056 : memref<128x8xf32, #tpu.memory_space<hbm>>) dst(%dma_wait3A_1053 : memref<128x8xf32, #tpu.memory_space<vmem>>)
        %dma_wait3A_1057 = arith.constant 0 : i32
        %dma_wait3A_1058 = arith.constant 0 : i32
        %dma_wait3A_1059 = arith.constant 0 : i32
        %dma_wait3A_1060 = tpu.memref_slice %arg13[%dma_wait3A_1057, %dma_wait3A_1058, %dma_wait3A_1059] : memref<8x128x8xf32, #tpu.memory_space<vmem>> -> memref<1x128x8xf32, #tpu.memory_space<vmem>>
        %dma_wait3A_1061 = tpu.memref_squeeze %dma_wait3A_1060 : memref<1x128x8xf32, #tpu.memory_space<vmem>> -> memref<128x8xf32, #tpu.memory_space<vmem>>
        %dma_wait3A_1062 = arith.constant 0 : i32
        %dma_wait3A_1063 = arith.constant 0 : i32
        %dma_wait3A_1064 = tpu.memref_slice %arg5[%dma_wait3A_1062, %dma_wait3A_1063] : memref<100096x8xf32, #tpu.memory_space<hbm>> -> memref<128x8xf32, #tpu.memory_space<hbm>>
        %dma_wait3A_1065 = arith.constant 0 : i32
        %dma_wait3A_1066 = arith.constant 0 : i32
        %dma_wait3A_1067 = tpu.memref_slice %arg13[%dma_wait3A_1057, %dma_wait3A_1065, %dma_wait3A_1066] : memref<8x128x8xf32, #tpu.memory_space<vmem>> -> memref<1x128x8xf32, #tpu.memory_space<vmem>>
        %dma_wait3A_1068 = tpu.memref_squeeze %dma_wait3A_1067 : memref<1x128x8xf32, #tpu.memory_space<vmem>> -> memref<128x8xf32, #tpu.memory_space<vmem>>
        %dma_wait3A_1069 = arith.constant 0 : i32
        %dma_wait3A_1070 = arith.constant 0 : i32
        %dma_wait3A_1071 = tpu.memref_slice %arg5[%dma_wait3A_1069, %dma_wait3A_1070] : memref<100096x8xf32, #tpu.memory_space<hbm>> -> memref<128x8xf32, #tpu.memory_space<hbm>>
        tpu.wait_dma2 semaphore(%arg16 : memref<!tpu.dma_semaphore, #tpu.memory_space<semaphore_mem>>) src(%dma_wait3A_1071 : memref<128x8xf32, #tpu.memory_space<hbm>>) dst(%dma_wait3A_1068 : memref<128x8xf32, #tpu.memory_space<vmem>>)
        %dma_wait3A_1072 = arith.constant 0 : i32
        %dma_wait3A_1073 = arith.constant 0 : i32
        %dma_wait3A_1074 = arith.constant 0 : i32
        %dma_wait3A_1075 = tpu.memref_slice %arg13[%dma_wait3A_1072, %dma_wait3A_1073, %dma_wait3A_1074] : memref<8x128x8xf32, #tpu.memory_space<vmem>> -> memref<1x128x8xf32, #tpu.memory_space<vmem>>
        %dma_wait3A_1076 = tpu.memref_squeeze %dma_wait3A_1075 : memref<1x128x8xf32, #tpu.memory_space<vmem>> -> memref<128x8xf32, #tpu.memory_space<vmem>>
        %dma_wait3A_1077 = arith.constant 0 : i32
        %dma_wait3A_1078 = arith.constant 0 : i32
        %dma_wait3A_1079 = tpu.memref_slice %arg5[%dma_wait3A_1077, %dma_wait3A_1078] : memref<100096x8xf32, #tpu.memory_space<hbm>> -> memref<128x8xf32, #tpu.memory_space<hbm>>
        %dma_wait3A_1080 = arith.constant 0 : i32
        %dma_wait3A_1081 = arith.constant 0 : i32
        %dma_wait3A_1082 = tpu.memref_slice %arg13[%dma_wait3A_1072, %dma_wait3A_1080, %dma_wait3A_1081] : memref<8x128x8xf32, #tpu.memory_space<vmem>> -> memref<1x128x8xf32, #tpu.memory_space<vmem>>
        %dma_wait3A_1083 = tpu.memref_squeeze %dma_wait3A_1082 : memref<1x128x8xf32, #tpu.memory_space<vmem>> -> memref<128x8xf32, #tpu.memory_space<vmem>>
        %dma_wait3A_1084 = arith.constant 0 : i32
        %dma_wait3A_1085 = arith.constant 0 : i32
        %dma_wait3A_1086 = tpu.memref_slice %arg5[%dma_wait3A_1084, %dma_wait3A_1085] : memref<100096x8xf32, #tpu.memory_space<hbm>> -> memref<128x8xf32, #tpu.memory_space<hbm>>
        tpu.wait_dma2 semaphore(%arg16 : memref<!tpu.dma_semaphore, #tpu.memory_space<semaphore_mem>>) src(%dma_wait3A_1086 : memref<128x8xf32, #tpu.memory_space<hbm>>) dst(%dma_wait3A_1083 : memref<128x8xf32, #tpu.memory_space<vmem>>)
        %dma_wait3A_1087 = arith.constant 0 : i32
        %dma_wait3A_1088 = arith.constant 0 : i32
        %dma_wait3A_1089 = arith.constant 0 : i32
        %dma_wait3A_1090 = tpu.memref_slice %arg13[%dma_wait3A_1087, %dma_wait3A_1088, %dma_wait3A_1089] : memref<8x128x8xf32, #tpu.memory_space<vmem>> -> memref<1x128x8xf32, #tpu.memory_space<vmem>>
        %dma_wait3A_1091 = tpu.memref_squeeze %dma_wait3A_1090 : memref<1x128x8xf32, #tpu.memory_space<vmem>> -> memref<128x8xf32, #tpu.memory_space<vmem>>
        %dma_wait3A_1092 = arith.constant 0 : i32
        %dma_wait3A_1093 = arith.constant 0 : i32
        %dma_wait3A_1094 = tpu.memref_slice %arg5[%dma_wait3A_1092, %dma_wait3A_1093] : memref<100096x8xf32, #tpu.memory_space<hbm>> -> memref<128x8xf32, #tpu.memory_space<hbm>>
        %dma_wait3A_1095 = arith.constant 0 : i32
        %dma_wait3A_1096 = arith.constant 0 : i32
        %dma_wait3A_1097 = tpu.memref_slice %arg13[%dma_wait3A_1087, %dma_wait3A_1095, %dma_wait3A_1096] : memref<8x128x8xf32, #tpu.memory_space<vmem>> -> memref<1x128x8xf32, #tpu.memory_space<vmem>>
        %dma_wait3A_1098 = tpu.memref_squeeze %dma_wait3A_1097 : memref<1x128x8xf32, #tpu.memory_space<vmem>> -> memref<128x8xf32, #tpu.memory_space<vmem>>
        %dma_wait3A_1099 = arith.constant 0 : i32
        %dma_wait3A_1100 = arith.constant 0 : i32
        %dma_wait3A_1101 = tpu.memref_slice %arg5[%dma_wait3A_1099, %dma_wait3A_1100] : memref<100096x8xf32, #tpu.memory_space<hbm>> -> memref<128x8xf32, #tpu.memory_space<hbm>>
        tpu.wait_dma2 semaphore(%arg16 : memref<!tpu.dma_semaphore, #tpu.memory_space<semaphore_mem>>) src(%dma_wait3A_1101 : memref<128x8xf32, #tpu.memory_space<hbm>>) dst(%dma_wait3A_1098 : memref<128x8xf32, #tpu.memory_space<vmem>>)
        %dma_wait3A_1102 = arith.constant 0 : i32
        %dma_wait3A_1103 = arith.constant 0 : i32
        %dma_wait3A_1104 = arith.constant 0 : i32
        %dma_wait3A_1105 = tpu.memref_slice %arg13[%dma_wait3A_1102, %dma_wait3A_1103, %dma_wait3A_1104] : memref<8x128x8xf32, #tpu.memory_space<vmem>> -> memref<1x128x8xf32, #tpu.memory_space<vmem>>
        %dma_wait3A_1106 = tpu.memref_squeeze %dma_wait3A_1105 : memref<1x128x8xf32, #tpu.memory_space<vmem>> -> memref<128x8xf32, #tpu.memory_space<vmem>>
        %dma_wait3A_1107 = arith.constant 0 : i32
        %dma_wait3A_1108 = arith.constant 0 : i32
        %dma_wait3A_1109 = tpu.memref_slice %arg5[%dma_wait3A_1107, %dma_wait3A_1108] : memref<100096x8xf32, #tpu.memory_space<hbm>> -> memref<128x8xf32, #tpu.memory_space<hbm>>
        %dma_wait3A_1110 = arith.constant 0 : i32
        %dma_wait3A_1111 = arith.constant 0 : i32
        %dma_wait3A_1112 = tpu.memref_slice %arg13[%dma_wait3A_1102, %dma_wait3A_1110, %dma_wait3A_1111] : memref<8x128x8xf32, #tpu.memory_space<vmem>> -> memref<1x128x8xf32, #tpu.memory_space<vmem>>
        %dma_wait3A_1113 = tpu.memref_squeeze %dma_wait3A_1112 : memref<1x128x8xf32, #tpu.memory_space<vmem>> -> memref<128x8xf32, #tpu.memory_space<vmem>>
        %dma_wait3A_1114 = arith.constant 0 : i32
        %dma_wait3A_1115 = arith.constant 0 : i32
        %dma_wait3A_1116 = tpu.memref_slice %arg5[%dma_wait3A_1114, %dma_wait3A_1115] : memref<100096x8xf32, #tpu.memory_space<hbm>> -> memref<128x8xf32, #tpu.memory_space<hbm>>
        tpu.wait_dma2 semaphore(%arg16 : memref<!tpu.dma_semaphore, #tpu.memory_space<semaphore_mem>>) src(%dma_wait3A_1116 : memref<128x8xf32, #tpu.memory_space<hbm>>) dst(%dma_wait3A_1113 : memref<128x8xf32, #tpu.memory_space<vmem>>)
      } else {
      }
      %dma_start3A = arith.constant 0 : i32
      %dma_start3A_270 = tpu.memref_slice %arg2[%add3A_265, %dma_start3A] : memref<12800x128xi32, #tpu.memory_space<hbm>> -> memref<8x128xi32, #tpu.memory_space<hbm>>
      %dma_start3A_271 = arith.constant 0 : i32
      %dma_start3A_272 = tpu.memref_slice %arg2[%add3A_265, %dma_start3A_271] : memref<12800x128xi32, #tpu.memory_space<hbm>> -> memref<8x128xi32, #tpu.memory_space<hbm>>
      tpu.enqueue_dma source(%dma_start3A_272 : memref<8x128xi32, #tpu.memory_space<hbm>>) target(%arg9 : memref<8x128xi32, #tpu.memory_space<vmem>>) target_semaphore(%arg17 : memref<!tpu.dma_semaphore, #tpu.memory_space<semaphore_mem>>)
      %dma_start3A_273 = arith.constant 0 : i32
      %dma_start3A_274 = tpu.memref_slice %arg3[%add3A_265, %dma_start3A_273] : memref<12800x128xi32, #tpu.memory_space<hbm>> -> memref<8x128xi32, #tpu.memory_space<hbm>>
      %dma_start3A_275 = arith.constant 0 : i32
      %dma_start3A_276 = tpu.memref_slice %arg3[%add3A_265, %dma_start3A_275] : memref<12800x128xi32, #tpu.memory_space<hbm>> -> memref<8x128xi32, #tpu.memory_space<hbm>>
      tpu.enqueue_dma source(%dma_start3A_276 : memref<8x128xi32, #tpu.memory_space<hbm>>) target(%arg10 : memref<8x128xi32, #tpu.memory_space<vmem>>) target_semaphore(%arg17 : memref<!tpu.dma_semaphore, #tpu.memory_space<semaphore_mem>>)
      %dma_start3A_277 = arith.constant 0 : i32
      %dma_start3A_278 = tpu.memref_slice %arg2[%add3A_267, %dma_start3A_277] : memref<12800x128xi32, #tpu.memory_space<hbm>> -> memref<8x128xi32, #tpu.memory_space<hbm>>
      %dma_start3A_279 = arith.constant 0 : i32
      %dma_start3A_280 = tpu.memref_slice %arg2[%add3A_267, %dma_start3A_279] : memref<12800x128xi32, #tpu.memory_space<hbm>> -> memref<8x128xi32, #tpu.memory_space<hbm>>
      tpu.enqueue_dma source(%dma_start3A_280 : memref<8x128xi32, #tpu.memory_space<hbm>>) target(%arg11 : memref<8x128xi32, #tpu.memory_space<vmem>>) target_semaphore(%arg17 : memref<!tpu.dma_semaphore, #tpu.memory_space<semaphore_mem>>)
      %dma_start3A_281 = arith.constant 0 : i32
      %dma_start3A_282 = tpu.memref_slice %arg3[%add3A_267, %dma_start3A_281] : memref<12800x128xi32, #tpu.memory_space<hbm>> -> memref<8x128xi32, #tpu.memory_space<hbm>>
      %dma_start3A_283 = arith.constant 0 : i32
      %dma_start3A_284 = tpu.memref_slice %arg3[%add3A_267, %dma_start3A_283] : memref<12800x128xi32, #tpu.memory_space<hbm>> -> memref<8x128xi32, #tpu.memory_space<hbm>>
      tpu.enqueue_dma source(%dma_start3A_284 : memref<8x128xi32, #tpu.memory_space<hbm>>) target(%arg12 : memref<8x128xi32, #tpu.memory_space<vmem>>) target_semaphore(%arg17 : memref<!tpu.dma_semaphore, #tpu.memory_space<semaphore_mem>>)
      %dma_wait3A_285 = arith.constant 0 : i32
      %dma_wait3A_286 = tpu.memref_slice %arg2[%add3A_265, %dma_wait3A_285] : memref<12800x128xi32, #tpu.memory_space<hbm>> -> memref<8x128xi32, #tpu.memory_space<hbm>>
      %dma_wait3A_287 = arith.constant 0 : i32
      %dma_wait3A_288 = tpu.memref_slice %arg2[%add3A_265, %dma_wait3A_287] : memref<12800x128xi32, #tpu.memory_space<hbm>> -> memref<8x128xi32, #tpu.memory_space<hbm>>
      tpu.wait_dma2 semaphore(%arg17 : memref<!tpu.dma_semaphore, #tpu.memory_space<semaphore_mem>>) src(%dma_wait3A_288 : memref<8x128xi32, #tpu.memory_space<hbm>>) dst(%arg9 : memref<8x128xi32, #tpu.memory_space<vmem>>)
      %dma_wait3A_289 = arith.constant 0 : i32
      %dma_wait3A_290 = tpu.memref_slice %arg3[%add3A_265, %dma_wait3A_289] : memref<12800x128xi32, #tpu.memory_space<hbm>> -> memref<8x128xi32, #tpu.memory_space<hbm>>
      %dma_wait3A_291 = arith.constant 0 : i32
      %dma_wait3A_292 = tpu.memref_slice %arg3[%add3A_265, %dma_wait3A_291] : memref<12800x128xi32, #tpu.memory_space<hbm>> -> memref<8x128xi32, #tpu.memory_space<hbm>>
      tpu.wait_dma2 semaphore(%arg17 : memref<!tpu.dma_semaphore, #tpu.memory_space<semaphore_mem>>) src(%dma_wait3A_292 : memref<8x128xi32, #tpu.memory_space<hbm>>) dst(%arg10 : memref<8x128xi32, #tpu.memory_space<vmem>>)
      %dma_wait3A_293 = arith.constant 0 : i32
      %dma_wait3A_294 = tpu.memref_slice %arg2[%add3A_267, %dma_wait3A_293] : memref<12800x128xi32, #tpu.memory_space<hbm>> -> memref<8x128xi32, #tpu.memory_space<hbm>>
      %dma_wait3A_295 = arith.constant 0 : i32
      %dma_wait3A_296 = tpu.memref_slice %arg2[%add3A_267, %dma_wait3A_295] : memref<12800x128xi32, #tpu.memory_space<hbm>> -> memref<8x128xi32, #tpu.memory_space<hbm>>
      tpu.wait_dma2 semaphore(%arg17 : memref<!tpu.dma_semaphore, #tpu.memory_space<semaphore_mem>>) src(%dma_wait3A_296 : memref<8x128xi32, #tpu.memory_space<hbm>>) dst(%arg11 : memref<8x128xi32, #tpu.memory_space<vmem>>)
      %dma_wait3A_297 = arith.constant 0 : i32
      %dma_wait3A_298 = tpu.memref_slice %arg3[%add3A_267, %dma_wait3A_297] : memref<12800x128xi32, #tpu.memory_space<hbm>> -> memref<8x128xi32, #tpu.memory_space<hbm>>
      %dma_wait3A_299 = arith.constant 0 : i32
      %dma_wait3A_300 = tpu.memref_slice %arg3[%add3A_267, %dma_wait3A_299] : memref<12800x128xi32, #tpu.memory_space<hbm>> -> memref<8x128xi32, #tpu.memory_space<hbm>>
      tpu.wait_dma2 semaphore(%arg17 : memref<!tpu.dma_semaphore, #tpu.memory_space<semaphore_mem>>) src(%dma_wait3A_300 : memref<8x128xi32, #tpu.memory_space<hbm>>) dst(%arg12 : memref<8x128xi32, #tpu.memory_space<vmem>>)
      %dma_start3A_301 = arith.constant 0 : i32
      %dma_start3A_302 = arith.constant 0 : i32
      %dma_start3A_303 = arith.constant 0 : i32
      %dma_start3A_304 = arith.constant 0 : i32
      %dma_start3A_305 = tpu.memref_slice %arg13[%dma_start3A_302, %dma_start3A_303, %dma_start3A_304] : memref<8x128x8xf32, #tpu.memory_space<vmem>> -> memref<1x128x8xf32, #tpu.memory_space<vmem>>
      %dma_start3A_306 = tpu.memref_squeeze %dma_start3A_305 : memref<1x128x8xf32, #tpu.memory_space<vmem>> -> memref<128x8xf32, #tpu.memory_space<vmem>>
      %dma_start3A_307 = arith.constant 0 : i32
      %dma_start3A_308 = tpu.memref_slice %arg9[%dma_start3A_301, %dma_start3A_307] : memref<8x128xi32, #tpu.memory_space<vmem>> -> memref<1x128xi32, #tpu.memory_space<vmem>>
      %dma_start3A_309 = tpu.memref_squeeze %dma_start3A_308 : memref<1x128xi32, #tpu.memory_space<vmem>> -> memref<128xi32, #tpu.memory_space<vmem>>
      %dma_start3A_310 = arith.constant 0 : i32
      %dma_start3A_311 = arith.constant 0 : i32
      %dma_start3A_312 = tpu.memref_slice %arg8[%dma_start3A_310, %dma_start3A_311] : memref<100096x8xf32, #tpu.memory_space<vmem_shared>> -> memref<100096x8xf32, #tpu.memory_space<vmem_shared>>
      tpu.enqueue_indirect_dma source(%dma_start3A_312 : memref<100096x8xf32, #tpu.memory_space<vmem_shared>>) target(%dma_start3A_306 : memref<128x8xf32, #tpu.memory_space<vmem>>) offsets(%dma_start3A_309 : memref<128xi32, #tpu.memory_space<vmem>>) semaphore(%arg15 : memref<!tpu.dma_semaphore, #tpu.memory_space<semaphore_mem>>)
      %dma_start3A_313 = arith.constant 1 : i32
      %dma_start3A_314 = arith.constant 1 : i32
      %dma_start3A_315 = arith.constant 0 : i32
      %dma_start3A_316 = arith.constant 0 : i32
      %dma_start3A_317 = tpu.memref_slice %arg13[%dma_start3A_314, %dma_start3A_315, %dma_start3A_316] : memref<8x128x8xf32, #tpu.memory_space<vmem>> -> memref<1x128x8xf32, #tpu.memory_space<vmem>>
      %dma_start3A_318 = tpu.memref_squeeze %dma_start3A_317 : memref<1x128x8xf32, #tpu.memory_space<vmem>> -> memref<128x8xf32, #tpu.memory_space<vmem>>
      %dma_start3A_319 = arith.constant 0 : i32
      %dma_start3A_320 = tpu.memref_slice %arg9[%dma_start3A_313, %dma_start3A_319] : memref<8x128xi32, #tpu.memory_space<vmem>> -> memref<1x128xi32, #tpu.memory_space<vmem>>
      %dma_start3A_321 = tpu.memref_squeeze %dma_start3A_320 : memref<1x128xi32, #tpu.memory_space<vmem>> -> memref<128xi32, #tpu.memory_space<vmem>>
      %dma_start3A_322 = arith.constant 0 : i32
      %dma_start3A_323 = arith.constant 0 : i32
      %dma_start3A_324 = tpu.memref_slice %arg8[%dma_start3A_322, %dma_start3A_323] : memref<100096x8xf32, #tpu.memory_space<vmem_shared>> -> memref<100096x8xf32, #tpu.memory_space<vmem_shared>>
      tpu.enqueue_indirect_dma source(%dma_start3A_324 : memref<100096x8xf32, #tpu.memory_space<vmem_shared>>) target(%dma_start3A_318 : memref<128x8xf32, #tpu.memory_space<vmem>>) offsets(%dma_start3A_321 : memref<128xi32, #tpu.memory_space<vmem>>) semaphore(%arg15 : memref<!tpu.dma_semaphore, #tpu.memory_space<semaphore_mem>>)
      %dma_start3A_325 = arith.constant 2 : i32
      %dma_start3A_326 = arith.constant 2 : i32
      %dma_start3A_327 = arith.constant 0 : i32
      %dma_start3A_328 = arith.constant 0 : i32
      %dma_start3A_329 = tpu.memref_slice %arg13[%dma_start3A_326, %dma_start3A_327, %dma_start3A_328] : memref<8x128x8xf32, #tpu.memory_space<vmem>> -> memref<1x128x8xf32, #tpu.memory_space<vmem>>
      %dma_start3A_330 = tpu.memref_squeeze %dma_start3A_329 : memref<1x128x8xf32, #tpu.memory_space<vmem>> -> memref<128x8xf32, #tpu.memory_space<vmem>>
      %dma_start3A_331 = arith.constant 0 : i32
      %dma_start3A_332 = tpu.memref_slice %arg9[%dma_start3A_325, %dma_start3A_331] : memref<8x128xi32, #tpu.memory_space<vmem>> -> memref<1x128xi32, #tpu.memory_space<vmem>>
      %dma_start3A_333 = tpu.memref_squeeze %dma_start3A_332 : memref<1x128xi32, #tpu.memory_space<vmem>> -> memref<128xi32, #tpu.memory_space<vmem>>
      %dma_start3A_334 = arith.constant 0 : i32
      %dma_start3A_335 = arith.constant 0 : i32
      %dma_start3A_336 = tpu.memref_slice %arg8[%dma_start3A_334, %dma_start3A_335] : memref<100096x8xf32, #tpu.memory_space<vmem_shared>> -> memref<100096x8xf32, #tpu.memory_space<vmem_shared>>
      tpu.enqueue_indirect_dma source(%dma_start3A_336 : memref<100096x8xf32, #tpu.memory_space<vmem_shared>>) target(%dma_start3A_330 : memref<128x8xf32, #tpu.memory_space<vmem>>) offsets(%dma_start3A_333 : memref<128xi32, #tpu.memory_space<vmem>>) semaphore(%arg15 : memref<!tpu.dma_semaphore, #tpu.memory_space<semaphore_mem>>)
      %dma_start3A_337 = arith.constant 3 : i32
      %dma_start3A_338 = arith.constant 3 : i32
      %dma_start3A_339 = arith.constant 0 : i32
      %dma_start3A_340 = arith.constant 0 : i32
      %dma_start3A_341 = tpu.memref_slice %arg13[%dma_start3A_338, %dma_start3A_339, %dma_start3A_340] : memref<8x128x8xf32, #tpu.memory_space<vmem>> -> memref<1x128x8xf32, #tpu.memory_space<vmem>>
      %dma_start3A_342 = tpu.memref_squeeze %dma_start3A_341 : memref<1x128x8xf32, #tpu.memory_space<vmem>> -> memref<128x8xf32, #tpu.memory_space<vmem>>
      %dma_start3A_343 = arith.constant 0 : i32
      %dma_start3A_344 = tpu.memref_slice %arg9[%dma_start3A_337, %dma_start3A_343] : memref<8x128xi32, #tpu.memory_space<vmem>> -> memref<1x128xi32, #tpu.memory_space<vmem>>
      %dma_start3A_345 = tpu.memref_squeeze %dma_start3A_344 : memref<1x128xi32, #tpu.memory_space<vmem>> -> memref<128xi32, #tpu.memory_space<vmem>>
      %dma_start3A_346 = arith.constant 0 : i32
      %dma_start3A_347 = arith.constant 0 : i32
      %dma_start3A_348 = tpu.memref_slice %arg8[%dma_start3A_346, %dma_start3A_347] : memref<100096x8xf32, #tpu.memory_space<vmem_shared>> -> memref<100096x8xf32, #tpu.memory_space<vmem_shared>>
      tpu.enqueue_indirect_dma source(%dma_start3A_348 : memref<100096x8xf32, #tpu.memory_space<vmem_shared>>) target(%dma_start3A_342 : memref<128x8xf32, #tpu.memory_space<vmem>>) offsets(%dma_start3A_345 : memref<128xi32, #tpu.memory_space<vmem>>) semaphore(%arg15 : memref<!tpu.dma_semaphore, #tpu.memory_space<semaphore_mem>>)
      %dma_start3A_349 = arith.constant 4 : i32
      %dma_start3A_350 = arith.constant 4 : i32
      %dma_start3A_351 = arith.constant 0 : i32
      %dma_start3A_352 = arith.constant 0 : i32
      %dma_start3A_353 = tpu.memref_slice %arg13[%dma_start3A_350, %dma_start3A_351, %dma_start3A_352] : memref<8x128x8xf32, #tpu.memory_space<vmem>> -> memref<1x128x8xf32, #tpu.memory_space<vmem>>
      %dma_start3A_354 = tpu.memref_squeeze %dma_start3A_353 : memref<1x128x8xf32, #tpu.memory_space<vmem>> -> memref<128x8xf32, #tpu.memory_space<vmem>>
      %dma_start3A_355 = arith.constant 0 : i32
      %dma_start3A_356 = tpu.memref_slice %arg9[%dma_start3A_349, %dma_start3A_355] : memref<8x128xi32, #tpu.memory_space<vmem>> -> memref<1x128xi32, #tpu.memory_space<vmem>>
      %dma_start3A_357 = tpu.memref_squeeze %dma_start3A_356 : memref<1x128xi32, #tpu.memory_space<vmem>> -> memref<128xi32, #tpu.memory_space<vmem>>
      %dma_start3A_358 = arith.constant 0 : i32
      %dma_start3A_359 = arith.constant 0 : i32
      %dma_start3A_360 = tpu.memref_slice %arg8[%dma_start3A_358, %dma_start3A_359] : memref<100096x8xf32, #tpu.memory_space<vmem_shared>> -> memref<100096x8xf32, #tpu.memory_space<vmem_shared>>
      tpu.enqueue_indirect_dma source(%dma_start3A_360 : memref<100096x8xf32, #tpu.memory_space<vmem_shared>>) target(%dma_start3A_354 : memref<128x8xf32, #tpu.memory_space<vmem>>) offsets(%dma_start3A_357 : memref<128xi32, #tpu.memory_space<vmem>>) semaphore(%arg15 : memref<!tpu.dma_semaphore, #tpu.memory_space<semaphore_mem>>)
      %dma_start3A_361 = arith.constant 5 : i32
      %dma_start3A_362 = arith.constant 5 : i32
      %dma_start3A_363 = arith.constant 0 : i32
      %dma_start3A_364 = arith.constant 0 : i32
      %dma_start3A_365 = tpu.memref_slice %arg13[%dma_start3A_362, %dma_start3A_363, %dma_start3A_364] : memref<8x128x8xf32, #tpu.memory_space<vmem>> -> memref<1x128x8xf32, #tpu.memory_space<vmem>>
      %dma_start3A_366 = tpu.memref_squeeze %dma_start3A_365 : memref<1x128x8xf32, #tpu.memory_space<vmem>> -> memref<128x8xf32, #tpu.memory_space<vmem>>
      %dma_start3A_367 = arith.constant 0 : i32
      %dma_start3A_368 = tpu.memref_slice %arg9[%dma_start3A_361, %dma_start3A_367] : memref<8x128xi32, #tpu.memory_space<vmem>> -> memref<1x128xi32, #tpu.memory_space<vmem>>
      %dma_start3A_369 = tpu.memref_squeeze %dma_start3A_368 : memref<1x128xi32, #tpu.memory_space<vmem>> -> memref<128xi32, #tpu.memory_space<vmem>>
      %dma_start3A_370 = arith.constant 0 : i32
      %dma_start3A_371 = arith.constant 0 : i32
      %dma_start3A_372 = tpu.memref_slice %arg8[%dma_start3A_370, %dma_start3A_371] : memref<100096x8xf32, #tpu.memory_space<vmem_shared>> -> memref<100096x8xf32, #tpu.memory_space<vmem_shared>>
      tpu.enqueue_indirect_dma source(%dma_start3A_372 : memref<100096x8xf32, #tpu.memory_space<vmem_shared>>) target(%dma_start3A_366 : memref<128x8xf32, #tpu.memory_space<vmem>>) offsets(%dma_start3A_369 : memref<128xi32, #tpu.memory_space<vmem>>) semaphore(%arg15 : memref<!tpu.dma_semaphore, #tpu.memory_space<semaphore_mem>>)
      %dma_start3A_373 = arith.constant 6 : i32
      %dma_start3A_374 = arith.constant 6 : i32
      %dma_start3A_375 = arith.constant 0 : i32
      %dma_start3A_376 = arith.constant 0 : i32
      %dma_start3A_377 = tpu.memref_slice %arg13[%dma_start3A_374, %dma_start3A_375, %dma_start3A_376] : memref<8x128x8xf32, #tpu.memory_space<vmem>> -> memref<1x128x8xf32, #tpu.memory_space<vmem>>
      %dma_start3A_378 = tpu.memref_squeeze %dma_start3A_377 : memref<1x128x8xf32, #tpu.memory_space<vmem>> -> memref<128x8xf32, #tpu.memory_space<vmem>>
      %dma_start3A_379 = arith.constant 0 : i32
      %dma_start3A_380 = tpu.memref_slice %arg9[%dma_start3A_373, %dma_start3A_379] : memref<8x128xi32, #tpu.memory_space<vmem>> -> memref<1x128xi32, #tpu.memory_space<vmem>>
      %dma_start3A_381 = tpu.memref_squeeze %dma_start3A_380 : memref<1x128xi32, #tpu.memory_space<vmem>> -> memref<128xi32, #tpu.memory_space<vmem>>
      %dma_start3A_382 = arith.constant 0 : i32
      %dma_start3A_383 = arith.constant 0 : i32
      %dma_start3A_384 = tpu.memref_slice %arg8[%dma_start3A_382, %dma_start3A_383] : memref<100096x8xf32, #tpu.memory_space<vmem_shared>> -> memref<100096x8xf32, #tpu.memory_space<vmem_shared>>
      tpu.enqueue_indirect_dma source(%dma_start3A_384 : memref<100096x8xf32, #tpu.memory_space<vmem_shared>>) target(%dma_start3A_378 : memref<128x8xf32, #tpu.memory_space<vmem>>) offsets(%dma_start3A_381 : memref<128xi32, #tpu.memory_space<vmem>>) semaphore(%arg15 : memref<!tpu.dma_semaphore, #tpu.memory_space<semaphore_mem>>)
      %dma_start3A_385 = arith.constant 7 : i32
      %dma_start3A_386 = arith.constant 7 : i32
      %dma_start3A_387 = arith.constant 0 : i32
      %dma_start3A_388 = arith.constant 0 : i32
      %dma_start3A_389 = tpu.memref_slice %arg13[%dma_start3A_386, %dma_start3A_387, %dma_start3A_388] : memref<8x128x8xf32, #tpu.memory_space<vmem>> -> memref<1x128x8xf32, #tpu.memory_space<vmem>>
      %dma_start3A_390 = tpu.memref_squeeze %dma_start3A_389 : memref<1x128x8xf32, #tpu.memory_space<vmem>> -> memref<128x8xf32, #tpu.memory_space<vmem>>
      %dma_start3A_391 = arith.constant 0 : i32
      %dma_start3A_392 = tpu.memref_slice %arg9[%dma_start3A_385, %dma_start3A_391] : memref<8x128xi32, #tpu.memory_space<vmem>> -> memref<1x128xi32, #tpu.memory_space<vmem>>
      %dma_start3A_393 = tpu.memref_squeeze %dma_start3A_392 : memref<1x128xi32, #tpu.memory_space<vmem>> -> memref<128xi32, #tpu.memory_space<vmem>>
      %dma_start3A_394 = arith.constant 0 : i32
      %dma_start3A_395 = arith.constant 0 : i32
      %dma_start3A_396 = tpu.memref_slice %arg8[%dma_start3A_394, %dma_start3A_395] : memref<100096x8xf32, #tpu.memory_space<vmem_shared>> -> memref<100096x8xf32, #tpu.memory_space<vmem_shared>>
      tpu.enqueue_indirect_dma source(%dma_start3A_396 : memref<100096x8xf32, #tpu.memory_space<vmem_shared>>) target(%dma_start3A_390 : memref<128x8xf32, #tpu.memory_space<vmem>>) offsets(%dma_start3A_393 : memref<128xi32, #tpu.memory_space<vmem>>) semaphore(%arg15 : memref<!tpu.dma_semaphore, #tpu.memory_space<semaphore_mem>>)
      %dma_start3A_397 = arith.constant 0 : i32
      %dma_start3A_398 = arith.constant 0 : i32
      %dma_start3A_399 = arith.constant 0 : i32
      %dma_start3A_400 = arith.constant 0 : i32
      %dma_start3A_401 = tpu.memref_slice %arg14[%dma_start3A_398, %dma_start3A_399, %dma_start3A_400] : memref<8x128x8xf32, #tpu.memory_space<vmem>> -> memref<1x128x8xf32, #tpu.memory_space<vmem>>
      %dma_start3A_402 = tpu.memref_squeeze %dma_start3A_401 : memref<1x128x8xf32, #tpu.memory_space<vmem>> -> memref<128x8xf32, #tpu.memory_space<vmem>>
      %dma_start3A_403 = arith.constant 0 : i32
      %dma_start3A_404 = tpu.memref_slice %arg11[%dma_start3A_397, %dma_start3A_403] : memref<8x128xi32, #tpu.memory_space<vmem>> -> memref<1x128xi32, #tpu.memory_space<vmem>>
      %dma_start3A_405 = tpu.memref_squeeze %dma_start3A_404 : memref<1x128xi32, #tpu.memory_space<vmem>> -> memref<128xi32, #tpu.memory_space<vmem>>
      %dma_start3A_406 = arith.constant 0 : i32
      %dma_start3A_407 = arith.constant 0 : i32
      %dma_start3A_408 = tpu.memref_slice %arg8[%dma_start3A_406, %dma_start3A_407] : memref<100096x8xf32, #tpu.memory_space<vmem_shared>> -> memref<100096x8xf32, #tpu.memory_space<vmem_shared>>
      tpu.enqueue_indirect_dma source(%dma_start3A_408 : memref<100096x8xf32, #tpu.memory_space<vmem_shared>>) target(%dma_start3A_402 : memref<128x8xf32, #tpu.memory_space<vmem>>) offsets(%dma_start3A_405 : memref<128xi32, #tpu.memory_space<vmem>>) semaphore(%arg15 : memref<!tpu.dma_semaphore, #tpu.memory_space<semaphore_mem>>)
      %dma_start3A_409 = arith.constant 1 : i32
      %dma_start3A_410 = arith.constant 1 : i32
      %dma_start3A_411 = arith.constant 0 : i32
      %dma_start3A_412 = arith.constant 0 : i32
      %dma_start3A_413 = tpu.memref_slice %arg14[%dma_start3A_410, %dma_start3A_411, %dma_start3A_412] : memref<8x128x8xf32, #tpu.memory_space<vmem>> -> memref<1x128x8xf32, #tpu.memory_space<vmem>>
      %dma_start3A_414 = tpu.memref_squeeze %dma_start3A_413 : memref<1x128x8xf32, #tpu.memory_space<vmem>> -> memref<128x8xf32, #tpu.memory_space<vmem>>
      %dma_start3A_415 = arith.constant 0 : i32
      %dma_start3A_416 = tpu.memref_slice %arg11[%dma_start3A_409, %dma_start3A_415] : memref<8x128xi32, #tpu.memory_space<vmem>> -> memref<1x128xi32, #tpu.memory_space<vmem>>
      %dma_start3A_417 = tpu.memref_squeeze %dma_start3A_416 : memref<1x128xi32, #tpu.memory_space<vmem>> -> memref<128xi32, #tpu.memory_space<vmem>>
      %dma_start3A_418 = arith.constant 0 : i32
      %dma_start3A_419 = arith.constant 0 : i32
      %dma_start3A_420 = tpu.memref_slice %arg8[%dma_start3A_418, %dma_start3A_419] : memref<100096x8xf32, #tpu.memory_space<vmem_shared>> -> memref<100096x8xf32, #tpu.memory_space<vmem_shared>>
      tpu.enqueue_indirect_dma source(%dma_start3A_420 : memref<100096x8xf32, #tpu.memory_space<vmem_shared>>) target(%dma_start3A_414 : memref<128x8xf32, #tpu.memory_space<vmem>>) offsets(%dma_start3A_417 : memref<128xi32, #tpu.memory_space<vmem>>) semaphore(%arg15 : memref<!tpu.dma_semaphore, #tpu.memory_space<semaphore_mem>>)
      %dma_start3A_421 = arith.constant 2 : i32
      %dma_start3A_422 = arith.constant 2 : i32
      %dma_start3A_423 = arith.constant 0 : i32
      %dma_start3A_424 = arith.constant 0 : i32
      %dma_start3A_425 = tpu.memref_slice %arg14[%dma_start3A_422, %dma_start3A_423, %dma_start3A_424] : memref<8x128x8xf32, #tpu.memory_space<vmem>> -> memref<1x128x8xf32, #tpu.memory_space<vmem>>
      %dma_start3A_426 = tpu.memref_squeeze %dma_start3A_425 : memref<1x128x8xf32, #tpu.memory_space<vmem>> -> memref<128x8xf32, #tpu.memory_space<vmem>>
      %dma_start3A_427 = arith.constant 0 : i32
      %dma_start3A_428 = tpu.memref_slice %arg11[%dma_start3A_421, %dma_start3A_427] : memref<8x128xi32, #tpu.memory_space<vmem>> -> memref<1x128xi32, #tpu.memory_space<vmem>>
      %dma_start3A_429 = tpu.memref_squeeze %dma_start3A_428 : memref<1x128xi32, #tpu.memory_space<vmem>> -> memref<128xi32, #tpu.memory_space<vmem>>
      %dma_start3A_430 = arith.constant 0 : i32
      %dma_start3A_431 = arith.constant 0 : i32
      %dma_start3A_432 = tpu.memref_slice %arg8[%dma_start3A_430, %dma_start3A_431] : memref<100096x8xf32, #tpu.memory_space<vmem_shared>> -> memref<100096x8xf32, #tpu.memory_space<vmem_shared>>
      tpu.enqueue_indirect_dma source(%dma_start3A_432 : memref<100096x8xf32, #tpu.memory_space<vmem_shared>>) target(%dma_start3A_426 : memref<128x8xf32, #tpu.memory_space<vmem>>) offsets(%dma_start3A_429 : memref<128xi32, #tpu.memory_space<vmem>>) semaphore(%arg15 : memref<!tpu.dma_semaphore, #tpu.memory_space<semaphore_mem>>)
      %dma_start3A_433 = arith.constant 3 : i32
      %dma_start3A_434 = arith.constant 3 : i32
      %dma_start3A_435 = arith.constant 0 : i32
      %dma_start3A_436 = arith.constant 0 : i32
      %dma_start3A_437 = tpu.memref_slice %arg14[%dma_start3A_434, %dma_start3A_435, %dma_start3A_436] : memref<8x128x8xf32, #tpu.memory_space<vmem>> -> memref<1x128x8xf32, #tpu.memory_space<vmem>>
      %dma_start3A_438 = tpu.memref_squeeze %dma_start3A_437 : memref<1x128x8xf32, #tpu.memory_space<vmem>> -> memref<128x8xf32, #tpu.memory_space<vmem>>
      %dma_start3A_439 = arith.constant 0 : i32
      %dma_start3A_440 = tpu.memref_slice %arg11[%dma_start3A_433, %dma_start3A_439] : memref<8x128xi32, #tpu.memory_space<vmem>> -> memref<1x128xi32, #tpu.memory_space<vmem>>
      %dma_start3A_441 = tpu.memref_squeeze %dma_start3A_440 : memref<1x128xi32, #tpu.memory_space<vmem>> -> memref<128xi32, #tpu.memory_space<vmem>>
      %dma_start3A_442 = arith.constant 0 : i32
      %dma_start3A_443 = arith.constant 0 : i32
      %dma_start3A_444 = tpu.memref_slice %arg8[%dma_start3A_442, %dma_start3A_443] : memref<100096x8xf32, #tpu.memory_space<vmem_shared>> -> memref<100096x8xf32, #tpu.memory_space<vmem_shared>>
      tpu.enqueue_indirect_dma source(%dma_start3A_444 : memref<100096x8xf32, #tpu.memory_space<vmem_shared>>) target(%dma_start3A_438 : memref<128x8xf32, #tpu.memory_space<vmem>>) offsets(%dma_start3A_441 : memref<128xi32, #tpu.memory_space<vmem>>) semaphore(%arg15 : memref<!tpu.dma_semaphore, #tpu.memory_space<semaphore_mem>>)
      %dma_start3A_445 = arith.constant 4 : i32
      %dma_start3A_446 = arith.constant 4 : i32
      %dma_start3A_447 = arith.constant 0 : i32
      %dma_start3A_448 = arith.constant 0 : i32
      %dma_start3A_449 = tpu.memref_slice %arg14[%dma_start3A_446, %dma_start3A_447, %dma_start3A_448] : memref<8x128x8xf32, #tpu.memory_space<vmem>> -> memref<1x128x8xf32, #tpu.memory_space<vmem>>
      %dma_start3A_450 = tpu.memref_squeeze %dma_start3A_449 : memref<1x128x8xf32, #tpu.memory_space<vmem>> -> memref<128x8xf32, #tpu.memory_space<vmem>>
      %dma_start3A_451 = arith.constant 0 : i32
      %dma_start3A_452 = tpu.memref_slice %arg11[%dma_start3A_445, %dma_start3A_451] : memref<8x128xi32, #tpu.memory_space<vmem>> -> memref<1x128xi32, #tpu.memory_space<vmem>>
      %dma_start3A_453 = tpu.memref_squeeze %dma_start3A_452 : memref<1x128xi32, #tpu.memory_space<vmem>> -> memref<128xi32, #tpu.memory_space<vmem>>
      %dma_start3A_454 = arith.constant 0 : i32
      %dma_start3A_455 = arith.constant 0 : i32
      %dma_start3A_456 = tpu.memref_slice %arg8[%dma_start3A_454, %dma_start3A_455] : memref<100096x8xf32, #tpu.memory_space<vmem_shared>> -> memref<100096x8xf32, #tpu.memory_space<vmem_shared>>
      tpu.enqueue_indirect_dma source(%dma_start3A_456 : memref<100096x8xf32, #tpu.memory_space<vmem_shared>>) target(%dma_start3A_450 : memref<128x8xf32, #tpu.memory_space<vmem>>) offsets(%dma_start3A_453 : memref<128xi32, #tpu.memory_space<vmem>>) semaphore(%arg15 : memref<!tpu.dma_semaphore, #tpu.memory_space<semaphore_mem>>)
      %dma_start3A_457 = arith.constant 5 : i32
      %dma_start3A_458 = arith.constant 5 : i32
      %dma_start3A_459 = arith.constant 0 : i32
      %dma_start3A_460 = arith.constant 0 : i32
      %dma_start3A_461 = tpu.memref_slice %arg14[%dma_start3A_458, %dma_start3A_459, %dma_start3A_460] : memref<8x128x8xf32, #tpu.memory_space<vmem>> -> memref<1x128x8xf32, #tpu.memory_space<vmem>>
      %dma_start3A_462 = tpu.memref_squeeze %dma_start3A_461 : memref<1x128x8xf32, #tpu.memory_space<vmem>> -> memref<128x8xf32, #tpu.memory_space<vmem>>
      %dma_start3A_463 = arith.constant 0 : i32
      %dma_start3A_464 = tpu.memref_slice %arg11[%dma_start3A_457, %dma_start3A_463] : memref<8x128xi32, #tpu.memory_space<vmem>> -> memref<1x128xi32, #tpu.memory_space<vmem>>
      %dma_start3A_465 = tpu.memref_squeeze %dma_start3A_464 : memref<1x128xi32, #tpu.memory_space<vmem>> -> memref<128xi32, #tpu.memory_space<vmem>>
      %dma_start3A_466 = arith.constant 0 : i32
      %dma_start3A_467 = arith.constant 0 : i32
      %dma_start3A_468 = tpu.memref_slice %arg8[%dma_start3A_466, %dma_start3A_467] : memref<100096x8xf32, #tpu.memory_space<vmem_shared>> -> memref<100096x8xf32, #tpu.memory_space<vmem_shared>>
      tpu.enqueue_indirect_dma source(%dma_start3A_468 : memref<100096x8xf32, #tpu.memory_space<vmem_shared>>) target(%dma_start3A_462 : memref<128x8xf32, #tpu.memory_space<vmem>>) offsets(%dma_start3A_465 : memref<128xi32, #tpu.memory_space<vmem>>) semaphore(%arg15 : memref<!tpu.dma_semaphore, #tpu.memory_space<semaphore_mem>>)
      %dma_start3A_469 = arith.constant 6 : i32
      %dma_start3A_470 = arith.constant 6 : i32
      %dma_start3A_471 = arith.constant 0 : i32
      %dma_start3A_472 = arith.constant 0 : i32
      %dma_start3A_473 = tpu.memref_slice %arg14[%dma_start3A_470, %dma_start3A_471, %dma_start3A_472] : memref<8x128x8xf32, #tpu.memory_space<vmem>> -> memref<1x128x8xf32, #tpu.memory_space<vmem>>
      %dma_start3A_474 = tpu.memref_squeeze %dma_start3A_473 : memref<1x128x8xf32, #tpu.memory_space<vmem>> -> memref<128x8xf32, #tpu.memory_space<vmem>>
      %dma_start3A_475 = arith.constant 0 : i32
      %dma_start3A_476 = tpu.memref_slice %arg11[%dma_start3A_469, %dma_start3A_475] : memref<8x128xi32, #tpu.memory_space<vmem>> -> memref<1x128xi32, #tpu.memory_space<vmem>>
      %dma_start3A_477 = tpu.memref_squeeze %dma_start3A_476 : memref<1x128xi32, #tpu.memory_space<vmem>> -> memref<128xi32, #tpu.memory_space<vmem>>
      %dma_start3A_478 = arith.constant 0 : i32
      %dma_start3A_479 = arith.constant 0 : i32
      %dma_start3A_480 = tpu.memref_slice %arg8[%dma_start3A_478, %dma_start3A_479] : memref<100096x8xf32, #tpu.memory_space<vmem_shared>> -> memref<100096x8xf32, #tpu.memory_space<vmem_shared>>
      tpu.enqueue_indirect_dma source(%dma_start3A_480 : memref<100096x8xf32, #tpu.memory_space<vmem_shared>>) target(%dma_start3A_474 : memref<128x8xf32, #tpu.memory_space<vmem>>) offsets(%dma_start3A_477 : memref<128xi32, #tpu.memory_space<vmem>>) semaphore(%arg15 : memref<!tpu.dma_semaphore, #tpu.memory_space<semaphore_mem>>)
      %dma_start3A_481 = arith.constant 7 : i32
      %dma_start3A_482 = arith.constant 7 : i32
      %dma_start3A_483 = arith.constant 0 : i32
      %dma_start3A_484 = arith.constant 0 : i32
      %dma_start3A_485 = tpu.memref_slice %arg14[%dma_start3A_482, %dma_start3A_483, %dma_start3A_484] : memref<8x128x8xf32, #tpu.memory_space<vmem>> -> memref<1x128x8xf32, #tpu.memory_space<vmem>>
      %dma_start3A_486 = tpu.memref_squeeze %dma_start3A_485 : memref<1x128x8xf32, #tpu.memory_space<vmem>> -> memref<128x8xf32, #tpu.memory_space<vmem>>
      %dma_start3A_487 = arith.constant 0 : i32
      %dma_start3A_488 = tpu.memref_slice %arg11[%dma_start3A_481, %dma_start3A_487] : memref<8x128xi32, #tpu.memory_space<vmem>> -> memref<1x128xi32, #tpu.memory_space<vmem>>
      %dma_start3A_489 = tpu.memref_squeeze %dma_start3A_488 : memref<1x128xi32, #tpu.memory_space<vmem>> -> memref<128xi32, #tpu.memory_space<vmem>>
      %dma_start3A_490 = arith.constant 0 : i32
      %dma_start3A_491 = arith.constant 0 : i32
      %dma_start3A_492 = tpu.memref_slice %arg8[%dma_start3A_490, %dma_start3A_491] : memref<100096x8xf32, #tpu.memory_space<vmem_shared>> -> memref<100096x8xf32, #tpu.memory_space<vmem_shared>>
      tpu.enqueue_indirect_dma source(%dma_start3A_492 : memref<100096x8xf32, #tpu.memory_space<vmem_shared>>) target(%dma_start3A_486 : memref<128x8xf32, #tpu.memory_space<vmem>>) offsets(%dma_start3A_489 : memref<128xi32, #tpu.memory_space<vmem>>) semaphore(%arg15 : memref<!tpu.dma_semaphore, #tpu.memory_space<semaphore_mem>>)
      %dma_wait3A_493 = arith.constant 0 : i32
      %dma_wait3A_494 = arith.constant 0 : i32
      %dma_wait3A_495 = arith.constant 0 : i32
      %dma_wait3A_496 = arith.constant 0 : i32
      %dma_wait3A_497 = tpu.memref_slice %arg13[%dma_wait3A_494, %dma_wait3A_495, %dma_wait3A_496] : memref<8x128x8xf32, #tpu.memory_space<vmem>> -> memref<1x128x8xf32, #tpu.memory_space<vmem>>
      %dma_wait3A_498 = tpu.memref_squeeze %dma_wait3A_497 : memref<1x128x8xf32, #tpu.memory_space<vmem>> -> memref<128x8xf32, #tpu.memory_space<vmem>>
      %dma_wait3A_499 = arith.constant 0 : i32
      %dma_wait3A_500 = tpu.memref_slice %arg9[%dma_wait3A_493, %dma_wait3A_499] : memref<8x128xi32, #tpu.memory_space<vmem>> -> memref<1x128xi32, #tpu.memory_space<vmem>>
      %dma_wait3A_501 = tpu.memref_squeeze %dma_wait3A_500 : memref<1x128xi32, #tpu.memory_space<vmem>> -> memref<128xi32, #tpu.memory_space<vmem>>
      %dma_wait3A_502 = arith.constant 0 : i32
      %dma_wait3A_503 = arith.constant 0 : i32
      %dma_wait3A_504 = tpu.memref_slice %arg8[%dma_wait3A_502, %dma_wait3A_503] : memref<100096x8xf32, #tpu.memory_space<vmem_shared>> -> memref<100096x8xf32, #tpu.memory_space<vmem_shared>>
      tpu.wait_indirect_dma semaphore(%arg15 : memref<!tpu.dma_semaphore, #tpu.memory_space<semaphore_mem>>) src(%dma_wait3A_504 : memref<100096x8xf32, #tpu.memory_space<vmem_shared>>) dst(%dma_wait3A_498 : memref<128x8xf32, #tpu.memory_space<vmem>>)
      %dma_wait3A_505 = arith.constant 1 : i32
      %dma_wait3A_506 = arith.constant 1 : i32
      %dma_wait3A_507 = arith.constant 0 : i32
      %dma_wait3A_508 = arith.constant 0 : i32
      %dma_wait3A_509 = tpu.memref_slice %arg13[%dma_wait3A_506, %dma_wait3A_507, %dma_wait3A_508] : memref<8x128x8xf32, #tpu.memory_space<vmem>> -> memref<1x128x8xf32, #tpu.memory_space<vmem>>
      %dma_wait3A_510 = tpu.memref_squeeze %dma_wait3A_509 : memref<1x128x8xf32, #tpu.memory_space<vmem>> -> memref<128x8xf32, #tpu.memory_space<vmem>>
      %dma_wait3A_511 = arith.constant 0 : i32
      %dma_wait3A_512 = tpu.memref_slice %arg9[%dma_wait3A_505, %dma_wait3A_511] : memref<8x128xi32, #tpu.memory_space<vmem>> -> memref<1x128xi32, #tpu.memory_space<vmem>>
      %dma_wait3A_513 = tpu.memref_squeeze %dma_wait3A_512 : memref<1x128xi32, #tpu.memory_space<vmem>> -> memref<128xi32, #tpu.memory_space<vmem>>
      %dma_wait3A_514 = arith.constant 0 : i32
      %dma_wait3A_515 = arith.constant 0 : i32
      %dma_wait3A_516 = tpu.memref_slice %arg8[%dma_wait3A_514, %dma_wait3A_515] : memref<100096x8xf32, #tpu.memory_space<vmem_shared>> -> memref<100096x8xf32, #tpu.memory_space<vmem_shared>>
      tpu.wait_indirect_dma semaphore(%arg15 : memref<!tpu.dma_semaphore, #tpu.memory_space<semaphore_mem>>) src(%dma_wait3A_516 : memref<100096x8xf32, #tpu.memory_space<vmem_shared>>) dst(%dma_wait3A_510 : memref<128x8xf32, #tpu.memory_space<vmem>>)
      %dma_wait3A_517 = arith.constant 2 : i32
      %dma_wait3A_518 = arith.constant 2 : i32
      %dma_wait3A_519 = arith.constant 0 : i32
      %dma_wait3A_520 = arith.constant 0 : i32
      %dma_wait3A_521 = tpu.memref_slice %arg13[%dma_wait3A_518, %dma_wait3A_519, %dma_wait3A_520] : memref<8x128x8xf32, #tpu.memory_space<vmem>> -> memref<1x128x8xf32, #tpu.memory_space<vmem>>
      %dma_wait3A_522 = tpu.memref_squeeze %dma_wait3A_521 : memref<1x128x8xf32, #tpu.memory_space<vmem>> -> memref<128x8xf32, #tpu.memory_space<vmem>>
      %dma_wait3A_523 = arith.constant 0 : i32
      %dma_wait3A_524 = tpu.memref_slice %arg9[%dma_wait3A_517, %dma_wait3A_523] : memref<8x128xi32, #tpu.memory_space<vmem>> -> memref<1x128xi32, #tpu.memory_space<vmem>>
      %dma_wait3A_525 = tpu.memref_squeeze %dma_wait3A_524 : memref<1x128xi32, #tpu.memory_space<vmem>> -> memref<128xi32, #tpu.memory_space<vmem>>
      %dma_wait3A_526 = arith.constant 0 : i32
      %dma_wait3A_527 = arith.constant 0 : i32
      %dma_wait3A_528 = tpu.memref_slice %arg8[%dma_wait3A_526, %dma_wait3A_527] : memref<100096x8xf32, #tpu.memory_space<vmem_shared>> -> memref<100096x8xf32, #tpu.memory_space<vmem_shared>>
      tpu.wait_indirect_dma semaphore(%arg15 : memref<!tpu.dma_semaphore, #tpu.memory_space<semaphore_mem>>) src(%dma_wait3A_528 : memref<100096x8xf32, #tpu.memory_space<vmem_shared>>) dst(%dma_wait3A_522 : memref<128x8xf32, #tpu.memory_space<vmem>>)
      %dma_wait3A_529 = arith.constant 3 : i32
      %dma_wait3A_530 = arith.constant 3 : i32
      %dma_wait3A_531 = arith.constant 0 : i32
      %dma_wait3A_532 = arith.constant 0 : i32
      %dma_wait3A_533 = tpu.memref_slice %arg13[%dma_wait3A_530, %dma_wait3A_531, %dma_wait3A_532] : memref<8x128x8xf32, #tpu.memory_space<vmem>> -> memref<1x128x8xf32, #tpu.memory_space<vmem>>
      %dma_wait3A_534 = tpu.memref_squeeze %dma_wait3A_533 : memref<1x128x8xf32, #tpu.memory_space<vmem>> -> memref<128x8xf32, #tpu.memory_space<vmem>>
      %dma_wait3A_535 = arith.constant 0 : i32
      %dma_wait3A_536 = tpu.memref_slice %arg9[%dma_wait3A_529, %dma_wait3A_535] : memref<8x128xi32, #tpu.memory_space<vmem>> -> memref<1x128xi32, #tpu.memory_space<vmem>>
      %dma_wait3A_537 = tpu.memref_squeeze %dma_wait3A_536 : memref<1x128xi32, #tpu.memory_space<vmem>> -> memref<128xi32, #tpu.memory_space<vmem>>
      %dma_wait3A_538 = arith.constant 0 : i32
      %dma_wait3A_539 = arith.constant 0 : i32
      %dma_wait3A_540 = tpu.memref_slice %arg8[%dma_wait3A_538, %dma_wait3A_539] : memref<100096x8xf32, #tpu.memory_space<vmem_shared>> -> memref<100096x8xf32, #tpu.memory_space<vmem_shared>>
      tpu.wait_indirect_dma semaphore(%arg15 : memref<!tpu.dma_semaphore, #tpu.memory_space<semaphore_mem>>) src(%dma_wait3A_540 : memref<100096x8xf32, #tpu.memory_space<vmem_shared>>) dst(%dma_wait3A_534 : memref<128x8xf32, #tpu.memory_space<vmem>>)
      %dma_wait3A_541 = arith.constant 4 : i32
      %dma_wait3A_542 = arith.constant 4 : i32
      %dma_wait3A_543 = arith.constant 0 : i32
      %dma_wait3A_544 = arith.constant 0 : i32
      %dma_wait3A_545 = tpu.memref_slice %arg13[%dma_wait3A_542, %dma_wait3A_543, %dma_wait3A_544] : memref<8x128x8xf32, #tpu.memory_space<vmem>> -> memref<1x128x8xf32, #tpu.memory_space<vmem>>
      %dma_wait3A_546 = tpu.memref_squeeze %dma_wait3A_545 : memref<1x128x8xf32, #tpu.memory_space<vmem>> -> memref<128x8xf32, #tpu.memory_space<vmem>>
      %dma_wait3A_547 = arith.constant 0 : i32
      %dma_wait3A_548 = tpu.memref_slice %arg9[%dma_wait3A_541, %dma_wait3A_547] : memref<8x128xi32, #tpu.memory_space<vmem>> -> memref<1x128xi32, #tpu.memory_space<vmem>>
      %dma_wait3A_549 = tpu.memref_squeeze %dma_wait3A_548 : memref<1x128xi32, #tpu.memory_space<vmem>> -> memref<128xi32, #tpu.memory_space<vmem>>
      %dma_wait3A_550 = arith.constant 0 : i32
      %dma_wait3A_551 = arith.constant 0 : i32
      %dma_wait3A_552 = tpu.memref_slice %arg8[%dma_wait3A_550, %dma_wait3A_551] : memref<100096x8xf32, #tpu.memory_space<vmem_shared>> -> memref<100096x8xf32, #tpu.memory_space<vmem_shared>>
      tpu.wait_indirect_dma semaphore(%arg15 : memref<!tpu.dma_semaphore, #tpu.memory_space<semaphore_mem>>) src(%dma_wait3A_552 : memref<100096x8xf32, #tpu.memory_space<vmem_shared>>) dst(%dma_wait3A_546 : memref<128x8xf32, #tpu.memory_space<vmem>>)
      %dma_wait3A_553 = arith.constant 5 : i32
      %dma_wait3A_554 = arith.constant 5 : i32
      %dma_wait3A_555 = arith.constant 0 : i32
      %dma_wait3A_556 = arith.constant 0 : i32
      %dma_wait3A_557 = tpu.memref_slice %arg13[%dma_wait3A_554, %dma_wait3A_555, %dma_wait3A_556] : memref<8x128x8xf32, #tpu.memory_space<vmem>> -> memref<1x128x8xf32, #tpu.memory_space<vmem>>
      %dma_wait3A_558 = tpu.memref_squeeze %dma_wait3A_557 : memref<1x128x8xf32, #tpu.memory_space<vmem>> -> memref<128x8xf32, #tpu.memory_space<vmem>>
      %dma_wait3A_559 = arith.constant 0 : i32
      %dma_wait3A_560 = tpu.memref_slice %arg9[%dma_wait3A_553, %dma_wait3A_559] : memref<8x128xi32, #tpu.memory_space<vmem>> -> memref<1x128xi32, #tpu.memory_space<vmem>>
      %dma_wait3A_561 = tpu.memref_squeeze %dma_wait3A_560 : memref<1x128xi32, #tpu.memory_space<vmem>> -> memref<128xi32, #tpu.memory_space<vmem>>
      %dma_wait3A_562 = arith.constant 0 : i32
      %dma_wait3A_563 = arith.constant 0 : i32
      %dma_wait3A_564 = tpu.memref_slice %arg8[%dma_wait3A_562, %dma_wait3A_563] : memref<100096x8xf32, #tpu.memory_space<vmem_shared>> -> memref<100096x8xf32, #tpu.memory_space<vmem_shared>>
      tpu.wait_indirect_dma semaphore(%arg15 : memref<!tpu.dma_semaphore, #tpu.memory_space<semaphore_mem>>) src(%dma_wait3A_564 : memref<100096x8xf32, #tpu.memory_space<vmem_shared>>) dst(%dma_wait3A_558 : memref<128x8xf32, #tpu.memory_space<vmem>>)
      %dma_wait3A_565 = arith.constant 6 : i32
      %dma_wait3A_566 = arith.constant 6 : i32
      %dma_wait3A_567 = arith.constant 0 : i32
      %dma_wait3A_568 = arith.constant 0 : i32
      %dma_wait3A_569 = tpu.memref_slice %arg13[%dma_wait3A_566, %dma_wait3A_567, %dma_wait3A_568] : memref<8x128x8xf32, #tpu.memory_space<vmem>> -> memref<1x128x8xf32, #tpu.memory_space<vmem>>
      %dma_wait3A_570 = tpu.memref_squeeze %dma_wait3A_569 : memref<1x128x8xf32, #tpu.memory_space<vmem>> -> memref<128x8xf32, #tpu.memory_space<vmem>>
      %dma_wait3A_571 = arith.constant 0 : i32
      %dma_wait3A_572 = tpu.memref_slice %arg9[%dma_wait3A_565, %dma_wait3A_571] : memref<8x128xi32, #tpu.memory_space<vmem>> -> memref<1x128xi32, #tpu.memory_space<vmem>>
      %dma_wait3A_573 = tpu.memref_squeeze %dma_wait3A_572 : memref<1x128xi32, #tpu.memory_space<vmem>> -> memref<128xi32, #tpu.memory_space<vmem>>
      %dma_wait3A_574 = arith.constant 0 : i32
      %dma_wait3A_575 = arith.constant 0 : i32
      %dma_wait3A_576 = tpu.memref_slice %arg8[%dma_wait3A_574, %dma_wait3A_575] : memref<100096x8xf32, #tpu.memory_space<vmem_shared>> -> memref<100096x8xf32, #tpu.memory_space<vmem_shared>>
      tpu.wait_indirect_dma semaphore(%arg15 : memref<!tpu.dma_semaphore, #tpu.memory_space<semaphore_mem>>) src(%dma_wait3A_576 : memref<100096x8xf32, #tpu.memory_space<vmem_shared>>) dst(%dma_wait3A_570 : memref<128x8xf32, #tpu.memory_space<vmem>>)
      %dma_wait3A_577 = arith.constant 7 : i32
      %dma_wait3A_578 = arith.constant 7 : i32
      %dma_wait3A_579 = arith.constant 0 : i32
      %dma_wait3A_580 = arith.constant 0 : i32
      %dma_wait3A_581 = tpu.memref_slice %arg13[%dma_wait3A_578, %dma_wait3A_579, %dma_wait3A_580] : memref<8x128x8xf32, #tpu.memory_space<vmem>> -> memref<1x128x8xf32, #tpu.memory_space<vmem>>
      %dma_wait3A_582 = tpu.memref_squeeze %dma_wait3A_581 : memref<1x128x8xf32, #tpu.memory_space<vmem>> -> memref<128x8xf32, #tpu.memory_space<vmem>>
      %dma_wait3A_583 = arith.constant 0 : i32
      %dma_wait3A_584 = tpu.memref_slice %arg9[%dma_wait3A_577, %dma_wait3A_583] : memref<8x128xi32, #tpu.memory_space<vmem>> -> memref<1x128xi32, #tpu.memory_space<vmem>>
      %dma_wait3A_585 = tpu.memref_squeeze %dma_wait3A_584 : memref<1x128xi32, #tpu.memory_space<vmem>> -> memref<128xi32, #tpu.memory_space<vmem>>
      %dma_wait3A_586 = arith.constant 0 : i32
      %dma_wait3A_587 = arith.constant 0 : i32
      %dma_wait3A_588 = tpu.memref_slice %arg8[%dma_wait3A_586, %dma_wait3A_587] : memref<100096x8xf32, #tpu.memory_space<vmem_shared>> -> memref<100096x8xf32, #tpu.memory_space<vmem_shared>>
      tpu.wait_indirect_dma semaphore(%arg15 : memref<!tpu.dma_semaphore, #tpu.memory_space<semaphore_mem>>) src(%dma_wait3A_588 : memref<100096x8xf32, #tpu.memory_space<vmem_shared>>) dst(%dma_wait3A_582 : memref<128x8xf32, #tpu.memory_space<vmem>>)
      %dma_start3A_589 = arith.constant 0 : i32
      %dma_start3A_590 = arith.constant 0 : i32
      %dma_start3A_591 = arith.constant 0 : i32
      %dma_start3A_592 = arith.constant 0 : i32
      %dma_start3A_593 = tpu.memref_slice %arg13[%dma_start3A_589, %dma_start3A_591, %dma_start3A_592] : memref<8x128x8xf32, #tpu.memory_space<vmem>> -> memref<1x128x8xf32, #tpu.memory_space<vmem>>
      %dma_start3A_594 = tpu.memref_squeeze %dma_start3A_593 : memref<1x128x8xf32, #tpu.memory_space<vmem>> -> memref<128x8xf32, #tpu.memory_space<vmem>>
      %dma_start3A_595 = arith.constant 0 : i32
      %dma_start3A_596 = tpu.memref_slice %arg10[%dma_start3A_590, %dma_start3A_595] : memref<8x128xi32, #tpu.memory_space<vmem>> -> memref<1x128xi32, #tpu.memory_space<vmem>>
      %dma_start3A_597 = tpu.memref_squeeze %dma_start3A_596 : memref<1x128xi32, #tpu.memory_space<vmem>> -> memref<128xi32, #tpu.memory_space<vmem>>
      %dma_start3A_598 = arith.constant 0 : i32
      %dma_start3A_599 = arith.constant 0 : i32
      %dma_start3A_600 = tpu.memref_slice %arg7[%dma_start3A_598, %dma_start3A_599] : memref<100096x8xf32, #tpu.memory_space<vmem_shared>> -> memref<100096x8xf32, #tpu.memory_space<vmem_shared>>
      tpu.enqueue_indirect_dma source(%dma_start3A_594 : memref<128x8xf32, #tpu.memory_space<vmem>>) target(%dma_start3A_600 : memref<100096x8xf32, #tpu.memory_space<vmem_shared>>) offsets(%dma_start3A_597 : memref<128xi32, #tpu.memory_space<vmem>>) semaphore(%arg16 : memref<!tpu.dma_semaphore, #tpu.memory_space<semaphore_mem>>) {add = true}
      %dma_start3A_601 = arith.constant 1 : i32
      %dma_start3A_602 = arith.constant 1 : i32
      %dma_start3A_603 = arith.constant 0 : i32
      %dma_start3A_604 = arith.constant 0 : i32
      %dma_start3A_605 = tpu.memref_slice %arg13[%dma_start3A_601, %dma_start3A_603, %dma_start3A_604] : memref<8x128x8xf32, #tpu.memory_space<vmem>> -> memref<1x128x8xf32, #tpu.memory_space<vmem>>
      %dma_start3A_606 = tpu.memref_squeeze %dma_start3A_605 : memref<1x128x8xf32, #tpu.memory_space<vmem>> -> memref<128x8xf32, #tpu.memory_space<vmem>>
      %dma_start3A_607 = arith.constant 0 : i32
      %dma_start3A_608 = tpu.memref_slice %arg10[%dma_start3A_602, %dma_start3A_607] : memref<8x128xi32, #tpu.memory_space<vmem>> -> memref<1x128xi32, #tpu.memory_space<vmem>>
      %dma_start3A_609 = tpu.memref_squeeze %dma_start3A_608 : memref<1x128xi32, #tpu.memory_space<vmem>> -> memref<128xi32, #tpu.memory_space<vmem>>
      %dma_start3A_610 = arith.constant 0 : i32
      %dma_start3A_611 = arith.constant 0 : i32
      %dma_start3A_612 = tpu.memref_slice %arg7[%dma_start3A_610, %dma_start3A_611] : memref<100096x8xf32, #tpu.memory_space<vmem_shared>> -> memref<100096x8xf32, #tpu.memory_space<vmem_shared>>
      tpu.enqueue_indirect_dma source(%dma_start3A_606 : memref<128x8xf32, #tpu.memory_space<vmem>>) target(%dma_start3A_612 : memref<100096x8xf32, #tpu.memory_space<vmem_shared>>) offsets(%dma_start3A_609 : memref<128xi32, #tpu.memory_space<vmem>>) semaphore(%arg16 : memref<!tpu.dma_semaphore, #tpu.memory_space<semaphore_mem>>) {add = true}
      %dma_start3A_613 = arith.constant 2 : i32
      %dma_start3A_614 = arith.constant 2 : i32
      %dma_start3A_615 = arith.constant 0 : i32
      %dma_start3A_616 = arith.constant 0 : i32
      %dma_start3A_617 = tpu.memref_slice %arg13[%dma_start3A_613, %dma_start3A_615, %dma_start3A_616] : memref<8x128x8xf32, #tpu.memory_space<vmem>> -> memref<1x128x8xf32, #tpu.memory_space<vmem>>
      %dma_start3A_618 = tpu.memref_squeeze %dma_start3A_617 : memref<1x128x8xf32, #tpu.memory_space<vmem>> -> memref<128x8xf32, #tpu.memory_space<vmem>>
      %dma_start3A_619 = arith.constant 0 : i32
      %dma_start3A_620 = tpu.memref_slice %arg10[%dma_start3A_614, %dma_start3A_619] : memref<8x128xi32, #tpu.memory_space<vmem>> -> memref<1x128xi32, #tpu.memory_space<vmem>>
      %dma_start3A_621 = tpu.memref_squeeze %dma_start3A_620 : memref<1x128xi32, #tpu.memory_space<vmem>> -> memref<128xi32, #tpu.memory_space<vmem>>
      %dma_start3A_622 = arith.constant 0 : i32
      %dma_start3A_623 = arith.constant 0 : i32
      %dma_start3A_624 = tpu.memref_slice %arg7[%dma_start3A_622, %dma_start3A_623] : memref<100096x8xf32, #tpu.memory_space<vmem_shared>> -> memref<100096x8xf32, #tpu.memory_space<vmem_shared>>
      tpu.enqueue_indirect_dma source(%dma_start3A_618 : memref<128x8xf32, #tpu.memory_space<vmem>>) target(%dma_start3A_624 : memref<100096x8xf32, #tpu.memory_space<vmem_shared>>) offsets(%dma_start3A_621 : memref<128xi32, #tpu.memory_space<vmem>>) semaphore(%arg16 : memref<!tpu.dma_semaphore, #tpu.memory_space<semaphore_mem>>) {add = true}
      %dma_start3A_625 = arith.constant 3 : i32
      %dma_start3A_626 = arith.constant 3 : i32
      %dma_start3A_627 = arith.constant 0 : i32
      %dma_start3A_628 = arith.constant 0 : i32
      %dma_start3A_629 = tpu.memref_slice %arg13[%dma_start3A_625, %dma_start3A_627, %dma_start3A_628] : memref<8x128x8xf32, #tpu.memory_space<vmem>> -> memref<1x128x8xf32, #tpu.memory_space<vmem>>
      %dma_start3A_630 = tpu.memref_squeeze %dma_start3A_629 : memref<1x128x8xf32, #tpu.memory_space<vmem>> -> memref<128x8xf32, #tpu.memory_space<vmem>>
      %dma_start3A_631 = arith.constant 0 : i32
      %dma_start3A_632 = tpu.memref_slice %arg10[%dma_start3A_626, %dma_start3A_631] : memref<8x128xi32, #tpu.memory_space<vmem>> -> memref<1x128xi32, #tpu.memory_space<vmem>>
      %dma_start3A_633 = tpu.memref_squeeze %dma_start3A_632 : memref<1x128xi32, #tpu.memory_space<vmem>> -> memref<128xi32, #tpu.memory_space<vmem>>
      %dma_start3A_634 = arith.constant 0 : i32
      %dma_start3A_635 = arith.constant 0 : i32
      %dma_start3A_636 = tpu.memref_slice %arg7[%dma_start3A_634, %dma_start3A_635] : memref<100096x8xf32, #tpu.memory_space<vmem_shared>> -> memref<100096x8xf32, #tpu.memory_space<vmem_shared>>
      tpu.enqueue_indirect_dma source(%dma_start3A_630 : memref<128x8xf32, #tpu.memory_space<vmem>>) target(%dma_start3A_636 : memref<100096x8xf32, #tpu.memory_space<vmem_shared>>) offsets(%dma_start3A_633 : memref<128xi32, #tpu.memory_space<vmem>>) semaphore(%arg16 : memref<!tpu.dma_semaphore, #tpu.memory_space<semaphore_mem>>) {add = true}
      %dma_start3A_637 = arith.constant 4 : i32
      %dma_start3A_638 = arith.constant 4 : i32
      %dma_start3A_639 = arith.constant 0 : i32
      %dma_start3A_640 = arith.constant 0 : i32
      %dma_start3A_641 = tpu.memref_slice %arg13[%dma_start3A_637, %dma_start3A_639, %dma_start3A_640] : memref<8x128x8xf32, #tpu.memory_space<vmem>> -> memref<1x128x8xf32, #tpu.memory_space<vmem>>
      %dma_start3A_642 = tpu.memref_squeeze %dma_start3A_641 : memref<1x128x8xf32, #tpu.memory_space<vmem>> -> memref<128x8xf32, #tpu.memory_space<vmem>>
      %dma_start3A_643 = arith.constant 0 : i32
      %dma_start3A_644 = tpu.memref_slice %arg10[%dma_start3A_638, %dma_start3A_643] : memref<8x128xi32, #tpu.memory_space<vmem>> -> memref<1x128xi32, #tpu.memory_space<vmem>>
      %dma_start3A_645 = tpu.memref_squeeze %dma_start3A_644 : memref<1x128xi32, #tpu.memory_space<vmem>> -> memref<128xi32, #tpu.memory_space<vmem>>
      %dma_start3A_646 = arith.constant 0 : i32
      %dma_start3A_647 = arith.constant 0 : i32
      %dma_start3A_648 = tpu.memref_slice %arg7[%dma_start3A_646, %dma_start3A_647] : memref<100096x8xf32, #tpu.memory_space<vmem_shared>> -> memref<100096x8xf32, #tpu.memory_space<vmem_shared>>
      tpu.enqueue_indirect_dma source(%dma_start3A_642 : memref<128x8xf32, #tpu.memory_space<vmem>>) target(%dma_start3A_648 : memref<100096x8xf32, #tpu.memory_space<vmem_shared>>) offsets(%dma_start3A_645 : memref<128xi32, #tpu.memory_space<vmem>>) semaphore(%arg16 : memref<!tpu.dma_semaphore, #tpu.memory_space<semaphore_mem>>) {add = true}
      %dma_start3A_649 = arith.constant 5 : i32
      %dma_start3A_650 = arith.constant 5 : i32
      %dma_start3A_651 = arith.constant 0 : i32
      %dma_start3A_652 = arith.constant 0 : i32
      %dma_start3A_653 = tpu.memref_slice %arg13[%dma_start3A_649, %dma_start3A_651, %dma_start3A_652] : memref<8x128x8xf32, #tpu.memory_space<vmem>> -> memref<1x128x8xf32, #tpu.memory_space<vmem>>
      %dma_start3A_654 = tpu.memref_squeeze %dma_start3A_653 : memref<1x128x8xf32, #tpu.memory_space<vmem>> -> memref<128x8xf32, #tpu.memory_space<vmem>>
      %dma_start3A_655 = arith.constant 0 : i32
      %dma_start3A_656 = tpu.memref_slice %arg10[%dma_start3A_650, %dma_start3A_655] : memref<8x128xi32, #tpu.memory_space<vmem>> -> memref<1x128xi32, #tpu.memory_space<vmem>>
      %dma_start3A_657 = tpu.memref_squeeze %dma_start3A_656 : memref<1x128xi32, #tpu.memory_space<vmem>> -> memref<128xi32, #tpu.memory_space<vmem>>
      %dma_start3A_658 = arith.constant 0 : i32
      %dma_start3A_659 = arith.constant 0 : i32
      %dma_start3A_660 = tpu.memref_slice %arg7[%dma_start3A_658, %dma_start3A_659] : memref<100096x8xf32, #tpu.memory_space<vmem_shared>> -> memref<100096x8xf32, #tpu.memory_space<vmem_shared>>
      tpu.enqueue_indirect_dma source(%dma_start3A_654 : memref<128x8xf32, #tpu.memory_space<vmem>>) target(%dma_start3A_660 : memref<100096x8xf32, #tpu.memory_space<vmem_shared>>) offsets(%dma_start3A_657 : memref<128xi32, #tpu.memory_space<vmem>>) semaphore(%arg16 : memref<!tpu.dma_semaphore, #tpu.memory_space<semaphore_mem>>) {add = true}
      %dma_start3A_661 = arith.constant 6 : i32
      %dma_start3A_662 = arith.constant 6 : i32
      %dma_start3A_663 = arith.constant 0 : i32
      %dma_start3A_664 = arith.constant 0 : i32
      %dma_start3A_665 = tpu.memref_slice %arg13[%dma_start3A_661, %dma_start3A_663, %dma_start3A_664] : memref<8x128x8xf32, #tpu.memory_space<vmem>> -> memref<1x128x8xf32, #tpu.memory_space<vmem>>
      %dma_start3A_666 = tpu.memref_squeeze %dma_start3A_665 : memref<1x128x8xf32, #tpu.memory_space<vmem>> -> memref<128x8xf32, #tpu.memory_space<vmem>>
      %dma_start3A_667 = arith.constant 0 : i32
      %dma_start3A_668 = tpu.memref_slice %arg10[%dma_start3A_662, %dma_start3A_667] : memref<8x128xi32, #tpu.memory_space<vmem>> -> memref<1x128xi32, #tpu.memory_space<vmem>>
      %dma_start3A_669 = tpu.memref_squeeze %dma_start3A_668 : memref<1x128xi32, #tpu.memory_space<vmem>> -> memref<128xi32, #tpu.memory_space<vmem>>
      %dma_start3A_670 = arith.constant 0 : i32
      %dma_start3A_671 = arith.constant 0 : i32
      %dma_start3A_672 = tpu.memref_slice %arg7[%dma_start3A_670, %dma_start3A_671] : memref<100096x8xf32, #tpu.memory_space<vmem_shared>> -> memref<100096x8xf32, #tpu.memory_space<vmem_shared>>
      tpu.enqueue_indirect_dma source(%dma_start3A_666 : memref<128x8xf32, #tpu.memory_space<vmem>>) target(%dma_start3A_672 : memref<100096x8xf32, #tpu.memory_space<vmem_shared>>) offsets(%dma_start3A_669 : memref<128xi32, #tpu.memory_space<vmem>>) semaphore(%arg16 : memref<!tpu.dma_semaphore, #tpu.memory_space<semaphore_mem>>) {add = true}
      %dma_start3A_673 = arith.constant 7 : i32
      %dma_start3A_674 = arith.constant 7 : i32
      %dma_start3A_675 = arith.constant 0 : i32
      %dma_start3A_676 = arith.constant 0 : i32
      %dma_start3A_677 = tpu.memref_slice %arg13[%dma_start3A_673, %dma_start3A_675, %dma_start3A_676] : memref<8x128x8xf32, #tpu.memory_space<vmem>> -> memref<1x128x8xf32, #tpu.memory_space<vmem>>
      %dma_start3A_678 = tpu.memref_squeeze %dma_start3A_677 : memref<1x128x8xf32, #tpu.memory_space<vmem>> -> memref<128x8xf32, #tpu.memory_space<vmem>>
      %dma_start3A_679 = arith.constant 0 : i32
      %dma_start3A_680 = tpu.memref_slice %arg10[%dma_start3A_674, %dma_start3A_679] : memref<8x128xi32, #tpu.memory_space<vmem>> -> memref<1x128xi32, #tpu.memory_space<vmem>>
      %dma_start3A_681 = tpu.memref_squeeze %dma_start3A_680 : memref<1x128xi32, #tpu.memory_space<vmem>> -> memref<128xi32, #tpu.memory_space<vmem>>
      %dma_start3A_682 = arith.constant 0 : i32
      %dma_start3A_683 = arith.constant 0 : i32
      %dma_start3A_684 = tpu.memref_slice %arg7[%dma_start3A_682, %dma_start3A_683] : memref<100096x8xf32, #tpu.memory_space<vmem_shared>> -> memref<100096x8xf32, #tpu.memory_space<vmem_shared>>
      tpu.enqueue_indirect_dma source(%dma_start3A_678 : memref<128x8xf32, #tpu.memory_space<vmem>>) target(%dma_start3A_684 : memref<100096x8xf32, #tpu.memory_space<vmem_shared>>) offsets(%dma_start3A_681 : memref<128xi32, #tpu.memory_space<vmem>>) semaphore(%arg16 : memref<!tpu.dma_semaphore, #tpu.memory_space<semaphore_mem>>) {add = true}
      %dma_wait3A_685 = arith.constant 0 : i32
      %dma_wait3A_686 = arith.constant 0 : i32
      %dma_wait3A_687 = arith.constant 0 : i32
      %dma_wait3A_688 = arith.constant 0 : i32
      %dma_wait3A_689 = tpu.memref_slice %arg14[%dma_wait3A_686, %dma_wait3A_687, %dma_wait3A_688] : memref<8x128x8xf32, #tpu.memory_space<vmem>> -> memref<1x128x8xf32, #tpu.memory_space<vmem>>
      %dma_wait3A_690 = tpu.memref_squeeze %dma_wait3A_689 : memref<1x128x8xf32, #tpu.memory_space<vmem>> -> memref<128x8xf32, #tpu.memory_space<vmem>>
      %dma_wait3A_691 = arith.constant 0 : i32
      %dma_wait3A_692 = tpu.memref_slice %arg11[%dma_wait3A_685, %dma_wait3A_691] : memref<8x128xi32, #tpu.memory_space<vmem>> -> memref<1x128xi32, #tpu.memory_space<vmem>>
      %dma_wait3A_693 = tpu.memref_squeeze %dma_wait3A_692 : memref<1x128xi32, #tpu.memory_space<vmem>> -> memref<128xi32, #tpu.memory_space<vmem>>
      %dma_wait3A_694 = arith.constant 0 : i32
      %dma_wait3A_695 = arith.constant 0 : i32
      %dma_wait3A_696 = tpu.memref_slice %arg8[%dma_wait3A_694, %dma_wait3A_695] : memref<100096x8xf32, #tpu.memory_space<vmem_shared>> -> memref<100096x8xf32, #tpu.memory_space<vmem_shared>>
      tpu.wait_indirect_dma semaphore(%arg15 : memref<!tpu.dma_semaphore, #tpu.memory_space<semaphore_mem>>) src(%dma_wait3A_696 : memref<100096x8xf32, #tpu.memory_space<vmem_shared>>) dst(%dma_wait3A_690 : memref<128x8xf32, #tpu.memory_space<vmem>>)
      %dma_wait3A_697 = arith.constant 1 : i32
      %dma_wait3A_698 = arith.constant 1 : i32
      %dma_wait3A_699 = arith.constant 0 : i32
      %dma_wait3A_700 = arith.constant 0 : i32
      %dma_wait3A_701 = tpu.memref_slice %arg14[%dma_wait3A_698, %dma_wait3A_699, %dma_wait3A_700] : memref<8x128x8xf32, #tpu.memory_space<vmem>> -> memref<1x128x8xf32, #tpu.memory_space<vmem>>
      %dma_wait3A_702 = tpu.memref_squeeze %dma_wait3A_701 : memref<1x128x8xf32, #tpu.memory_space<vmem>> -> memref<128x8xf32, #tpu.memory_space<vmem>>
      %dma_wait3A_703 = arith.constant 0 : i32
      %dma_wait3A_704 = tpu.memref_slice %arg11[%dma_wait3A_697, %dma_wait3A_703] : memref<8x128xi32, #tpu.memory_space<vmem>> -> memref<1x128xi32, #tpu.memory_space<vmem>>
      %dma_wait3A_705 = tpu.memref_squeeze %dma_wait3A_704 : memref<1x128xi32, #tpu.memory_space<vmem>> -> memref<128xi32, #tpu.memory_space<vmem>>
      %dma_wait3A_706 = arith.constant 0 : i32
      %dma_wait3A_707 = arith.constant 0 : i32
      %dma_wait3A_708 = tpu.memref_slice %arg8[%dma_wait3A_706, %dma_wait3A_707] : memref<100096x8xf32, #tpu.memory_space<vmem_shared>> -> memref<100096x8xf32, #tpu.memory_space<vmem_shared>>
      tpu.wait_indirect_dma semaphore(%arg15 : memref<!tpu.dma_semaphore, #tpu.memory_space<semaphore_mem>>) src(%dma_wait3A_708 : memref<100096x8xf32, #tpu.memory_space<vmem_shared>>) dst(%dma_wait3A_702 : memref<128x8xf32, #tpu.memory_space<vmem>>)
      %dma_wait3A_709 = arith.constant 2 : i32
      %dma_wait3A_710 = arith.constant 2 : i32
      %dma_wait3A_711 = arith.constant 0 : i32
      %dma_wait3A_712 = arith.constant 0 : i32
      %dma_wait3A_713 = tpu.memref_slice %arg14[%dma_wait3A_710, %dma_wait3A_711, %dma_wait3A_712] : memref<8x128x8xf32, #tpu.memory_space<vmem>> -> memref<1x128x8xf32, #tpu.memory_space<vmem>>
      %dma_wait3A_714 = tpu.memref_squeeze %dma_wait3A_713 : memref<1x128x8xf32, #tpu.memory_space<vmem>> -> memref<128x8xf32, #tpu.memory_space<vmem>>
      %dma_wait3A_715 = arith.constant 0 : i32
      %dma_wait3A_716 = tpu.memref_slice %arg11[%dma_wait3A_709, %dma_wait3A_715] : memref<8x128xi32, #tpu.memory_space<vmem>> -> memref<1x128xi32, #tpu.memory_space<vmem>>
      %dma_wait3A_717 = tpu.memref_squeeze %dma_wait3A_716 : memref<1x128xi32, #tpu.memory_space<vmem>> -> memref<128xi32, #tpu.memory_space<vmem>>
      %dma_wait3A_718 = arith.constant 0 : i32
      %dma_wait3A_719 = arith.constant 0 : i32
      %dma_wait3A_720 = tpu.memref_slice %arg8[%dma_wait3A_718, %dma_wait3A_719] : memref<100096x8xf32, #tpu.memory_space<vmem_shared>> -> memref<100096x8xf32, #tpu.memory_space<vmem_shared>>
      tpu.wait_indirect_dma semaphore(%arg15 : memref<!tpu.dma_semaphore, #tpu.memory_space<semaphore_mem>>) src(%dma_wait3A_720 : memref<100096x8xf32, #tpu.memory_space<vmem_shared>>) dst(%dma_wait3A_714 : memref<128x8xf32, #tpu.memory_space<vmem>>)
      %dma_wait3A_721 = arith.constant 3 : i32
      %dma_wait3A_722 = arith.constant 3 : i32
      %dma_wait3A_723 = arith.constant 0 : i32
      %dma_wait3A_724 = arith.constant 0 : i32
      %dma_wait3A_725 = tpu.memref_slice %arg14[%dma_wait3A_722, %dma_wait3A_723, %dma_wait3A_724] : memref<8x128x8xf32, #tpu.memory_space<vmem>> -> memref<1x128x8xf32, #tpu.memory_space<vmem>>
      %dma_wait3A_726 = tpu.memref_squeeze %dma_wait3A_725 : memref<1x128x8xf32, #tpu.memory_space<vmem>> -> memref<128x8xf32, #tpu.memory_space<vmem>>
      %dma_wait3A_727 = arith.constant 0 : i32
      %dma_wait3A_728 = tpu.memref_slice %arg11[%dma_wait3A_721, %dma_wait3A_727] : memref<8x128xi32, #tpu.memory_space<vmem>> -> memref<1x128xi32, #tpu.memory_space<vmem>>
      %dma_wait3A_729 = tpu.memref_squeeze %dma_wait3A_728 : memref<1x128xi32, #tpu.memory_space<vmem>> -> memref<128xi32, #tpu.memory_space<vmem>>
      %dma_wait3A_730 = arith.constant 0 : i32
      %dma_wait3A_731 = arith.constant 0 : i32
      %dma_wait3A_732 = tpu.memref_slice %arg8[%dma_wait3A_730, %dma_wait3A_731] : memref<100096x8xf32, #tpu.memory_space<vmem_shared>> -> memref<100096x8xf32, #tpu.memory_space<vmem_shared>>
      tpu.wait_indirect_dma semaphore(%arg15 : memref<!tpu.dma_semaphore, #tpu.memory_space<semaphore_mem>>) src(%dma_wait3A_732 : memref<100096x8xf32, #tpu.memory_space<vmem_shared>>) dst(%dma_wait3A_726 : memref<128x8xf32, #tpu.memory_space<vmem>>)
      %dma_wait3A_733 = arith.constant 4 : i32
      %dma_wait3A_734 = arith.constant 4 : i32
      %dma_wait3A_735 = arith.constant 0 : i32
      %dma_wait3A_736 = arith.constant 0 : i32
      %dma_wait3A_737 = tpu.memref_slice %arg14[%dma_wait3A_734, %dma_wait3A_735, %dma_wait3A_736] : memref<8x128x8xf32, #tpu.memory_space<vmem>> -> memref<1x128x8xf32, #tpu.memory_space<vmem>>
      %dma_wait3A_738 = tpu.memref_squeeze %dma_wait3A_737 : memref<1x128x8xf32, #tpu.memory_space<vmem>> -> memref<128x8xf32, #tpu.memory_space<vmem>>
      %dma_wait3A_739 = arith.constant 0 : i32
      %dma_wait3A_740 = tpu.memref_slice %arg11[%dma_wait3A_733, %dma_wait3A_739] : memref<8x128xi32, #tpu.memory_space<vmem>> -> memref<1x128xi32, #tpu.memory_space<vmem>>
      %dma_wait3A_741 = tpu.memref_squeeze %dma_wait3A_740 : memref<1x128xi32, #tpu.memory_space<vmem>> -> memref<128xi32, #tpu.memory_space<vmem>>
      %dma_wait3A_742 = arith.constant 0 : i32
      %dma_wait3A_743 = arith.constant 0 : i32
      %dma_wait3A_744 = tpu.memref_slice %arg8[%dma_wait3A_742, %dma_wait3A_743] : memref<100096x8xf32, #tpu.memory_space<vmem_shared>> -> memref<100096x8xf32, #tpu.memory_space<vmem_shared>>
      tpu.wait_indirect_dma semaphore(%arg15 : memref<!tpu.dma_semaphore, #tpu.memory_space<semaphore_mem>>) src(%dma_wait3A_744 : memref<100096x8xf32, #tpu.memory_space<vmem_shared>>) dst(%dma_wait3A_738 : memref<128x8xf32, #tpu.memory_space<vmem>>)
      %dma_wait3A_745 = arith.constant 5 : i32
      %dma_wait3A_746 = arith.constant 5 : i32
      %dma_wait3A_747 = arith.constant 0 : i32
      %dma_wait3A_748 = arith.constant 0 : i32
      %dma_wait3A_749 = tpu.memref_slice %arg14[%dma_wait3A_746, %dma_wait3A_747, %dma_wait3A_748] : memref<8x128x8xf32, #tpu.memory_space<vmem>> -> memref<1x128x8xf32, #tpu.memory_space<vmem>>
      %dma_wait3A_750 = tpu.memref_squeeze %dma_wait3A_749 : memref<1x128x8xf32, #tpu.memory_space<vmem>> -> memref<128x8xf32, #tpu.memory_space<vmem>>
      %dma_wait3A_751 = arith.constant 0 : i32
      %dma_wait3A_752 = tpu.memref_slice %arg11[%dma_wait3A_745, %dma_wait3A_751] : memref<8x128xi32, #tpu.memory_space<vmem>> -> memref<1x128xi32, #tpu.memory_space<vmem>>
      %dma_wait3A_753 = tpu.memref_squeeze %dma_wait3A_752 : memref<1x128xi32, #tpu.memory_space<vmem>> -> memref<128xi32, #tpu.memory_space<vmem>>
      %dma_wait3A_754 = arith.constant 0 : i32
      %dma_wait3A_755 = arith.constant 0 : i32
      %dma_wait3A_756 = tpu.memref_slice %arg8[%dma_wait3A_754, %dma_wait3A_755] : memref<100096x8xf32, #tpu.memory_space<vmem_shared>> -> memref<100096x8xf32, #tpu.memory_space<vmem_shared>>
      tpu.wait_indirect_dma semaphore(%arg15 : memref<!tpu.dma_semaphore, #tpu.memory_space<semaphore_mem>>) src(%dma_wait3A_756 : memref<100096x8xf32, #tpu.memory_space<vmem_shared>>) dst(%dma_wait3A_750 : memref<128x8xf32, #tpu.memory_space<vmem>>)
      %dma_wait3A_757 = arith.constant 6 : i32
      %dma_wait3A_758 = arith.constant 6 : i32
      %dma_wait3A_759 = arith.constant 0 : i32
      %dma_wait3A_760 = arith.constant 0 : i32
      %dma_wait3A_761 = tpu.memref_slice %arg14[%dma_wait3A_758, %dma_wait3A_759, %dma_wait3A_760] : memref<8x128x8xf32, #tpu.memory_space<vmem>> -> memref<1x128x8xf32, #tpu.memory_space<vmem>>
      %dma_wait3A_762 = tpu.memref_squeeze %dma_wait3A_761 : memref<1x128x8xf32, #tpu.memory_space<vmem>> -> memref<128x8xf32, #tpu.memory_space<vmem>>
      %dma_wait3A_763 = arith.constant 0 : i32
      %dma_wait3A_764 = tpu.memref_slice %arg11[%dma_wait3A_757, %dma_wait3A_763] : memref<8x128xi32, #tpu.memory_space<vmem>> -> memref<1x128xi32, #tpu.memory_space<vmem>>
      %dma_wait3A_765 = tpu.memref_squeeze %dma_wait3A_764 : memref<1x128xi32, #tpu.memory_space<vmem>> -> memref<128xi32, #tpu.memory_space<vmem>>
      %dma_wait3A_766 = arith.constant 0 : i32
      %dma_wait3A_767 = arith.constant 0 : i32
      %dma_wait3A_768 = tpu.memref_slice %arg8[%dma_wait3A_766, %dma_wait3A_767] : memref<100096x8xf32, #tpu.memory_space<vmem_shared>> -> memref<100096x8xf32, #tpu.memory_space<vmem_shared>>
      tpu.wait_indirect_dma semaphore(%arg15 : memref<!tpu.dma_semaphore, #tpu.memory_space<semaphore_mem>>) src(%dma_wait3A_768 : memref<100096x8xf32, #tpu.memory_space<vmem_shared>>) dst(%dma_wait3A_762 : memref<128x8xf32, #tpu.memory_space<vmem>>)
      %dma_wait3A_769 = arith.constant 7 : i32
      %dma_wait3A_770 = arith.constant 7 : i32
      %dma_wait3A_771 = arith.constant 0 : i32
      %dma_wait3A_772 = arith.constant 0 : i32
      %dma_wait3A_773 = tpu.memref_slice %arg14[%dma_wait3A_770, %dma_wait3A_771, %dma_wait3A_772] : memref<8x128x8xf32, #tpu.memory_space<vmem>> -> memref<1x128x8xf32, #tpu.memory_space<vmem>>
      %dma_wait3A_774 = tpu.memref_squeeze %dma_wait3A_773 : memref<1x128x8xf32, #tpu.memory_space<vmem>> -> memref<128x8xf32, #tpu.memory_space<vmem>>
      %dma_wait3A_775 = arith.constant 0 : i32
      %dma_wait3A_776 = tpu.memref_slice %arg11[%dma_wait3A_769, %dma_wait3A_775] : memref<8x128xi32, #tpu.memory_space<vmem>> -> memref<1x128xi32, #tpu.memory_space<vmem>>
      %dma_wait3A_777 = tpu.memref_squeeze %dma_wait3A_776 : memref<1x128xi32, #tpu.memory_space<vmem>> -> memref<128xi32, #tpu.memory_space<vmem>>
      %dma_wait3A_778 = arith.constant 0 : i32
      %dma_wait3A_779 = arith.constant 0 : i32
      %dma_wait3A_780 = tpu.memref_slice %arg8[%dma_wait3A_778, %dma_wait3A_779] : memref<100096x8xf32, #tpu.memory_space<vmem_shared>> -> memref<100096x8xf32, #tpu.memory_space<vmem_shared>>
      tpu.wait_indirect_dma semaphore(%arg15 : memref<!tpu.dma_semaphore, #tpu.memory_space<semaphore_mem>>) src(%dma_wait3A_780 : memref<100096x8xf32, #tpu.memory_space<vmem_shared>>) dst(%dma_wait3A_774 : memref<128x8xf32, #tpu.memory_space<vmem>>)
      %dma_start3A_781 = arith.constant 0 : i32
      %dma_start3A_782 = arith.constant 0 : i32
      %dma_start3A_783 = arith.constant 0 : i32
      %dma_start3A_784 = arith.constant 0 : i32
      %dma_start3A_785 = tpu.memref_slice %arg14[%dma_start3A_781, %dma_start3A_783, %dma_start3A_784] : memref<8x128x8xf32, #tpu.memory_space<vmem>> -> memref<1x128x8xf32, #tpu.memory_space<vmem>>
      %dma_start3A_786 = tpu.memref_squeeze %dma_start3A_785 : memref<1x128x8xf32, #tpu.memory_space<vmem>> -> memref<128x8xf32, #tpu.memory_space<vmem>>
      %dma_start3A_787 = arith.constant 0 : i32
      %dma_start3A_788 = tpu.memref_slice %arg12[%dma_start3A_782, %dma_start3A_787] : memref<8x128xi32, #tpu.memory_space<vmem>> -> memref<1x128xi32, #tpu.memory_space<vmem>>
      %dma_start3A_789 = tpu.memref_squeeze %dma_start3A_788 : memref<1x128xi32, #tpu.memory_space<vmem>> -> memref<128xi32, #tpu.memory_space<vmem>>
      %dma_start3A_790 = arith.constant 0 : i32
      %dma_start3A_791 = arith.constant 0 : i32
      %dma_start3A_792 = tpu.memref_slice %arg7[%dma_start3A_790, %dma_start3A_791] : memref<100096x8xf32, #tpu.memory_space<vmem_shared>> -> memref<100096x8xf32, #tpu.memory_space<vmem_shared>>
      tpu.enqueue_indirect_dma source(%dma_start3A_786 : memref<128x8xf32, #tpu.memory_space<vmem>>) target(%dma_start3A_792 : memref<100096x8xf32, #tpu.memory_space<vmem_shared>>) offsets(%dma_start3A_789 : memref<128xi32, #tpu.memory_space<vmem>>) semaphore(%arg16 : memref<!tpu.dma_semaphore, #tpu.memory_space<semaphore_mem>>) {add = true}
      %dma_start3A_793 = arith.constant 1 : i32
      %dma_start3A_794 = arith.constant 1 : i32
      %dma_start3A_795 = arith.constant 0 : i32
      %dma_start3A_796 = arith.constant 0 : i32
      %dma_start3A_797 = tpu.memref_slice %arg14[%dma_start3A_793, %dma_start3A_795, %dma_start3A_796] : memref<8x128x8xf32, #tpu.memory_space<vmem>> -> memref<1x128x8xf32, #tpu.memory_space<vmem>>
      %dma_start3A_798 = tpu.memref_squeeze %dma_start3A_797 : memref<1x128x8xf32, #tpu.memory_space<vmem>> -> memref<128x8xf32, #tpu.memory_space<vmem>>
      %dma_start3A_799 = arith.constant 0 : i32
      %dma_start3A_800 = tpu.memref_slice %arg12[%dma_start3A_794, %dma_start3A_799] : memref<8x128xi32, #tpu.memory_space<vmem>> -> memref<1x128xi32, #tpu.memory_space<vmem>>
      %dma_start3A_801 = tpu.memref_squeeze %dma_start3A_800 : memref<1x128xi32, #tpu.memory_space<vmem>> -> memref<128xi32, #tpu.memory_space<vmem>>
      %dma_start3A_802 = arith.constant 0 : i32
      %dma_start3A_803 = arith.constant 0 : i32
      %dma_start3A_804 = tpu.memref_slice %arg7[%dma_start3A_802, %dma_start3A_803] : memref<100096x8xf32, #tpu.memory_space<vmem_shared>> -> memref<100096x8xf32, #tpu.memory_space<vmem_shared>>
      tpu.enqueue_indirect_dma source(%dma_start3A_798 : memref<128x8xf32, #tpu.memory_space<vmem>>) target(%dma_start3A_804 : memref<100096x8xf32, #tpu.memory_space<vmem_shared>>) offsets(%dma_start3A_801 : memref<128xi32, #tpu.memory_space<vmem>>) semaphore(%arg16 : memref<!tpu.dma_semaphore, #tpu.memory_space<semaphore_mem>>) {add = true}
      %dma_start3A_805 = arith.constant 2 : i32
      %dma_start3A_806 = arith.constant 2 : i32
      %dma_start3A_807 = arith.constant 0 : i32
      %dma_start3A_808 = arith.constant 0 : i32
      %dma_start3A_809 = tpu.memref_slice %arg14[%dma_start3A_805, %dma_start3A_807, %dma_start3A_808] : memref<8x128x8xf32, #tpu.memory_space<vmem>> -> memref<1x128x8xf32, #tpu.memory_space<vmem>>
      %dma_start3A_810 = tpu.memref_squeeze %dma_start3A_809 : memref<1x128x8xf32, #tpu.memory_space<vmem>> -> memref<128x8xf32, #tpu.memory_space<vmem>>
      %dma_start3A_811 = arith.constant 0 : i32
      %dma_start3A_812 = tpu.memref_slice %arg12[%dma_start3A_806, %dma_start3A_811] : memref<8x128xi32, #tpu.memory_space<vmem>> -> memref<1x128xi32, #tpu.memory_space<vmem>>
      %dma_start3A_813 = tpu.memref_squeeze %dma_start3A_812 : memref<1x128xi32, #tpu.memory_space<vmem>> -> memref<128xi32, #tpu.memory_space<vmem>>
      %dma_start3A_814 = arith.constant 0 : i32
      %dma_start3A_815 = arith.constant 0 : i32
      %dma_start3A_816 = tpu.memref_slice %arg7[%dma_start3A_814, %dma_start3A_815] : memref<100096x8xf32, #tpu.memory_space<vmem_shared>> -> memref<100096x8xf32, #tpu.memory_space<vmem_shared>>
      tpu.enqueue_indirect_dma source(%dma_start3A_810 : memref<128x8xf32, #tpu.memory_space<vmem>>) target(%dma_start3A_816 : memref<100096x8xf32, #tpu.memory_space<vmem_shared>>) offsets(%dma_start3A_813 : memref<128xi32, #tpu.memory_space<vmem>>) semaphore(%arg16 : memref<!tpu.dma_semaphore, #tpu.memory_space<semaphore_mem>>) {add = true}
      %dma_start3A_817 = arith.constant 3 : i32
      %dma_start3A_818 = arith.constant 3 : i32
      %dma_start3A_819 = arith.constant 0 : i32
      %dma_start3A_820 = arith.constant 0 : i32
      %dma_start3A_821 = tpu.memref_slice %arg14[%dma_start3A_817, %dma_start3A_819, %dma_start3A_820] : memref<8x128x8xf32, #tpu.memory_space<vmem>> -> memref<1x128x8xf32, #tpu.memory_space<vmem>>
      %dma_start3A_822 = tpu.memref_squeeze %dma_start3A_821 : memref<1x128x8xf32, #tpu.memory_space<vmem>> -> memref<128x8xf32, #tpu.memory_space<vmem>>
      %dma_start3A_823 = arith.constant 0 : i32
      %dma_start3A_824 = tpu.memref_slice %arg12[%dma_start3A_818, %dma_start3A_823] : memref<8x128xi32, #tpu.memory_space<vmem>> -> memref<1x128xi32, #tpu.memory_space<vmem>>
      %dma_start3A_825 = tpu.memref_squeeze %dma_start3A_824 : memref<1x128xi32, #tpu.memory_space<vmem>> -> memref<128xi32, #tpu.memory_space<vmem>>
      %dma_start3A_826 = arith.constant 0 : i32
      %dma_start3A_827 = arith.constant 0 : i32
      %dma_start3A_828 = tpu.memref_slice %arg7[%dma_start3A_826, %dma_start3A_827] : memref<100096x8xf32, #tpu.memory_space<vmem_shared>> -> memref<100096x8xf32, #tpu.memory_space<vmem_shared>>
      tpu.enqueue_indirect_dma source(%dma_start3A_822 : memref<128x8xf32, #tpu.memory_space<vmem>>) target(%dma_start3A_828 : memref<100096x8xf32, #tpu.memory_space<vmem_shared>>) offsets(%dma_start3A_825 : memref<128xi32, #tpu.memory_space<vmem>>) semaphore(%arg16 : memref<!tpu.dma_semaphore, #tpu.memory_space<semaphore_mem>>) {add = true}
      %dma_start3A_829 = arith.constant 4 : i32
      %dma_start3A_830 = arith.constant 4 : i32
      %dma_start3A_831 = arith.constant 0 : i32
      %dma_start3A_832 = arith.constant 0 : i32
      %dma_start3A_833 = tpu.memref_slice %arg14[%dma_start3A_829, %dma_start3A_831, %dma_start3A_832] : memref<8x128x8xf32, #tpu.memory_space<vmem>> -> memref<1x128x8xf32, #tpu.memory_space<vmem>>
      %dma_start3A_834 = tpu.memref_squeeze %dma_start3A_833 : memref<1x128x8xf32, #tpu.memory_space<vmem>> -> memref<128x8xf32, #tpu.memory_space<vmem>>
      %dma_start3A_835 = arith.constant 0 : i32
      %dma_start3A_836 = tpu.memref_slice %arg12[%dma_start3A_830, %dma_start3A_835] : memref<8x128xi32, #tpu.memory_space<vmem>> -> memref<1x128xi32, #tpu.memory_space<vmem>>
      %dma_start3A_837 = tpu.memref_squeeze %dma_start3A_836 : memref<1x128xi32, #tpu.memory_space<vmem>> -> memref<128xi32, #tpu.memory_space<vmem>>
      %dma_start3A_838 = arith.constant 0 : i32
      %dma_start3A_839 = arith.constant 0 : i32
      %dma_start3A_840 = tpu.memref_slice %arg7[%dma_start3A_838, %dma_start3A_839] : memref<100096x8xf32, #tpu.memory_space<vmem_shared>> -> memref<100096x8xf32, #tpu.memory_space<vmem_shared>>
      tpu.enqueue_indirect_dma source(%dma_start3A_834 : memref<128x8xf32, #tpu.memory_space<vmem>>) target(%dma_start3A_840 : memref<100096x8xf32, #tpu.memory_space<vmem_shared>>) offsets(%dma_start3A_837 : memref<128xi32, #tpu.memory_space<vmem>>) semaphore(%arg16 : memref<!tpu.dma_semaphore, #tpu.memory_space<semaphore_mem>>) {add = true}
      %dma_start3A_841 = arith.constant 5 : i32
      %dma_start3A_842 = arith.constant 5 : i32
      %dma_start3A_843 = arith.constant 0 : i32
      %dma_start3A_844 = arith.constant 0 : i32
      %dma_start3A_845 = tpu.memref_slice %arg14[%dma_start3A_841, %dma_start3A_843, %dma_start3A_844] : memref<8x128x8xf32, #tpu.memory_space<vmem>> -> memref<1x128x8xf32, #tpu.memory_space<vmem>>
      %dma_start3A_846 = tpu.memref_squeeze %dma_start3A_845 : memref<1x128x8xf32, #tpu.memory_space<vmem>> -> memref<128x8xf32, #tpu.memory_space<vmem>>
      %dma_start3A_847 = arith.constant 0 : i32
      %dma_start3A_848 = tpu.memref_slice %arg12[%dma_start3A_842, %dma_start3A_847] : memref<8x128xi32, #tpu.memory_space<vmem>> -> memref<1x128xi32, #tpu.memory_space<vmem>>
      %dma_start3A_849 = tpu.memref_squeeze %dma_start3A_848 : memref<1x128xi32, #tpu.memory_space<vmem>> -> memref<128xi32, #tpu.memory_space<vmem>>
      %dma_start3A_850 = arith.constant 0 : i32
      %dma_start3A_851 = arith.constant 0 : i32
      %dma_start3A_852 = tpu.memref_slice %arg7[%dma_start3A_850, %dma_start3A_851] : memref<100096x8xf32, #tpu.memory_space<vmem_shared>> -> memref<100096x8xf32, #tpu.memory_space<vmem_shared>>
      tpu.enqueue_indirect_dma source(%dma_start3A_846 : memref<128x8xf32, #tpu.memory_space<vmem>>) target(%dma_start3A_852 : memref<100096x8xf32, #tpu.memory_space<vmem_shared>>) offsets(%dma_start3A_849 : memref<128xi32, #tpu.memory_space<vmem>>) semaphore(%arg16 : memref<!tpu.dma_semaphore, #tpu.memory_space<semaphore_mem>>) {add = true}
      %dma_start3A_853 = arith.constant 6 : i32
      %dma_start3A_854 = arith.constant 6 : i32
      %dma_start3A_855 = arith.constant 0 : i32
      %dma_start3A_856 = arith.constant 0 : i32
      %dma_start3A_857 = tpu.memref_slice %arg14[%dma_start3A_853, %dma_start3A_855, %dma_start3A_856] : memref<8x128x8xf32, #tpu.memory_space<vmem>> -> memref<1x128x8xf32, #tpu.memory_space<vmem>>
      %dma_start3A_858 = tpu.memref_squeeze %dma_start3A_857 : memref<1x128x8xf32, #tpu.memory_space<vmem>> -> memref<128x8xf32, #tpu.memory_space<vmem>>
      %dma_start3A_859 = arith.constant 0 : i32
      %dma_start3A_860 = tpu.memref_slice %arg12[%dma_start3A_854, %dma_start3A_859] : memref<8x128xi32, #tpu.memory_space<vmem>> -> memref<1x128xi32, #tpu.memory_space<vmem>>
      %dma_start3A_861 = tpu.memref_squeeze %dma_start3A_860 : memref<1x128xi32, #tpu.memory_space<vmem>> -> memref<128xi32, #tpu.memory_space<vmem>>
      %dma_start3A_862 = arith.constant 0 : i32
      %dma_start3A_863 = arith.constant 0 : i32
      %dma_start3A_864 = tpu.memref_slice %arg7[%dma_start3A_862, %dma_start3A_863] : memref<100096x8xf32, #tpu.memory_space<vmem_shared>> -> memref<100096x8xf32, #tpu.memory_space<vmem_shared>>
      tpu.enqueue_indirect_dma source(%dma_start3A_858 : memref<128x8xf32, #tpu.memory_space<vmem>>) target(%dma_start3A_864 : memref<100096x8xf32, #tpu.memory_space<vmem_shared>>) offsets(%dma_start3A_861 : memref<128xi32, #tpu.memory_space<vmem>>) semaphore(%arg16 : memref<!tpu.dma_semaphore, #tpu.memory_space<semaphore_mem>>) {add = true}
      %dma_start3A_865 = arith.constant 7 : i32
      %dma_start3A_866 = arith.constant 7 : i32
      %dma_start3A_867 = arith.constant 0 : i32
      %dma_start3A_868 = arith.constant 0 : i32
      %dma_start3A_869 = tpu.memref_slice %arg14[%dma_start3A_865, %dma_start3A_867, %dma_start3A_868] : memref<8x128x8xf32, #tpu.memory_space<vmem>> -> memref<1x128x8xf32, #tpu.memory_space<vmem>>
      %dma_start3A_870 = tpu.memref_squeeze %dma_start3A_869 : memref<1x128x8xf32, #tpu.memory_space<vmem>> -> memref<128x8xf32, #tpu.memory_space<vmem>>
      %dma_start3A_871 = arith.constant 0 : i32
      %dma_start3A_872 = tpu.memref_slice %arg12[%dma_start3A_866, %dma_start3A_871] : memref<8x128xi32, #tpu.memory_space<vmem>> -> memref<1x128xi32, #tpu.memory_space<vmem>>
      %dma_start3A_873 = tpu.memref_squeeze %dma_start3A_872 : memref<1x128xi32, #tpu.memory_space<vmem>> -> memref<128xi32, #tpu.memory_space<vmem>>
      %dma_start3A_874 = arith.constant 0 : i32
      %dma_start3A_875 = arith.constant 0 : i32
      %dma_start3A_876 = tpu.memref_slice %arg7[%dma_start3A_874, %dma_start3A_875] : memref<100096x8xf32, #tpu.memory_space<vmem_shared>> -> memref<100096x8xf32, #tpu.memory_space<vmem_shared>>
      tpu.enqueue_indirect_dma source(%dma_start3A_870 : memref<128x8xf32, #tpu.memory_space<vmem>>) target(%dma_start3A_876 : memref<100096x8xf32, #tpu.memory_space<vmem_shared>>) offsets(%dma_start3A_873 : memref<128xi32, #tpu.memory_space<vmem>>) semaphore(%arg16 : memref<!tpu.dma_semaphore, #tpu.memory_space<semaphore_mem>>) {add = true}
    }
    %scan3A_15 = arith.constant 25 : i32
    %dma_wait3A = arith.constant 0 : i32
    %dma_wait3A_16 = arith.constant 0 : i32
    %dma_wait3A_17 = arith.constant 0 : i32
    %dma_wait3A_18 = tpu.memref_slice %arg13[%dma_wait3A, %dma_wait3A_16, %dma_wait3A_17] : memref<8x128x8xf32, #tpu.memory_space<vmem>> -> memref<1x128x8xf32, #tpu.memory_space<vmem>>
    %dma_wait3A_19 = tpu.memref_squeeze %dma_wait3A_18 : memref<1x128x8xf32, #tpu.memory_space<vmem>> -> memref<128x8xf32, #tpu.memory_space<vmem>>
    %dma_wait3A_20 = arith.constant 0 : i32
    %dma_wait3A_21 = arith.constant 0 : i32
    %dma_wait3A_22 = tpu.memref_slice %arg5[%dma_wait3A_20, %dma_wait3A_21] : memref<100096x8xf32, #tpu.memory_space<hbm>> -> memref<128x8xf32, #tpu.memory_space<hbm>>
    %dma_wait3A_23 = arith.constant 0 : i32
    %dma_wait3A_24 = arith.constant 0 : i32
    %dma_wait3A_25 = tpu.memref_slice %arg13[%dma_wait3A, %dma_wait3A_23, %dma_wait3A_24] : memref<8x128x8xf32, #tpu.memory_space<vmem>> -> memref<1x128x8xf32, #tpu.memory_space<vmem>>
    %dma_wait3A_26 = tpu.memref_squeeze %dma_wait3A_25 : memref<1x128x8xf32, #tpu.memory_space<vmem>> -> memref<128x8xf32, #tpu.memory_space<vmem>>
    %dma_wait3A_27 = arith.constant 0 : i32
    %dma_wait3A_28 = arith.constant 0 : i32
    %dma_wait3A_29 = tpu.memref_slice %arg5[%dma_wait3A_27, %dma_wait3A_28] : memref<100096x8xf32, #tpu.memory_space<hbm>> -> memref<128x8xf32, #tpu.memory_space<hbm>>
    tpu.wait_dma2 semaphore(%arg16 : memref<!tpu.dma_semaphore, #tpu.memory_space<semaphore_mem>>) src(%dma_wait3A_29 : memref<128x8xf32, #tpu.memory_space<hbm>>) dst(%dma_wait3A_26 : memref<128x8xf32, #tpu.memory_space<vmem>>)
    %dma_wait3A_30 = arith.constant 0 : i32
    %dma_wait3A_31 = arith.constant 0 : i32
    %dma_wait3A_32 = arith.constant 0 : i32
    %dma_wait3A_33 = tpu.memref_slice %arg13[%dma_wait3A_30, %dma_wait3A_31, %dma_wait3A_32] : memref<8x128x8xf32, #tpu.memory_space<vmem>> -> memref<1x128x8xf32, #tpu.memory_space<vmem>>
    %dma_wait3A_34 = tpu.memref_squeeze %dma_wait3A_33 : memref<1x128x8xf32, #tpu.memory_space<vmem>> -> memref<128x8xf32, #tpu.memory_space<vmem>>
    %dma_wait3A_35 = arith.constant 0 : i32
    %dma_wait3A_36 = arith.constant 0 : i32
    %dma_wait3A_37 = tpu.memref_slice %arg5[%dma_wait3A_35, %dma_wait3A_36] : memref<100096x8xf32, #tpu.memory_space<hbm>> -> memref<128x8xf32, #tpu.memory_space<hbm>>
    %dma_wait3A_38 = arith.constant 0 : i32
    %dma_wait3A_39 = arith.constant 0 : i32
    %dma_wait3A_40 = tpu.memref_slice %arg13[%dma_wait3A_30, %dma_wait3A_38, %dma_wait3A_39] : memref<8x128x8xf32, #tpu.memory_space<vmem>> -> memref<1x128x8xf32, #tpu.memory_space<vmem>>
    %dma_wait3A_41 = tpu.memref_squeeze %dma_wait3A_40 : memref<1x128x8xf32, #tpu.memory_space<vmem>> -> memref<128x8xf32, #tpu.memory_space<vmem>>
    %dma_wait3A_42 = arith.constant 0 : i32
    %dma_wait3A_43 = arith.constant 0 : i32
    %dma_wait3A_44 = tpu.memref_slice %arg5[%dma_wait3A_42, %dma_wait3A_43] : memref<100096x8xf32, #tpu.memory_space<hbm>> -> memref<128x8xf32, #tpu.memory_space<hbm>>
    tpu.wait_dma2 semaphore(%arg16 : memref<!tpu.dma_semaphore, #tpu.memory_space<semaphore_mem>>) src(%dma_wait3A_44 : memref<128x8xf32, #tpu.memory_space<hbm>>) dst(%dma_wait3A_41 : memref<128x8xf32, #tpu.memory_space<vmem>>)
    %dma_wait3A_45 = arith.constant 0 : i32
    %dma_wait3A_46 = arith.constant 0 : i32
    %dma_wait3A_47 = arith.constant 0 : i32
    %dma_wait3A_48 = tpu.memref_slice %arg13[%dma_wait3A_45, %dma_wait3A_46, %dma_wait3A_47] : memref<8x128x8xf32, #tpu.memory_space<vmem>> -> memref<1x128x8xf32, #tpu.memory_space<vmem>>
    %dma_wait3A_49 = tpu.memref_squeeze %dma_wait3A_48 : memref<1x128x8xf32, #tpu.memory_space<vmem>> -> memref<128x8xf32, #tpu.memory_space<vmem>>
    %dma_wait3A_50 = arith.constant 0 : i32
    %dma_wait3A_51 = arith.constant 0 : i32
    %dma_wait3A_52 = tpu.memref_slice %arg5[%dma_wait3A_50, %dma_wait3A_51] : memref<100096x8xf32, #tpu.memory_space<hbm>> -> memref<128x8xf32, #tpu.memory_space<hbm>>
    %dma_wait3A_53 = arith.constant 0 : i32
    %dma_wait3A_54 = arith.constant 0 : i32
    %dma_wait3A_55 = tpu.memref_slice %arg13[%dma_wait3A_45, %dma_wait3A_53, %dma_wait3A_54] : memref<8x128x8xf32, #tpu.memory_space<vmem>> -> memref<1x128x8xf32, #tpu.memory_space<vmem>>
    %dma_wait3A_56 = tpu.memref_squeeze %dma_wait3A_55 : memref<1x128x8xf32, #tpu.memory_space<vmem>> -> memref<128x8xf32, #tpu.memory_space<vmem>>
    %dma_wait3A_57 = arith.constant 0 : i32
    %dma_wait3A_58 = arith.constant 0 : i32
    %dma_wait3A_59 = tpu.memref_slice %arg5[%dma_wait3A_57, %dma_wait3A_58] : memref<100096x8xf32, #tpu.memory_space<hbm>> -> memref<128x8xf32, #tpu.memory_space<hbm>>
    tpu.wait_dma2 semaphore(%arg16 : memref<!tpu.dma_semaphore, #tpu.memory_space<semaphore_mem>>) src(%dma_wait3A_59 : memref<128x8xf32, #tpu.memory_space<hbm>>) dst(%dma_wait3A_56 : memref<128x8xf32, #tpu.memory_space<vmem>>)
    %dma_wait3A_60 = arith.constant 0 : i32
    %dma_wait3A_61 = arith.constant 0 : i32
    %dma_wait3A_62 = arith.constant 0 : i32
    %dma_wait3A_63 = tpu.memref_slice %arg13[%dma_wait3A_60, %dma_wait3A_61, %dma_wait3A_62] : memref<8x128x8xf32, #tpu.memory_space<vmem>> -> memref<1x128x8xf32, #tpu.memory_space<vmem>>
    %dma_wait3A_64 = tpu.memref_squeeze %dma_wait3A_63 : memref<1x128x8xf32, #tpu.memory_space<vmem>> -> memref<128x8xf32, #tpu.memory_space<vmem>>
    %dma_wait3A_65 = arith.constant 0 : i32
    %dma_wait3A_66 = arith.constant 0 : i32
    %dma_wait3A_67 = tpu.memref_slice %arg5[%dma_wait3A_65, %dma_wait3A_66] : memref<100096x8xf32, #tpu.memory_space<hbm>> -> memref<128x8xf32, #tpu.memory_space<hbm>>
    %dma_wait3A_68 = arith.constant 0 : i32
    %dma_wait3A_69 = arith.constant 0 : i32
    %dma_wait3A_70 = tpu.memref_slice %arg13[%dma_wait3A_60, %dma_wait3A_68, %dma_wait3A_69] : memref<8x128x8xf32, #tpu.memory_space<vmem>> -> memref<1x128x8xf32, #tpu.memory_space<vmem>>
    %dma_wait3A_71 = tpu.memref_squeeze %dma_wait3A_70 : memref<1x128x8xf32, #tpu.memory_space<vmem>> -> memref<128x8xf32, #tpu.memory_space<vmem>>
    %dma_wait3A_72 = arith.constant 0 : i32
    %dma_wait3A_73 = arith.constant 0 : i32
    %dma_wait3A_74 = tpu.memref_slice %arg5[%dma_wait3A_72, %dma_wait3A_73] : memref<100096x8xf32, #tpu.memory_space<hbm>> -> memref<128x8xf32, #tpu.memory_space<hbm>>
    tpu.wait_dma2 semaphore(%arg16 : memref<!tpu.dma_semaphore, #tpu.memory_space<semaphore_mem>>) src(%dma_wait3A_74 : memref<128x8xf32, #tpu.memory_space<hbm>>) dst(%dma_wait3A_71 : memref<128x8xf32, #tpu.memory_space<vmem>>)
    %dma_wait3A_75 = arith.constant 0 : i32
    %dma_wait3A_76 = arith.constant 0 : i32
    %dma_wait3A_77 = arith.constant 0 : i32
    %dma_wait3A_78 = tpu.memref_slice %arg13[%dma_wait3A_75, %dma_wait3A_76, %dma_wait3A_77] : memref<8x128x8xf32, #tpu.memory_space<vmem>> -> memref<1x128x8xf32, #tpu.memory_space<vmem>>
    %dma_wait3A_79 = tpu.memref_squeeze %dma_wait3A_78 : memref<1x128x8xf32, #tpu.memory_space<vmem>> -> memref<128x8xf32, #tpu.memory_space<vmem>>
    %dma_wait3A_80 = arith.constant 0 : i32
    %dma_wait3A_81 = arith.constant 0 : i32
    %dma_wait3A_82 = tpu.memref_slice %arg5[%dma_wait3A_80, %dma_wait3A_81] : memref<100096x8xf32, #tpu.memory_space<hbm>> -> memref<128x8xf32, #tpu.memory_space<hbm>>
    %dma_wait3A_83 = arith.constant 0 : i32
    %dma_wait3A_84 = arith.constant 0 : i32
    %dma_wait3A_85 = tpu.memref_slice %arg13[%dma_wait3A_75, %dma_wait3A_83, %dma_wait3A_84] : memref<8x128x8xf32, #tpu.memory_space<vmem>> -> memref<1x128x8xf32, #tpu.memory_space<vmem>>
    %dma_wait3A_86 = tpu.memref_squeeze %dma_wait3A_85 : memref<1x128x8xf32, #tpu.memory_space<vmem>> -> memref<128x8xf32, #tpu.memory_space<vmem>>
    %dma_wait3A_87 = arith.constant 0 : i32
    %dma_wait3A_88 = arith.constant 0 : i32
    %dma_wait3A_89 = tpu.memref_slice %arg5[%dma_wait3A_87, %dma_wait3A_88] : memref<100096x8xf32, #tpu.memory_space<hbm>> -> memref<128x8xf32, #tpu.memory_space<hbm>>
    tpu.wait_dma2 semaphore(%arg16 : memref<!tpu.dma_semaphore, #tpu.memory_space<semaphore_mem>>) src(%dma_wait3A_89 : memref<128x8xf32, #tpu.memory_space<hbm>>) dst(%dma_wait3A_86 : memref<128x8xf32, #tpu.memory_space<vmem>>)
    %dma_wait3A_90 = arith.constant 0 : i32
    %dma_wait3A_91 = arith.constant 0 : i32
    %dma_wait3A_92 = arith.constant 0 : i32
    %dma_wait3A_93 = tpu.memref_slice %arg13[%dma_wait3A_90, %dma_wait3A_91, %dma_wait3A_92] : memref<8x128x8xf32, #tpu.memory_space<vmem>> -> memref<1x128x8xf32, #tpu.memory_space<vmem>>
    %dma_wait3A_94 = tpu.memref_squeeze %dma_wait3A_93 : memref<1x128x8xf32, #tpu.memory_space<vmem>> -> memref<128x8xf32, #tpu.memory_space<vmem>>
    %dma_wait3A_95 = arith.constant 0 : i32
    %dma_wait3A_96 = arith.constant 0 : i32
    %dma_wait3A_97 = tpu.memref_slice %arg5[%dma_wait3A_95, %dma_wait3A_96] : memref<100096x8xf32, #tpu.memory_space<hbm>> -> memref<128x8xf32, #tpu.memory_space<hbm>>
    %dma_wait3A_98 = arith.constant 0 : i32
    %dma_wait3A_99 = arith.constant 0 : i32
    %dma_wait3A_100 = tpu.memref_slice %arg13[%dma_wait3A_90, %dma_wait3A_98, %dma_wait3A_99] : memref<8x128x8xf32, #tpu.memory_space<vmem>> -> memref<1x128x8xf32, #tpu.memory_space<vmem>>
    %dma_wait3A_101 = tpu.memref_squeeze %dma_wait3A_100 : memref<1x128x8xf32, #tpu.memory_space<vmem>> -> memref<128x8xf32, #tpu.memory_space<vmem>>
    %dma_wait3A_102 = arith.constant 0 : i32
    %dma_wait3A_103 = arith.constant 0 : i32
    %dma_wait3A_104 = tpu.memref_slice %arg5[%dma_wait3A_102, %dma_wait3A_103] : memref<100096x8xf32, #tpu.memory_space<hbm>> -> memref<128x8xf32, #tpu.memory_space<hbm>>
    tpu.wait_dma2 semaphore(%arg16 : memref<!tpu.dma_semaphore, #tpu.memory_space<semaphore_mem>>) src(%dma_wait3A_104 : memref<128x8xf32, #tpu.memory_space<hbm>>) dst(%dma_wait3A_101 : memref<128x8xf32, #tpu.memory_space<vmem>>)
    %dma_wait3A_105 = arith.constant 0 : i32
    %dma_wait3A_106 = arith.constant 0 : i32
    %dma_wait3A_107 = arith.constant 0 : i32
    %dma_wait3A_108 = tpu.memref_slice %arg13[%dma_wait3A_105, %dma_wait3A_106, %dma_wait3A_107] : memref<8x128x8xf32, #tpu.memory_space<vmem>> -> memref<1x128x8xf32, #tpu.memory_space<vmem>>
    %dma_wait3A_109 = tpu.memref_squeeze %dma_wait3A_108 : memref<1x128x8xf32, #tpu.memory_space<vmem>> -> memref<128x8xf32, #tpu.memory_space<vmem>>
    %dma_wait3A_110 = arith.constant 0 : i32
    %dma_wait3A_111 = arith.constant 0 : i32
    %dma_wait3A_112 = tpu.memref_slice %arg5[%dma_wait3A_110, %dma_wait3A_111] : memref<100096x8xf32, #tpu.memory_space<hbm>> -> memref<128x8xf32, #tpu.memory_space<hbm>>
    %dma_wait3A_113 = arith.constant 0 : i32
    %dma_wait3A_114 = arith.constant 0 : i32
    %dma_wait3A_115 = tpu.memref_slice %arg13[%dma_wait3A_105, %dma_wait3A_113, %dma_wait3A_114] : memref<8x128x8xf32, #tpu.memory_space<vmem>> -> memref<1x128x8xf32, #tpu.memory_space<vmem>>
    %dma_wait3A_116 = tpu.memref_squeeze %dma_wait3A_115 : memref<1x128x8xf32, #tpu.memory_space<vmem>> -> memref<128x8xf32, #tpu.memory_space<vmem>>
    %dma_wait3A_117 = arith.constant 0 : i32
    %dma_wait3A_118 = arith.constant 0 : i32
    %dma_wait3A_119 = tpu.memref_slice %arg5[%dma_wait3A_117, %dma_wait3A_118] : memref<100096x8xf32, #tpu.memory_space<hbm>> -> memref<128x8xf32, #tpu.memory_space<hbm>>
    tpu.wait_dma2 semaphore(%arg16 : memref<!tpu.dma_semaphore, #tpu.memory_space<semaphore_mem>>) src(%dma_wait3A_119 : memref<128x8xf32, #tpu.memory_space<hbm>>) dst(%dma_wait3A_116 : memref<128x8xf32, #tpu.memory_space<vmem>>)
    %dma_wait3A_120 = arith.constant 0 : i32
    %dma_wait3A_121 = arith.constant 0 : i32
    %dma_wait3A_122 = arith.constant 0 : i32
    %dma_wait3A_123 = tpu.memref_slice %arg13[%dma_wait3A_120, %dma_wait3A_121, %dma_wait3A_122] : memref<8x128x8xf32, #tpu.memory_space<vmem>> -> memref<1x128x8xf32, #tpu.memory_space<vmem>>
    %dma_wait3A_124 = tpu.memref_squeeze %dma_wait3A_123 : memref<1x128x8xf32, #tpu.memory_space<vmem>> -> memref<128x8xf32, #tpu.memory_space<vmem>>
    %dma_wait3A_125 = arith.constant 0 : i32
    %dma_wait3A_126 = arith.constant 0 : i32
    %dma_wait3A_127 = tpu.memref_slice %arg5[%dma_wait3A_125, %dma_wait3A_126] : memref<100096x8xf32, #tpu.memory_space<hbm>> -> memref<128x8xf32, #tpu.memory_space<hbm>>
    %dma_wait3A_128 = arith.constant 0 : i32
    %dma_wait3A_129 = arith.constant 0 : i32
    %dma_wait3A_130 = tpu.memref_slice %arg13[%dma_wait3A_120, %dma_wait3A_128, %dma_wait3A_129] : memref<8x128x8xf32, #tpu.memory_space<vmem>> -> memref<1x128x8xf32, #tpu.memory_space<vmem>>
    %dma_wait3A_131 = tpu.memref_squeeze %dma_wait3A_130 : memref<1x128x8xf32, #tpu.memory_space<vmem>> -> memref<128x8xf32, #tpu.memory_space<vmem>>
    %dma_wait3A_132 = arith.constant 0 : i32
    %dma_wait3A_133 = arith.constant 0 : i32
    %dma_wait3A_134 = tpu.memref_slice %arg5[%dma_wait3A_132, %dma_wait3A_133] : memref<100096x8xf32, #tpu.memory_space<hbm>> -> memref<128x8xf32, #tpu.memory_space<hbm>>
    tpu.wait_dma2 semaphore(%arg16 : memref<!tpu.dma_semaphore, #tpu.memory_space<semaphore_mem>>) src(%dma_wait3A_134 : memref<128x8xf32, #tpu.memory_space<hbm>>) dst(%dma_wait3A_131 : memref<128x8xf32, #tpu.memory_space<vmem>>)
    %dma_wait3A_135 = arith.constant 0 : i32
    %dma_wait3A_136 = arith.constant 0 : i32
    %dma_wait3A_137 = arith.constant 0 : i32
    %dma_wait3A_138 = tpu.memref_slice %arg13[%dma_wait3A_135, %dma_wait3A_136, %dma_wait3A_137] : memref<8x128x8xf32, #tpu.memory_space<vmem>> -> memref<1x128x8xf32, #tpu.memory_space<vmem>>
    %dma_wait3A_139 = tpu.memref_squeeze %dma_wait3A_138 : memref<1x128x8xf32, #tpu.memory_space<vmem>> -> memref<128x8xf32, #tpu.memory_space<vmem>>
    %dma_wait3A_140 = arith.constant 0 : i32
    %dma_wait3A_141 = arith.constant 0 : i32
    %dma_wait3A_142 = tpu.memref_slice %arg5[%dma_wait3A_140, %dma_wait3A_141] : memref<100096x8xf32, #tpu.memory_space<hbm>> -> memref<128x8xf32, #tpu.memory_space<hbm>>
    %dma_wait3A_143 = arith.constant 0 : i32
    %dma_wait3A_144 = arith.constant 0 : i32
    %dma_wait3A_145 = tpu.memref_slice %arg13[%dma_wait3A_135, %dma_wait3A_143, %dma_wait3A_144] : memref<8x128x8xf32, #tpu.memory_space<vmem>> -> memref<1x128x8xf32, #tpu.memory_space<vmem>>
    %dma_wait3A_146 = tpu.memref_squeeze %dma_wait3A_145 : memref<1x128x8xf32, #tpu.memory_space<vmem>> -> memref<128x8xf32, #tpu.memory_space<vmem>>
    %dma_wait3A_147 = arith.constant 0 : i32
    %dma_wait3A_148 = arith.constant 0 : i32
    %dma_wait3A_149 = tpu.memref_slice %arg5[%dma_wait3A_147, %dma_wait3A_148] : memref<100096x8xf32, #tpu.memory_space<hbm>> -> memref<128x8xf32, #tpu.memory_space<hbm>>
    tpu.wait_dma2 semaphore(%arg16 : memref<!tpu.dma_semaphore, #tpu.memory_space<semaphore_mem>>) src(%dma_wait3A_149 : memref<128x8xf32, #tpu.memory_space<hbm>>) dst(%dma_wait3A_146 : memref<128x8xf32, #tpu.memory_space<vmem>>)
    %dma_wait3A_150 = arith.constant 0 : i32
    %dma_wait3A_151 = arith.constant 0 : i32
    %dma_wait3A_152 = arith.constant 0 : i32
    %dma_wait3A_153 = tpu.memref_slice %arg13[%dma_wait3A_150, %dma_wait3A_151, %dma_wait3A_152] : memref<8x128x8xf32, #tpu.memory_space<vmem>> -> memref<1x128x8xf32, #tpu.memory_space<vmem>>
    %dma_wait3A_154 = tpu.memref_squeeze %dma_wait3A_153 : memref<1x128x8xf32, #tpu.memory_space<vmem>> -> memref<128x8xf32, #tpu.memory_space<vmem>>
    %dma_wait3A_155 = arith.constant 0 : i32
    %dma_wait3A_156 = arith.constant 0 : i32
    %dma_wait3A_157 = tpu.memref_slice %arg5[%dma_wait3A_155, %dma_wait3A_156] : memref<100096x8xf32, #tpu.memory_space<hbm>> -> memref<128x8xf32, #tpu.memory_space<hbm>>
    %dma_wait3A_158 = arith.constant 0 : i32
    %dma_wait3A_159 = arith.constant 0 : i32
    %dma_wait3A_160 = tpu.memref_slice %arg13[%dma_wait3A_150, %dma_wait3A_158, %dma_wait3A_159] : memref<8x128x8xf32, #tpu.memory_space<vmem>> -> memref<1x128x8xf32, #tpu.memory_space<vmem>>
    %dma_wait3A_161 = tpu.memref_squeeze %dma_wait3A_160 : memref<1x128x8xf32, #tpu.memory_space<vmem>> -> memref<128x8xf32, #tpu.memory_space<vmem>>
    %dma_wait3A_162 = arith.constant 0 : i32
    %dma_wait3A_163 = arith.constant 0 : i32
    %dma_wait3A_164 = tpu.memref_slice %arg5[%dma_wait3A_162, %dma_wait3A_163] : memref<100096x8xf32, #tpu.memory_space<hbm>> -> memref<128x8xf32, #tpu.memory_space<hbm>>
    tpu.wait_dma2 semaphore(%arg16 : memref<!tpu.dma_semaphore, #tpu.memory_space<semaphore_mem>>) src(%dma_wait3A_164 : memref<128x8xf32, #tpu.memory_space<hbm>>) dst(%dma_wait3A_161 : memref<128x8xf32, #tpu.memory_space<vmem>>)
    %dma_wait3A_165 = arith.constant 0 : i32
    %dma_wait3A_166 = arith.constant 0 : i32
    %dma_wait3A_167 = arith.constant 0 : i32
    %dma_wait3A_168 = tpu.memref_slice %arg13[%dma_wait3A_165, %dma_wait3A_166, %dma_wait3A_167] : memref<8x128x8xf32, #tpu.memory_space<vmem>> -> memref<1x128x8xf32, #tpu.memory_space<vmem>>
    %dma_wait3A_169 = tpu.memref_squeeze %dma_wait3A_168 : memref<1x128x8xf32, #tpu.memory_space<vmem>> -> memref<128x8xf32, #tpu.memory_space<vmem>>
    %dma_wait3A_170 = arith.constant 0 : i32
    %dma_wait3A_171 = arith.constant 0 : i32
    %dma_wait3A_172 = tpu.memref_slice %arg5[%dma_wait3A_170, %dma_wait3A_171] : memref<100096x8xf32, #tpu.memory_space<hbm>> -> memref<128x8xf32, #tpu.memory_space<hbm>>
    %dma_wait3A_173 = arith.constant 0 : i32
    %dma_wait3A_174 = arith.constant 0 : i32
    %dma_wait3A_175 = tpu.memref_slice %arg13[%dma_wait3A_165, %dma_wait3A_173, %dma_wait3A_174] : memref<8x128x8xf32, #tpu.memory_space<vmem>> -> memref<1x128x8xf32, #tpu.memory_space<vmem>>
    %dma_wait3A_176 = tpu.memref_squeeze %dma_wait3A_175 : memref<1x128x8xf32, #tpu.memory_space<vmem>> -> memref<128x8xf32, #tpu.memory_space<vmem>>
    %dma_wait3A_177 = arith.constant 0 : i32
    %dma_wait3A_178 = arith.constant 0 : i32
    %dma_wait3A_179 = tpu.memref_slice %arg5[%dma_wait3A_177, %dma_wait3A_178] : memref<100096x8xf32, #tpu.memory_space<hbm>> -> memref<128x8xf32, #tpu.memory_space<hbm>>
    tpu.wait_dma2 semaphore(%arg16 : memref<!tpu.dma_semaphore, #tpu.memory_space<semaphore_mem>>) src(%dma_wait3A_179 : memref<128x8xf32, #tpu.memory_space<hbm>>) dst(%dma_wait3A_176 : memref<128x8xf32, #tpu.memory_space<vmem>>)
    %dma_wait3A_180 = arith.constant 0 : i32
    %dma_wait3A_181 = arith.constant 0 : i32
    %dma_wait3A_182 = arith.constant 0 : i32
    %dma_wait3A_183 = tpu.memref_slice %arg13[%dma_wait3A_180, %dma_wait3A_181, %dma_wait3A_182] : memref<8x128x8xf32, #tpu.memory_space<vmem>> -> memref<1x128x8xf32, #tpu.memory_space<vmem>>
    %dma_wait3A_184 = tpu.memref_squeeze %dma_wait3A_183 : memref<1x128x8xf32, #tpu.memory_space<vmem>> -> memref<128x8xf32, #tpu.memory_space<vmem>>
    %dma_wait3A_185 = arith.constant 0 : i32
    %dma_wait3A_186 = arith.constant 0 : i32
    %dma_wait3A_187 = tpu.memref_slice %arg5[%dma_wait3A_185, %dma_wait3A_186] : memref<100096x8xf32, #tpu.memory_space<hbm>> -> memref<128x8xf32, #tpu.memory_space<hbm>>
    %dma_wait3A_188 = arith.constant 0 : i32
    %dma_wait3A_189 = arith.constant 0 : i32
    %dma_wait3A_190 = tpu.memref_slice %arg13[%dma_wait3A_180, %dma_wait3A_188, %dma_wait3A_189] : memref<8x128x8xf32, #tpu.memory_space<vmem>> -> memref<1x128x8xf32, #tpu.memory_space<vmem>>
    %dma_wait3A_191 = tpu.memref_squeeze %dma_wait3A_190 : memref<1x128x8xf32, #tpu.memory_space<vmem>> -> memref<128x8xf32, #tpu.memory_space<vmem>>
    %dma_wait3A_192 = arith.constant 0 : i32
    %dma_wait3A_193 = arith.constant 0 : i32
    %dma_wait3A_194 = tpu.memref_slice %arg5[%dma_wait3A_192, %dma_wait3A_193] : memref<100096x8xf32, #tpu.memory_space<hbm>> -> memref<128x8xf32, #tpu.memory_space<hbm>>
    tpu.wait_dma2 semaphore(%arg16 : memref<!tpu.dma_semaphore, #tpu.memory_space<semaphore_mem>>) src(%dma_wait3A_194 : memref<128x8xf32, #tpu.memory_space<hbm>>) dst(%dma_wait3A_191 : memref<128x8xf32, #tpu.memory_space<vmem>>)
    %dma_wait3A_195 = arith.constant 0 : i32
    %dma_wait3A_196 = arith.constant 0 : i32
    %dma_wait3A_197 = arith.constant 0 : i32
    %dma_wait3A_198 = tpu.memref_slice %arg13[%dma_wait3A_195, %dma_wait3A_196, %dma_wait3A_197] : memref<8x128x8xf32, #tpu.memory_space<vmem>> -> memref<1x128x8xf32, #tpu.memory_space<vmem>>
    %dma_wait3A_199 = tpu.memref_squeeze %dma_wait3A_198 : memref<1x128x8xf32, #tpu.memory_space<vmem>> -> memref<128x8xf32, #tpu.memory_space<vmem>>
    %dma_wait3A_200 = arith.constant 0 : i32
    %dma_wait3A_201 = arith.constant 0 : i32
    %dma_wait3A_202 = tpu.memref_slice %arg5[%dma_wait3A_200, %dma_wait3A_201] : memref<100096x8xf32, #tpu.memory_space<hbm>> -> memref<128x8xf32, #tpu.memory_space<hbm>>
    %dma_wait3A_203 = arith.constant 0 : i32
    %dma_wait3A_204 = arith.constant 0 : i32
    %dma_wait3A_205 = tpu.memref_slice %arg13[%dma_wait3A_195, %dma_wait3A_203, %dma_wait3A_204] : memref<8x128x8xf32, #tpu.memory_space<vmem>> -> memref<1x128x8xf32, #tpu.memory_space<vmem>>
    %dma_wait3A_206 = tpu.memref_squeeze %dma_wait3A_205 : memref<1x128x8xf32, #tpu.memory_space<vmem>> -> memref<128x8xf32, #tpu.memory_space<vmem>>
    %dma_wait3A_207 = arith.constant 0 : i32
    %dma_wait3A_208 = arith.constant 0 : i32
    %dma_wait3A_209 = tpu.memref_slice %arg5[%dma_wait3A_207, %dma_wait3A_208] : memref<100096x8xf32, #tpu.memory_space<hbm>> -> memref<128x8xf32, #tpu.memory_space<hbm>>
    tpu.wait_dma2 semaphore(%arg16 : memref<!tpu.dma_semaphore, #tpu.memory_space<semaphore_mem>>) src(%dma_wait3A_209 : memref<128x8xf32, #tpu.memory_space<hbm>>) dst(%dma_wait3A_206 : memref<128x8xf32, #tpu.memory_space<vmem>>)
    %dma_wait3A_210 = arith.constant 0 : i32
    %dma_wait3A_211 = arith.constant 0 : i32
    %dma_wait3A_212 = arith.constant 0 : i32
    %dma_wait3A_213 = tpu.memref_slice %arg13[%dma_wait3A_210, %dma_wait3A_211, %dma_wait3A_212] : memref<8x128x8xf32, #tpu.memory_space<vmem>> -> memref<1x128x8xf32, #tpu.memory_space<vmem>>
    %dma_wait3A_214 = tpu.memref_squeeze %dma_wait3A_213 : memref<1x128x8xf32, #tpu.memory_space<vmem>> -> memref<128x8xf32, #tpu.memory_space<vmem>>
    %dma_wait3A_215 = arith.constant 0 : i32
    %dma_wait3A_216 = arith.constant 0 : i32
    %dma_wait3A_217 = tpu.memref_slice %arg5[%dma_wait3A_215, %dma_wait3A_216] : memref<100096x8xf32, #tpu.memory_space<hbm>> -> memref<128x8xf32, #tpu.memory_space<hbm>>
    %dma_wait3A_218 = arith.constant 0 : i32
    %dma_wait3A_219 = arith.constant 0 : i32
    %dma_wait3A_220 = tpu.memref_slice %arg13[%dma_wait3A_210, %dma_wait3A_218, %dma_wait3A_219] : memref<8x128x8xf32, #tpu.memory_space<vmem>> -> memref<1x128x8xf32, #tpu.memory_space<vmem>>
    %dma_wait3A_221 = tpu.memref_squeeze %dma_wait3A_220 : memref<1x128x8xf32, #tpu.memory_space<vmem>> -> memref<128x8xf32, #tpu.memory_space<vmem>>
    %dma_wait3A_222 = arith.constant 0 : i32
    %dma_wait3A_223 = arith.constant 0 : i32
    %dma_wait3A_224 = tpu.memref_slice %arg5[%dma_wait3A_222, %dma_wait3A_223] : memref<100096x8xf32, #tpu.memory_space<hbm>> -> memref<128x8xf32, #tpu.memory_space<hbm>>
    tpu.wait_dma2 semaphore(%arg16 : memref<!tpu.dma_semaphore, #tpu.memory_space<semaphore_mem>>) src(%dma_wait3A_224 : memref<128x8xf32, #tpu.memory_space<hbm>>) dst(%dma_wait3A_221 : memref<128x8xf32, #tpu.memory_space<vmem>>)
    %dma_wait3A_225 = arith.constant 0 : i32
    %dma_wait3A_226 = arith.constant 0 : i32
    %dma_wait3A_227 = arith.constant 0 : i32
    %dma_wait3A_228 = tpu.memref_slice %arg13[%dma_wait3A_225, %dma_wait3A_226, %dma_wait3A_227] : memref<8x128x8xf32, #tpu.memory_space<vmem>> -> memref<1x128x8xf32, #tpu.memory_space<vmem>>
    %dma_wait3A_229 = tpu.memref_squeeze %dma_wait3A_228 : memref<1x128x8xf32, #tpu.memory_space<vmem>> -> memref<128x8xf32, #tpu.memory_space<vmem>>
    %dma_wait3A_230 = arith.constant 0 : i32
    %dma_wait3A_231 = arith.constant 0 : i32
    %dma_wait3A_232 = tpu.memref_slice %arg5[%dma_wait3A_230, %dma_wait3A_231] : memref<100096x8xf32, #tpu.memory_space<hbm>> -> memref<128x8xf32, #tpu.memory_space<hbm>>
    %dma_wait3A_233 = arith.constant 0 : i32
    %dma_wait3A_234 = arith.constant 0 : i32
    %dma_wait3A_235 = tpu.memref_slice %arg13[%dma_wait3A_225, %dma_wait3A_233, %dma_wait3A_234] : memref<8x128x8xf32, #tpu.memory_space<vmem>> -> memref<1x128x8xf32, #tpu.memory_space<vmem>>
    %dma_wait3A_236 = tpu.memref_squeeze %dma_wait3A_235 : memref<1x128x8xf32, #tpu.memory_space<vmem>> -> memref<128x8xf32, #tpu.memory_space<vmem>>
    %dma_wait3A_237 = arith.constant 0 : i32
    %dma_wait3A_238 = arith.constant 0 : i32
    %dma_wait3A_239 = tpu.memref_slice %arg5[%dma_wait3A_237, %dma_wait3A_238] : memref<100096x8xf32, #tpu.memory_space<hbm>> -> memref<128x8xf32, #tpu.memory_space<hbm>>
    tpu.wait_dma2 semaphore(%arg16 : memref<!tpu.dma_semaphore, #tpu.memory_space<semaphore_mem>>) src(%dma_wait3A_239 : memref<128x8xf32, #tpu.memory_space<hbm>>) dst(%dma_wait3A_236 : memref<128x8xf32, #tpu.memory_space<vmem>>)
    %dma_wait3A_240 = arith.constant 0 : i32
    %dma_wait3A_241 = arith.constant 0 : i32
    %dma_wait3A_242 = arith.constant 0 : i32
    %dma_wait3A_243 = tpu.memref_slice %arg13[%dma_wait3A_240, %dma_wait3A_241, %dma_wait3A_242] : memref<8x128x8xf32, #tpu.memory_space<vmem>> -> memref<1x128x8xf32, #tpu.memory_space<vmem>>
    %dma_wait3A_244 = tpu.memref_squeeze %dma_wait3A_243 : memref<1x128x8xf32, #tpu.memory_space<vmem>> -> memref<128x8xf32, #tpu.memory_space<vmem>>
    %dma_wait3A_245 = arith.constant 0 : i32
    %dma_wait3A_246 = arith.constant 0 : i32
    %dma_wait3A_247 = tpu.memref_slice %arg5[%dma_wait3A_245, %dma_wait3A_246] : memref<100096x8xf32, #tpu.memory_space<hbm>> -> memref<128x8xf32, #tpu.memory_space<hbm>>
    %dma_wait3A_248 = arith.constant 0 : i32
    %dma_wait3A_249 = arith.constant 0 : i32
    %dma_wait3A_250 = tpu.memref_slice %arg13[%dma_wait3A_240, %dma_wait3A_248, %dma_wait3A_249] : memref<8x128x8xf32, #tpu.memory_space<vmem>> -> memref<1x128x8xf32, #tpu.memory_space<vmem>>
    %dma_wait3A_251 = tpu.memref_squeeze %dma_wait3A_250 : memref<1x128x8xf32, #tpu.memory_space<vmem>> -> memref<128x8xf32, #tpu.memory_space<vmem>>
    %dma_wait3A_252 = arith.constant 0 : i32
    %dma_wait3A_253 = arith.constant 0 : i32
    %dma_wait3A_254 = tpu.memref_slice %arg5[%dma_wait3A_252, %dma_wait3A_253] : memref<100096x8xf32, #tpu.memory_space<hbm>> -> memref<128x8xf32, #tpu.memory_space<hbm>>
    tpu.wait_dma2 semaphore(%arg16 : memref<!tpu.dma_semaphore, #tpu.memory_space<semaphore_mem>>) src(%dma_wait3A_254 : memref<128x8xf32, #tpu.memory_space<hbm>>) dst(%dma_wait3A_251 : memref<128x8xf32, #tpu.memory_space<vmem>>)
    %barrier3A_255 = arith.constant 0 : index
    tpu.barrier barrier_id(%barrier3A_255)
    %mul3A_256 = arith.constant 6256 : i32
    %mul3A_257 = arith.muli %arg1, %mul3A_256 : i32
    %mul3A_258 = arith.constant 6256 : i32
    %mul3A_259 = arith.muli %arg1, %mul3A_258 : i32
    "tpu.region"() ({
      %run_scoped3A = tpu.sem_alloc : memref<!tpu.dma_semaphore, #tpu.memory_space<semaphore_mem>>
      %dma_start3A = arith.constant 0 : i32
      %dma_start3A_260 = tpu.memref_slice %arg6[%arg0, %mul3A_259, %dma_start3A] : memref<2x100096x8xf32, #tpu.memory_space<hbm>> -> memref<1x6256x8xf32, #tpu.memory_space<hbm>>
      %dma_start3A_261 = tpu.memref_squeeze %dma_start3A_260 : memref<1x6256x8xf32, #tpu.memory_space<hbm>> -> memref<6256x8xf32, #tpu.memory_space<hbm>>
      %dma_start3A_262 = arith.constant 0 : i32
      %dma_start3A_263 = tpu.memref_slice %arg7[%mul3A_257, %dma_start3A_262] : memref<100096x8xf32, #tpu.memory_space<vmem_shared>> -> memref<6256x8xf32, #tpu.memory_space<vmem_shared>>
      tpu.enqueue_dma source(%dma_start3A_263 : memref<6256x8xf32, #tpu.memory_space<vmem_shared>>) target(%dma_start3A_261 : memref<6256x8xf32, #tpu.memory_space<hbm>>) target_semaphore(%run_scoped3A : memref<!tpu.dma_semaphore, #tpu.memory_space<semaphore_mem>>)
      %dma_wait3A_264 = arith.constant 0 : i32
      %dma_wait3A_265 = tpu.memref_slice %arg6[%arg0, %mul3A_259, %dma_wait3A_264] : memref<2x100096x8xf32, #tpu.memory_space<hbm>> -> memref<1x6256x8xf32, #tpu.memory_space<hbm>>
      %dma_wait3A_266 = tpu.memref_squeeze %dma_wait3A_265 : memref<1x6256x8xf32, #tpu.memory_space<hbm>> -> memref<6256x8xf32, #tpu.memory_space<hbm>>
      %dma_wait3A_267 = arith.constant 0 : i32
      %dma_wait3A_268 = tpu.memref_slice %arg7[%mul3A_257, %dma_wait3A_267] : memref<100096x8xf32, #tpu.memory_space<vmem_shared>> -> memref<6256x8xf32, #tpu.memory_space<vmem_shared>>
      tpu.wait_dma2 semaphore(%run_scoped3A : memref<!tpu.dma_semaphore, #tpu.memory_space<semaphore_mem>>) src(%dma_wait3A_268 : memref<6256x8xf32, #tpu.memory_space<vmem_shared>>) dst(%dma_wait3A_266 : memref<6256x8xf32, #tpu.memory_space<hbm>>)
      tpu.yield
    }) : () -> ()
    return
  }
}

module attributes {stable_mosaic.version = 14 : i64} {
  func.func @body(%arg0: memref<2x6256x128xf32, #tpu.memory_space<vmem>>, %arg1: memref<6256x128xf32, #tpu.memory_space<vmem>>, %arg2: memref<6256x128xf32, #tpu.memory_space<vmem>>, %arg3: memref<6256x128xf32, #tpu.memory_space<vmem>>) attributes {dimension_semantics = [], scalar_prefetch = 0 : i64, scratch_operands = 0 : i64, tpu.core_type = #tpu.core_type<tc>} {
    %get3A = arith.constant 0 : index
    %get3A_0 = arith.constant 0 : index
    %get3A_1 = arith.constant 0 : index
    %get3A_2 = vector.load %arg0[%get3A, %get3A_0, %get3A_1] : memref<2x6256x128xf32, #tpu.memory_space<vmem>>, vector<1x6256x128xf32>
    %get3A_3 = vector.shape_cast %get3A_2 : vector<1x6256x128xf32> to vector<6256x128xf32>
    %get3A_4 = arith.constant 1 : index
    %get3A_5 = arith.constant 0 : index
    %get3A_6 = arith.constant 0 : index
    %get3A_7 = vector.load %arg0[%get3A_4, %get3A_5, %get3A_6] : memref<2x6256x128xf32, #tpu.memory_space<vmem>>, vector<1x6256x128xf32>
    %get3A_8 = vector.shape_cast %get3A_7 : vector<1x6256x128xf32> to vector<6256x128xf32>
    %add3A = arith.addf %get3A_3, %get3A_8 : vector<6256x128xf32>
    %add3A_9 = arith.constant 1.000000e+00 : f32
    %add3A_10 = vector.broadcast %add3A_9 : f32 to vector<6256x128xf32>
    %add3A_11 = arith.addf %add3A, %add3A_10 : vector<6256x128xf32>
    %rsqrt3A = math.rsqrt %add3A_11 : vector<6256x128xf32>
    %swap3A = arith.constant 0 : index
    %swap3A_12 = arith.constant 0 : index
    %swap3A_13 = vector.load %arg3[%swap3A, %swap3A_12] : memref<6256x128xf32, #tpu.memory_space<vmem>>, vector<6256x128xf32>
    tpu.vector_store %arg3[%swap3A, %swap3A_12], %rsqrt3A {strides = array<i32>} : memref<6256x128xf32, #tpu.memory_space<vmem>>, vector<6256x128xf32>,
    %get3A_14 = arith.constant 0 : index
    %get3A_15 = arith.constant 0 : index
    %get3A_16 = vector.load %arg1[%get3A_14, %get3A_15] : memref<6256x128xf32, #tpu.memory_space<vmem>>, vector<6256x128xf32>
    %mul3A = arith.mulf %get3A_16, %rsqrt3A : vector<6256x128xf32>
    %swap3A_17 = arith.constant 0 : index
    %swap3A_18 = arith.constant 0 : index
    %swap3A_19 = vector.load %arg2[%swap3A_17, %swap3A_18] : memref<6256x128xf32, #tpu.memory_space<vmem>>, vector<6256x128xf32>
    tpu.vector_store %arg2[%swap3A_17, %swap3A_18], %mul3A {strides = array<i32>} : memref<6256x128xf32, #tpu.memory_space<vmem>>, vector<6256x128xf32>,
    return
  }
}

module attributes {stable_mosaic.version = 14 : i64} {
  func.func @body(%arg0: i32, %arg1: memref<2x368x128xf32, #tpu.memory_space<vmem>>, %arg2: memref<368x128xf32, #tpu.memory_space<vmem>>, %arg3: memref<368x128xf32, #tpu.memory_space<vmem>>, %arg4: memref<128x800xf32, #tpu.memory_space<vmem>>, %arg5: memref<1x800xf32, #tpu.memory_space<vmem>>, %arg6: memref<800x16xf32, #tpu.memory_space<vmem>>, %arg7: memref<16x128xf32, #tpu.memory_space<vmem>>, %arg8: memref<368x128xf32, #tpu.memory_space<vmem>>) attributes {dimension_semantics = [#tpu.dimension_semantics<arbitrary>], iteration_bounds = array<i64: 17>, scalar_prefetch = 0 : i64, scratch_operands = 0 : i64, tpu.core_type = #tpu.core_type<tc>, window_params = [{transform_indices = @transform_0, window_bounds = array<i64: 2, 368, 128>}, {transform_indices = @transform_1, window_bounds = array<i64: 368, 128>}, {transform_indices = @transform_2, window_bounds = array<i64: 368, 128>}, {pipeline_mode = #tpu.pipeline_mode<synchronous>, transform_indices = @transform_3, window_bounds = array<i64: 128, 800>}, {pipeline_mode = #tpu.pipeline_mode<synchronous>, transform_indices = @transform_4, window_bounds = array<i64: 1, 800>}, {pipeline_mode = #tpu.pipeline_mode<synchronous>, transform_indices = @transform_5, window_bounds = array<i64: 800, 16>}, {pipeline_mode = #tpu.pipeline_mode<synchronous>, transform_indices = @transform_6, window_bounds = array<i64: 16, 128>}, {transform_indices = @transform_7, window_bounds = array<i64: 368, 128>}]} {
    %get3A = arith.constant 0 : index
    %get3A_0 = arith.constant 0 : index
    %get3A_1 = arith.constant 0 : index
    %get3A_2 = vector.load %arg1[%get3A, %get3A_0, %get3A_1] : memref<2x368x128xf32, #tpu.memory_space<vmem>>, vector<1x368x128xf32>
    %get3A_3 = vector.shape_cast %get3A_2 : vector<1x368x128xf32> to vector<368x128xf32>
    %get3A_4 = arith.constant 1 : index
    %get3A_5 = arith.constant 0 : index
    %get3A_6 = arith.constant 0 : index
    %get3A_7 = vector.load %arg1[%get3A_4, %get3A_5, %get3A_6] : memref<2x368x128xf32, #tpu.memory_space<vmem>>, vector<1x368x128xf32>
    %get3A_8 = vector.shape_cast %get3A_7 : vector<1x368x128xf32> to vector<368x128xf32>
    %add3A = arith.addf %get3A_3, %get3A_8 : vector<368x128xf32>
    %get3A_9 = arith.constant 0 : index
    %get3A_10 = arith.constant 0 : index
    %get3A_11 = vector.load %arg2[%get3A_9, %get3A_10] : memref<368x128xf32, #tpu.memory_space<vmem>>, vector<368x128xf32>
    %add3A_12 = arith.addf %add3A, %get3A_11 : vector<368x128xf32>
    %get3A_13 = arith.constant 0 : index
    %get3A_14 = arith.constant 0 : index
    %get3A_15 = vector.load %arg3[%get3A_13, %get3A_14] : memref<368x128xf32, #tpu.memory_space<vmem>>, vector<368x128xf32>
    %mul3A = arith.mulf %add3A_12, %get3A_15 : vector<368x128xf32>
    %get3A_16 = arith.constant 0 : index
    %get3A_17 = arith.constant 0 : index
    %get3A_18 = vector.load %arg4[%get3A_16, %get3A_17] : memref<128x800xf32, #tpu.memory_space<vmem>>, vector<128x800xf32>
    %dot_general3A = arith.constant dense<0.000000e+00> : vector<368x800xf32>
    %dot_general3A_19 = tpu.matmul %mul3A, %get3A_18, %dot_general3A {dimension_numbers = #tpu.dot_dimension_numbers<[1], [0], [0], [1], [0, 0, 1, 1], [], []>, transpose_lhs_hint = false} : vector<368x128xf32>, vector<128x800xf32>, vector<368x800xf32> -> vector<368x800xf32>
    %get3A_20 = arith.constant 0 : index
    %get3A_21 = arith.constant 0 : index
    %get3A_22 = vector.load %arg5[%get3A_20, %get3A_21] : memref<1x800xf32, #tpu.memory_space<vmem>>, vector<1x800xf32>
    %add3A_23 = vector.broadcast %get3A_22 : vector<1x800xf32> to vector<368x800xf32>
    %add3A_24 = arith.addf %dot_general3A_19, %add3A_23 : vector<368x800xf32>
    %logistic3A = arith.negf %add3A_24 : vector<368x800xf32>
    %logistic3A_25 = math.exp %logistic3A : vector<368x800xf32>
    %logistic3A_26 = arith.constant 1.000000e+00 : f32
    %logistic3A_27 = vector.broadcast %logistic3A_26 : f32 to vector<368x800xf32>
    %logistic3A_28 = arith.addf %logistic3A_27, %logistic3A_25 : vector<368x800xf32>
    %logistic3A_29 = arith.divf %logistic3A_27, %logistic3A_28 : vector<368x800xf32>
    %mul3A_30 = arith.mulf %add3A_24, %logistic3A_29 : vector<368x800xf32>
    %get3A_31 = arith.constant 0 : index
    %get3A_32 = arith.constant 0 : index
    %get3A_33 = vector.load %arg6[%get3A_31, %get3A_32] : memref<800x16xf32, #tpu.memory_space<vmem>>, vector<800x16xf32>
    %dot_general3A_34 = arith.constant dense<0.000000e+00> : vector<368x16xf32>
    %dot_general3A_35 = tpu.matmul %mul3A_30, %get3A_33, %dot_general3A_34 {dimension_numbers = #tpu.dot_dimension_numbers<[1], [0], [0], [1], [0, 0, 1, 1], [], []>, transpose_lhs_hint = false} : vector<368x800xf32>, vector<800x16xf32>, vector<368x16xf32> -> vector<368x16xf32>
    %get3A_36 = arith.constant 0 : index
    %get3A_37 = arith.constant 0 : index
    %get3A_38 = vector.load %arg7[%get3A_36, %get3A_37] : memref<16x128xf32, #tpu.memory_space<vmem>>, vector<16x128xf32>
    %dot_general3A_39 = arith.constant dense<0.000000e+00> : vector<368x128xf32>
    %dot_general3A_40 = tpu.matmul %dot_general3A_35, %get3A_38, %dot_general3A_39 {dimension_numbers = #tpu.dot_dimension_numbers<[1], [0], [0], [1], [0, 0, 1, 1], [], []>, transpose_lhs_hint = false} : vector<368x16xf32>, vector<16x128xf32>, vector<368x128xf32> -> vector<368x128xf32>
    %get3A_41 = arith.constant 0 : index
    %get3A_42 = arith.constant 0 : index
    %get3A_43 = vector.load %arg3[%get3A_41, %get3A_42] : memref<368x128xf32, #tpu.memory_space<vmem>>, vector<368x128xf32>
    %mul3A_44 = arith.mulf %dot_general3A_40, %get3A_43 : vector<368x128xf32>
    %swap3A = arith.constant 0 : index
    %swap3A_45 = arith.constant 0 : index
    %swap3A_46 = vector.load %arg8[%swap3A, %swap3A_45] : memref<368x128xf32, #tpu.memory_space<vmem>>, vector<368x128xf32>
    tpu.vector_store %arg8[%swap3A, %swap3A_45], %mul3A_44 {strides = array<i32>} : memref<368x128xf32, #tpu.memory_space<vmem>>, vector<368x128xf32>,
    return
  }
  func.func @transform_0(%arg0: i32) -> (i32, i32, i32) {
    %c0_i32 = arith.constant 0 : i32
    %c0_i32_0 = arith.constant 0 : i32
    %c0_i32_1 = arith.constant 0 : i32
    return %c0_i32, %arg0, %c0_i32_0 : i32, i32, i32
  }
  func.func @transform_1(%arg0: i32) -> (i32, i32) {
    %c0_i32 = arith.constant 0 : i32
    %c0_i32_0 = arith.constant 0 : i32
    return %arg0, %c0_i32 : i32, i32
  }
  func.func @transform_2(%arg0: i32) -> (i32, i32) {
    %c0_i32 = arith.constant 0 : i32
    %c0_i32_0 = arith.constant 0 : i32
    return %arg0, %c0_i32 : i32, i32
  }
  func.func @transform_3(%arg0: i32) -> (i32, i32) {
    %c0_i32 = arith.constant 0 : i32
    %c0_i32_0 = arith.constant 0 : i32
    %c0_i32_1 = arith.constant 0 : i32
    return %c0_i32, %c0_i32_0 : i32, i32
  }
  func.func @transform_4(%arg0: i32) -> (i32, i32) {
    %c0_i32 = arith.constant 0 : i32
    %c0_i32_0 = arith.constant 0 : i32
    %c0_i32_1 = arith.constant 0 : i32
    return %c0_i32, %c0_i32_0 : i32, i32
  }
  func.func @transform_5(%arg0: i32) -> (i32, i32) {
    %c0_i32 = arith.constant 0 : i32
    %c0_i32_0 = arith.constant 0 : i32
    %c0_i32_1 = arith.constant 0 : i32
    return %c0_i32, %c0_i32_0 : i32, i32
  }
  func.func @transform_6(%arg0: i32) -> (i32, i32) {
    %c0_i32 = arith.constant 0 : i32
    %c0_i32_0 = arith.constant 0 : i32
    %c0_i32_1 = arith.constant 0 : i32
    return %c0_i32, %c0_i32_0 : i32, i32
  }
  func.func @transform_7(%arg0: i32) -> (i32, i32) {
    %c0_i32 = arith.constant 0 : i32
    %c0_i32_0 = arith.constant 0 : i32
    return %arg0, %c0_i32 : i32, i32
  }
}

module attributes {stable_mosaic.version = 14 : i64} {
  func.func @body(%arg0: memref<50x125x128xf32, #tpu.memory_space<vmem>>, %arg1: memref<50x125x128xf32, #tpu.memory_space<vmem>>, %arg2: memref<50x125x128xf32, #tpu.memory_space<vmem>>, %arg3: memref<50x125x128xf32, #tpu.memory_space<vmem>>, %arg4: memref<50x2xf32, #tpu.memory_space<vmem>>, %arg5: memref<1x2xf32, #tpu.memory_space<vmem>>, %arg6: memref<1x2xf32, #tpu.memory_space<vmem>>, %arg7: memref<1x1xf32, #tpu.memory_space<vmem>>, %arg8: memref<50x2xf32, #tpu.memory_space<vmem>>) attributes {dimension_semantics = [], scalar_prefetch = 0 : i64, scratch_operands = 0 : i64, tpu.core_type = #tpu.core_type<tc>} {
    %get3A = arith.constant 0 : index
    %get3A_0 = arith.constant 0 : index
    %get3A_1 = vector.load %arg5[%get3A, %get3A_0] : memref<1x2xf32, #tpu.memory_space<vmem>>, vector<1x2xf32>
    %get3A_2 = arith.constant 0 : index
    %get3A_3 = arith.constant 0 : index
    %get3A_4 = vector.load %arg6[%get3A_2, %get3A_3] : memref<1x2xf32, #tpu.memory_space<vmem>>, vector<1x2xf32>
    %mul3A = arith.mulf %get3A_1, %get3A_4 : vector<1x2xf32>
    %reduce_sum3A = vector.shape_cast %mul3A : vector<1x2xf32> to vector<1x1x2xf32>
    %reduce_sum3A_5 = arith.constant dense<0.000000e+00> : vector<1xf32>
    %reduce_sum3A_6 = vector.multi_reduction <add>, %reduce_sum3A, %reduce_sum3A_5 [1, 2] : vector<1x1x2xf32> to vector<1xf32>
    %reduce_sum3A_7 = vector.shape_cast %reduce_sum3A_6 : vector<1xf32> to vector<1x1x1xf32>
    %reduce_sum3A_8 = vector.extract %reduce_sum3A_7[0, 0, 0] : f32 from vector<1x1x1xf32>
    %get3A_9 = arith.constant 0 : index
    %get3A_10 = arith.constant 0 : index
    %get3A_11 = vector.load %arg7[%get3A_9, %get3A_10] : memref<1x1xf32, #tpu.memory_space<vmem>>, vector<1x1xf32>
    %get3A_12 = vector.extract %get3A_11[0, 0] : f32 from vector<1x1xf32>
    %add3A = arith.addf %reduce_sum3A_8, %get3A_12 : f32
    %get3A_13 = arith.constant 0 : index
    %get3A_14 = arith.constant 0 : index
    %get3A_15 = arith.constant 0 : index
    %get3A_16 = vector.load %arg0[%get3A_13, %get3A_14, %get3A_15] : memref<50x125x128xf32, #tpu.memory_space<vmem>>, vector<50x125x128xf32>
    %get3A_17 = arith.constant 0 : index
    %get3A_18 = arith.constant 0 : index
    %get3A_19 = arith.constant 0 : index
    %get3A_20 = vector.load %arg1[%get3A_17, %get3A_18, %get3A_19] : memref<50x125x128xf32, #tpu.memory_space<vmem>>, vector<50x125x128xf32>
    %add3A_21 = arith.addf %get3A_16, %get3A_20 : vector<50x125x128xf32>
    %get3A_22 = arith.constant 0 : index
    %get3A_23 = arith.constant 0 : index
    %get3A_24 = arith.constant 0 : index
    %get3A_25 = vector.load %arg2[%get3A_22, %get3A_23, %get3A_24] : memref<50x125x128xf32, #tpu.memory_space<vmem>>, vector<50x125x128xf32>
    %add3A_26 = arith.addf %add3A_21, %get3A_25 : vector<50x125x128xf32>
    %get3A_27 = arith.constant 0 : index
    %get3A_28 = arith.constant 0 : index
    %get3A_29 = arith.constant 0 : index
    %get3A_30 = vector.load %arg3[%get3A_27, %get3A_28, %get3A_29] : memref<50x125x128xf32, #tpu.memory_space<vmem>>, vector<50x125x128xf32>
    %mul3A_31 = arith.mulf %add3A_26, %get3A_30 : vector<50x125x128xf32>
    %add3A_32 = vector.broadcast %add3A : f32 to vector<50x125x128xf32>
    %add3A_33 = arith.addf %mul3A_31, %add3A_32 : vector<50x125x128xf32>
    %iota3A = tpu.iota {dimensions = array<i32: 1>} : vector<50x125x128xi32>
    %iota3A_34 = tpu.iota {dimensions = array<i32: 2>} : vector<50x125x128xi32>
    %mul3A_35 = arith.constant 128 : i32
    %mul3A_36 = vector.broadcast %mul3A_35 : i32 to vector<50x125x128xi32>
    %mul3A_37 = arith.muli %iota3A, %mul3A_36 : vector<50x125x128xi32>
    %add3A_38 = arith.addi %mul3A_37, %iota3A_34 : vector<50x125x128xi32>
    %lt3A = arith.constant 8000 : i32
    %lt3A_39 = vector.broadcast %lt3A : i32 to vector<50x125x128xi32>
    %lt3A_40 = arith.cmpi slt, %add3A_38, %lt3A_39 : vector<50x125x128xi32>
    %jit3A = arith.constant 0.000000e+00 : f32
    %broadcast_in_dim3A = vector.broadcast %jit3A : f32 to vector<50x125x128xf32>
    %select_n3A = arith.select %lt3A_40, %add3A_33, %broadcast_in_dim3A : vector<50x125x128xi1>, vector<50x125x128xf32>
    %reduce_sum3A_41 = arith.constant dense<0.000000e+00> : vector<50xf32>
    %reduce_sum3A_42 = vector.multi_reduction <add>, %select_n3A, %reduce_sum3A_41 [1, 2] : vector<50x125x128xf32> to vector<50xf32>
    %reduce_sum3A_43 = arith.constant dense<0.000000e+00> : vector<50xf32>
    %reduce_sum3A_44 = vector.multi_reduction <add>, %add3A_33, %reduce_sum3A_43 [1, 2] : vector<50x125x128xf32> to vector<50xf32>
    %sub3A = arith.subf %reduce_sum3A_44, %reduce_sum3A_42 : vector<50xf32>
    %stack3A = vector.shape_cast %reduce_sum3A_42 : vector<50xf32> to vector<50x1xf32>
    %stack3A_45 = vector.shape_cast %sub3A : vector<50xf32> to vector<50x1xf32>
    %stack3A_46 = tpu.concatenate %stack3A, %stack3A_45 in 1 : vector<50x1xf32>, vector<50x1xf32> -> vector<50x2xf32>
    %get3A_47 = arith.constant 0 : index
    %get3A_48 = arith.constant 0 : index
    %get3A_49 = vector.load %arg4[%get3A_47, %get3A_48] : memref<50x2xf32, #tpu.memory_space<vmem>>, vector<50x2xf32>
    %mul3A_50 = arith.mulf %stack3A_46, %get3A_49 : vector<50x2xf32>
    %mul3A_51 = arith.constant 1.250000e-01 : f32
    %mul3A_52 = vector.broadcast %mul3A_51 : f32 to vector<50x2xf32>
    %mul3A_53 = arith.mulf %mul3A_50, %mul3A_52 : vector<50x2xf32>
    %swap3A = arith.constant 0 : index
    %swap3A_54 = arith.constant 0 : index
    %swap3A_55 = vector.load %arg8[%swap3A, %swap3A_54] : memref<50x2xf32, #tpu.memory_space<vmem>>, vector<50x2xf32>
    tpu.vector_store %arg8[%swap3A, %swap3A_54], %mul3A_53 {strides = array<i32>} : memref<50x2xf32, #tpu.memory_space<vmem>>, vector<50x2xf32>,
    return
  }
}

</mosaic_0001>

<sc_bundles>
// kernel: kernel.11.cloned.1.call-start
scs
__scs_entry_jumppad:
0x0: {  	(pc) =	sbr.rel $0x88, $3  }
0x1: {  	(tag) =	ssettag $0x0;
	lr =	simm.s32 $0x1  }
0x2: {  	[smem:$0x3F98] =	sst lr;
	_ =	strace $0xD0000000  }
0x3: {  	_ = 	snop  }
0x4: {  	_ = 	snop  }
0x5: {  	_ = 	snop  }
0x6: {  	_ = 	snop  }
0x7: {  	_ = 	snop  }
__scs_overlays_trampoline_lowered:
0x8: {  	[smem:$0x3FA7] =	sst s0  }
0x9: {  	[smem:$0x3FA8] =	sst s1  }
0xa: {  	[smem:$0x3FA9] =	sst s2  }
0xb: {  	[smem:$0x3FAA] =	sst s3  }
0xc: {  	[smem:$0x3FAB] =	sst s4  }
0xd: {  	[smem:$0x3FAC] =	sst s5  }
0xe: {  	[smem:$0x3FAD] =	sst s6  }
0xf: {  	[smem:$0x3FAE] =	sst s7  }
0x10: {  	[smem:$0x3FAF] =	sst s8  }
0x11: {  	[smem:$0x3FB0] =	sst s9;
	s0 =	simm.s32 @!p0 $0x0  }
0x12: {  	s1 =	sld [smem:$0x3F96];
	s0 =	simm.s32 @p0 $0x1  }
0x13: {  	[smem:$0x3FB1] =	sst s0;
	s0 =	simm.s32 @!p1 $0x0  }
0x14: {  	s2 =	sld [smem:$0x3F95];
	s0 =	simm.s32 @p1 $0x1  }
0x15: {  	[smem:$0x3FB2] =	sst s0;
	s0 =	simm.s32 @!p2 $0x0  }
0x16: {  	s3 =	sld [smem:$0x3FDB];
	s0 =	simm.s32 @p2 $0x1  }
0x17: {  	s4 =	simm.s32 $0x1BF5;
	[smem:$0x3FB4] =	sst s0  }
0x18: {  	s0 =	sld [smem:$0x3F97];
	_ =	swait.ge [sflag:s4], $0x0  }
0x19: {  	s7 =	sld [smem:$0x3F98]  }
0x1a: {  	s8 =	sadd.s32 $0xFFFFE003, lr  }
0x1b: {  	s9 =	sadd.s32 $0xFFFFFEF7, lr;
	s5 =	simm.s32 $0xFFFFFFFF;
	p2 =	slt.u32 s8, $0xFFFFF086  }
0x1c: {  	p1 =	slt.u32 s9, $0xF7A;
	s5 =	simm.s32 @!p2 $0x0  }
0x1d: {  	s5 =	simm.s32 @p1 $0x1;
	p0 =	seq.s32 s7, s2  }
0x1e: {  	s7 =	smul.u32 @!p0 $0xF7A, s2;
	p2 =	seq.s32 @!p0 s5, $0x0  }
0x1f: {  	s9 =	smul.u32 $0xF7A, s1;
	s8 =	simm.s32 @!p0 $0x1BF5;
	p2 =	por !p2, p0  }
0x20: {  	[sflag:s8] =	ssyncset.s32 @!p0 $0xFFFFF086;
	s6 =	sadd.s32 @!p0 s3, s7;
	s7 =	simm.s32 @!p0 $0x108  }
0x21: {  	s3 =	sadd.s32 s3, s9;
	s6 =	sadd.s32 @!p0 $0x88, s6;
	s7 =	simm.s32 @p2 $0x1082  }
0x22: {  	[simem:s7], [sflag:s8] =	dma.local @!p0 [hbm:s6], $0xF7A  }
0x23: {  	s9 =	sor.u32 $0xD0000000, s2;
	s6 =	simm.s32 $0x108;
	_ =	swait.ge @!p0 [sflag:s8], $0x0  }
0x24: {  	s3 =	sadd.s32 $0x88, s3;
	s6 =	simm.s32 @!p1 $0x1082;
	[sflag:s4] =	ssyncset.s32 $0xFFFFF086  }
0x25: {  	[simem:s6], [sflag:s4] =	dma.local [hbm:s3], $0xF7A  }
0x26: {  	[smem:$0x3F98] =	sst s1;
	(tag) =	ssettag s2;
	_ =	strace s9  }
0x27: {  	s1 =	sld [smem:$0x3FA8]  }
0x28: {  	s2 =	sld [smem:$0x3FA9]  }
0x29: {  	s4 =	sld [smem:$0x3FAB]  }
0x2a: {  	p0 =	seq.s32 s5, $0x0;
	s5 =	sld [smem:$0x3FAC]  }
0x2b: {  	s6 =	sld [smem:$0x3FAD]  }
0x2c: {  	s7 =	sld [smem:$0x3FAE]  }
0x2d: {  	s3 =	simm.s32 $0x108;
	s8 =	sld [smem:$0x3FAF]  }
0x2e: {  	s3 =	simm.s32 @!p0 $0x1082;
	s9 =	sld [smem:$0x3FB0]  }
0x2f: {  	lr =	sadd.s32 s0, s3;
	s0 =	sld [smem:$0x3FA7]  }
0x30: {  	s3 =	sld [smem:$0x3FAA]  }
0x31: {  	[smem:$0x3FB3] =	sst s10  }
0x32: {  	s10 =	sld [smem:$0x3FB1];
	_ =	sdelay $0x3  }
0x33: {  	p0 =	seq.s32 s10, $0x1;
	s10 =	sld [smem:$0x3FB3];
	_ =	sdelay $0x3  }
0x34: {  	[smem:$0x3FB3] =	sst s10  }
0x35: {  	s10 =	sld [smem:$0x3FB2];
	_ =	sdelay $0x3  }
0x36: {  	p1 =	seq.s32 s10, $0x1;
	s10 =	sld [smem:$0x3FB3];
	_ =	sdelay $0x3  }
0x37: {  	[smem:$0x3FB3] =	sst s10  }
0x38: {  	s10 =	sld [smem:$0x3FB4]  }
0x39: {  	_ = 	snop;
	(pc) =	sbr.ind lr, $3  }
0x3a: {  	_ = 	snop  }
0x3b: {  	_ = 	snop  }
0x3c: {  	p2 =	seq.s32 s10, $0x1;
	s10 =	sld [smem:$0x3FB3]  }
0x3d: {  	_ =	shalt  }
0x3e: {  	_ =	shalt  }
0x3f: {  	_ =	shalt  }
0x40: {  	_ =	shalt  }
0x41: {  	_ =	shalt  }
0x42: {  	_ =	shalt  }
0x43: {  	_ =	shalt  }
0x44: {  	_ =	shalt  }
0x45: {  	_ =	shalt  }
0x46: {  	_ =	shalt  }
0x47: {  	_ =	shalt  }
0x48: {  	_ =	shalt  }
0x49: {  	_ =	shalt  }
0x4a: {  	_ =	shalt  }
0x4b: {  	_ =	shalt  }
0x4c: {  	_ =	shalt  }
0x4d: {  	_ =	shalt  }
0x4e: {  	_ =	shalt  }
0x4f: {  	_ =	shalt  }
0x50: {  	_ =	shalt  }
0x51: {  	_ =	shalt  }
0x52: {  	_ =	shalt  }
0x53: {  	_ =	shalt  }
0x54: {  	_ =	shalt  }
0x55: {  	_ =	shalt  }
0x56: {  	_ =	shalt  }
0x57: {  	_ =	shalt  }
0x58: {  	_ =	shalt  }
0x59: {  	_ =	shalt  }
0x5a: {  	_ =	shalt  }
0x5b: {  	_ =	shalt  }
0x5c: {  	_ =	shalt  }
0x5d: {  	_ =	shalt  }
0x5e: {  	_ =	shalt  }
0x5f: {  	_ =	shalt  }
0x60: {  	_ =	shalt  }
0x61: {  	_ =	shalt  }
0x62: {  	_ =	shalt  }
0x63: {  	_ =	shalt  }
0x64: {  	_ =	shalt  }
0x65: {  	_ =	shalt  }
0x66: {  	_ =	shalt  }
0x67: {  	_ =	shalt  }
0x68: {  	_ =	shalt  }
0x69: {  	_ =	shalt  }
0x6a: {  	_ =	shalt  }
0x6b: {  	_ =	shalt  }
0x6c: {  	_ =	shalt  }
0x6d: {  	_ =	shalt  }
0x6e: {  	_ =	shalt  }
0x6f: {  	_ =	shalt  }
0x70: {  	_ =	shalt  }
0x71: {  	_ =	shalt  }
0x72: {  	_ =	shalt  }
0x73: {  	_ =	shalt  }
0x74: {  	_ =	shalt  }
0x75: {  	_ =	shalt  }
0x76: {  	_ =	shalt  }
0x77: {  	_ =	shalt  }
0x78: {  	_ =	shalt  }
0x79: {  	_ =	shalt  }
0x7a: {  	_ =	shalt  }
0x7b: {  	_ =	shalt  }
0x7c: {  	_ =	shalt  }
0x7d: {  	_ =	shalt  }
0x7e: {  	_ =	shalt  }
0x7f: {  	_ =	shalt  }
0x80: {  	_ =	shalt  }
0x81: {  	_ =	shalt  }
0x82: {  	_ =	shalt  }
0x83: {  	_ =	shalt  }
0x84: {  	_ =	shalt  }
0x85: {  	_ =	shalt  }
0x86: {  	_ =	shalt  }
0x87: {  	_ =	shalt  }
.Lfunc_end0:
.L_simem_size_0:
called_computation.1_lowered:
.L_overlay_start_0:
0x88: {  	s2 =	sld [smem:$0x3FD9]  }
0x89: {  	s3 =	sld [smem:$0x3FFE];
	_ =	sdelay $0x1  }
0x8a: {  	s1 =	srdreg.scid  }
0x8b: {  	s0 =	sand.u32 $0x1, s1  }
0x8c: {  	s16 =	sshll.u32 s0, $0xA;
	s2 =	sadd.s32 s3, s2  }
0x8d: {  	s2 =	sadd.s32 s2, s16  }
0x8e: {  	[smem:$0x3FBF] =	sst s2  }
0x8f: {  	_ = 	snop  }
0x90: {  	(tm) =	ssettm $0x1  }
0x91: {  	s17 =	sld [smem:$0x3FFB];
	_ =	sdelay $0x3  }
0x92: {  	_ =	strace s17  }
0x93: {  	s2 =	sld [smem:$0x3FFC];
	_ =	sdelay $0x3  }
0x94: {  	_ =	strace s2  }
0x95: {  	s2 =	sld [smem:$0x3FFD];
	_ =	sdelay $0x3  }
0x96: {  	_ =	strace s2  }
0x97: {  	_ =	strace $0x8FFFFFFF  }
0x98: {  	s18 =	sld [smem:$0x3FDB];
	_ =	sdelay $0x1  }
0x99: {  	s19 =	simm.s32 $_scs_section_size  }
0x9a: {  	s4 =	simm.s32 $_size__tile_overlayer_lowered;
	s5 =	simm.s32 $_tile_overlayer_lowered  }
0x9b: {  	s22 =	simm.s32 $0x1BFF;
	s21 =	sshll.u32 s5, $0x1;
	s2 =	sadd.s32 s19, s18  }
0x9c: {  	s6 =	simm.s32 $0x0;
	s20 =	sshll.u32 s4, $0x1;
	s4 =	sadd.s32 s21, s2  }
0x9d: {  	[timem:s6], [sflag:s22] =	dma.local [hbm:s4], s20  }
0x9e: {  	_ =	swait.ge [sflag:s22], s20  }
0x9f: {  	s3 =	ssub.s32 $0x0, s20;
	[sflag:s22] =	ssyncset.done $0x0  }
0xa0: {  	[sflag:s22] =	ssyncadd.s32 s3;
	_ =	sdelay $0x1  }
0xa1: {  	s23 =	simm.s32 $0x1B8B  }
0xa2: {  	_ =	swait.ge [sflag:s23], $0x1  }
0xa3: {  	[sflag:s23] =	ssyncset.done $0x0  }
0xa4: {  	s25 =	simm.s32 $0x1B8E;
	s24 =	sld [smem:$0x3FFE];
	[sflag:s23] =	ssyncadd.s32 $0xFFFFFFFF  }
0xa5: {  	s26 =	simm.s32 $execute0_lowered;
	[smem:$0x3FD2] =	sst s25  }
0xa6: {  	s4 =	sshll.u32 s26, $0x1;
	_ =	strace $0x80000049;
	[dreg:$0x1] =	wrdreg $0xFFFFFFFF  }
0xa7: {  	s28 =	simm.s32 $_size_execute0_lowered;
	s2 =	sadd.s32 s2, s4;
	[dreg:$0x0] =	wrdreg $0x0  }
0xa8: {  	s4 =	sshll.u32 s28, $0x1;
	[dreg:$0x2] =	wrdreg s2  }
0xa9: {  	[dreg:$0x3] =	wrdreg s4  }
0xaa: {  	[dreg:$0x4] =	wrdreg $0xC0  }
0xab: {  	_ =	task [dreg:s6], $0x5FFFF  }
0xac: {  	[dreg:$0x1] =	wrdreg $0xFFFFFFFF  }
0xad: {  	[dreg:$0x0] =	wrdreg $0x60  }
0xae: {  	[dreg:$0x2] =	wrdreg s24  }
0xaf: {  	[dreg:$0x3] =	wrdreg $0x0  }
0xb0: {  	[dreg:$0x4] =	wrdreg $0xC3800  }
0xb1: {  	[dreg:$0x5] =	wrdreg $0x9  }
0xb2: {  	_ =	task.clear_ibuf [dreg:s6], $0x6FFFF;
	_ =	strace $0x90000049  }
0xb3: {  	s29 =	simm.s32 $0x9;
	_ =	strace $0x8000004B  }
0xb4: {  	_ =	swait.ge [sflag:s29], $0x1  }
0xb5: {  	[sflag:s29] =	ssyncadd.s32 $0xFFFFFFFF  }
0xb6: {  	_ =	strace $0x9000004B  }
0xb7: {  	_ =	sfence  }
0xb8: {  	s30 =	sld [smem:$0x0];
	_ =	sdelay $0x2  }
0xb9: {  	s31 =	sshll.u32 s1, $0xD;
	s1 =	sshrl.u32 s1, $0x2  }
0xba: {  	s3 =	sand.u32 $0x4000, s31;
	s1 =	sadd.s32 s1, s30  }
0xbb: {  	s0 =	sor.u32 s3, s0;
	s1 =	sshll.u32 s1, $0x11  }
0xbc: {  	s0 =	sor.u32 s1, s0  }
0xbd: {  	s0 =	sadd.s32 $0x8F2B, s0  }
0xbe: {  	[sflag:s0] =	ssyncadd.remote.s32 $0x1  }
0xbf: {  	_ =	sfence.sel $0xFFFF  }
0xc0: {  	[dreg:$0x0] =	wrdreg $0xFFFFFFFF;
	(pc) =	sbr.abs _section_cstart, $3  }
0xc1: {  	[dreg:$0x1] =	wrdreg $0xFFFFFFFF  }
0xc2: {  	_ =	task.clear_ibuf [dreg:s6], $0x2FFFF;
	_ =	strace $0x9FFFFFFF  }
0xc3: {  	(tm) =	ssettm $0x7FFFFFFF  }
tec
execute0_lowered:
.L_overlay_start_1:
0x0: {  	(tag) =	ssettag $0x1  }
0x1: {  	s0 =	rddreg [dreg:$0x0]  }
0x2: {  	s2 =	rddreg [dreg:$0x1]  }
0x3: {  	s3 =	rddreg [dreg:$0x2];
	s4 =	simm.s32 $0x0  }
0x4: {  	s10 =	stileid.u32;
	s12 =	simm.s32 $0x18780;
	[smem:$0x7FF] =	sst s4  }
0x5: {  	s13 =	simm.s32 $0x18800;
	_ =	strace $0x8000004A;
	[dreg:$0x6] =	wrdreg s12  }
0x6: {  	s1 =	srdreg.scid;
	s14 =	simm.s32 $0x18880;
	[dreg:$0x7] =	wrdreg s13  }
0x7: {  	s15 =	simm.s32 $0x18900;
	s17 =	simm.s32 $0x18980;
	[dreg:$0x8] =	wrdreg s14  }
0x8: {  	s18 =	simm.s32 $0x18A00;
	s20 =	simm.s32 $0x18A80;
	[dreg:$0x9] =	wrdreg s15  }
0x9: {  	s22 =	simm.s32 $0x18F80;
	s24 =	simm.s32 $0x19000;
	[dreg:$0xa] =	wrdreg s17  }
0xa: {  	s25 =	simm.s32 $0x19080;
	s26 =	simm.s32 $0x19100;
	[dreg:$0xb] =	wrdreg s18  }
0xb: {  	s28 =	simm.s32 $0x1B700;
	s29 =	simm.s32 $0x1BB00;
	[dreg:$0xc] =	wrdreg s20  }
0xc: {  	s30 =	simm.s32 $0x1BF00;
	s31 =	simm.s32 $0x1C300;
	[dreg:$0xd] =	wrdreg s22  }
0xd: {  	s5 =	smul.u32 $0x3200, s10;
	s1 =	sand.u32 $0x1, s1;
	[dreg:$0xe] =	wrdreg s24  }
0xe: {  	s7 =	smul.u32 $0xC380, s10;
	s23 =	sshll.u32 s10, $0x6;
	[dreg:$0xf] =	wrdreg s25  }
0xf: {  	s10 =	simm.s32 $0x19200;
	s6 =	smul.u32 $0x1900, s1;
	[dreg:$0x10] =	wrdreg s26  }
0x10: {  	s8 =	smul.u32 $0xC3800, s1;
	[dreg:$0x12] =	wrdreg s10;
	s12 =	simm.s32 $0x18B80  }
0x11: {  	s1 =	ssub.s32 $0x2, s1;
	s13 =	simm.s32 $0x18C00;
	[dreg:$0x14] =	wrdreg s12  }
0x12: {  	s15 =	simm.s32 $0x18C80;
	s17 =	simm.s32 $0x18D80;
	[dreg:$0x15] =	wrdreg s13  }
0x13: {  	s18 =	simm.s32 $0x18E00;
	s20 =	simm.s32 $0x19380;
	[dreg:$0x16] =	wrdreg s15  }
0x14: {  	s22 =	simm.s32 $0x19480;
	s24 =	simm.s32 $0x19580;
	[dreg:$0x18] =	wrdreg s17  }
0x15: {  	s25 =	simm.s32 $0x19600;
	s26 =	simm.s32 $0x19680;
	[dreg:$0x19] =	wrdreg s18  }
0x16: {  	s5 =	sadd.s32 s5, s0;
	s11 =	sshrl.u32 s7, $0x3;
	[dreg:$0x1b] =	wrdreg s20  }
0x17: {  	s16 =	sshrl.u32 s1, $0x1;
	s19 =	sadd.s32 s7, s2;
	[dreg:$0x1d] =	wrdreg s22  }
0x18: {  	s15 =	simm.s32 $0x18F00;
	s17 =	simm.s32 $0x3;
	[dreg:$0x1f] =	wrdreg s24  }
0x19: {  	s18 =	simm.s32 $0x80;
	s20 =	simm.s32 $0x19B00;
	[smem:$0x7FA] =	sst s25  }
0x1a: {  	s22 =	simm.s32 $0x1A300;
	s24 =	simm.s32 $0x1AB00;
	[smem:$0x7FB] =	sst s26  }
0x1b: {  	s25 =	simm.s32 $0x1AF00;
	s26 =	simm.s32 $0x1B300;
	s12 =	simm.s32 $0x0  }
0x1c: {  	s5 =	sadd.s32 s6, s5;
	s6 =	sadd.s32 s11, s0;
	s11 =	simm.s32 $0x19280  }
0x1d: {  	s1 =	ssub.s32 s1, s16;
	s16 =	simm.s32 $0x18D00;
	[dreg:$0x13] =	wrdreg s11  }
0x1e: {  	s10 =	sshrl.u32 s19, $0x3;
	s19 =	simm.s32 $0x18E80;
	[dreg:$0x17] =	wrdreg s16  }
0x1f: {  	s8 =	sadd.s32 s7, s8;
	s7 =	sadd.s32 s7, s3;
	[dreg:$0x1a] =	wrdreg s19  }
0x20: {  	s9 =	sadd.s32 $0x2400, s5;
	s5 =	sadd.s32 $0x34400, s5;
	[smem:$0x7FD] =	sst s10  }
0x21: {  	s8 =	sshrl.u32 s8, $0x3;
	s21 =	sadd.s32 $0x66600, s6;
	[dreg:$0x4] =	wrdreg s9  }
0x22: {  	s6 =	sadd.s32 $0x7EE00, s6;
	s1 =	smax.u32 s1, $0x1;
	[dreg:$0x5] =	wrdreg s5  }
0x23: {  	s11 =	simm.s32 $0x4;
	s14 =	sshrl.u32 s7, $0x3;
	[smem:$0x7F5] =	sst s21  }
0x24: {  	s16 =	simm.s32 $0x19300;
	s19 =	simm.s32 $0x19700;
	[smem:$0x7F6] =	sst s6  }
0x25: {  	s7 =	simm.s32 $0x1D300;
	s0 =	sadd.s32 s8, s0;
	[smem:$0x7F8] =	sst s1  }
0x26: {  	s9 =	sor.u32 $0x1C04, s23;
	s6 =	simm.s32 $0x19180;
	[smem:$0x7F9] =	sst s14  }
0x27: {  	s21 =	simm.s32 $0x19400;
	s23 =	simm.s32 $0x19500;
	[dreg:$0x11] =	wrdreg s6  }
0x28: {  	s1 =	simm.s32 $0x1C700;
	s5 =	simm.s32 $0x1CF00;
	[dreg:$0x1c] =	wrdreg s21  }
0x29: {  	s8 =	simm.s32 $0x1;
	s14 =	simm.s32 $0x18700;
	[dreg:$0x1e] =	wrdreg s23  }
0x2a: {  	s0 =	sadd.s32 $0x97600, s0;
	s21 =	simm.s32 $0x19F00;
	[smem:$0x7FC] =	sst s9  }
0x2b: {  	s23 =	simm.s32 $0x1A700;
	[smem:$0x7F7] =	sst s0;
	s0 =	simm.s32 $0x1CB00  }
.LBB2_1:
0x2c: {  	s6 =	sld [smem:$0x7F5];
	_ =	sdelay $0x1  }
0x2d: {  	[smem:$0x7F4] =	sst s12  }
0x2e: {  	[spmem:s10], [sflag:s9] =	dma.local [hbm:s6], $0x1870  }
0x2f: {  	_ =	swait.ge [sflag:s11], $0x1870  }
0x30: {  	s12 =	sld [smem:$0x7F6]  }
0x31: {  	s13 =	sld [smem:$0x7F9]  }
0x32: {  	[sflag:s11] =	ssyncset.done $0x0  }
0x33: {  	[sflag:s11] =	ssyncadd.s32 $0xFFFFE790  }
0x34: {  	[spmem:s13], [sflag:s9] =	dma.local [hbm:s12], $0x1870  }
0x35: {  	_ =	swait.ge [sflag:s11], $0x1870  }
0x36: {  	p0 =	por $0x1, $0x1;
	[sflag:s11] =	ssyncset.done $0x0  }
0x37: {  	p0 =	por p0, p0;
	[sflag:s11] =	ssyncadd.s32 $0xFFFFE790  }
0x38: {  	s6 =	simm.s32 @!p0 $0x2;
	[bflag:$0x0] =	sbarrier.arrive $0xFFFF  }
0x39: {  	_ =	swait.ge @!p0 [sflag:s6], $0x400  }
0x3a: {  	[sflag:s6] =	ssyncset.done @!p0 $0x0  }
0x3b: {  	[sflag:s6] =	ssyncadd.s32 @!p0 $0xFFFFFC00  }
0x3c: {  	_ =	swait.ge @!p0 [sflag:s6], $0x400  }
0x3d: {  	[sflag:s6] =	ssyncset.done @!p0 $0x0  }
0x3e: {  	[sflag:s6] =	ssyncadd.s32 @!p0 $0xFFFFFC00  }
0x3f: {  	_ =	swait.ge @!p0 [sflag:s6], $0x400  }
0x40: {  	[sflag:s6] =	ssyncset.done @!p0 $0x0  }
0x41: {  	[sflag:s6] =	ssyncadd.s32 @!p0 $0xFFFFFC00  }
0x42: {  	_ =	swait.ge @!p0 [sflag:s6], $0x400  }
0x43: {  	[sflag:s6] =	ssyncset.done @!p0 $0x0  }
0x44: {  	[sflag:s6] =	ssyncadd.s32 @!p0 $0xFFFFFC00  }
0x45: {  	_ =	swait.ge @!p0 [sflag:s6], $0x400  }
0x46: {  	[sflag:s6] =	ssyncset.done @!p0 $0x0  }
0x47: {  	[sflag:s6] =	ssyncadd.s32 @!p0 $0xFFFFFC00  }
0x48: {  	_ =	swait.ge @!p0 [sflag:s6], $0x400  }
0x49: {  	[sflag:s6] =	ssyncset.done @!p0 $0x0  }
0x4a: {  	[sflag:s6] =	ssyncadd.s32 @!p0 $0xFFFFFC00  }
0x4b: {  	_ =	swait.ge @!p0 [sflag:s6], $0x400  }
0x4c: {  	[sflag:s6] =	ssyncset.done @!p0 $0x0  }
0x4d: {  	[sflag:s6] =	ssyncadd.s32 @!p0 $0xFFFFFC00  }
0x4e: {  	_ =	swait.ge @!p0 [sflag:s6], $0x400  }
0x4f: {  	[sflag:s6] =	ssyncset.done @!p0 $0x0  }
0x50: {  	[sflag:s6] =	ssyncadd.s32 @!p0 $0xFFFFFC00  }
0x51: {  	_ =	swait.ge @!p0 [sflag:s6], $0x400  }
0x52: {  	[sflag:s6] =	ssyncset.done @!p0 $0x0  }
0x53: {  	[sflag:s6] =	ssyncadd.s32 @!p0 $0xFFFFFC00  }
0x54: {  	_ =	swait.ge @!p0 [sflag:s6], $0x400  }
0x55: {  	[sflag:s6] =	ssyncset.done @!p0 $0x0  }
0x56: {  	[sflag:s6] =	ssyncadd.s32 @!p0 $0xFFFFFC00  }
0x57: {  	_ =	swait.ge @!p0 [sflag:s6], $0x400  }
0x58: {  	[sflag:s6] =	ssyncset.done @!p0 $0x0  }
0x59: {  	[sflag:s6] =	ssyncadd.s32 @!p0 $0xFFFFFC00  }
0x5a: {  	_ =	swait.ge @!p0 [sflag:s6], $0x400  }
0x5b: {  	[sflag:s6] =	ssyncset.done @!p0 $0x0  }
0x5c: {  	[sflag:s6] =	ssyncadd.s32 @!p0 $0xFFFFFC00  }
0x5d: {  	_ =	swait.ge @!p0 [sflag:s6], $0x400  }
0x5e: {  	[sflag:s6] =	ssyncset.done @!p0 $0x0  }
0x5f: {  	[sflag:s6] =	ssyncadd.s32 @!p0 $0xFFFFFC00  }
0x60: {  	_ =	swait.ge @!p0 [sflag:s6], $0x400  }
0x61: {  	[sflag:s6] =	ssyncset.done @!p0 $0x0  }
0x62: {  	[sflag:s6] =	ssyncadd.s32 @!p0 $0xFFFFFC00  }
0x63: {  	_ =	swait.ge @!p0 [sflag:s6], $0x400  }
0x64: {  	[sflag:s6] =	ssyncset.done @!p0 $0x0  }
0x65: {  	[sflag:s6] =	ssyncadd.s32 @!p0 $0xFFFFFC00  }
0x66: {  	_ =	swait.ge @!p0 [sflag:s6], $0x400  }
0x67: {  	s9 =	simm.s32 $0x18700;
	s12 =	rddreg [dreg:$0x5];
	[sflag:s6] =	ssyncset.done @!p0 $0x0  }
0x68: {  	s13 =	rddreg [dreg:$0x4];
	[sflag:s6] =	ssyncadd.s32 @!p0 $0xFFFFFC00;
	s10 =	sadd.s32 $0x0, s12  }
0x69: {  	[tilespmem:s9], [sflag:$0x3] =	stream.linear.gather [hbm4b:s10+s4], $0x400, $0x38;
	[tilespmem:$0x1D700] =	vst v63  }
0x6a: {  	s11 =	simm.s32 $0x18B00;
	s12 =	sadd.s32 $0x0, s13  }
0x6b: {  	[tilespmem:s11], [sflag:$0x3] =	stream.linear.gather [hbm4b:s12+s4], $0x400, $0x38;
	[tilespmem:$0x1D700] =	vst v63  }
0x6c: {  	s6 =	sadd.s32 $0x80, s10  }
0x6d: {  	[tilespmem:s15], [sflag:$0x3] =	stream.linear.gather [hbm4b:s6+s4], $0x400, $0x38;
	[tilespmem:$0x1D700] =	vst v63  }
0x6e: {  	s13 =	sadd.s32 $0x80, s12  }
0x6f: {  	[tilespmem:s16], [sflag:$0x3] =	stream.linear.gather [hbm4b:s13+s4], $0x400, $0x38;
	[tilespmem:$0x1D700] =	vst v63  }
0x70: {  	_ =	swait.ge [sflag:s17], $0x400  }
0x71: {  	[sflag:s17] =	ssyncset.done $0x0  }
0x72: {  	[sflag:s17] =	ssyncadd.s32 $0xFFFFFC00  }
0x73: {  	_ =	swait.ge [sflag:s17], $0x400  }
0x74: {  	[sflag:s17] =	ssyncset.done $0x0  }
0x75: {  	[sflag:s17] =	ssyncadd.s32 $0xFFFFFC00  }
0x76: {  	_ =	swait.ge [sflag:s17], $0x400  }
0x77: {  	[sflag:s17] =	ssyncset.done $0x0  }
0x78: {  	[sflag:s17] =	ssyncadd.s32 $0xFFFFFC00  }
0x79: {  	_ =	swait.ge [sflag:s17], $0x400  }
0x7a: {  	[sflag:s17] =	ssyncset.done $0x0  }
0x7b: {  	[sflag:s17] =	ssyncadd.s32 $0xFFFFFC00  }
0x7c: {  	[tilespmem:s19], [sflag:$0x1] =	stream.indirect.gather [spmem:s3], $0x8, s9, s18, $0xb8;
	[tilespmem:$0x1D700] =	vst v63  }
0x7d: {  	s10 =	rddreg [dreg:$0x6]  }
0x7e: {  	[tilespmem:s20], [sflag:$0x1] =	stream.indirect.gather [spmem:s3], $0x8, s10, s18, $0xb8;
	[tilespmem:$0x1D700] =	vst v63  }
0x7f: {  	s12 =	rddreg [dreg:$0x7]  }
0x80: {  	[tilespmem:s21], [sflag:$0x1] =	stream.indirect.gather [spmem:s3], $0x8, s12, s18, $0xb8;
	[tilespmem:$0x1D700] =	vst v63  }
0x81: {  	s13 =	rddreg [dreg:$0x8]  }
0x82: {  	[tilespmem:s22], [sflag:$0x1] =	stream.indirect.gather [spmem:s3], $0x8, s13, s18, $0xb8;
	[tilespmem:$0x1D700] =	vst v63  }
0x83: {  	s9 =	rddreg [dreg:$0x9]  }
0x84: {  	[tilespmem:s23], [sflag:$0x1] =	stream.indirect.gather [spmem:s3], $0x8, s9, s18, $0xb8;
	[tilespmem:$0x1D700] =	vst v63  }
0x85: {  	s12 =	rddreg [dreg:$0xa]  }
0x86: {  	[tilespmem:s24], [sflag:$0x1] =	stream.indirect.gather [spmem:s3], $0x8, s12, s18, $0xb8;
	[tilespmem:$0x1D700] =	vst v63  }
0x87: {  	s13 =	rddreg [dreg:$0xb]  }
0x88: {  	[tilespmem:s25], [sflag:$0x1] =	stream.indirect.gather [spmem:s3], $0x8, s13, s18, $0xb8;
	[tilespmem:$0x1D700] =	vst v63  }
0x89: {  	s9 =	rddreg [dreg:$0xc]  }
0x8a: {  	[tilespmem:s26], [sflag:$0x1] =	stream.indirect.gather [spmem:s3], $0x8, s9, s18, $0xb8;
	[tilespmem:$0x1D700] =	vst v63  }
0x8b: {  	_ = 	snop  }
0x8c: {  	[tilespmem:s28], [sflag:$0x1] =	stream.indirect.gather [spmem:s3], $0x8, s15, s18, $0xb8;
	[tilespmem:$0x1D700] =	vst v63  }
0x8d: {  	s12 =	rddreg [dreg:$0xd]  }
0x8e: {  	[tilespmem:s29], [sflag:$0x1] =	stream.indirect.gather [spmem:s3], $0x8, s12, s18, $0xb8;
	[tilespmem:$0x1D700] =	vst v63  }
0x8f: {  	s13 =	rddreg [dreg:$0xe]  }
0x90: {  	[tilespmem:s30], [sflag:$0x1] =	stream.indirect.gather [spmem:s3], $0x8, s13, s18, $0xb8;
	[tilespmem:$0x1D700] =	vst v63  }
0x91: {  	s9 =	rddreg [dreg:$0xf]  }
0x92: {  	[tilespmem:s31], [sflag:$0x1] =	stream.indirect.gather [spmem:s3], $0x8, s9, s18, $0xb8;
	[tilespmem:$0x1D700] =	vst v63  }
0x93: {  	s12 =	rddreg [dreg:$0x10]  }
0x94: {  	[tilespmem:s1], [sflag:$0x1] =	stream.indirect.gather [spmem:s3], $0x8, s12, s18, $0xb8;
	[tilespmem:$0x1D700] =	vst v63  }
0x95: {  	s13 =	rddreg [dreg:$0x11]  }
0x96: {  	[tilespmem:s0], [sflag:$0x1] =	stream.indirect.gather [spmem:s3], $0x8, s13, s18, $0xb8;
	[tilespmem:$0x1D700] =	vst v63  }
0x97: {  	s9 =	rddreg [dreg:$0x12]  }
0x98: {  	[tilespmem:s5], [sflag:$0x1] =	stream.indirect.gather [spmem:s3], $0x8, s9, s18, $0xb8;
	[tilespmem:$0x1D700] =	vst v63  }
0x99: {  	s12 =	rddreg [dreg:$0x13]  }
0x9a: {  	[tilespmem:s7], [sflag:$0x1] =	stream.indirect.gather [spmem:s3], $0x8, s12, s18, $0xb8;
	[tilespmem:$0x1D700] =	vst v63  }
0x9b: {  	_ =	swait.ge [sflag:s8], $0x400  }
0x9c: {  	[sflag:s8] =	ssyncset.done $0x0  }
0x9d: {  	[sflag:s8] =	ssyncadd.s32 $0xFFFFFC00  }
0x9e: {  	_ =	swait.ge [sflag:s8], $0x400  }
0x9f: {  	[sflag:s8] =	ssyncset.done $0x0  }
0xa0: {  	[sflag:s8] =	ssyncadd.s32 $0xFFFFFC00  }
0xa1: {  	_ =	swait.ge [sflag:s8], $0x400  }
0xa2: {  	[sflag:s8] =	ssyncset.done $0x0  }
0xa3: {  	[sflag:s8] =	ssyncadd.s32 $0xFFFFFC00  }
0xa4: {  	_ =	swait.ge [sflag:s8], $0x400  }
0xa5: {  	[sflag:s8] =	ssyncset.done $0x0  }
0xa6: {  	[sflag:s8] =	ssyncadd.s32 $0xFFFFFC00  }
0xa7: {  	_ =	swait.ge [sflag:s8], $0x400  }
0xa8: {  	[sflag:s8] =	ssyncset.done $0x0  }
0xa9: {  	[sflag:s8] =	ssyncadd.s32 $0xFFFFFC00  }
0xaa: {  	_ =	swait.ge [sflag:s8], $0x400  }
0xab: {  	[sflag:s8] =	ssyncset.done $0x0  }
0xac: {  	[sflag:s8] =	ssyncadd.s32 $0xFFFFFC00  }
0xad: {  	_ =	swait.ge [sflag:s8], $0x400  }
0xae: {  	[sflag:s8] =	ssyncset.done $0x0  }
0xaf: {  	[sflag:s8] =	ssyncadd.s32 $0xFFFFFC00  }
0xb0: {  	_ =	swait.ge [sflag:s8], $0x400  }
0xb1: {  	[sflag:s8] =	ssyncset.done $0x0  }
0xb2: {  	[sflag:s8] =	ssyncadd.s32 $0xFFFFFC00  }
0xb3: {  	[spmem:s2] =	stream.indirect.scatter.add.f32 [tilespmem:s19], [sflag:$0x2], $0x8, s11, s18, $0xb8;
	[tilespmem:$0x1D700] =	vst v63  }
0xb4: {  	s13 =	rddreg [dreg:$0x14]  }
0xb5: {  	[spmem:s2] =	stream.indirect.scatter.add.f32 [tilespmem:s20], [sflag:$0x2], $0x8, s13, s18, $0xb8;
	[tilespmem:$0x1D700] =	vst v63  }
0xb6: {  	s9 =	rddreg [dreg:$0x15]  }
0xb7: {  	[spmem:s2] =	stream.indirect.scatter.add.f32 [tilespmem:s21], [sflag:$0x2], $0x8, s9, s18, $0xb8;
	[tilespmem:$0x1D700] =	vst v63  }
0xb8: {  	s11 =	rddreg [dreg:$0x16]  }
0xb9: {  	[spmem:s2] =	stream.indirect.scatter.add.f32 [tilespmem:s22], [sflag:$0x2], $0x8, s11, s18, $0xb8;
	[tilespmem:$0x1D700] =	vst v63  }
0xba: {  	s12 =	rddreg [dreg:$0x17]  }
0xbb: {  	[spmem:s2] =	stream.indirect.scatter.add.f32 [tilespmem:s23], [sflag:$0x2], $0x8, s12, s18, $0xb8;
	[tilespmem:$0x1D700] =	vst v63  }
0xbc: {  	s13 =	rddreg [dreg:$0x18]  }
0xbd: {  	[spmem:s2] =	stream.indirect.scatter.add.f32 [tilespmem:s24], [sflag:$0x2], $0x8, s13, s18, $0xb8;
	[tilespmem:$0x1D700] =	vst v63  }
0xbe: {  	s9 =	rddreg [dreg:$0x19]  }
0xbf: {  	[spmem:s2] =	stream.indirect.scatter.add.f32 [tilespmem:s25], [sflag:$0x2], $0x8, s9, s18, $0xb8;
	[tilespmem:$0x1D700] =	vst v63  }
0xc0: {  	s11 =	rddreg [dreg:$0x1a]  }
0xc1: {  	[spmem:s2] =	stream.indirect.scatter.add.f32 [tilespmem:s26], [sflag:$0x2], $0x8, s11, s18, $0xb8;
	[tilespmem:$0x1D700] =	vst v63  }
0xc2: {  	_ =	swait.ge [sflag:s8], $0x400  }
0xc3: {  	[sflag:s8] =	ssyncset.done $0x0  }
0xc4: {  	[sflag:s8] =	ssyncadd.s32 $0xFFFFFC00  }
0xc5: {  	_ =	swait.ge [sflag:s8], $0x400  }
0xc6: {  	[sflag:s8] =	ssyncset.done $0x0  }
0xc7: {  	[sflag:s8] =	ssyncadd.s32 $0xFFFFFC00  }
0xc8: {  	_ =	swait.ge [sflag:s8], $0x400  }
0xc9: {  	[sflag:s8] =	ssyncset.done $0x0  }
0xca: {  	[sflag:s8] =	ssyncadd.s32 $0xFFFFFC00  }
0xcb: {  	_ =	swait.ge [sflag:s8], $0x400  }
0xcc: {  	[sflag:s8] =	ssyncset.done $0x0  }
0xcd: {  	[sflag:s8] =	ssyncadd.s32 $0xFFFFFC00  }
0xce: {  	_ =	swait.ge [sflag:s8], $0x400  }
0xcf: {  	[sflag:s8] =	ssyncset.done $0x0  }
0xd0: {  	[sflag:s8] =	ssyncadd.s32 $0xFFFFFC00  }
0xd1: {  	_ =	swait.ge [sflag:s8], $0x400  }
0xd2: {  	[sflag:s8] =	ssyncset.done $0x0  }
0xd3: {  	[sflag:s8] =	ssyncadd.s32 $0xFFFFFC00  }
0xd4: {  	_ =	swait.ge [sflag:s8], $0x400  }
0xd5: {  	[sflag:s8] =	ssyncset.done $0x0  }
0xd6: {  	[sflag:s8] =	ssyncadd.s32 $0xFFFFFC00  }
0xd7: {  	_ =	swait.ge [sflag:s8], $0x400  }
0xd8: {  	[sflag:s8] =	ssyncset.done $0x0  }
0xd9: {  	s12 =	rddreg [dreg:$0x1b];
	[sflag:s8] =	ssyncadd.s32 $0xFFFFFC00  }
0xda: {  	[spmem:s2] =	stream.indirect.scatter.add.f32 [tilespmem:s28], [sflag:$0x2], $0x8, s16, s18, $0xb8;
	[tilespmem:$0x1D700] =	vst v63  }
0xdb: {  	s13 =	rddreg [dreg:$0x1c]  }
0xdc: {  	[spmem:s2] =	stream.indirect.scatter.add.f32 [tilespmem:s29], [sflag:$0x2], $0x8, s12, s18, $0xb8;
	[tilespmem:$0x1D700] =	vst v63  }
0xdd: {  	s9 =	rddreg [dreg:$0x1d]  }
0xde: {  	[spmem:s2] =	stream.indirect.scatter.add.f32 [tilespmem:s30], [sflag:$0x2], $0x8, s13, s18, $0xb8;
	[tilespmem:$0x1D700] =	vst v63  }
0xdf: {  	s11 =	rddreg [dreg:$0x1e]  }
0xe0: {  	[spmem:s2] =	stream.indirect.scatter.add.f32 [tilespmem:s31], [sflag:$0x2], $0x8, s9, s18, $0xb8;
	[tilespmem:$0x1D700] =	vst v63  }
0xe1: {  	p6 =	por $0x0, $0x0;
	s12 =	rddreg [dreg:$0x1f]  }
0xe2: {  	[spmem:s2] =	stream.indirect.scatter.add.f32 [tilespmem:s1], [sflag:$0x2], $0x8, s11, s18, $0xb8;
	[tilespmem:$0x1D700] =	vst v63  }
0xe3: {  	p0 =	por p6, p6;
	s13 =	sld [smem:$0x7FA]  }
0xe4: {  	[spmem:s2] =	stream.indirect.scatter.add.f32 [tilespmem:s0], [sflag:$0x2], $0x8, s12, s18, $0xb8;
	[tilespmem:$0x1D700] =	vst v63  }
0xe5: {  	s6 =	simm.s32 $0x200;
	s10 =	simm.s32 $0x100;
	s11 =	sld [smem:$0x7FB]  }
0xe6: {  	[spmem:s2] =	stream.indirect.scatter.add.f32 [tilespmem:s5], [sflag:$0x2], $0x8, s13, s18, $0xb8;
	[tilespmem:$0x1D700] =	vst v63  }
.LBB2_2:
0xe7: {  	s12 =	simm.s32 @!p0 $0x2  }
0xe8: {  	[spmem:s2] =	stream.indirect.scatter.add.f32 [tilespmem:s7], [sflag:$0x2], $0x8, s11, s18, $0xb8;
	[tilespmem:$0x1D700] =	vst v63  }
0xe9: {  	_ =	swait.ge @!p0 [sflag:s12], $0x400  }
0xea: {  	[sflag:s12] =	ssyncset.done @!p0 $0x0  }
0xeb: {  	[sflag:s12] =	ssyncadd.s32 @!p0 $0xFFFFFC00  }
0xec: {  	_ =	swait.ge @!p0 [sflag:s12], $0x400  }
0xed: {  	[sflag:s12] =	ssyncset.done @!p0 $0x0  }
0xee: {  	[sflag:s12] =	ssyncadd.s32 @!p0 $0xFFFFFC00  }
0xef: {  	_ =	swait.ge @!p0 [sflag:s12], $0x400  }
0xf0: {  	[sflag:s12] =	ssyncset.done @!p0 $0x0  }
0xf1: {  	[sflag:s12] =	ssyncadd.s32 @!p0 $0xFFFFFC00  }
0xf2: {  	_ =	swait.ge @!p0 [sflag:s12], $0x400  }
0xf3: {  	[sflag:s12] =	ssyncset.done @!p0 $0x0  }
0xf4: {  	[sflag:s12] =	ssyncadd.s32 @!p0 $0xFFFFFC00  }
0xf5: {  	_ =	swait.ge @!p0 [sflag:s12], $0x400  }
0xf6: {  	[sflag:s12] =	ssyncset.done @!p0 $0x0  }
0xf7: {  	[sflag:s12] =	ssyncadd.s32 @!p0 $0xFFFFFC00  }
0xf8: {  	_ =	swait.ge @!p0 [sflag:s12], $0x400  }
0xf9: {  	[sflag:s12] =	ssyncset.done @!p0 $0x0  }
0xfa: {  	[sflag:s12] =	ssyncadd.s32 @!p0 $0xFFFFFC00  }
0xfb: {  	_ =	swait.ge @!p0 [sflag:s12], $0x400  }
0xfc: {  	[sflag:s12] =	ssyncset.done @!p0 $0x0  }
0xfd: {  	[sflag:s12] =	ssyncadd.s32 @!p0 $0xFFFFFC00  }
0xfe: {  	_ =	swait.ge @!p0 [sflag:s12], $0x400  }
0xff: {  	[sflag:s12] =	ssyncset.done @!p0 $0x0  }
0x100: {  	[sflag:s12] =	ssyncadd.s32 @!p0 $0xFFFFFC00  }
0x101: {  	_ =	swait.ge @!p0 [sflag:s12], $0x400  }
0x102: {  	[sflag:s12] =	ssyncset.done @!p0 $0x0  }
0x103: {  	[sflag:s12] =	ssyncadd.s32 @!p0 $0xFFFFFC00  }
0x104: {  	_ =	swait.ge @!p0 [sflag:s12], $0x400  }
0x105: {  	[sflag:s12] =	ssyncset.done @!p0 $0x0  }
0x106: {  	[sflag:s12] =	ssyncadd.s32 @!p0 $0xFFFFFC00  }
0x107: {  	_ =	swait.ge @!p0 [sflag:s12], $0x400  }
0x108: {  	[sflag:s12] =	ssyncset.done @!p0 $0x0  }
0x109: {  	[sflag:s12] =	ssyncadd.s32 @!p0 $0xFFFFFC00  }
0x10a: {  	_ =	swait.ge @!p0 [sflag:s12], $0x400  }
0x10b: {  	[sflag:s12] =	ssyncset.done @!p0 $0x0  }
0x10c: {  	[sflag:s12] =	ssyncadd.s32 @!p0 $0xFFFFFC00  }
0x10d: {  	_ =	swait.ge @!p0 [sflag:s12], $0x400  }
0x10e: {  	[sflag:s12] =	ssyncset.done @!p0 $0x0  }
0x10f: {  	[sflag:s12] =	ssyncadd.s32 @!p0 $0xFFFFFC00  }
0x110: {  	_ =	swait.ge @!p0 [sflag:s12], $0x400  }
0x111: {  	[sflag:s12] =	ssyncset.done @!p0 $0x0  }
0x112: {  	[sflag:s12] =	ssyncadd.s32 @!p0 $0xFFFFFC00  }
0x113: {  	_ =	swait.ge @!p0 [sflag:s12], $0x400  }
0x114: {  	[sflag:s12] =	ssyncset.done @!p0 $0x0  }
0x115: {  	[sflag:s12] =	ssyncadd.s32 @!p0 $0xFFFFFC00  }
0x116: {  	_ =	swait.ge @!p0 [sflag:s12], $0x400  }
0x117: {  	s9 =	rddreg [dreg:$0x5];
	[sflag:s12] =	ssyncset.done @!p0 $0x0  }
0x118: {  	s13 =	rddreg [dreg:$0x4];
	[sflag:s12] =	ssyncadd.s32 @!p0 $0xFFFFFC00;
	s9 =	sadd.s32 s10, s9  }
0x119: {  	[tilespmem:s14], [sflag:$0x3] =	stream.linear.gather [hbm4b:s9+s4], $0x400, $0x38;
	[tilespmem:$0x1D700] =	vst v63  }
0x11a: {  	s12 =	sadd.s32 s10, s13;
	s13 =	simm.s32 $0x18B00  }
0x11b: {  	[tilespmem:s13], [sflag:$0x3] =	stream.linear.gather [hbm4b:s12+s4], $0x400, $0x38;
	[tilespmem:$0x1D700] =	vst v63  }
0x11c: {  	s11 =	smov.u32 s6;
	s9 =	sadd.s32 $0x80, s9  }
0x11d: {  	[tilespmem:s15], [sflag:$0x3] =	stream.linear.gather [hbm4b:s9+s4], $0x400, $0x38;
	[tilespmem:$0x1D700] =	vst v63  }
0x11e: {  	p2 =	seq.s32 s11, $0x0;
	s10 =	smov.u32 s11;
	s11 =	sadd.s32 $0x80, s12  }
0x11f: {  	[tilespmem:s16], [sflag:$0x3] =	stream.linear.gather [hbm4b:s11+s4], $0x400, $0x38;
	[tilespmem:$0x1D700] =	vst v63  }
0x120: {  	_ =	swait.ge [sflag:s17], $0x400  }
0x121: {  	[sflag:s17] =	ssyncset.done $0x0  }
0x122: {  	[sflag:s17] =	ssyncadd.s32 $0xFFFFFC00  }
0x123: {  	_ =	swait.ge [sflag:s17], $0x400  }
0x124: {  	[sflag:s17] =	ssyncset.done $0x0  }
0x125: {  	[sflag:s17] =	ssyncadd.s32 $0xFFFFFC00  }
0x126: {  	_ =	swait.ge [sflag:s17], $0x400  }
0x127: {  	[sflag:s17] =	ssyncset.done $0x0  }
0x128: {  	[sflag:s17] =	ssyncadd.s32 $0xFFFFFC00  }
0x129: {  	_ =	swait.ge [sflag:s17], $0x400  }
0x12a: {  	[sflag:s17] =	ssyncset.done $0x0  }
0x12b: {  	[sflag:s17] =	ssyncadd.s32 $0xFFFFFC00  }
0x12c: {  	[tilespmem:s19], [sflag:$0x1] =	stream.indirect.gather [spmem:s3], $0x8, s14, s18, $0xb8;
	[tilespmem:$0x1D700] =	vst v63  }
0x12d: {  	s12 =	rddreg [dreg:$0x6]  }
0x12e: {  	[tilespmem:s20], [sflag:$0x1] =	stream.indirect.gather [spmem:s3], $0x8, s12, s18, $0xb8;
	[tilespmem:$0x1D700] =	vst v63  }
0x12f: {  	s11 =	rddreg [dreg:$0x7]  }
0x130: {  	[tilespmem:s21], [sflag:$0x1] =	stream.indirect.gather [spmem:s3], $0x8, s11, s18, $0xb8;
	[tilespmem:$0x1D700] =	vst v63  }
0x131: {  	s12 =	rddreg [dreg:$0x8]  }
0x132: {  	[tilespmem:s22], [sflag:$0x1] =	stream.indirect.gather [spmem:s3], $0x8, s12, s18, $0xb8;
	[tilespmem:$0x1D700] =	vst v63  }
0x133: {  	s11 =	rddreg [dreg:$0x9]  }
0x134: {  	[tilespmem:s23], [sflag:$0x1] =	stream.indirect.gather [spmem:s3], $0x8, s11, s18, $0xb8;
	[tilespmem:$0x1D700] =	vst v63  }
0x135: {  	s12 =	rddreg [dreg:$0xa]  }
0x136: {  	[tilespmem:s24], [sflag:$0x1] =	stream.indirect.gather [spmem:s3], $0x8, s12, s18, $0xb8;
	[tilespmem:$0x1D700] =	vst v63  }
0x137: {  	s11 =	rddreg [dreg:$0xb]  }
0x138: {  	[tilespmem:s25], [sflag:$0x1] =	stream.indirect.gather [spmem:s3], $0x8, s11, s18, $0xb8;
	[tilespmem:$0x1D700] =	vst v63  }
0x139: {  	s12 =	rddreg [dreg:$0xc]  }
0x13a: {  	[tilespmem:s26], [sflag:$0x1] =	stream.indirect.gather [spmem:s3], $0x8, s12, s18, $0xb8;
	[tilespmem:$0x1D700] =	vst v63  }
0x13b: {  	_ = 	snop  }
0x13c: {  	[tilespmem:s28], [sflag:$0x1] =	stream.indirect.gather [spmem:s3], $0x8, s15, s18, $0xb8;
	[tilespmem:$0x1D700] =	vst v63  }
0x13d: {  	s12 =	rddreg [dreg:$0xd]  }
0x13e: {  	[tilespmem:s29], [sflag:$0x1] =	stream.indirect.gather [spmem:s3], $0x8, s12, s18, $0xb8;
	[tilespmem:$0x1D700] =	vst v63  }
0x13f: {  	s11 =	rddreg [dreg:$0xe]  }
0x140: {  	[tilespmem:s30], [sflag:$0x1] =	stream.indirect.gather [spmem:s3], $0x8, s11, s18, $0xb8;
	[tilespmem:$0x1D700] =	vst v63  }
0x141: {  	s12 =	rddreg [dreg:$0xf]  }
0x142: {  	[tilespmem:s31], [sflag:$0x1] =	stream.indirect.gather [spmem:s3], $0x8, s12, s18, $0xb8;
	[tilespmem:$0x1D700] =	vst v63  }
0x143: {  	s11 =	rddreg [dreg:$0x10]  }
0x144: {  	[tilespmem:s1], [sflag:$0x1] =	stream.indirect.gather [spmem:s3], $0x8, s11, s18, $0xb8;
	[tilespmem:$0x1D700] =	vst v63  }
0x145: {  	s12 =	rddreg [dreg:$0x11]  }
0x146: {  	[tilespmem:s0], [sflag:$0x1] =	stream.indirect.gather [spmem:s3], $0x8, s12, s18, $0xb8;
	[tilespmem:$0x1D700] =	vst v63  }
0x147: {  	s11 =	rddreg [dreg:$0x12]  }
0x148: {  	[tilespmem:s5], [sflag:$0x1] =	stream.indirect.gather [spmem:s3], $0x8, s11, s18, $0xb8;
	[tilespmem:$0x1D700] =	vst v63  }
0x149: {  	s12 =	rddreg [dreg:$0x13]  }
0x14a: {  	[tilespmem:s7], [sflag:$0x1] =	stream.indirect.gather [spmem:s3], $0x8, s12, s18, $0xb8;
	[tilespmem:$0x1D700] =	vst v63  }
0x14b: {  	_ =	swait.ge [sflag:s8], $0x400  }
0x14c: {  	[sflag:s8] =	ssyncset.done $0x0  }
0x14d: {  	[sflag:s8] =	ssyncadd.s32 $0xFFFFFC00  }
0x14e: {  	_ =	swait.ge [sflag:s8], $0x400  }
0x14f: {  	[sflag:s8] =	ssyncset.done $0x0  }
0x150: {  	[sflag:s8] =	ssyncadd.s32 $0xFFFFFC00  }
0x151: {  	_ =	swait.ge [sflag:s8], $0x400  }
0x152: {  	[sflag:s8] =	ssyncset.done $0x0  }
0x153: {  	[sflag:s8] =	ssyncadd.s32 $0xFFFFFC00  }
0x154: {  	_ =	swait.ge [sflag:s8], $0x400  }
0x155: {  	[sflag:s8] =	ssyncset.done $0x0  }
0x156: {  	[sflag:s8] =	ssyncadd.s32 $0xFFFFFC00  }
0x157: {  	_ =	swait.ge [sflag:s8], $0x400  }
0x158: {  	[sflag:s8] =	ssyncset.done $0x0  }
0x159: {  	[sflag:s8] =	ssyncadd.s32 $0xFFFFFC00  }
0x15a: {  	_ =	swait.ge [sflag:s8], $0x400  }
0x15b: {  	[sflag:s8] =	ssyncset.done $0x0  }
0x15c: {  	[sflag:s8] =	ssyncadd.s32 $0xFFFFFC00  }
0x15d: {  	_ =	swait.ge [sflag:s8], $0x400  }
0x15e: {  	[sflag:s8] =	ssyncset.done $0x0  }
0x15f: {  	[sflag:s8] =	ssyncadd.s32 $0xFFFFFC00  }
0x160: {  	_ =	swait.ge [sflag:s8], $0x400  }
0x161: {  	[sflag:s8] =	ssyncset.done $0x0  }
0x162: {  	[sflag:s8] =	ssyncadd.s32 $0xFFFFFC00  }
0x163: {  	[spmem:s2] =	stream.indirect.scatter.add.f32 [tilespmem:s19], [sflag:$0x2], $0x8, s13, s18, $0xb8;
	[tilespmem:$0x1D700] =	vst v63  }
0x164: {  	s11 =	rddreg [dreg:$0x14]  }
0x165: {  	[spmem:s2] =	stream.indirect.scatter.add.f32 [tilespmem:s20], [sflag:$0x2], $0x8, s11, s18, $0xb8;
	[tilespmem:$0x1D700] =	vst v63  }
0x166: {  	s12 =	rddreg [dreg:$0x15]  }
0x167: {  	[spmem:s2] =	stream.indirect.scatter.add.f32 [tilespmem:s21], [sflag:$0x2], $0x8, s12, s18, $0xb8;
	[tilespmem:$0x1D700] =	vst v63  }
0x168: {  	s13 =	rddreg [dreg:$0x16]  }
0x169: {  	[spmem:s2] =	stream.indirect.scatter.add.f32 [tilespmem:s22], [sflag:$0x2], $0x8, s13, s18, $0xb8;
	[tilespmem:$0x1D700] =	vst v63  }
0x16a: {  	s12 =	rddreg [dreg:$0x17]  }
0x16b: {  	[spmem:s2] =	stream.indirect.scatter.add.f32 [tilespmem:s23], [sflag:$0x2], $0x8, s12, s18, $0xb8;
	[tilespmem:$0x1D700] =	vst v63  }
0x16c: {  	s13 =	rddreg [dreg:$0x18]  }
0x16d: {  	[spmem:s2] =	stream.indirect.scatter.add.f32 [tilespmem:s24], [sflag:$0x2], $0x8, s13, s18, $0xb8;
	[tilespmem:$0x1D700] =	vst v63  }
0x16e: {  	s12 =	rddreg [dreg:$0x19]  }
0x16f: {  	[spmem:s2] =	stream.indirect.scatter.add.f32 [tilespmem:s25], [sflag:$0x2], $0x8, s12, s18, $0xb8;
	[tilespmem:$0x1D700] =	vst v63  }
0x170: {  	s13 =	rddreg [dreg:$0x1a]  }
0x171: {  	[spmem:s2] =	stream.indirect.scatter.add.f32 [tilespmem:s26], [sflag:$0x2], $0x8, s13, s18, $0xb8;
	[tilespmem:$0x1D700] =	vst v63  }
0x172: {  	_ =	swait.ge [sflag:s8], $0x400  }
0x173: {  	[sflag:s8] =	ssyncset.done $0x0  }
0x174: {  	[sflag:s8] =	ssyncadd.s32 $0xFFFFFC00  }
0x175: {  	_ =	swait.ge [sflag:s8], $0x400  }
0x176: {  	[sflag:s8] =	ssyncset.done $0x0  }
0x177: {  	[sflag:s8] =	ssyncadd.s32 $0xFFFFFC00  }
0x178: {  	_ =	swait.ge [sflag:s8], $0x400  }
0x179: {  	[sflag:s8] =	ssyncset.done $0x0  }
0x17a: {  	[sflag:s8] =	ssyncadd.s32 $0xFFFFFC00  }
0x17b: {  	_ =	swait.ge [sflag:s8], $0x400  }
0x17c: {  	[sflag:s8] =	ssyncset.done $0x0  }
0x17d: {  	[sflag:s8] =	ssyncadd.s32 $0xFFFFFC00  }
0x17e: {  	_ =	swait.ge [sflag:s8], $0x400  }
0x17f: {  	[sflag:s8] =	ssyncset.done $0x0  }
0x180: {  	[sflag:s8] =	ssyncadd.s32 $0xFFFFFC00  }
0x181: {  	_ =	swait.ge [sflag:s8], $0x400  }
0x182: {  	[sflag:s8] =	ssyncset.done $0x0  }
0x183: {  	[sflag:s8] =	ssyncadd.s32 $0xFFFFFC00  }
0x184: {  	_ =	swait.ge [sflag:s8], $0x400  }
0x185: {  	[sflag:s8] =	ssyncset.done $0x0  }
0x186: {  	[sflag:s8] =	ssyncadd.s32 $0xFFFFFC00  }
0x187: {  	_ =	swait.ge [sflag:s8], $0x400  }
0x188: {  	[sflag:s8] =	ssyncset.done $0x0  }
0x189: {  	[sflag:s8] =	ssyncadd.s32 $0xFFFFFC00  }
0x18a: {  	[spmem:s2] =	stream.indirect.scatter.add.f32 [tilespmem:s28], [sflag:$0x2], $0x8, s16, s18, $0xb8;
	[tilespmem:$0x1D700] =	vst v63  }
0x18b: {  	s12 =	rddreg [dreg:$0x1b]  }
0x18c: {  	[spmem:s2] =	stream.indirect.scatter.add.f32 [tilespmem:s29], [sflag:$0x2], $0x8, s12, s18, $0xb8;
	[tilespmem:$0x1D700] =	vst v63  }
0x18d: {  	s13 =	rddreg [dreg:$0x1c]  }
0x18e: {  	[spmem:s2] =	stream.indirect.scatter.add.f32 [tilespmem:s30], [sflag:$0x2], $0x8, s13, s18, $0xb8;
	[tilespmem:$0x1D700] =	vst v63  }
0x18f: {  	s6 =	sadd.s32 $0x100, s6;
	s12 =	rddreg [dreg:$0x1d]  }
0x190: {  	[spmem:s2] =	stream.indirect.scatter.add.f32 [tilespmem:s31], [sflag:$0x2], $0x8, s12, s18, $0xb8;
	[tilespmem:$0x1D700] =	vst v63  }
0x191: {  	p1 =	sne.s32 s6, $0x1900;
	s13 =	rddreg [dreg:$0x1e]  }
0x192: {  	[spmem:s2] =	stream.indirect.scatter.add.f32 [tilespmem:s1], [sflag:$0x2], $0x8, s13, s18, $0xb8;
	[tilespmem:$0x1D700] =	vst v63  }
.Ltmp0:
0x193: {  	s12 =	rddreg [dreg:$0x1f];
	(pc) =	sbr.rel @p1 .LBB2_2-.Ltmp0, $4  }
0x194: {  	s13 =	sld [smem:$0x7FA]  }
0x195: {  	[spmem:s2] =	stream.indirect.scatter.add.f32 [tilespmem:s0], [sflag:$0x2], $0x8, s12, s18, $0xb8;
	[tilespmem:$0x1D700] =	vst v63  }
0x196: {  	p0 =	por p2, p2;
	s11 =	sld [smem:$0x7FB]  }
0x197: {  	[spmem:s2] =	stream.indirect.scatter.add.f32 [tilespmem:s5], [sflag:$0x2], $0x8, s13, s18, $0xb8;
	[tilespmem:$0x1D700] =	vst v63  }
0x198: {  	s6 =	simm.s32 @!p0 $0x2  }
0x199: {  	[spmem:s2] =	stream.indirect.scatter.add.f32 [tilespmem:s7], [sflag:$0x2], $0x8, s11, s18, $0xb8;
	[tilespmem:$0x1D700] =	vst v63  }
0x19a: {  	_ =	swait.ge @!p0 [sflag:s6], $0x400  }
0x19b: {  	[sflag:s6] =	ssyncset.done @!p0 $0x0  }
0x19c: {  	[sflag:s6] =	ssyncadd.s32 @!p0 $0xFFFFFC00  }
0x19d: {  	_ =	swait.ge @!p0 [sflag:s6], $0x400  }
0x19e: {  	[sflag:s6] =	ssyncset.done @!p0 $0x0  }
0x19f: {  	[sflag:s6] =	ssyncadd.s32 @!p0 $0xFFFFFC00  }
0x1a0: {  	_ =	swait.ge @!p0 [sflag:s6], $0x400  }
0x1a1: {  	[sflag:s6] =	ssyncset.done @!p0 $0x0  }
0x1a2: {  	[sflag:s6] =	ssyncadd.s32 @!p0 $0xFFFFFC00  }
0x1a3: {  	_ =	swait.ge @!p0 [sflag:s6], $0x400  }
0x1a4: {  	[sflag:s6] =	ssyncset.done @!p0 $0x0  }
0x1a5: {  	[sflag:s6] =	ssyncadd.s32 @!p0 $0xFFFFFC00  }
0x1a6: {  	_ =	swait.ge @!p0 [sflag:s6], $0x400  }
0x1a7: {  	[sflag:s6] =	ssyncset.done @!p0 $0x0  }
0x1a8: {  	[sflag:s6] =	ssyncadd.s32 @!p0 $0xFFFFFC00  }
0x1a9: {  	_ =	swait.ge @!p0 [sflag:s6], $0x400  }
0x1aa: {  	[sflag:s6] =	ssyncset.done @!p0 $0x0  }
0x1ab: {  	[sflag:s6] =	ssyncadd.s32 @!p0 $0xFFFFFC00  }
0x1ac: {  	_ =	swait.ge @!p0 [sflag:s6], $0x400  }
0x1ad: {  	[sflag:s6] =	ssyncset.done @!p0 $0x0  }
0x1ae: {  	[sflag:s6] =	ssyncadd.s32 @!p0 $0xFFFFFC00  }
0x1af: {  	_ =	swait.ge @!p0 [sflag:s6], $0x400  }
0x1b0: {  	[sflag:s6] =	ssyncset.done @!p0 $0x0  }
0x1b1: {  	[sflag:s6] =	ssyncadd.s32 @!p0 $0xFFFFFC00  }
0x1b2: {  	_ =	swait.ge @!p0 [sflag:s6], $0x400  }
0x1b3: {  	[sflag:s6] =	ssyncset.done @!p0 $0x0  }
0x1b4: {  	[sflag:s6] =	ssyncadd.s32 @!p0 $0xFFFFFC00  }
0x1b5: {  	_ =	swait.ge @!p0 [sflag:s6], $0x400  }
0x1b6: {  	[sflag:s6] =	ssyncset.done @!p0 $0x0  }
0x1b7: {  	[sflag:s6] =	ssyncadd.s32 @!p0 $0xFFFFFC00  }
0x1b8: {  	_ =	swait.ge @!p0 [sflag:s6], $0x400  }
0x1b9: {  	[sflag:s6] =	ssyncset.done @!p0 $0x0  }
0x1ba: {  	[sflag:s6] =	ssyncadd.s32 @!p0 $0xFFFFFC00  }
0x1bb: {  	_ =	swait.ge @!p0 [sflag:s6], $0x400  }
0x1bc: {  	[sflag:s6] =	ssyncset.done @!p0 $0x0  }
0x1bd: {  	[sflag:s6] =	ssyncadd.s32 @!p0 $0xFFFFFC00  }
0x1be: {  	_ =	swait.ge @!p0 [sflag:s6], $0x400  }
0x1bf: {  	[sflag:s6] =	ssyncset.done @!p0 $0x0  }
0x1c0: {  	[sflag:s6] =	ssyncadd.s32 @!p0 $0xFFFFFC00  }
0x1c1: {  	_ =	swait.ge @!p0 [sflag:s6], $0x400  }
0x1c2: {  	[sflag:s6] =	ssyncset.done @!p0 $0x0  }
0x1c3: {  	[sflag:s6] =	ssyncadd.s32 @!p0 $0xFFFFFC00  }
0x1c4: {  	_ =	swait.ge @!p0 [sflag:s6], $0x400  }
0x1c5: {  	[sflag:s6] =	ssyncset.done @!p0 $0x0  }
0x1c6: {  	[sflag:s6] =	ssyncadd.s32 @!p0 $0xFFFFFC00  }
0x1c7: {  	_ =	swait.ge @!p0 [sflag:s6], $0x400  }
0x1c8: {  	s12 =	simm.s32 $0x18700;
	s9 =	rddreg [dreg:$0x5];
	[sflag:s6] =	ssyncset.done @!p0 $0x0  }
0x1c9: {  	s13 =	rddreg [dreg:$0x4];
	[sflag:s6] =	ssyncadd.s32 @!p0 $0xFFFFFC00;
	s9 =	sadd.s32 s10, s9  }
0x1ca: {  	[tilespmem:s12], [sflag:$0x3] =	stream.linear.gather [hbm4b:s9+s4], $0x400, $0x38;
	[tilespmem:$0x1D700] =	vst v63  }
0x1cb: {  	s11 =	sadd.s32 s10, s13;
	s10 =	simm.s32 $0x18B00  }
0x1cc: {  	[tilespmem:s10], [sflag:$0x3] =	stream.linear.gather [hbm4b:s11+s4], $0x400, $0x38;
	[tilespmem:$0x1D700] =	vst v63  }
0x1cd: {  	s6 =	sadd.s32 $0x80, s9  }
0x1ce: {  	[tilespmem:s15], [sflag:$0x3] =	stream.linear.gather [hbm4b:s6+s4], $0x400, $0x38;
	[tilespmem:$0x1D700] =	vst v63  }
0x1cf: {  	s13 =	sadd.s32 $0x80, s11  }
0x1d0: {  	[tilespmem:s16], [sflag:$0x3] =	stream.linear.gather [hbm4b:s13+s4], $0x400, $0x38;
	[tilespmem:$0x1D700] =	vst v63  }
0x1d1: {  	_ =	swait.ge [sflag:s17], $0x400  }
0x1d2: {  	[sflag:s17] =	ssyncset.done $0x0  }
0x1d3: {  	[sflag:s17] =	ssyncadd.s32 $0xFFFFFC00  }
0x1d4: {  	_ =	swait.ge [sflag:s17], $0x400  }
0x1d5: {  	[sflag:s17] =	ssyncset.done $0x0  }
0x1d6: {  	[sflag:s17] =	ssyncadd.s32 $0xFFFFFC00  }
0x1d7: {  	_ =	swait.ge [sflag:s17], $0x400  }
0x1d8: {  	[sflag:s17] =	ssyncset.done $0x0  }
0x1d9: {  	[sflag:s17] =	ssyncadd.s32 $0xFFFFFC00  }
0x1da: {  	_ =	swait.ge [sflag:s17], $0x400  }
0x1db: {  	[sflag:s17] =	ssyncset.done $0x0  }
0x1dc: {  	[sflag:s17] =	ssyncadd.s32 $0xFFFFFC00  }
0x1dd: {  	[tilespmem:s19], [sflag:$0x1] =	stream.indirect.gather [spmem:s3], $0x8, s12, s18, $0xb8;
	[tilespmem:$0x1D700] =	vst v63  }
0x1de: {  	s9 =	rddreg [dreg:$0x6]  }
0x1df: {  	[tilespmem:s20], [sflag:$0x1] =	stream.indirect.gather [spmem:s3], $0x8, s9, s18, $0xb8;
	[tilespmem:$0x1D700] =	vst v63  }
0x1e0: {  	s11 =	rddreg [dreg:$0x7]  }
0x1e1: {  	[tilespmem:s21], [sflag:$0x1] =	stream.indirect.gather [spmem:s3], $0x8, s11, s18, $0xb8;
	[tilespmem:$0x1D700] =	vst v63  }
0x1e2: {  	s12 =	rddreg [dreg:$0x8]  }
0x1e3: {  	[tilespmem:s22], [sflag:$0x1] =	stream.indirect.gather [spmem:s3], $0x8, s12, s18, $0xb8;
	[tilespmem:$0x1D700] =	vst v63  }
0x1e4: {  	s13 =	rddreg [dreg:$0x9]  }
0x1e5: {  	[tilespmem:s23], [sflag:$0x1] =	stream.indirect.gather [spmem:s3], $0x8, s13, s18, $0xb8;
	[tilespmem:$0x1D700] =	vst v63  }
0x1e6: {  	s11 =	rddreg [dreg:$0xa]  }
0x1e7: {  	[tilespmem:s24], [sflag:$0x1] =	stream.indirect.gather [spmem:s3], $0x8, s11, s18, $0xb8;
	[tilespmem:$0x1D700] =	vst v63  }
0x1e8: {  	s12 =	rddreg [dreg:$0xb]  }
0x1e9: {  	[tilespmem:s25], [sflag:$0x1] =	stream.indirect.gather [spmem:s3], $0x8, s12, s18, $0xb8;
	[tilespmem:$0x1D700] =	vst v63  }
0x1ea: {  	s13 =	rddreg [dreg:$0xc]  }
0x1eb: {  	[tilespmem:s26], [sflag:$0x1] =	stream.indirect.gather [spmem:s3], $0x8, s13, s18, $0xb8;
	[tilespmem:$0x1D700] =	vst v63  }
0x1ec: {  	_ = 	snop  }
0x1ed: {  	[tilespmem:s28], [sflag:$0x1] =	stream.indirect.gather [spmem:s3], $0x8, s15, s18, $0xb8;
	[tilespmem:$0x1D700] =	vst v63  }
0x1ee: {  	s9 =	rddreg [dreg:$0xd]  }
0x1ef: {  	[tilespmem:s29], [sflag:$0x1] =	stream.indirect.gather [spmem:s3], $0x8, s9, s18, $0xb8;
	[tilespmem:$0x1D700] =	vst v63  }
0x1f0: {  	s11 =	rddreg [dreg:$0xe]  }
0x1f1: {  	[tilespmem:s30], [sflag:$0x1] =	stream.indirect.gather [spmem:s3], $0x8, s11, s18, $0xb8;
	[tilespmem:$0x1D700] =	vst v63  }
0x1f2: {  	s12 =	rddreg [dreg:$0xf]  }
0x1f3: {  	[tilespmem:s31], [sflag:$0x1] =	stream.indirect.gather [spmem:s3], $0x8, s12, s18, $0xb8;
	[tilespmem:$0x1D700] =	vst v63  }
0x1f4: {  	s13 =	rddreg [dreg:$0x10]  }
0x1f5: {  	[tilespmem:s1], [sflag:$0x1] =	stream.indirect.gather [spmem:s3], $0x8, s13, s18, $0xb8;
	[tilespmem:$0x1D700] =	vst v63  }
0x1f6: {  	s11 =	rddreg [dreg:$0x11]  }
0x1f7: {  	[tilespmem:s0], [sflag:$0x1] =	stream.indirect.gather [spmem:s3], $0x8, s11, s18, $0xb8;
	[tilespmem:$0x1D700] =	vst v63  }
0x1f8: {  	s12 =	rddreg [dreg:$0x12]  }
0x1f9: {  	[tilespmem:s5], [sflag:$0x1] =	stream.indirect.gather [spmem:s3], $0x8, s12, s18, $0xb8;
	[tilespmem:$0x1D700] =	vst v63  }
0x1fa: {  	s13 =	rddreg [dreg:$0x13]  }
0x1fb: {  	[tilespmem:s7], [sflag:$0x1] =	stream.indirect.gather [spmem:s3], $0x8, s13, s18, $0xb8;
	[tilespmem:$0x1D700] =	vst v63  }
0x1fc: {  	_ =	swait.ge [sflag:s8], $0x400  }
0x1fd: {  	[sflag:s8] =	ssyncset.done $0x0  }
0x1fe: {  	[sflag:s8] =	ssyncadd.s32 $0xFFFFFC00  }
0x1ff: {  	_ =	swait.ge [sflag:s8], $0x400  }
0x200: {  	[sflag:s8] =	ssyncset.done $0x0  }
0x201: {  	[sflag:s8] =	ssyncadd.s32 $0xFFFFFC00  }
0x202: {  	_ =	swait.ge [sflag:s8], $0x400  }
0x203: {  	[sflag:s8] =	ssyncset.done $0x0  }
0x204: {  	[sflag:s8] =	ssyncadd.s32 $0xFFFFFC00  }
0x205: {  	_ =	swait.ge [sflag:s8], $0x400  }
0x206: {  	[sflag:s8] =	ssyncset.done $0x0  }
0x207: {  	[sflag:s8] =	ssyncadd.s32 $0xFFFFFC00  }
0x208: {  	_ =	swait.ge [sflag:s8], $0x400  }
0x209: {  	[sflag:s8] =	ssyncset.done $0x0  }
0x20a: {  	[sflag:s8] =	ssyncadd.s32 $0xFFFFFC00  }
0x20b: {  	_ =	swait.ge [sflag:s8], $0x400  }
0x20c: {  	[sflag:s8] =	ssyncset.done $0x0  }
0x20d: {  	[sflag:s8] =	ssyncadd.s32 $0xFFFFFC00  }
0x20e: {  	_ =	swait.ge [sflag:s8], $0x400  }
0x20f: {  	[sflag:s8] =	ssyncset.done $0x0  }
0x210: {  	[sflag:s8] =	ssyncadd.s32 $0xFFFFFC00  }
0x211: {  	_ =	swait.ge [sflag:s8], $0x400  }
0x212: {  	[sflag:s8] =	ssyncset.done $0x0  }
0x213: {  	[sflag:s8] =	ssyncadd.s32 $0xFFFFFC00  }
0x214: {  	[spmem:s2] =	stream.indirect.scatter.add.f32 [tilespmem:s19], [sflag:$0x2], $0x8, s10, s18, $0xb8;
	[tilespmem:$0x1D700] =	vst v63  }
0x215: {  	s11 =	rddreg [dreg:$0x14]  }
0x216: {  	[spmem:s2] =	stream.indirect.scatter.add.f32 [tilespmem:s20], [sflag:$0x2], $0x8, s11, s18, $0xb8;
	[tilespmem:$0x1D700] =	vst v63  }
0x217: {  	s12 =	rddreg [dreg:$0x15]  }
0x218: {  	[spmem:s2] =	stream.indirect.scatter.add.f32 [tilespmem:s21], [sflag:$0x2], $0x8, s12, s18, $0xb8;
	[tilespmem:$0x1D700] =	vst v63  }
0x219: {  	s13 =	rddreg [dreg:$0x16]  }
0x21a: {  	[spmem:s2] =	stream.indirect.scatter.add.f32 [tilespmem:s22], [sflag:$0x2], $0x8, s13, s18, $0xb8;
	[tilespmem:$0x1D700] =	vst v63  }
0x21b: {  	s10 =	rddreg [dreg:$0x17]  }
0x21c: {  	[spmem:s2] =	stream.indirect.scatter.add.f32 [tilespmem:s23], [sflag:$0x2], $0x8, s10, s18, $0xb8;
	[tilespmem:$0x1D700] =	vst v63  }
0x21d: {  	s11 =	rddreg [dreg:$0x18]  }
0x21e: {  	[spmem:s2] =	stream.indirect.scatter.add.f32 [tilespmem:s24], [sflag:$0x2], $0x8, s11, s18, $0xb8;
	[tilespmem:$0x1D700] =	vst v63  }
0x21f: {  	s12 =	rddreg [dreg:$0x19]  }
0x220: {  	[spmem:s2] =	stream.indirect.scatter.add.f32 [tilespmem:s25], [sflag:$0x2], $0x8, s12, s18, $0xb8;
	[tilespmem:$0x1D700] =	vst v63  }
0x221: {  	s13 =	rddreg [dreg:$0x1a]  }
0x222: {  	[spmem:s2] =	stream.indirect.scatter.add.f32 [tilespmem:s26], [sflag:$0x2], $0x8, s13, s18, $0xb8;
	[tilespmem:$0x1D700] =	vst v63  }
0x223: {  	_ =	swait.ge [sflag:s8], $0x400  }
0x224: {  	[sflag:s8] =	ssyncset.done $0x0  }
0x225: {  	[sflag:s8] =	ssyncadd.s32 $0xFFFFFC00  }
0x226: {  	_ =	swait.ge [sflag:s8], $0x400  }
0x227: {  	[sflag:s8] =	ssyncset.done $0x0  }
0x228: {  	[sflag:s8] =	ssyncadd.s32 $0xFFFFFC00  }
0x229: {  	_ =	swait.ge [sflag:s8], $0x400  }
0x22a: {  	[sflag:s8] =	ssyncset.done $0x0  }
0x22b: {  	[sflag:s8] =	ssyncadd.s32 $0xFFFFFC00  }
0x22c: {  	_ =	swait.ge [sflag:s8], $0x400  }
0x22d: {  	[sflag:s8] =	ssyncset.done $0x0  }
0x22e: {  	[sflag:s8] =	ssyncadd.s32 $0xFFFFFC00  }
0x22f: {  	_ =	swait.ge [sflag:s8], $0x400  }
0x230: {  	[sflag:s8] =	ssyncset.done $0x0  }
0x231: {  	[sflag:s8] =	ssyncadd.s32 $0xFFFFFC00  }
0x232: {  	_ =	swait.ge [sflag:s8], $0x400  }
0x233: {  	[sflag:s8] =	ssyncset.done $0x0  }
0x234: {  	[sflag:s8] =	ssyncadd.s32 $0xFFFFFC00  }
0x235: {  	_ =	swait.ge [sflag:s8], $0x400  }
0x236: {  	[sflag:s8] =	ssyncset.done $0x0  }
0x237: {  	[sflag:s8] =	ssyncadd.s32 $0xFFFFFC00  }
0x238: {  	_ =	swait.ge [sflag:s8], $0x400  }
0x239: {  	[sflag:s8] =	ssyncset.done $0x0  }
0x23a: {  	s9 =	rddreg [dreg:$0x1b];
	[sflag:s8] =	ssyncadd.s32 $0xFFFFFC00  }
0x23b: {  	[spmem:s2] =	stream.indirect.scatter.add.f32 [tilespmem:s28], [sflag:$0x2], $0x8, s16, s18, $0xb8;
	[tilespmem:$0x1D700] =	vst v63  }
0x23c: {  	s10 =	rddreg [dreg:$0x1c]  }
0x23d: {  	[spmem:s2] =	stream.indirect.scatter.add.f32 [tilespmem:s29], [sflag:$0x2], $0x8, s9, s18, $0xb8;
	[tilespmem:$0x1D700] =	vst v63  }
0x23e: {  	s11 =	rddreg [dreg:$0x1d]  }
0x23f: {  	[spmem:s2] =	stream.indirect.scatter.add.f32 [tilespmem:s30], [sflag:$0x2], $0x8, s10, s18, $0xb8;
	[tilespmem:$0x1D700] =	vst v63  }
0x240: {  	s12 =	rddreg [dreg:$0x1e]  }
0x241: {  	[spmem:s2] =	stream.indirect.scatter.add.f32 [tilespmem:s31], [sflag:$0x2], $0x8, s11, s18, $0xb8;
	[tilespmem:$0x1D700] =	vst v63  }
0x242: {  	s13 =	rddreg [dreg:$0x1f]  }
0x243: {  	[spmem:s2] =	stream.indirect.scatter.add.f32 [tilespmem:s1], [sflag:$0x2], $0x8, s12, s18, $0xb8;
	[tilespmem:$0x1D700] =	vst v63  }
0x244: {  	s10 =	sld [smem:$0x7FA]  }
0x245: {  	[spmem:s2] =	stream.indirect.scatter.add.f32 [tilespmem:s0], [sflag:$0x2], $0x8, s13, s18, $0xb8;
	[tilespmem:$0x1D700] =	vst v63  }
0x246: {  	s11 =	sld [smem:$0x7FB]  }
0x247: {  	[spmem:s2] =	stream.indirect.scatter.add.f32 [tilespmem:s5], [sflag:$0x2], $0x8, s10, s18, $0xb8;
	[tilespmem:$0x1D700] =	vst v63  }
0x248: {  	s12 =	simm.s32 $0x2  }
0x249: {  	[spmem:s2] =	stream.indirect.scatter.add.f32 [tilespmem:s7], [sflag:$0x2], $0x8, s11, s18, $0xb8;
	[tilespmem:$0x1D700] =	vst v63  }
0x24a: {  	_ =	swait.ge [sflag:s12], $0x400  }
0x24b: {  	[sflag:s12] =	ssyncset.done $0x0  }
0x24c: {  	[sflag:s12] =	ssyncadd.s32 $0xFFFFFC00  }
0x24d: {  	_ =	swait.ge [sflag:s12], $0x400  }
0x24e: {  	[sflag:s12] =	ssyncset.done $0x0  }
0x24f: {  	[sflag:s12] =	ssyncadd.s32 $0xFFFFFC00  }
0x250: {  	_ =	swait.ge [sflag:s12], $0x400  }
0x251: {  	[sflag:s12] =	ssyncset.done $0x0  }
0x252: {  	[sflag:s12] =	ssyncadd.s32 $0xFFFFFC00  }
0x253: {  	_ =	swait.ge [sflag:s12], $0x400  }
0x254: {  	[sflag:s12] =	ssyncset.done $0x0  }
0x255: {  	[sflag:s12] =	ssyncadd.s32 $0xFFFFFC00  }
0x256: {  	_ =	swait.ge [sflag:s12], $0x400  }
0x257: {  	[sflag:s12] =	ssyncset.done $0x0  }
0x258: {  	[sflag:s12] =	ssyncadd.s32 $0xFFFFFC00  }
0x259: {  	_ =	swait.ge [sflag:s12], $0x400  }
0x25a: {  	[sflag:s12] =	ssyncset.done $0x0  }
0x25b: {  	[sflag:s12] =	ssyncadd.s32 $0xFFFFFC00  }
0x25c: {  	_ =	swait.ge [sflag:s12], $0x400  }
0x25d: {  	[sflag:s12] =	ssyncset.done $0x0  }
0x25e: {  	[sflag:s12] =	ssyncadd.s32 $0xFFFFFC00  }
0x25f: {  	_ =	swait.ge [sflag:s12], $0x400  }
0x260: {  	[sflag:s12] =	ssyncset.done $0x0  }
0x261: {  	[sflag:s12] =	ssyncadd.s32 $0xFFFFFC00  }
0x262: {  	_ =	swait.ge [sflag:s12], $0x400  }
0x263: {  	[sflag:s12] =	ssyncset.done $0x0  }
0x264: {  	[sflag:s12] =	ssyncadd.s32 $0xFFFFFC00  }
0x265: {  	_ =	swait.ge [sflag:s12], $0x400  }
0x266: {  	[sflag:s12] =	ssyncset.done $0x0  }
0x267: {  	[sflag:s12] =	ssyncadd.s32 $0xFFFFFC00  }
0x268: {  	_ =	swait.ge [sflag:s12], $0x400  }
0x269: {  	[sflag:s12] =	ssyncset.done $0x0  }
0x26a: {  	[sflag:s12] =	ssyncadd.s32 $0xFFFFFC00  }
0x26b: {  	_ =	swait.ge [sflag:s12], $0x400  }
0x26c: {  	[sflag:s12] =	ssyncset.done $0x0  }
0x26d: {  	[sflag:s12] =	ssyncadd.s32 $0xFFFFFC00  }
0x26e: {  	_ =	swait.ge [sflag:s12], $0x400  }
0x26f: {  	[sflag:s12] =	ssyncset.done $0x0  }
0x270: {  	[sflag:s12] =	ssyncadd.s32 $0xFFFFFC00  }
0x271: {  	_ =	swait.ge [sflag:s12], $0x400  }
0x272: {  	[sflag:s12] =	ssyncset.done $0x0  }
0x273: {  	[sflag:s12] =	ssyncadd.s32 $0xFFFFFC00  }
0x274: {  	_ =	swait.ge [sflag:s12], $0x400  }
0x275: {  	[sflag:s12] =	ssyncset.done $0x0  }
0x276: {  	[sflag:s12] =	ssyncadd.s32 $0xFFFFFC00  }
0x277: {  	_ =	swait.ge [sflag:s12], $0x400  }
0x278: {  	[sflag:s12] =	ssyncset.done $0x0  }
0x279: {  	[sflag:s12] =	ssyncadd.s32 $0xFFFFFC00  }
0x27a: {  	[bflag:$0x0] =	sbarrier.arrive $0xFFFF  }
0x27b: {  	s9 =	sld [smem:$0x7FC]  }
0x27c: {  	s13 =	sld [smem:$0x7F7]  }
0x27d: {  	s10 =	sld [smem:$0x7FD];
	_ =	sdelay $0x1  }
0x27e: {  	s11 =	simm.s32 $0x4  }
0x27f: {  	[hbm:s13], [sflag:s9] =	dma.local [spmem:s10], $0x1870  }
0x280: {  	_ =	swait.ge [sflag:s11], $0x1870  }
0x281: {  	s6 =	sld [smem:$0x7F4]  }
0x282: {  	s13 =	sld [smem:$0x7F8];
	_ =	sdelay $0x1  }
0x283: {  	s12 =	sadd.s32 $0x1, s6  }
0x284: {  	p0 =	sne.s32 s12, s13  }
.Ltmp1:
0x285: {  	_ = 	snop;
	(pc) =	sbr.rel @p0 .LBB2_1-.Ltmp1, $3  }
0x286: {  	_ =	sdelay $0x1  }
0x287: {  	[sflag:s11] =	ssyncset.done $0x0  }
0x288: {  	[sflag:s11] =	ssyncadd.s32 $0xFFFFE790  }
0x289: {  	_ =	sfence.sel $0x180000  }
0x28a: {  	[bflag:$0x0] =	sbarrier.arrive $0xFFFF  }
0x28b: {  	_ =	strace $0x9000004A  }
0x28c: {  	s0 =	stileid.u32;
	[bflag:$0x2] =	sbarrier.arrive $0xFFFF  }
0x28d: {  	p0 =	sne.s32 s0, $0x0;
	s0 =	rddreg [dreg:$0x3]  }
0x28e: {  	s0 =	sadd.s32 @!p0 $0x100000, s0  }
0x28f: {  	[sflag:s0] =	ssyncadd.tile.s32 @!p0 $0x1;
	_ =	shalt  }
.Lfunc_end2:
_tile_overlayer_lowered:
.L_overlay_start_2:
0x290: {  	(tag) =	ssettag $0x2  }
0x291: {  	s0 =	rddreg [dreg:$0x0];
	s2 =	stileid.u32  }
0x292: {  	s1 =	rddreg [dreg:$0x1];
	p0 =	sne.s32 s2, $0x0  }
0x293: {  	s3 =	rddreg [dreg:$0x2];
	[bflag:$0x3] =	sbarrier.arrive $0xFFFF;
	s2 =	simm.s32 @!p0 $0x1C04  }
0x294: {  	[timem:s3], [sflag:s2] =	dma.local @!p0 [hbm:s0], s1  }
0x295: {  	s0 =	simm.s32 @!p0 $0x4  }
0x296: {  	_ =	swait.ge @!p0 [sflag:s0], s1  }
0x297: {  	s1 =	ssub.s32 @!p0 $0x0, s1;
	[sflag:s0] =	ssyncset.done @!p0 $0x0  }
0x298: {  	[sflag:s0] =	ssyncadd.s32 @!p0 s1  }
0x299: {  	[bflag:$0x3] =	sbarrier.arrive $0xFFFF  }
0x29a: {  	_ =	shalt  }

// kernel: kernel.14.cloned.1.call-start
scs
__scs_entry_jumppad:
0x0: {  	(pc) =	sbr.rel $0x88, $3  }
0x1: {  	(tag) =	ssettag $0x0;
	lr =	simm.s32 $0x1  }
0x2: {  	[smem:$0x3F98] =	sst lr;
	_ =	strace $0xD0000000  }
0x3: {  	_ = 	snop  }
0x4: {  	_ = 	snop  }
0x5: {  	_ = 	snop  }
0x6: {  	_ = 	snop  }
0x7: {  	_ = 	snop  }
__scs_overlays_trampoline_lowered:
0x8: {  	[smem:$0x3FA7] =	sst s0  }
0x9: {  	[smem:$0x3FA8] =	sst s1  }
0xa: {  	[smem:$0x3FA9] =	sst s2  }
0xb: {  	[smem:$0x3FAA] =	sst s3  }
0xc: {  	[smem:$0x3FAB] =	sst s4  }
0xd: {  	[smem:$0x3FAC] =	sst s5  }
0xe: {  	[smem:$0x3FAD] =	sst s6  }
0xf: {  	[smem:$0x3FAE] =	sst s7  }
0x10: {  	[smem:$0x3FAF] =	sst s8  }
0x11: {  	[smem:$0x3FB0] =	sst s9;
	s0 =	simm.s32 @!p0 $0x0  }
0x12: {  	s1 =	sld [smem:$0x3F96];
	s0 =	simm.s32 @p0 $0x1  }
0x13: {  	[smem:$0x3FB1] =	sst s0;
	s0 =	simm.s32 @!p1 $0x0  }
0x14: {  	s2 =	sld [smem:$0x3F95];
	s0 =	simm.s32 @p1 $0x1  }
0x15: {  	[smem:$0x3FB2] =	sst s0;
	s0 =	simm.s32 @!p2 $0x0  }
0x16: {  	s3 =	sld [smem:$0x3FDB];
	s0 =	simm.s32 @p2 $0x1  }
0x17: {  	s4 =	simm.s32 $0x1BF5;
	[smem:$0x3FB4] =	sst s0  }
0x18: {  	s0 =	sld [smem:$0x3F97];
	_ =	swait.ge [sflag:s4], $0x0  }
0x19: {  	s7 =	sld [smem:$0x3F98]  }
0x1a: {  	s8 =	sadd.s32 $0xFFFFE003, lr  }
0x1b: {  	s9 =	sadd.s32 $0xFFFFFEF7, lr;
	s5 =	simm.s32 $0xFFFFFFFF;
	p2 =	slt.u32 s8, $0xFFFFF086  }
0x1c: {  	p1 =	slt.u32 s9, $0xF7A;
	s5 =	simm.s32 @!p2 $0x0  }
0x1d: {  	s5 =	simm.s32 @p1 $0x1;
	p0 =	seq.s32 s7, s2  }
0x1e: {  	s7 =	smul.u32 @!p0 $0xF7A, s2;
	p2 =	seq.s32 @!p0 s5, $0x0  }
0x1f: {  	s9 =	smul.u32 $0xF7A, s1;
	s8 =	simm.s32 @!p0 $0x1BF5;
	p2 =	por !p2, p0  }
0x20: {  	[sflag:s8] =	ssyncset.s32 @!p0 $0xFFFFF086;
	s6 =	sadd.s32 @!p0 s3, s7;
	s7 =	simm.s32 @!p0 $0x108  }
0x21: {  	s3 =	sadd.s32 s3, s9;
	s6 =	sadd.s32 @!p0 $0x88, s6;
	s7 =	simm.s32 @p2 $0x1082  }
0x22: {  	[simem:s7], [sflag:s8] =	dma.local @!p0 [hbm:s6], $0xF7A  }
0x23: {  	s9 =	sor.u32 $0xD0000000, s2;
	s6 =	simm.s32 $0x108;
	_ =	swait.ge @!p0 [sflag:s8], $0x0  }
0x24: {  	s3 =	sadd.s32 $0x88, s3;
	s6 =	simm.s32 @!p1 $0x1082;
	[sflag:s4] =	ssyncset.s32 $0xFFFFF086  }
0x25: {  	[simem:s6], [sflag:s4] =	dma.local [hbm:s3], $0xF7A  }
0x26: {  	[smem:$0x3F98] =	sst s1;
	(tag) =	ssettag s2;
	_ =	strace s9  }
0x27: {  	s1 =	sld [smem:$0x3FA8]  }
0x28: {  	s2 =	sld [smem:$0x3FA9]  }
0x29: {  	s4 =	sld [smem:$0x3FAB]  }
0x2a: {  	p0 =	seq.s32 s5, $0x0;
	s5 =	sld [smem:$0x3FAC]  }
0x2b: {  	s6 =	sld [smem:$0x3FAD]  }
0x2c: {  	s7 =	sld [smem:$0x3FAE]  }
0x2d: {  	s3 =	simm.s32 $0x108;
	s8 =	sld [smem:$0x3FAF]  }
0x2e: {  	s3 =	simm.s32 @!p0 $0x1082;
	s9 =	sld [smem:$0x3FB0]  }
0x2f: {  	lr =	sadd.s32 s0, s3;
	s0 =	sld [smem:$0x3FA7]  }
0x30: {  	s3 =	sld [smem:$0x3FAA]  }
0x31: {  	[smem:$0x3FB3] =	sst s10  }
0x32: {  	s10 =	sld [smem:$0x3FB1];
	_ =	sdelay $0x3  }
0x33: {  	p0 =	seq.s32 s10, $0x1;
	s10 =	sld [smem:$0x3FB3];
	_ =	sdelay $0x3  }
0x34: {  	[smem:$0x3FB3] =	sst s10  }
0x35: {  	s10 =	sld [smem:$0x3FB2];
	_ =	sdelay $0x3  }
0x36: {  	p1 =	seq.s32 s10, $0x1;
	s10 =	sld [smem:$0x3FB3];
	_ =	sdelay $0x3  }
0x37: {  	[smem:$0x3FB3] =	sst s10  }
0x38: {  	s10 =	sld [smem:$0x3FB4]  }
0x39: {  	_ = 	snop;
	(pc) =	sbr.ind lr, $3  }
0x3a: {  	_ = 	snop  }
0x3b: {  	_ = 	snop  }
0x3c: {  	p2 =	seq.s32 s10, $0x1;
	s10 =	sld [smem:$0x3FB3]  }
0x3d: {  	_ =	shalt  }
0x3e: {  	_ =	shalt  }
0x3f: {  	_ =	shalt  }
0x40: {  	_ =	shalt  }
0x41: {  	_ =	shalt  }
0x42: {  	_ =	shalt  }
0x43: {  	_ =	shalt  }
0x44: {  	_ =	shalt  }
0x45: {  	_ =	shalt  }
0x46: {  	_ =	shalt  }
0x47: {  	_ =	shalt  }
0x48: {  	_ =	shalt  }
0x49: {  	_ =	shalt  }
0x4a: {  	_ =	shalt  }
0x4b: {  	_ =	shalt  }
0x4c: {  	_ =	shalt  }
0x4d: {  	_ =	shalt  }
0x4e: {  	_ =	shalt  }
0x4f: {  	_ =	shalt  }
0x50: {  	_ =	shalt  }
0x51: {  	_ =	shalt  }
0x52: {  	_ =	shalt  }
0x53: {  	_ =	shalt  }
0x54: {  	_ =	shalt  }
0x55: {  	_ =	shalt  }
0x56: {  	_ =	shalt  }
0x57: {  	_ =	shalt  }
0x58: {  	_ =	shalt  }
0x59: {  	_ =	shalt  }
0x5a: {  	_ =	shalt  }
0x5b: {  	_ =	shalt  }
0x5c: {  	_ =	shalt  }
0x5d: {  	_ =	shalt  }
0x5e: {  	_ =	shalt  }
0x5f: {  	_ =	shalt  }
0x60: {  	_ =	shalt  }
0x61: {  	_ =	shalt  }
0x62: {  	_ =	shalt  }
0x63: {  	_ =	shalt  }
0x64: {  	_ =	shalt  }
0x65: {  	_ =	shalt  }
0x66: {  	_ =	shalt  }
0x67: {  	_ =	shalt  }
0x68: {  	_ =	shalt  }
0x69: {  	_ =	shalt  }
0x6a: {  	_ =	shalt  }
0x6b: {  	_ =	shalt  }
0x6c: {  	_ =	shalt  }
0x6d: {  	_ =	shalt  }
0x6e: {  	_ =	shalt  }
0x6f: {  	_ =	shalt  }
0x70: {  	_ =	shalt  }
0x71: {  	_ =	shalt  }
0x72: {  	_ =	shalt  }
0x73: {  	_ =	shalt  }
0x74: {  	_ =	shalt  }
0x75: {  	_ =	shalt  }
0x76: {  	_ =	shalt  }
0x77: {  	_ =	shalt  }
0x78: {  	_ =	shalt  }
0x79: {  	_ =	shalt  }
0x7a: {  	_ =	shalt  }
0x7b: {  	_ =	shalt  }
0x7c: {  	_ =	shalt  }
0x7d: {  	_ =	shalt  }
0x7e: {  	_ =	shalt  }
0x7f: {  	_ =	shalt  }
0x80: {  	_ =	shalt  }
0x81: {  	_ =	shalt  }
0x82: {  	_ =	shalt  }
0x83: {  	_ =	shalt  }
0x84: {  	_ =	shalt  }
0x85: {  	_ =	shalt  }
0x86: {  	_ =	shalt  }
0x87: {  	_ =	shalt  }
.Lfunc_end0:
.L_simem_size_0:
called_computation.2_lowered:
.L_overlay_start_0:
0x88: {  	s2 =	sld [smem:$0x3FD9]  }
0x89: {  	s3 =	sld [smem:$0x3FFE];
	_ =	sdelay $0x1  }
0x8a: {  	s1 =	srdreg.scid  }
0x8b: {  	s0 =	sand.u32 $0x1, s1  }
0x8c: {  	s16 =	sshll.u32 s0, $0xA;
	s2 =	sadd.s32 s3, s2  }
0x8d: {  	s2 =	sadd.s32 s2, s16  }
0x8e: {  	[smem:$0x3FBF] =	sst s2  }
0x8f: {  	_ = 	snop  }
0x90: {  	(tm) =	ssettm $0x1  }
0x91: {  	s17 =	sld [smem:$0x3FFB];
	_ =	sdelay $0x3  }
0x92: {  	_ =	strace s17  }
0x93: {  	s2 =	sld [smem:$0x3FFC];
	_ =	sdelay $0x3  }
0x94: {  	_ =	strace s2  }
0x95: {  	s2 =	sld [smem:$0x3FFD];
	_ =	sdelay $0x3  }
0x96: {  	_ =	strace s2  }
0x97: {  	_ =	strace $0x8FFFFFFF  }
0x98: {  	s18 =	sld [smem:$0x3FDB];
	_ =	sdelay $0x1  }
0x99: {  	s19 =	simm.s32 $_scs_section_size  }
0x9a: {  	s4 =	simm.s32 $_size__tile_overlayer_lowered;
	s5 =	simm.s32 $_tile_overlayer_lowered  }
0x9b: {  	s22 =	simm.s32 $0x1BFF;
	s21 =	sshll.u32 s5, $0x1;
	s2 =	sadd.s32 s19, s18  }
0x9c: {  	s6 =	simm.s32 $0x0;
	s20 =	sshll.u32 s4, $0x1;
	s4 =	sadd.s32 s21, s2  }
0x9d: {  	[timem:s6], [sflag:s22] =	dma.local [hbm:s4], s20  }
0x9e: {  	_ =	swait.ge [sflag:s22], s20  }
0x9f: {  	s3 =	ssub.s32 $0x0, s20;
	[sflag:s22] =	ssyncset.done $0x0  }
0xa0: {  	[sflag:s22] =	ssyncadd.s32 s3;
	_ =	sdelay $0x1  }
0xa1: {  	s23 =	simm.s32 $0x1B8B  }
0xa2: {  	_ =	swait.ge [sflag:s23], $0x1  }
0xa3: {  	[sflag:s23] =	ssyncset.done $0x0  }
0xa4: {  	s25 =	simm.s32 $0x1B8E;
	s24 =	sld [smem:$0x3FFE];
	[sflag:s23] =	ssyncadd.s32 $0xFFFFFFFF  }
0xa5: {  	s26 =	simm.s32 $execute0_lowered;
	[smem:$0x3FD2] =	sst s25  }
0xa6: {  	s4 =	sshll.u32 s26, $0x1;
	_ =	strace $0x8000004C;
	[dreg:$0x1] =	wrdreg $0xFFFFFFFF  }
0xa7: {  	s28 =	simm.s32 $_size_execute0_lowered;
	s2 =	sadd.s32 s2, s4;
	[dreg:$0x0] =	wrdreg $0x0  }
0xa8: {  	s4 =	sshll.u32 s28, $0x1;
	[dreg:$0x2] =	wrdreg s2  }
0xa9: {  	[dreg:$0x3] =	wrdreg s4  }
0xaa: {  	[dreg:$0x4] =	wrdreg $0xC0  }
0xab: {  	_ =	task [dreg:s6], $0x5FFFF  }
0xac: {  	[dreg:$0x1] =	wrdreg $0xFFFFFFFF  }
0xad: {  	[dreg:$0x0] =	wrdreg $0x60  }
0xae: {  	[dreg:$0x2] =	wrdreg s24  }
0xaf: {  	[dreg:$0x3] =	wrdreg $0x0  }
0xb0: {  	[dreg:$0x4] =	wrdreg $0xC3800  }
0xb1: {  	[dreg:$0x5] =	wrdreg $0x9  }
0xb2: {  	_ =	task.clear_ibuf [dreg:s6], $0x6FFFF;
	_ =	strace $0x9000004C  }
0xb3: {  	s29 =	simm.s32 $0x9;
	_ =	strace $0x8000004E  }
0xb4: {  	_ =	swait.ge [sflag:s29], $0x1  }
0xb5: {  	[sflag:s29] =	ssyncadd.s32 $0xFFFFFFFF  }
0xb6: {  	_ =	strace $0x9000004E  }
0xb7: {  	_ =	sfence  }
0xb8: {  	s30 =	sld [smem:$0x0];
	_ =	sdelay $0x2  }
0xb9: {  	s31 =	sshll.u32 s1, $0xD;
	s1 =	sshrl.u32 s1, $0x2  }
0xba: {  	s3 =	sand.u32 $0x4000, s31;
	s1 =	sadd.s32 s1, s30  }
0xbb: {  	s0 =	sor.u32 s3, s0;
	s1 =	sshll.u32 s1, $0x11  }
0xbc: {  	s0 =	sor.u32 s1, s0  }
0xbd: {  	s0 =	sadd.s32 $0x8F2B, s0  }
0xbe: {  	[sflag:s0] =	ssyncadd.remote.s32 $0x1  }
0xbf: {  	_ =	sfence.sel $0xFFFF  }
0xc0: {  	[dreg:$0x0] =	wrdreg $0xFFFFFFFF;
	(pc) =	sbr.abs _section_cstart, $3  }
0xc1: {  	[dreg:$0x1] =	wrdreg $0xFFFFFFFF  }
0xc2: {  	_ =	task.clear_ibuf [dreg:s6], $0x2FFFF;
	_ =	strace $0x9FFFFFFF  }
0xc3: {  	(tm) =	ssettm $0x7FFFFFFF  }
tec
execute0_lowered:
.L_overlay_start_1:
0x0: {  	(tag) =	ssettag $0x1  }
0x1: {  	s0 =	rddreg [dreg:$0x0]  }
0x2: {  	s2 =	rddreg [dreg:$0x1]  }
0x3: {  	s3 =	rddreg [dreg:$0x2];
	s4 =	simm.s32 $0x0  }
0x4: {  	s10 =	stileid.u32;
	s12 =	simm.s32 $0x18780;
	[smem:$0x7FF] =	sst s4  }
0x5: {  	s13 =	simm.s32 $0x18800;
	_ =	strace $0x8000004D;
	[dreg:$0x6] =	wrdreg s12  }
0x6: {  	s1 =	srdreg.scid;
	s14 =	simm.s32 $0x18880;
	[dreg:$0x7] =	wrdreg s13  }
0x7: {  	s15 =	simm.s32 $0x18900;
	s17 =	simm.s32 $0x18980;
	[dreg:$0x8] =	wrdreg s14  }
0x8: {  	s18 =	simm.s32 $0x18A00;
	s20 =	simm.s32 $0x18A80;
	[dreg:$0x9] =	wrdreg s15  }
0x9: {  	s22 =	simm.s32 $0x18F80;
	s24 =	simm.s32 $0x19000;
	[dreg:$0xa] =	wrdreg s17  }
0xa: {  	s25 =	simm.s32 $0x19080;
	s26 =	simm.s32 $0x19100;
	[dreg:$0xb] =	wrdreg s18  }
0xb: {  	s28 =	simm.s32 $0x1B700;
	s29 =	simm.s32 $0x1BB00;
	[dreg:$0xc] =	wrdreg s20  }
0xc: {  	s30 =	simm.s32 $0x1BF00;
	s31 =	simm.s32 $0x1C300;
	[dreg:$0xd] =	wrdreg s22  }
0xd: {  	s5 =	smul.u32 $0x3200, s10;
	s1 =	sand.u32 $0x1, s1;
	[dreg:$0xe] =	wrdreg s24  }
0xe: {  	s7 =	smul.u32 $0xC380, s10;
	s23 =	sshll.u32 s10, $0x6;
	[dreg:$0xf] =	wrdreg s25  }
0xf: {  	s10 =	simm.s32 $0x19200;
	s6 =	smul.u32 $0x1900, s1;
	[dreg:$0x10] =	wrdreg s26  }
0x10: {  	s8 =	smul.u32 $0xC3800, s1;
	[dreg:$0x12] =	wrdreg s10;
	s12 =	simm.s32 $0x18B80  }
0x11: {  	s1 =	ssub.s32 $0x2, s1;
	s13 =	simm.s32 $0x18C00;
	[dreg:$0x14] =	wrdreg s12  }
0x12: {  	s15 =	simm.s32 $0x18C80;
	s17 =	simm.s32 $0x18D80;
	[dreg:$0x15] =	wrdreg s13  }
0x13: {  	s18 =	simm.s32 $0x18E00;
	s20 =	simm.s32 $0x19380;
	[dreg:$0x16] =	wrdreg s15  }
0x14: {  	s22 =	simm.s32 $0x19480;
	s24 =	simm.s32 $0x19580;
	[dreg:$0x18] =	wrdreg s17  }
0x15: {  	s25 =	simm.s32 $0x19600;
	s26 =	simm.s32 $0x19680;
	[dreg:$0x19] =	wrdreg s18  }
0x16: {  	s5 =	sadd.s32 s5, s0;
	s11 =	sshrl.u32 s7, $0x3;
	[dreg:$0x1b] =	wrdreg s20  }
0x17: {  	s16 =	sshrl.u32 s1, $0x1;
	s19 =	sadd.s32 s7, s2;
	[dreg:$0x1d] =	wrdreg s22  }
0x18: {  	s15 =	simm.s32 $0x18F00;
	s17 =	simm.s32 $0x3;
	[dreg:$0x1f] =	wrdreg s24  }
0x19: {  	s18 =	simm.s32 $0x80;
	s20 =	simm.s32 $0x19B00;
	[smem:$0x7FA] =	sst s25  }
0x1a: {  	s22 =	simm.s32 $0x1A300;
	s24 =	simm.s32 $0x1AB00;
	[smem:$0x7FB] =	sst s26  }
0x1b: {  	s25 =	simm.s32 $0x1AF00;
	s26 =	simm.s32 $0x1B300;
	s12 =	simm.s32 $0x0  }
0x1c: {  	s5 =	sadd.s32 s6, s5;
	s6 =	sadd.s32 s11, s0;
	s11 =	simm.s32 $0x19280  }
0x1d: {  	s1 =	ssub.s32 s1, s16;
	s16 =	simm.s32 $0x18D00;
	[dreg:$0x13] =	wrdreg s11  }
0x1e: {  	s10 =	sshrl.u32 s19, $0x3;
	s19 =	simm.s32 $0x18E80;
	[dreg:$0x17] =	wrdreg s16  }
0x1f: {  	s8 =	sadd.s32 s7, s8;
	s7 =	sadd.s32 s7, s3;
	[dreg:$0x1a] =	wrdreg s19  }
0x20: {  	s9 =	sadd.s32 $0x2400, s5;
	s5 =	sadd.s32 $0x34400, s5;
	[smem:$0x7FD] =	sst s10  }
0x21: {  	s8 =	sshrl.u32 s8, $0x3;
	s21 =	sadd.s32 $0x66600, s6;
	[dreg:$0x4] =	wrdreg s9  }
0x22: {  	s6 =	sadd.s32 $0x7EE00, s6;
	s1 =	smax.u32 s1, $0x1;
	[dreg:$0x5] =	wrdreg s5  }
0x23: {  	s11 =	simm.s32 $0x4;
	s14 =	sshrl.u32 s7, $0x3;
	[smem:$0x7F5] =	sst s21  }
0x24: {  	s16 =	simm.s32 $0x19300;
	s19 =	simm.s32 $0x19700;
	[smem:$0x7F6] =	sst s6  }
0x25: {  	s7 =	simm.s32 $0x1D300;
	s0 =	sadd.s32 s8, s0;
	[smem:$0x7F8] =	sst s1  }
0x26: {  	s9 =	sor.u32 $0x1C04, s23;
	s6 =	simm.s32 $0x19180;
	[smem:$0x7F9] =	sst s14  }
0x27: {  	s21 =	simm.s32 $0x19400;
	s23 =	simm.s32 $0x19500;
	[dreg:$0x11] =	wrdreg s6  }
0x28: {  	s1 =	simm.s32 $0x1C700;
	s5 =	simm.s32 $0x1CF00;
	[dreg:$0x1c] =	wrdreg s21  }
0x29: {  	s8 =	simm.s32 $0x1;
	s14 =	simm.s32 $0x18700;
	[dreg:$0x1e] =	wrdreg s23  }
0x2a: {  	s0 =	sadd.s32 $0x97600, s0;
	s21 =	simm.s32 $0x19F00;
	[smem:$0x7FC] =	sst s9  }
0x2b: {  	s23 =	simm.s32 $0x1A700;
	[smem:$0x7F7] =	sst s0;
	s0 =	simm.s32 $0x1CB00  }
.LBB2_1:
0x2c: {  	s6 =	sld [smem:$0x7F5];
	_ =	sdelay $0x1  }
0x2d: {  	[smem:$0x7F4] =	sst s12  }
0x2e: {  	[spmem:s10], [sflag:s9] =	dma.local [hbm:s6], $0x1870  }
0x2f: {  	_ =	swait.ge [sflag:s11], $0x1870  }
0x30: {  	s12 =	sld [smem:$0x7F6]  }
0x31: {  	s13 =	sld [smem:$0x7F9]  }
0x32: {  	[sflag:s11] =	ssyncset.done $0x0  }
0x33: {  	[sflag:s11] =	ssyncadd.s32 $0xFFFFE790  }
0x34: {  	[spmem:s13], [sflag:s9] =	dma.local [hbm:s12], $0x1870  }
0x35: {  	_ =	swait.ge [sflag:s11], $0x1870  }
0x36: {  	p0 =	por $0x1, $0x1;
	[sflag:s11] =	ssyncset.done $0x0  }
0x37: {  	p0 =	por p0, p0;
	[sflag:s11] =	ssyncadd.s32 $0xFFFFE790  }
0x38: {  	s6 =	simm.s32 @!p0 $0x2;
	[bflag:$0x0] =	sbarrier.arrive $0xFFFF  }
0x39: {  	_ =	swait.ge @!p0 [sflag:s6], $0x400  }
0x3a: {  	[sflag:s6] =	ssyncset.done @!p0 $0x0  }
0x3b: {  	[sflag:s6] =	ssyncadd.s32 @!p0 $0xFFFFFC00  }
0x3c: {  	_ =	swait.ge @!p0 [sflag:s6], $0x400  }
0x3d: {  	[sflag:s6] =	ssyncset.done @!p0 $0x0  }
0x3e: {  	[sflag:s6] =	ssyncadd.s32 @!p0 $0xFFFFFC00  }
0x3f: {  	_ =	swait.ge @!p0 [sflag:s6], $0x400  }
0x40: {  	[sflag:s6] =	ssyncset.done @!p0 $0x0  }
0x41: {  	[sflag:s6] =	ssyncadd.s32 @!p0 $0xFFFFFC00  }
0x42: {  	_ =	swait.ge @!p0 [sflag:s6], $0x400  }
0x43: {  	[sflag:s6] =	ssyncset.done @!p0 $0x0  }
0x44: {  	[sflag:s6] =	ssyncadd.s32 @!p0 $0xFFFFFC00  }
0x45: {  	_ =	swait.ge @!p0 [sflag:s6], $0x400  }
0x46: {  	[sflag:s6] =	ssyncset.done @!p0 $0x0  }
0x47: {  	[sflag:s6] =	ssyncadd.s32 @!p0 $0xFFFFFC00  }
0x48: {  	_ =	swait.ge @!p0 [sflag:s6], $0x400  }
0x49: {  	[sflag:s6] =	ssyncset.done @!p0 $0x0  }
0x4a: {  	[sflag:s6] =	ssyncadd.s32 @!p0 $0xFFFFFC00  }
0x4b: {  	_ =	swait.ge @!p0 [sflag:s6], $0x400  }
0x4c: {  	[sflag:s6] =	ssyncset.done @!p0 $0x0  }
0x4d: {  	[sflag:s6] =	ssyncadd.s32 @!p0 $0xFFFFFC00  }
0x4e: {  	_ =	swait.ge @!p0 [sflag:s6], $0x400  }
0x4f: {  	[sflag:s6] =	ssyncset.done @!p0 $0x0  }
0x50: {  	[sflag:s6] =	ssyncadd.s32 @!p0 $0xFFFFFC00  }
0x51: {  	_ =	swait.ge @!p0 [sflag:s6], $0x400  }
0x52: {  	[sflag:s6] =	ssyncset.done @!p0 $0x0  }
0x53: {  	[sflag:s6] =	ssyncadd.s32 @!p0 $0xFFFFFC00  }
0x54: {  	_ =	swait.ge @!p0 [sflag:s6], $0x400  }
0x55: {  	[sflag:s6] =	ssyncset.done @!p0 $0x0  }
0x56: {  	[sflag:s6] =	ssyncadd.s32 @!p0 $0xFFFFFC00  }
0x57: {  	_ =	swait.ge @!p0 [sflag:s6], $0x400  }
0x58: {  	[sflag:s6] =	ssyncset.done @!p0 $0x0  }
0x59: {  	[sflag:s6] =	ssyncadd.s32 @!p0 $0xFFFFFC00  }
0x5a: {  	_ =	swait.ge @!p0 [sflag:s6], $0x400  }
0x5b: {  	[sflag:s6] =	ssyncset.done @!p0 $0x0  }
0x5c: {  	[sflag:s6] =	ssyncadd.s32 @!p0 $0xFFFFFC00  }
0x5d: {  	_ =	swait.ge @!p0 [sflag:s6], $0x400  }
0x5e: {  	[sflag:s6] =	ssyncset.done @!p0 $0x0  }
0x5f: {  	[sflag:s6] =	ssyncadd.s32 @!p0 $0xFFFFFC00  }
0x60: {  	_ =	swait.ge @!p0 [sflag:s6], $0x400  }
0x61: {  	[sflag:s6] =	ssyncset.done @!p0 $0x0  }
0x62: {  	[sflag:s6] =	ssyncadd.s32 @!p0 $0xFFFFFC00  }
0x63: {  	_ =	swait.ge @!p0 [sflag:s6], $0x400  }
0x64: {  	[sflag:s6] =	ssyncset.done @!p0 $0x0  }
0x65: {  	[sflag:s6] =	ssyncadd.s32 @!p0 $0xFFFFFC00  }
0x66: {  	_ =	swait.ge @!p0 [sflag:s6], $0x400  }
0x67: {  	s9 =	simm.s32 $0x18700;
	s12 =	rddreg [dreg:$0x5];
	[sflag:s6] =	ssyncset.done @!p0 $0x0  }
0x68: {  	s13 =	rddreg [dreg:$0x4];
	[sflag:s6] =	ssyncadd.s32 @!p0 $0xFFFFFC00;
	s10 =	sadd.s32 $0x0, s12  }
0x69: {  	[tilespmem:s9], [sflag:$0x3] =	stream.linear.gather [hbm4b:s10+s4], $0x400, $0x38;
	[tilespmem:$0x1D700] =	vst v63  }
0x6a: {  	s11 =	simm.s32 $0x18B00;
	s12 =	sadd.s32 $0x0, s13  }
0x6b: {  	[tilespmem:s11], [sflag:$0x3] =	stream.linear.gather [hbm4b:s12+s4], $0x400, $0x38;
	[tilespmem:$0x1D700] =	vst v63  }
0x6c: {  	s6 =	sadd.s32 $0x80, s10  }
0x6d: {  	[tilespmem:s15], [sflag:$0x3] =	stream.linear.gather [hbm4b:s6+s4], $0x400, $0x38;
	[tilespmem:$0x1D700] =	vst v63  }
0x6e: {  	s13 =	sadd.s32 $0x80, s12  }
0x6f: {  	[tilespmem:s16], [sflag:$0x3] =	stream.linear.gather [hbm4b:s13+s4], $0x400, $0x38;
	[tilespmem:$0x1D700] =	vst v63  }
0x70: {  	_ =	swait.ge [sflag:s17], $0x400  }
0x71: {  	[sflag:s17] =	ssyncset.done $0x0  }
0x72: {  	[sflag:s17] =	ssyncadd.s32 $0xFFFFFC00  }
0x73: {  	_ =	swait.ge [sflag:s17], $0x400  }
0x74: {  	[sflag:s17] =	ssyncset.done $0x0  }
0x75: {  	[sflag:s17] =	ssyncadd.s32 $0xFFFFFC00  }
0x76: {  	_ =	swait.ge [sflag:s17], $0x400  }
0x77: {  	[sflag:s17] =	ssyncset.done $0x0  }
0x78: {  	[sflag:s17] =	ssyncadd.s32 $0xFFFFFC00  }
0x79: {  	_ =	swait.ge [sflag:s17], $0x400  }
0x7a: {  	[sflag:s17] =	ssyncset.done $0x0  }
0x7b: {  	[sflag:s17] =	ssyncadd.s32 $0xFFFFFC00  }
0x7c: {  	[tilespmem:s19], [sflag:$0x1] =	stream.indirect.gather [spmem:s3], $0x8, s9, s18, $0xb8;
	[tilespmem:$0x1D700] =	vst v63  }
0x7d: {  	s10 =	rddreg [dreg:$0x6]  }
0x7e: {  	[tilespmem:s20], [sflag:$0x1] =	stream.indirect.gather [spmem:s3], $0x8, s10, s18, $0xb8;
	[tilespmem:$0x1D700] =	vst v63  }
0x7f: {  	s12 =	rddreg [dreg:$0x7]  }
0x80: {  	[tilespmem:s21], [sflag:$0x1] =	stream.indirect.gather [spmem:s3], $0x8, s12, s18, $0xb8;
	[tilespmem:$0x1D700] =	vst v63  }
0x81: {  	s13 =	rddreg [dreg:$0x8]  }
0x82: {  	[tilespmem:s22], [sflag:$0x1] =	stream.indirect.gather [spmem:s3], $0x8, s13, s18, $0xb8;
	[tilespmem:$0x1D700] =	vst v63  }
0x83: {  	s9 =	rddreg [dreg:$0x9]  }
0x84: {  	[tilespmem:s23], [sflag:$0x1] =	stream.indirect.gather [spmem:s3], $0x8, s9, s18, $0xb8;
	[tilespmem:$0x1D700] =	vst v63  }
0x85: {  	s12 =	rddreg [dreg:$0xa]  }
0x86: {  	[tilespmem:s24], [sflag:$0x1] =	stream.indirect.gather [spmem:s3], $0x8, s12, s18, $0xb8;
	[tilespmem:$0x1D700] =	vst v63  }
0x87: {  	s13 =	rddreg [dreg:$0xb]  }
0x88: {  	[tilespmem:s25], [sflag:$0x1] =	stream.indirect.gather [spmem:s3], $0x8, s13, s18, $0xb8;
	[tilespmem:$0x1D700] =	vst v63  }
0x89: {  	s9 =	rddreg [dreg:$0xc]  }
0x8a: {  	[tilespmem:s26], [sflag:$0x1] =	stream.indirect.gather [spmem:s3], $0x8, s9, s18, $0xb8;
	[tilespmem:$0x1D700] =	vst v63  }
0x8b: {  	_ = 	snop  }
0x8c: {  	[tilespmem:s28], [sflag:$0x1] =	stream.indirect.gather [spmem:s3], $0x8, s15, s18, $0xb8;
	[tilespmem:$0x1D700] =	vst v63  }
0x8d: {  	s12 =	rddreg [dreg:$0xd]  }
0x8e: {  	[tilespmem:s29], [sflag:$0x1] =	stream.indirect.gather [spmem:s3], $0x8, s12, s18, $0xb8;
	[tilespmem:$0x1D700] =	vst v63  }
0x8f: {  	s13 =	rddreg [dreg:$0xe]  }
0x90: {  	[tilespmem:s30], [sflag:$0x1] =	stream.indirect.gather [spmem:s3], $0x8, s13, s18, $0xb8;
	[tilespmem:$0x1D700] =	vst v63  }
0x91: {  	s9 =	rddreg [dreg:$0xf]  }
0x92: {  	[tilespmem:s31], [sflag:$0x1] =	stream.indirect.gather [spmem:s3], $0x8, s9, s18, $0xb8;
	[tilespmem:$0x1D700] =	vst v63  }
0x93: {  	s12 =	rddreg [dreg:$0x10]  }
0x94: {  	[tilespmem:s1], [sflag:$0x1] =	stream.indirect.gather [spmem:s3], $0x8, s12, s18, $0xb8;
	[tilespmem:$0x1D700] =	vst v63  }
0x95: {  	s13 =	rddreg [dreg:$0x11]  }
0x96: {  	[tilespmem:s0], [sflag:$0x1] =	stream.indirect.gather [spmem:s3], $0x8, s13, s18, $0xb8;
	[tilespmem:$0x1D700] =	vst v63  }
0x97: {  	s9 =	rddreg [dreg:$0x12]  }
0x98: {  	[tilespmem:s5], [sflag:$0x1] =	stream.indirect.gather [spmem:s3], $0x8, s9, s18, $0xb8;
	[tilespmem:$0x1D700] =	vst v63  }
0x99: {  	s12 =	rddreg [dreg:$0x13]  }
0x9a: {  	[tilespmem:s7], [sflag:$0x1] =	stream.indirect.gather [spmem:s3], $0x8, s12, s18, $0xb8;
	[tilespmem:$0x1D700] =	vst v63  }
0x9b: {  	_ =	swait.ge [sflag:s8], $0x400  }
0x9c: {  	[sflag:s8] =	ssyncset.done $0x0  }
0x9d: {  	[sflag:s8] =	ssyncadd.s32 $0xFFFFFC00  }
0x9e: {  	_ =	swait.ge [sflag:s8], $0x400  }
0x9f: {  	[sflag:s8] =	ssyncset.done $0x0  }
0xa0: {  	[sflag:s8] =	ssyncadd.s32 $0xFFFFFC00  }
0xa1: {  	_ =	swait.ge [sflag:s8], $0x400  }
0xa2: {  	[sflag:s8] =	ssyncset.done $0x0  }
0xa3: {  	[sflag:s8] =	ssyncadd.s32 $0xFFFFFC00  }
0xa4: {  	_ =	swait.ge [sflag:s8], $0x400  }
0xa5: {  	[sflag:s8] =	ssyncset.done $0x0  }
0xa6: {  	[sflag:s8] =	ssyncadd.s32 $0xFFFFFC00  }
0xa7: {  	_ =	swait.ge [sflag:s8], $0x400  }
0xa8: {  	[sflag:s8] =	ssyncset.done $0x0  }
0xa9: {  	[sflag:s8] =	ssyncadd.s32 $0xFFFFFC00  }
0xaa: {  	_ =	swait.ge [sflag:s8], $0x400  }
0xab: {  	[sflag:s8] =	ssyncset.done $0x0  }
0xac: {  	[sflag:s8] =	ssyncadd.s32 $0xFFFFFC00  }
0xad: {  	_ =	swait.ge [sflag:s8], $0x400  }
0xae: {  	[sflag:s8] =	ssyncset.done $0x0  }
0xaf: {  	[sflag:s8] =	ssyncadd.s32 $0xFFFFFC00  }
0xb0: {  	_ =	swait.ge [sflag:s8], $0x400  }
0xb1: {  	[sflag:s8] =	ssyncset.done $0x0  }
0xb2: {  	[sflag:s8] =	ssyncadd.s32 $0xFFFFFC00  }
0xb3: {  	[spmem:s2] =	stream.indirect.scatter.add.f32 [tilespmem:s19], [sflag:$0x2], $0x8, s11, s18, $0xb8;
	[tilespmem:$0x1D700] =	vst v63  }
0xb4: {  	s13 =	rddreg [dreg:$0x14]  }
0xb5: {  	[spmem:s2] =	stream.indirect.scatter.add.f32 [tilespmem:s20], [sflag:$0x2], $0x8, s13, s18, $0xb8;
	[tilespmem:$0x1D700] =	vst v63  }
0xb6: {  	s9 =	rddreg [dreg:$0x15]  }
0xb7: {  	[spmem:s2] =	stream.indirect.scatter.add.f32 [tilespmem:s21], [sflag:$0x2], $0x8, s9, s18, $0xb8;
	[tilespmem:$0x1D700] =	vst v63  }
0xb8: {  	s11 =	rddreg [dreg:$0x16]  }
0xb9: {  	[spmem:s2] =	stream.indirect.scatter.add.f32 [tilespmem:s22], [sflag:$0x2], $0x8, s11, s18, $0xb8;
	[tilespmem:$0x1D700] =	vst v63  }
0xba: {  	s12 =	rddreg [dreg:$0x17]  }
0xbb: {  	[spmem:s2] =	stream.indirect.scatter.add.f32 [tilespmem:s23], [sflag:$0x2], $0x8, s12, s18, $0xb8;
	[tilespmem:$0x1D700] =	vst v63  }
0xbc: {  	s13 =	rddreg [dreg:$0x18]  }
0xbd: {  	[spmem:s2] =	stream.indirect.scatter.add.f32 [tilespmem:s24], [sflag:$0x2], $0x8, s13, s18, $0xb8;
	[tilespmem:$0x1D700] =	vst v63  }
0xbe: {  	s9 =	rddreg [dreg:$0x19]  }
0xbf: {  	[spmem:s2] =	stream.indirect.scatter.add.f32 [tilespmem:s25], [sflag:$0x2], $0x8, s9, s18, $0xb8;
	[tilespmem:$0x1D700] =	vst v63  }
0xc0: {  	s11 =	rddreg [dreg:$0x1a]  }
0xc1: {  	[spmem:s2] =	stream.indirect.scatter.add.f32 [tilespmem:s26], [sflag:$0x2], $0x8, s11, s18, $0xb8;
	[tilespmem:$0x1D700] =	vst v63  }
0xc2: {  	_ =	swait.ge [sflag:s8], $0x400  }
0xc3: {  	[sflag:s8] =	ssyncset.done $0x0  }
0xc4: {  	[sflag:s8] =	ssyncadd.s32 $0xFFFFFC00  }
0xc5: {  	_ =	swait.ge [sflag:s8], $0x400  }
0xc6: {  	[sflag:s8] =	ssyncset.done $0x0  }
0xc7: {  	[sflag:s8] =	ssyncadd.s32 $0xFFFFFC00  }
0xc8: {  	_ =	swait.ge [sflag:s8], $0x400  }
0xc9: {  	[sflag:s8] =	ssyncset.done $0x0  }
0xca: {  	[sflag:s8] =	ssyncadd.s32 $0xFFFFFC00  }
0xcb: {  	_ =	swait.ge [sflag:s8], $0x400  }
0xcc: {  	[sflag:s8] =	ssyncset.done $0x0  }
0xcd: {  	[sflag:s8] =	ssyncadd.s32 $0xFFFFFC00  }
0xce: {  	_ =	swait.ge [sflag:s8], $0x400  }
0xcf: {  	[sflag:s8] =	ssyncset.done $0x0  }
0xd0: {  	[sflag:s8] =	ssyncadd.s32 $0xFFFFFC00  }
0xd1: {  	_ =	swait.ge [sflag:s8], $0x400  }
0xd2: {  	[sflag:s8] =	ssyncset.done $0x0  }
0xd3: {  	[sflag:s8] =	ssyncadd.s32 $0xFFFFFC00  }
0xd4: {  	_ =	swait.ge [sflag:s8], $0x400  }
0xd5: {  	[sflag:s8] =	ssyncset.done $0x0  }
0xd6: {  	[sflag:s8] =	ssyncadd.s32 $0xFFFFFC00  }
0xd7: {  	_ =	swait.ge [sflag:s8], $0x400  }
0xd8: {  	[sflag:s8] =	ssyncset.done $0x0  }
0xd9: {  	s12 =	rddreg [dreg:$0x1b];
	[sflag:s8] =	ssyncadd.s32 $0xFFFFFC00  }
0xda: {  	[spmem:s2] =	stream.indirect.scatter.add.f32 [tilespmem:s28], [sflag:$0x2], $0x8, s16, s18, $0xb8;
	[tilespmem:$0x1D700] =	vst v63  }
0xdb: {  	s13 =	rddreg [dreg:$0x1c]  }
0xdc: {  	[spmem:s2] =	stream.indirect.scatter.add.f32 [tilespmem:s29], [sflag:$0x2], $0x8, s12, s18, $0xb8;
	[tilespmem:$0x1D700] =	vst v63  }
0xdd: {  	s9 =	rddreg [dreg:$0x1d]  }
0xde: {  	[spmem:s2] =	stream.indirect.scatter.add.f32 [tilespmem:s30], [sflag:$0x2], $0x8, s13, s18, $0xb8;
	[tilespmem:$0x1D700] =	vst v63  }
0xdf: {  	s11 =	rddreg [dreg:$0x1e]  }
0xe0: {  	[spmem:s2] =	stream.indirect.scatter.add.f32 [tilespmem:s31], [sflag:$0x2], $0x8, s9, s18, $0xb8;
	[tilespmem:$0x1D700] =	vst v63  }
0xe1: {  	p6 =	por $0x0, $0x0;
	s12 =	rddreg [dreg:$0x1f]  }
0xe2: {  	[spmem:s2] =	stream.indirect.scatter.add.f32 [tilespmem:s1], [sflag:$0x2], $0x8, s11, s18, $0xb8;
	[tilespmem:$0x1D700] =	vst v63  }
0xe3: {  	p0 =	por p6, p6;
	s13 =	sld [smem:$0x7FA]  }
0xe4: {  	[spmem:s2] =	stream.indirect.scatter.add.f32 [tilespmem:s0], [sflag:$0x2], $0x8, s12, s18, $0xb8;
	[tilespmem:$0x1D700] =	vst v63  }
0xe5: {  	s6 =	simm.s32 $0x200;
	s10 =	simm.s32 $0x100;
	s11 =	sld [smem:$0x7FB]  }
0xe6: {  	[spmem:s2] =	stream.indirect.scatter.add.f32 [tilespmem:s5], [sflag:$0x2], $0x8, s13, s18, $0xb8;
	[tilespmem:$0x1D700] =	vst v63  }
.LBB2_2:
0xe7: {  	s12 =	simm.s32 @!p0 $0x2  }
0xe8: {  	[spmem:s2] =	stream.indirect.scatter.add.f32 [tilespmem:s7], [sflag:$0x2], $0x8, s11, s18, $0xb8;
	[tilespmem:$0x1D700] =	vst v63  }
0xe9: {  	_ =	swait.ge @!p0 [sflag:s12], $0x400  }
0xea: {  	[sflag:s12] =	ssyncset.done @!p0 $0x0  }
0xeb: {  	[sflag:s12] =	ssyncadd.s32 @!p0 $0xFFFFFC00  }
0xec: {  	_ =	swait.ge @!p0 [sflag:s12], $0x400  }
0xed: {  	[sflag:s12] =	ssyncset.done @!p0 $0x0  }
0xee: {  	[sflag:s12] =	ssyncadd.s32 @!p0 $0xFFFFFC00  }
0xef: {  	_ =	swait.ge @!p0 [sflag:s12], $0x400  }
0xf0: {  	[sflag:s12] =	ssyncset.done @!p0 $0x0  }
0xf1: {  	[sflag:s12] =	ssyncadd.s32 @!p0 $0xFFFFFC00  }
0xf2: {  	_ =	swait.ge @!p0 [sflag:s12], $0x400  }
0xf3: {  	[sflag:s12] =	ssyncset.done @!p0 $0x0  }
0xf4: {  	[sflag:s12] =	ssyncadd.s32 @!p0 $0xFFFFFC00  }
0xf5: {  	_ =	swait.ge @!p0 [sflag:s12], $0x400  }
0xf6: {  	[sflag:s12] =	ssyncset.done @!p0 $0x0  }
0xf7: {  	[sflag:s12] =	ssyncadd.s32 @!p0 $0xFFFFFC00  }
0xf8: {  	_ =	swait.ge @!p0 [sflag:s12], $0x400  }
0xf9: {  	[sflag:s12] =	ssyncset.done @!p0 $0x0  }
0xfa: {  	[sflag:s12] =	ssyncadd.s32 @!p0 $0xFFFFFC00  }
0xfb: {  	_ =	swait.ge @!p0 [sflag:s12], $0x400  }
0xfc: {  	[sflag:s12] =	ssyncset.done @!p0 $0x0  }
0xfd: {  	[sflag:s12] =	ssyncadd.s32 @!p0 $0xFFFFFC00  }
0xfe: {  	_ =	swait.ge @!p0 [sflag:s12], $0x400  }
0xff: {  	[sflag:s12] =	ssyncset.done @!p0 $0x0  }
0x100: {  	[sflag:s12] =	ssyncadd.s32 @!p0 $0xFFFFFC00  }
0x101: {  	_ =	swait.ge @!p0 [sflag:s12], $0x400  }
0x102: {  	[sflag:s12] =	ssyncset.done @!p0 $0x0  }
0x103: {  	[sflag:s12] =	ssyncadd.s32 @!p0 $0xFFFFFC00  }
0x104: {  	_ =	swait.ge @!p0 [sflag:s12], $0x400  }
0x105: {  	[sflag:s12] =	ssyncset.done @!p0 $0x0  }
0x106: {  	[sflag:s12] =	ssyncadd.s32 @!p0 $0xFFFFFC00  }
0x107: {  	_ =	swait.ge @!p0 [sflag:s12], $0x400  }
0x108: {  	[sflag:s12] =	ssyncset.done @!p0 $0x0  }
0x109: {  	[sflag:s12] =	ssyncadd.s32 @!p0 $0xFFFFFC00  }
0x10a: {  	_ =	swait.ge @!p0 [sflag:s12], $0x400  }
0x10b: {  	[sflag:s12] =	ssyncset.done @!p0 $0x0  }
0x10c: {  	[sflag:s12] =	ssyncadd.s32 @!p0 $0xFFFFFC00  }
0x10d: {  	_ =	swait.ge @!p0 [sflag:s12], $0x400  }
0x10e: {  	[sflag:s12] =	ssyncset.done @!p0 $0x0  }
0x10f: {  	[sflag:s12] =	ssyncadd.s32 @!p0 $0xFFFFFC00  }
0x110: {  	_ =	swait.ge @!p0 [sflag:s12], $0x400  }
0x111: {  	[sflag:s12] =	ssyncset.done @!p0 $0x0  }
0x112: {  	[sflag:s12] =	ssyncadd.s32 @!p0 $0xFFFFFC00  }
0x113: {  	_ =	swait.ge @!p0 [sflag:s12], $0x400  }
0x114: {  	[sflag:s12] =	ssyncset.done @!p0 $0x0  }
0x115: {  	[sflag:s12] =	ssyncadd.s32 @!p0 $0xFFFFFC00  }
0x116: {  	_ =	swait.ge @!p0 [sflag:s12], $0x400  }
0x117: {  	s9 =	rddreg [dreg:$0x5];
	[sflag:s12] =	ssyncset.done @!p0 $0x0  }
0x118: {  	s13 =	rddreg [dreg:$0x4];
	[sflag:s12] =	ssyncadd.s32 @!p0 $0xFFFFFC00;
	s9 =	sadd.s32 s10, s9  }
0x119: {  	[tilespmem:s14], [sflag:$0x3] =	stream.linear.gather [hbm4b:s9+s4], $0x400, $0x38;
	[tilespmem:$0x1D700] =	vst v63  }
0x11a: {  	s12 =	sadd.s32 s10, s13;
	s13 =	simm.s32 $0x18B00  }
0x11b: {  	[tilespmem:s13], [sflag:$0x3] =	stream.linear.gather [hbm4b:s12+s4], $0x400, $0x38;
	[tilespmem:$0x1D700] =	vst v63  }
0x11c: {  	s11 =	smov.u32 s6;
	s9 =	sadd.s32 $0x80, s9  }
0x11d: {  	[tilespmem:s15], [sflag:$0x3] =	stream.linear.gather [hbm4b:s9+s4], $0x400, $0x38;
	[tilespmem:$0x1D700] =	vst v63  }
0x11e: {  	p2 =	seq.s32 s11, $0x0;
	s10 =	smov.u32 s11;
	s11 =	sadd.s32 $0x80, s12  }
0x11f: {  	[tilespmem:s16], [sflag:$0x3] =	stream.linear.gather [hbm4b:s11+s4], $0x400, $0x38;
	[tilespmem:$0x1D700] =	vst v63  }
0x120: {  	_ =	swait.ge [sflag:s17], $0x400  }
0x121: {  	[sflag:s17] =	ssyncset.done $0x0  }
0x122: {  	[sflag:s17] =	ssyncadd.s32 $0xFFFFFC00  }
0x123: {  	_ =	swait.ge [sflag:s17], $0x400  }
0x124: {  	[sflag:s17] =	ssyncset.done $0x0  }
0x125: {  	[sflag:s17] =	ssyncadd.s32 $0xFFFFFC00  }
0x126: {  	_ =	swait.ge [sflag:s17], $0x400  }
0x127: {  	[sflag:s17] =	ssyncset.done $0x0  }
0x128: {  	[sflag:s17] =	ssyncadd.s32 $0xFFFFFC00  }
0x129: {  	_ =	swait.ge [sflag:s17], $0x400  }
0x12a: {  	[sflag:s17] =	ssyncset.done $0x0  }
0x12b: {  	[sflag:s17] =	ssyncadd.s32 $0xFFFFFC00  }
0x12c: {  	[tilespmem:s19], [sflag:$0x1] =	stream.indirect.gather [spmem:s3], $0x8, s14, s18, $0xb8;
	[tilespmem:$0x1D700] =	vst v63  }
0x12d: {  	s12 =	rddreg [dreg:$0x6]  }
0x12e: {  	[tilespmem:s20], [sflag:$0x1] =	stream.indirect.gather [spmem:s3], $0x8, s12, s18, $0xb8;
	[tilespmem:$0x1D700] =	vst v63  }
0x12f: {  	s11 =	rddreg [dreg:$0x7]  }
0x130: {  	[tilespmem:s21], [sflag:$0x1] =	stream.indirect.gather [spmem:s3], $0x8, s11, s18, $0xb8;
	[tilespmem:$0x1D700] =	vst v63  }
0x131: {  	s12 =	rddreg [dreg:$0x8]  }
0x132: {  	[tilespmem:s22], [sflag:$0x1] =	stream.indirect.gather [spmem:s3], $0x8, s12, s18, $0xb8;
	[tilespmem:$0x1D700] =	vst v63  }
0x133: {  	s11 =	rddreg [dreg:$0x9]  }
0x134: {  	[tilespmem:s23], [sflag:$0x1] =	stream.indirect.gather [spmem:s3], $0x8, s11, s18, $0xb8;
	[tilespmem:$0x1D700] =	vst v63  }
0x135: {  	s12 =	rddreg [dreg:$0xa]  }
0x136: {  	[tilespmem:s24], [sflag:$0x1] =	stream.indirect.gather [spmem:s3], $0x8, s12, s18, $0xb8;
	[tilespmem:$0x1D700] =	vst v63  }
0x137: {  	s11 =	rddreg [dreg:$0xb]  }
0x138: {  	[tilespmem:s25], [sflag:$0x1] =	stream.indirect.gather [spmem:s3], $0x8, s11, s18, $0xb8;
	[tilespmem:$0x1D700] =	vst v63  }
0x139: {  	s12 =	rddreg [dreg:$0xc]  }
0x13a: {  	[tilespmem:s26], [sflag:$0x1] =	stream.indirect.gather [spmem:s3], $0x8, s12, s18, $0xb8;
	[tilespmem:$0x1D700] =	vst v63  }
0x13b: {  	_ = 	snop  }
0x13c: {  	[tilespmem:s28], [sflag:$0x1] =	stream.indirect.gather [spmem:s3], $0x8, s15, s18, $0xb8;
	[tilespmem:$0x1D700] =	vst v63  }
0x13d: {  	s12 =	rddreg [dreg:$0xd]  }
0x13e: {  	[tilespmem:s29], [sflag:$0x1] =	stream.indirect.gather [spmem:s3], $0x8, s12, s18, $0xb8;
	[tilespmem:$0x1D700] =	vst v63  }
0x13f: {  	s11 =	rddreg [dreg:$0xe]  }
0x140: {  	[tilespmem:s30], [sflag:$0x1] =	stream.indirect.gather [spmem:s3], $0x8, s11, s18, $0xb8;
	[tilespmem:$0x1D700] =	vst v63  }
0x141: {  	s12 =	rddreg [dreg:$0xf]  }
0x142: {  	[tilespmem:s31], [sflag:$0x1] =	stream.indirect.gather [spmem:s3], $0x8, s12, s18, $0xb8;
	[tilespmem:$0x1D700] =	vst v63  }
0x143: {  	s11 =	rddreg [dreg:$0x10]  }
0x144: {  	[tilespmem:s1], [sflag:$0x1] =	stream.indirect.gather [spmem:s3], $0x8, s11, s18, $0xb8;
	[tilespmem:$0x1D700] =	vst v63  }
0x145: {  	s12 =	rddreg [dreg:$0x11]  }
0x146: {  	[tilespmem:s0], [sflag:$0x1] =	stream.indirect.gather [spmem:s3], $0x8, s12, s18, $0xb8;
	[tilespmem:$0x1D700] =	vst v63  }
0x147: {  	s11 =	rddreg [dreg:$0x12]  }
0x148: {  	[tilespmem:s5], [sflag:$0x1] =	stream.indirect.gather [spmem:s3], $0x8, s11, s18, $0xb8;
	[tilespmem:$0x1D700] =	vst v63  }
0x149: {  	s12 =	rddreg [dreg:$0x13]  }
0x14a: {  	[tilespmem:s7], [sflag:$0x1] =	stream.indirect.gather [spmem:s3], $0x8, s12, s18, $0xb8;
	[tilespmem:$0x1D700] =	vst v63  }
0x14b: {  	_ =	swait.ge [sflag:s8], $0x400  }
0x14c: {  	[sflag:s8] =	ssyncset.done $0x0  }
0x14d: {  	[sflag:s8] =	ssyncadd.s32 $0xFFFFFC00  }
0x14e: {  	_ =	swait.ge [sflag:s8], $0x400  }
0x14f: {  	[sflag:s8] =	ssyncset.done $0x0  }
0x150: {  	[sflag:s8] =	ssyncadd.s32 $0xFFFFFC00  }
0x151: {  	_ =	swait.ge [sflag:s8], $0x400  }
0x152: {  	[sflag:s8] =	ssyncset.done $0x0  }
0x153: {  	[sflag:s8] =	ssyncadd.s32 $0xFFFFFC00  }
0x154: {  	_ =	swait.ge [sflag:s8], $0x400  }
0x155: {  	[sflag:s8] =	ssyncset.done $0x0  }
0x156: {  	[sflag:s8] =	ssyncadd.s32 $0xFFFFFC00  }
0x157: {  	_ =	swait.ge [sflag:s8], $0x400  }
0x158: {  	[sflag:s8] =	ssyncset.done $0x0  }
0x159: {  	[sflag:s8] =	ssyncadd.s32 $0xFFFFFC00  }
0x15a: {  	_ =	swait.ge [sflag:s8], $0x400  }
0x15b: {  	[sflag:s8] =	ssyncset.done $0x0  }
0x15c: {  	[sflag:s8] =	ssyncadd.s32 $0xFFFFFC00  }
0x15d: {  	_ =	swait.ge [sflag:s8], $0x400  }
0x15e: {  	[sflag:s8] =	ssyncset.done $0x0  }
0x15f: {  	[sflag:s8] =	ssyncadd.s32 $0xFFFFFC00  }
0x160: {  	_ =	swait.ge [sflag:s8], $0x400  }
0x161: {  	[sflag:s8] =	ssyncset.done $0x0  }
0x162: {  	[sflag:s8] =	ssyncadd.s32 $0xFFFFFC00  }
0x163: {  	[spmem:s2] =	stream.indirect.scatter.add.f32 [tilespmem:s19], [sflag:$0x2], $0x8, s13, s18, $0xb8;
	[tilespmem:$0x1D700] =	vst v63  }
0x164: {  	s11 =	rddreg [dreg:$0x14]  }
0x165: {  	[spmem:s2] =	stream.indirect.scatter.add.f32 [tilespmem:s20], [sflag:$0x2], $0x8, s11, s18, $0xb8;
	[tilespmem:$0x1D700] =	vst v63  }
0x166: {  	s12 =	rddreg [dreg:$0x15]  }
0x167: {  	[spmem:s2] =	stream.indirect.scatter.add.f32 [tilespmem:s21], [sflag:$0x2], $0x8, s12, s18, $0xb8;
	[tilespmem:$0x1D700] =	vst v63  }
0x168: {  	s13 =	rddreg [dreg:$0x16]  }
0x169: {  	[spmem:s2] =	stream.indirect.scatter.add.f32 [tilespmem:s22], [sflag:$0x2], $0x8, s13, s18, $0xb8;
	[tilespmem:$0x1D700] =	vst v63  }
0x16a: {  	s12 =	rddreg [dreg:$0x17]  }
0x16b: {  	[spmem:s2] =	stream.indirect.scatter.add.f32 [tilespmem:s23], [sflag:$0x2], $0x8, s12, s18, $0xb8;
	[tilespmem:$0x1D700] =	vst v63  }
0x16c: {  	s13 =	rddreg [dreg:$0x18]  }
0x16d: {  	[spmem:s2] =	stream.indirect.scatter.add.f32 [tilespmem:s24], [sflag:$0x2], $0x8, s13, s18, $0xb8;
	[tilespmem:$0x1D700] =	vst v63  }
0x16e: {  	s12 =	rddreg [dreg:$0x19]  }
0x16f: {  	[spmem:s2] =	stream.indirect.scatter.add.f32 [tilespmem:s25], [sflag:$0x2], $0x8, s12, s18, $0xb8;
	[tilespmem:$0x1D700] =	vst v63  }
0x170: {  	s13 =	rddreg [dreg:$0x1a]  }
0x171: {  	[spmem:s2] =	stream.indirect.scatter.add.f32 [tilespmem:s26], [sflag:$0x2], $0x8, s13, s18, $0xb8;
	[tilespmem:$0x1D700] =	vst v63  }
0x172: {  	_ =	swait.ge [sflag:s8], $0x400  }
0x173: {  	[sflag:s8] =	ssyncset.done $0x0  }
0x174: {  	[sflag:s8] =	ssyncadd.s32 $0xFFFFFC00  }
0x175: {  	_ =	swait.ge [sflag:s8], $0x400  }
0x176: {  	[sflag:s8] =	ssyncset.done $0x0  }
0x177: {  	[sflag:s8] =	ssyncadd.s32 $0xFFFFFC00  }
0x178: {  	_ =	swait.ge [sflag:s8], $0x400  }
0x179: {  	[sflag:s8] =	ssyncset.done $0x0  }
0x17a: {  	[sflag:s8] =	ssyncadd.s32 $0xFFFFFC00  }
0x17b: {  	_ =	swait.ge [sflag:s8], $0x400  }
0x17c: {  	[sflag:s8] =	ssyncset.done $0x0  }
0x17d: {  	[sflag:s8] =	ssyncadd.s32 $0xFFFFFC00  }
0x17e: {  	_ =	swait.ge [sflag:s8], $0x400  }
0x17f: {  	[sflag:s8] =	ssyncset.done $0x0  }
0x180: {  	[sflag:s8] =	ssyncadd.s32 $0xFFFFFC00  }
0x181: {  	_ =	swait.ge [sflag:s8], $0x400  }
0x182: {  	[sflag:s8] =	ssyncset.done $0x0  }
0x183: {  	[sflag:s8] =	ssyncadd.s32 $0xFFFFFC00  }
0x184: {  	_ =	swait.ge [sflag:s8], $0x400  }
0x185: {  	[sflag:s8] =	ssyncset.done $0x0  }
0x186: {  	[sflag:s8] =	ssyncadd.s32 $0xFFFFFC00  }
0x187: {  	_ =	swait.ge [sflag:s8], $0x400  }
0x188: {  	[sflag:s8] =	ssyncset.done $0x0  }
0x189: {  	[sflag:s8] =	ssyncadd.s32 $0xFFFFFC00  }
0x18a: {  	[spmem:s2] =	stream.indirect.scatter.add.f32 [tilespmem:s28], [sflag:$0x2], $0x8, s16, s18, $0xb8;
	[tilespmem:$0x1D700] =	vst v63  }
0x18b: {  	s12 =	rddreg [dreg:$0x1b]  }
0x18c: {  	[spmem:s2] =	stream.indirect.scatter.add.f32 [tilespmem:s29], [sflag:$0x2], $0x8, s12, s18, $0xb8;
	[tilespmem:$0x1D700] =	vst v63  }
0x18d: {  	s13 =	rddreg [dreg:$0x1c]  }
0x18e: {  	[spmem:s2] =	stream.indirect.scatter.add.f32 [tilespmem:s30], [sflag:$0x2], $0x8, s13, s18, $0xb8;
	[tilespmem:$0x1D700] =	vst v63  }
0x18f: {  	s6 =	sadd.s32 $0x100, s6;
	s12 =	rddreg [dreg:$0x1d]  }
0x190: {  	[spmem:s2] =	stream.indirect.scatter.add.f32 [tilespmem:s31], [sflag:$0x2], $0x8, s12, s18, $0xb8;
	[tilespmem:$0x1D700] =	vst v63  }
0x191: {  	p1 =	sne.s32 s6, $0x1900;
	s13 =	rddreg [dreg:$0x1e]  }
0x192: {  	[spmem:s2] =	stream.indirect.scatter.add.f32 [tilespmem:s1], [sflag:$0x2], $0x8, s13, s18, $0xb8;
	[tilespmem:$0x1D700] =	vst v63  }
.Ltmp0:
0x193: {  	s12 =	rddreg [dreg:$0x1f];
	(pc) =	sbr.rel @p1 .LBB2_2-.Ltmp0, $4  }
0x194: {  	s13 =	sld [smem:$0x7FA]  }
0x195: {  	[spmem:s2] =	stream.indirect.scatter.add.f32 [tilespmem:s0], [sflag:$0x2], $0x8, s12, s18, $0xb8;
	[tilespmem:$0x1D700] =	vst v63  }
0x196: {  	p0 =	por p2, p2;
	s11 =	sld [smem:$0x7FB]  }
0x197: {  	[spmem:s2] =	stream.indirect.scatter.add.f32 [tilespmem:s5], [sflag:$0x2], $0x8, s13, s18, $0xb8;
	[tilespmem:$0x1D700] =	vst v63  }
0x198: {  	s6 =	simm.s32 @!p0 $0x2  }
0x199: {  	[spmem:s2] =	stream.indirect.scatter.add.f32 [tilespmem:s7], [sflag:$0x2], $0x8, s11, s18, $0xb8;
	[tilespmem:$0x1D700] =	vst v63  }
0x19a: {  	_ =	swait.ge @!p0 [sflag:s6], $0x400  }
0x19b: {  	[sflag:s6] =	ssyncset.done @!p0 $0x0  }
0x19c: {  	[sflag:s6] =	ssyncadd.s32 @!p0 $0xFFFFFC00  }
0x19d: {  	_ =	swait.ge @!p0 [sflag:s6], $0x400  }
0x19e: {  	[sflag:s6] =	ssyncset.done @!p0 $0x0  }
0x19f: {  	[sflag:s6] =	ssyncadd.s32 @!p0 $0xFFFFFC00  }
0x1a0: {  	_ =	swait.ge @!p0 [sflag:s6], $0x400  }
0x1a1: {  	[sflag:s6] =	ssyncset.done @!p0 $0x0  }
0x1a2: {  	[sflag:s6] =	ssyncadd.s32 @!p0 $0xFFFFFC00  }
0x1a3: {  	_ =	swait.ge @!p0 [sflag:s6], $0x400  }
0x1a4: {  	[sflag:s6] =	ssyncset.done @!p0 $0x0  }
0x1a5: {  	[sflag:s6] =	ssyncadd.s32 @!p0 $0xFFFFFC00  }
0x1a6: {  	_ =	swait.ge @!p0 [sflag:s6], $0x400  }
0x1a7: {  	[sflag:s6] =	ssyncset.done @!p0 $0x0  }
0x1a8: {  	[sflag:s6] =	ssyncadd.s32 @!p0 $0xFFFFFC00  }
0x1a9: {  	_ =	swait.ge @!p0 [sflag:s6], $0x400  }
0x1aa: {  	[sflag:s6] =	ssyncset.done @!p0 $0x0  }
0x1ab: {  	[sflag:s6] =	ssyncadd.s32 @!p0 $0xFFFFFC00  }
0x1ac: {  	_ =	swait.ge @!p0 [sflag:s6], $0x400  }
0x1ad: {  	[sflag:s6] =	ssyncset.done @!p0 $0x0  }
0x1ae: {  	[sflag:s6] =	ssyncadd.s32 @!p0 $0xFFFFFC00  }
0x1af: {  	_ =	swait.ge @!p0 [sflag:s6], $0x400  }
0x1b0: {  	[sflag:s6] =	ssyncset.done @!p0 $0x0  }
0x1b1: {  	[sflag:s6] =	ssyncadd.s32 @!p0 $0xFFFFFC00  }
0x1b2: {  	_ =	swait.ge @!p0 [sflag:s6], $0x400  }
0x1b3: {  	[sflag:s6] =	ssyncset.done @!p0 $0x0  }
0x1b4: {  	[sflag:s6] =	ssyncadd.s32 @!p0 $0xFFFFFC00  }
0x1b5: {  	_ =	swait.ge @!p0 [sflag:s6], $0x400  }
0x1b6: {  	[sflag:s6] =	ssyncset.done @!p0 $0x0  }
0x1b7: {  	[sflag:s6] =	ssyncadd.s32 @!p0 $0xFFFFFC00  }
0x1b8: {  	_ =	swait.ge @!p0 [sflag:s6], $0x400  }
0x1b9: {  	[sflag:s6] =	ssyncset.done @!p0 $0x0  }
0x1ba: {  	[sflag:s6] =	ssyncadd.s32 @!p0 $0xFFFFFC00  }
0x1bb: {  	_ =	swait.ge @!p0 [sflag:s6], $0x400  }
0x1bc: {  	[sflag:s6] =	ssyncset.done @!p0 $0x0  }
0x1bd: {  	[sflag:s6] =	ssyncadd.s32 @!p0 $0xFFFFFC00  }
0x1be: {  	_ =	swait.ge @!p0 [sflag:s6], $0x400  }
0x1bf: {  	[sflag:s6] =	ssyncset.done @!p0 $0x0  }
0x1c0: {  	[sflag:s6] =	ssyncadd.s32 @!p0 $0xFFFFFC00  }
0x1c1: {  	_ =	swait.ge @!p0 [sflag:s6], $0x400  }
0x1c2: {  	[sflag:s6] =	ssyncset.done @!p0 $0x0  }
0x1c3: {  	[sflag:s6] =	ssyncadd.s32 @!p0 $0xFFFFFC00  }
0x1c4: {  	_ =	swait.ge @!p0 [sflag:s6], $0x400  }
0x1c5: {  	[sflag:s6] =	ssyncset.done @!p0 $0x0  }
0x1c6: {  	[sflag:s6] =	ssyncadd.s32 @!p0 $0xFFFFFC00  }
0x1c7: {  	_ =	swait.ge @!p0 [sflag:s6], $0x400  }
0x1c8: {  	s12 =	simm.s32 $0x18700;
	s9 =	rddreg [dreg:$0x5];
	[sflag:s6] =	ssyncset.done @!p0 $0x0  }
0x1c9: {  	s13 =	rddreg [dreg:$0x4];
	[sflag:s6] =	ssyncadd.s32 @!p0 $0xFFFFFC00;
	s9 =	sadd.s32 s10, s9  }
0x1ca: {  	[tilespmem:s12], [sflag:$0x3] =	stream.linear.gather [hbm4b:s9+s4], $0x400, $0x38;
	[tilespmem:$0x1D700] =	vst v63  }
0x1cb: {  	s11 =	sadd.s32 s10, s13;
	s10 =	simm.s32 $0x18B00  }
0x1cc: {  	[tilespmem:s10], [sflag:$0x3] =	stream.linear.gather [hbm4b:s11+s4], $0x400, $0x38;
	[tilespmem:$0x1D700] =	vst v63  }
0x1cd: {  	s6 =	sadd.s32 $0x80, s9  }
0x1ce: {  	[tilespmem:s15], [sflag:$0x3] =	stream.linear.gather [hbm4b:s6+s4], $0x400, $0x38;
	[tilespmem:$0x1D700] =	vst v63  }
0x1cf: {  	s13 =	sadd.s32 $0x80, s11  }
0x1d0: {  	[tilespmem:s16], [sflag:$0x3] =	stream.linear.gather [hbm4b:s13+s4], $0x400, $0x38;
	[tilespmem:$0x1D700] =	vst v63  }
0x1d1: {  	_ =	swait.ge [sflag:s17], $0x400  }
0x1d2: {  	[sflag:s17] =	ssyncset.done $0x0  }
0x1d3: {  	[sflag:s17] =	ssyncadd.s32 $0xFFFFFC00  }
0x1d4: {  	_ =	swait.ge [sflag:s17], $0x400  }
0x1d5: {  	[sflag:s17] =	ssyncset.done $0x0  }
0x1d6: {  	[sflag:s17] =	ssyncadd.s32 $0xFFFFFC00  }
0x1d7: {  	_ =	swait.ge [sflag:s17], $0x400  }
0x1d8: {  	[sflag:s17] =	ssyncset.done $0x0  }
0x1d9: {  	[sflag:s17] =	ssyncadd.s32 $0xFFFFFC00  }
0x1da: {  	_ =	swait.ge [sflag:s17], $0x400  }
0x1db: {  	[sflag:s17] =	ssyncset.done $0x0  }
0x1dc: {  	[sflag:s17] =	ssyncadd.s32 $0xFFFFFC00  }
0x1dd: {  	[tilespmem:s19], [sflag:$0x1] =	stream.indirect.gather [spmem:s3], $0x8, s12, s18, $0xb8;
	[tilespmem:$0x1D700] =	vst v63  }
0x1de: {  	s9 =	rddreg [dreg:$0x6]  }
0x1df: {  	[tilespmem:s20], [sflag:$0x1] =	stream.indirect.gather [spmem:s3], $0x8, s9, s18, $0xb8;
	[tilespmem:$0x1D700] =	vst v63  }
0x1e0: {  	s11 =	rddreg [dreg:$0x7]  }
0x1e1: {  	[tilespmem:s21], [sflag:$0x1] =	stream.indirect.gather [spmem:s3], $0x8, s11, s18, $0xb8;
	[tilespmem:$0x1D700] =	vst v63  }
0x1e2: {  	s12 =	rddreg [dreg:$0x8]  }
0x1e3: {  	[tilespmem:s22], [sflag:$0x1] =	stream.indirect.gather [spmem:s3], $0x8, s12, s18, $0xb8;
	[tilespmem:$0x1D700] =	vst v63  }
0x1e4: {  	s13 =	rddreg [dreg:$0x9]  }
0x1e5: {  	[tilespmem:s23], [sflag:$0x1] =	stream.indirect.gather [spmem:s3], $0x8, s13, s18, $0xb8;
	[tilespmem:$0x1D700] =	vst v63  }
0x1e6: {  	s11 =	rddreg [dreg:$0xa]  }
0x1e7: {  	[tilespmem:s24], [sflag:$0x1] =	stream.indirect.gather [spmem:s3], $0x8, s11, s18, $0xb8;
	[tilespmem:$0x1D700] =	vst v63  }
0x1e8: {  	s12 =	rddreg [dreg:$0xb]  }
0x1e9: {  	[tilespmem:s25], [sflag:$0x1] =	stream.indirect.gather [spmem:s3], $0x8, s12, s18, $0xb8;
	[tilespmem:$0x1D700] =	vst v63  }
0x1ea: {  	s13 =	rddreg [dreg:$0xc]  }
0x1eb: {  	[tilespmem:s26], [sflag:$0x1] =	stream.indirect.gather [spmem:s3], $0x8, s13, s18, $0xb8;
	[tilespmem:$0x1D700] =	vst v63  }
0x1ec: {  	_ = 	snop  }
0x1ed: {  	[tilespmem:s28], [sflag:$0x1] =	stream.indirect.gather [spmem:s3], $0x8, s15, s18, $0xb8;
	[tilespmem:$0x1D700] =	vst v63  }
0x1ee: {  	s9 =	rddreg [dreg:$0xd]  }
0x1ef: {  	[tilespmem:s29], [sflag:$0x1] =	stream.indirect.gather [spmem:s3], $0x8, s9, s18, $0xb8;
	[tilespmem:$0x1D700] =	vst v63  }
0x1f0: {  	s11 =	rddreg [dreg:$0xe]  }
0x1f1: {  	[tilespmem:s30], [sflag:$0x1] =	stream.indirect.gather [spmem:s3], $0x8, s11, s18, $0xb8;
	[tilespmem:$0x1D700] =	vst v63  }
0x1f2: {  	s12 =	rddreg [dreg:$0xf]  }
0x1f3: {  	[tilespmem:s31], [sflag:$0x1] =	stream.indirect.gather [spmem:s3], $0x8, s12, s18, $0xb8;
	[tilespmem:$0x1D700] =	vst v63  }
0x1f4: {  	s13 =	rddreg [dreg:$0x10]  }
0x1f5: {  	[tilespmem:s1], [sflag:$0x1] =	stream.indirect.gather [spmem:s3], $0x8, s13, s18, $0xb8;
	[tilespmem:$0x1D700] =	vst v63  }
0x1f6: {  	s11 =	rddreg [dreg:$0x11]  }
0x1f7: {  	[tilespmem:s0], [sflag:$0x1] =	stream.indirect.gather [spmem:s3], $0x8, s11, s18, $0xb8;
	[tilespmem:$0x1D700] =	vst v63  }
0x1f8: {  	s12 =	rddreg [dreg:$0x12]  }
0x1f9: {  	[tilespmem:s5], [sflag:$0x1] =	stream.indirect.gather [spmem:s3], $0x8, s12, s18, $0xb8;
	[tilespmem:$0x1D700] =	vst v63  }
0x1fa: {  	s13 =	rddreg [dreg:$0x13]  }
0x1fb: {  	[tilespmem:s7], [sflag:$0x1] =	stream.indirect.gather [spmem:s3], $0x8, s13, s18, $0xb8;
	[tilespmem:$0x1D700] =	vst v63  }
0x1fc: {  	_ =	swait.ge [sflag:s8], $0x400  }
0x1fd: {  	[sflag:s8] =	ssyncset.done $0x0  }
0x1fe: {  	[sflag:s8] =	ssyncadd.s32 $0xFFFFFC00  }
0x1ff: {  	_ =	swait.ge [sflag:s8], $0x400  }
0x200: {  	[sflag:s8] =	ssyncset.done $0x0  }
0x201: {  	[sflag:s8] =	ssyncadd.s32 $0xFFFFFC00  }
0x202: {  	_ =	swait.ge [sflag:s8], $0x400  }
0x203: {  	[sflag:s8] =	ssyncset.done $0x0  }
0x204: {  	[sflag:s8] =	ssyncadd.s32 $0xFFFFFC00  }
0x205: {  	_ =	swait.ge [sflag:s8], $0x400  }
0x206: {  	[sflag:s8] =	ssyncset.done $0x0  }
0x207: {  	[sflag:s8] =	ssyncadd.s32 $0xFFFFFC00  }
0x208: {  	_ =	swait.ge [sflag:s8], $0x400  }
0x209: {  	[sflag:s8] =	ssyncset.done $0x0  }
0x20a: {  	[sflag:s8] =	ssyncadd.s32 $0xFFFFFC00  }
0x20b: {  	_ =	swait.ge [sflag:s8], $0x400  }
0x20c: {  	[sflag:s8] =	ssyncset.done $0x0  }
0x20d: {  	[sflag:s8] =	ssyncadd.s32 $0xFFFFFC00  }
0x20e: {  	_ =	swait.ge [sflag:s8], $0x400  }
0x20f: {  	[sflag:s8] =	ssyncset.done $0x0  }
0x210: {  	[sflag:s8] =	ssyncadd.s32 $0xFFFFFC00  }
0x211: {  	_ =	swait.ge [sflag:s8], $0x400  }
0x212: {  	[sflag:s8] =	ssyncset.done $0x0  }
0x213: {  	[sflag:s8] =	ssyncadd.s32 $0xFFFFFC00  }
0x214: {  	[spmem:s2] =	stream.indirect.scatter.add.f32 [tilespmem:s19], [sflag:$0x2], $0x8, s10, s18, $0xb8;
	[tilespmem:$0x1D700] =	vst v63  }
0x215: {  	s11 =	rddreg [dreg:$0x14]  }
0x216: {  	[spmem:s2] =	stream.indirect.scatter.add.f32 [tilespmem:s20], [sflag:$0x2], $0x8, s11, s18, $0xb8;
	[tilespmem:$0x1D700] =	vst v63  }
0x217: {  	s12 =	rddreg [dreg:$0x15]  }
0x218: {  	[spmem:s2] =	stream.indirect.scatter.add.f32 [tilespmem:s21], [sflag:$0x2], $0x8, s12, s18, $0xb8;
	[tilespmem:$0x1D700] =	vst v63  }
0x219: {  	s13 =	rddreg [dreg:$0x16]  }
0x21a: {  	[spmem:s2] =	stream.indirect.scatter.add.f32 [tilespmem:s22], [sflag:$0x2], $0x8, s13, s18, $0xb8;
	[tilespmem:$0x1D700] =	vst v63  }
0x21b: {  	s10 =	rddreg [dreg:$0x17]  }
0x21c: {  	[spmem:s2] =	stream.indirect.scatter.add.f32 [tilespmem:s23], [sflag:$0x2], $0x8, s10, s18, $0xb8;
	[tilespmem:$0x1D700] =	vst v63  }
0x21d: {  	s11 =	rddreg [dreg:$0x18]  }
0x21e: {  	[spmem:s2] =	stream.indirect.scatter.add.f32 [tilespmem:s24], [sflag:$0x2], $0x8, s11, s18, $0xb8;
	[tilespmem:$0x1D700] =	vst v63  }
0x21f: {  	s12 =	rddreg [dreg:$0x19]  }
0x220: {  	[spmem:s2] =	stream.indirect.scatter.add.f32 [tilespmem:s25], [sflag:$0x2], $0x8, s12, s18, $0xb8;
	[tilespmem:$0x1D700] =	vst v63  }
0x221: {  	s13 =	rddreg [dreg:$0x1a]  }
0x222: {  	[spmem:s2] =	stream.indirect.scatter.add.f32 [tilespmem:s26], [sflag:$0x2], $0x8, s13, s18, $0xb8;
	[tilespmem:$0x1D700] =	vst v63  }
0x223: {  	_ =	swait.ge [sflag:s8], $0x400  }
0x224: {  	[sflag:s8] =	ssyncset.done $0x0  }
0x225: {  	[sflag:s8] =	ssyncadd.s32 $0xFFFFFC00  }
0x226: {  	_ =	swait.ge [sflag:s8], $0x400  }
0x227: {  	[sflag:s8] =	ssyncset.done $0x0  }
0x228: {  	[sflag:s8] =	ssyncadd.s32 $0xFFFFFC00  }
0x229: {  	_ =	swait.ge [sflag:s8], $0x400  }
0x22a: {  	[sflag:s8] =	ssyncset.done $0x0  }
0x22b: {  	[sflag:s8] =	ssyncadd.s32 $0xFFFFFC00  }
0x22c: {  	_ =	swait.ge [sflag:s8], $0x400  }
0x22d: {  	[sflag:s8] =	ssyncset.done $0x0  }
0x22e: {  	[sflag:s8] =	ssyncadd.s32 $0xFFFFFC00  }
0x22f: {  	_ =	swait.ge [sflag:s8], $0x400  }
0x230: {  	[sflag:s8] =	ssyncset.done $0x0  }
0x231: {  	[sflag:s8] =	ssyncadd.s32 $0xFFFFFC00  }
0x232: {  	_ =	swait.ge [sflag:s8], $0x400  }
0x233: {  	[sflag:s8] =	ssyncset.done $0x0  }
0x234: {  	[sflag:s8] =	ssyncadd.s32 $0xFFFFFC00  }
0x235: {  	_ =	swait.ge [sflag:s8], $0x400  }
0x236: {  	[sflag:s8] =	ssyncset.done $0x0  }
0x237: {  	[sflag:s8] =	ssyncadd.s32 $0xFFFFFC00  }
0x238: {  	_ =	swait.ge [sflag:s8], $0x400  }
0x239: {  	[sflag:s8] =	ssyncset.done $0x0  }
0x23a: {  	s9 =	rddreg [dreg:$0x1b];
	[sflag:s8] =	ssyncadd.s32 $0xFFFFFC00  }
0x23b: {  	[spmem:s2] =	stream.indirect.scatter.add.f32 [tilespmem:s28], [sflag:$0x2], $0x8, s16, s18, $0xb8;
	[tilespmem:$0x1D700] =	vst v63  }
0x23c: {  	s10 =	rddreg [dreg:$0x1c]  }
0x23d: {  	[spmem:s2] =	stream.indirect.scatter.add.f32 [tilespmem:s29], [sflag:$0x2], $0x8, s9, s18, $0xb8;
	[tilespmem:$0x1D700] =	vst v63  }
0x23e: {  	s11 =	rddreg [dreg:$0x1d]  }
0x23f: {  	[spmem:s2] =	stream.indirect.scatter.add.f32 [tilespmem:s30], [sflag:$0x2], $0x8, s10, s18, $0xb8;
	[tilespmem:$0x1D700] =	vst v63  }
0x240: {  	s12 =	rddreg [dreg:$0x1e]  }
0x241: {  	[spmem:s2] =	stream.indirect.scatter.add.f32 [tilespmem:s31], [sflag:$0x2], $0x8, s11, s18, $0xb8;
	[tilespmem:$0x1D700] =	vst v63  }
0x242: {  	s13 =	rddreg [dreg:$0x1f]  }
0x243: {  	[spmem:s2] =	stream.indirect.scatter.add.f32 [tilespmem:s1], [sflag:$0x2], $0x8, s12, s18, $0xb8;
	[tilespmem:$0x1D700] =	vst v63  }
0x244: {  	s10 =	sld [smem:$0x7FA]  }
0x245: {  	[spmem:s2] =	stream.indirect.scatter.add.f32 [tilespmem:s0], [sflag:$0x2], $0x8, s13, s18, $0xb8;
	[tilespmem:$0x1D700] =	vst v63  }
0x246: {  	s11 =	sld [smem:$0x7FB]  }
0x247: {  	[spmem:s2] =	stream.indirect.scatter.add.f32 [tilespmem:s5], [sflag:$0x2], $0x8, s10, s18, $0xb8;
	[tilespmem:$0x1D700] =	vst v63  }
0x248: {  	s12 =	simm.s32 $0x2  }
0x249: {  	[spmem:s2] =	stream.indirect.scatter.add.f32 [tilespmem:s7], [sflag:$0x2], $0x8, s11, s18, $0xb8;
	[tilespmem:$0x1D700] =	vst v63  }
0x24a: {  	_ =	swait.ge [sflag:s12], $0x400  }
0x24b: {  	[sflag:s12] =	ssyncset.done $0x0  }
0x24c: {  	[sflag:s12] =	ssyncadd.s32 $0xFFFFFC00  }
0x24d: {  	_ =	swait.ge [sflag:s12], $0x400  }
0x24e: {  	[sflag:s12] =	ssyncset.done $0x0  }
0x24f: {  	[sflag:s12] =	ssyncadd.s32 $0xFFFFFC00  }
0x250: {  	_ =	swait.ge [sflag:s12], $0x400  }
0x251: {  	[sflag:s12] =	ssyncset.done $0x0  }
0x252: {  	[sflag:s12] =	ssyncadd.s32 $0xFFFFFC00  }
0x253: {  	_ =	swait.ge [sflag:s12], $0x400  }
0x254: {  	[sflag:s12] =	ssyncset.done $0x0  }
0x255: {  	[sflag:s12] =	ssyncadd.s32 $0xFFFFFC00  }
0x256: {  	_ =	swait.ge [sflag:s12], $0x400  }
0x257: {  	[sflag:s12] =	ssyncset.done $0x0  }
0x258: {  	[sflag:s12] =	ssyncadd.s32 $0xFFFFFC00  }
0x259: {  	_ =	swait.ge [sflag:s12], $0x400  }
0x25a: {  	[sflag:s12] =	ssyncset.done $0x0  }
0x25b: {  	[sflag:s12] =	ssyncadd.s32 $0xFFFFFC00  }
0x25c: {  	_ =	swait.ge [sflag:s12], $0x400  }
0x25d: {  	[sflag:s12] =	ssyncset.done $0x0  }
0x25e: {  	[sflag:s12] =	ssyncadd.s32 $0xFFFFFC00  }
0x25f: {  	_ =	swait.ge [sflag:s12], $0x400  }
0x260: {  	[sflag:s12] =	ssyncset.done $0x0  }
0x261: {  	[sflag:s12] =	ssyncadd.s32 $0xFFFFFC00  }
0x262: {  	_ =	swait.ge [sflag:s12], $0x400  }
0x263: {  	[sflag:s12] =	ssyncset.done $0x0  }
0x264: {  	[sflag:s12] =	ssyncadd.s32 $0xFFFFFC00  }
0x265: {  	_ =	swait.ge [sflag:s12], $0x400  }
0x266: {  	[sflag:s12] =	ssyncset.done $0x0  }
0x267: {  	[sflag:s12] =	ssyncadd.s32 $0xFFFFFC00  }
0x268: {  	_ =	swait.ge [sflag:s12], $0x400  }
0x269: {  	[sflag:s12] =	ssyncset.done $0x0  }
0x26a: {  	[sflag:s12] =	ssyncadd.s32 $0xFFFFFC00  }
0x26b: {  	_ =	swait.ge [sflag:s12], $0x400  }
0x26c: {  	[sflag:s12] =	ssyncset.done $0x0  }
0x26d: {  	[sflag:s12] =	ssyncadd.s32 $0xFFFFFC00  }
0x26e: {  	_ =	swait.ge [sflag:s12], $0x400  }
0x26f: {  	[sflag:s12] =	ssyncset.done $0x0  }
0x270: {  	[sflag:s12] =	ssyncadd.s32 $0xFFFFFC00  }
0x271: {  	_ =	swait.ge [sflag:s12], $0x400  }
0x272: {  	[sflag:s12] =	ssyncset.done $0x0  }
0x273: {  	[sflag:s12] =	ssyncadd.s32 $0xFFFFFC00  }
0x274: {  	_ =	swait.ge [sflag:s12], $0x400  }
0x275: {  	[sflag:s12] =	ssyncset.done $0x0  }
0x276: {  	[sflag:s12] =	ssyncadd.s32 $0xFFFFFC00  }
0x277: {  	_ =	swait.ge [sflag:s12], $0x400  }
0x278: {  	[sflag:s12] =	ssyncset.done $0x0  }
0x279: {  	[sflag:s12] =	ssyncadd.s32 $0xFFFFFC00  }
0x27a: {  	[bflag:$0x0] =	sbarrier.arrive $0xFFFF  }
0x27b: {  	s9 =	sld [smem:$0x7FC]  }
0x27c: {  	s13 =	sld [smem:$0x7F7]  }
0x27d: {  	s10 =	sld [smem:$0x7FD];
	_ =	sdelay $0x1  }
0x27e: {  	s11 =	simm.s32 $0x4  }
0x27f: {  	[hbm:s13], [sflag:s9] =	dma.local [spmem:s10], $0x1870  }
0x280: {  	_ =	swait.ge [sflag:s11], $0x1870  }
0x281: {  	s6 =	sld [smem:$0x7F4]  }
0x282: {  	s13 =	sld [smem:$0x7F8];
	_ =	sdelay $0x1  }
0x283: {  	s12 =	sadd.s32 $0x1, s6  }
0x284: {  	p0 =	sne.s32 s12, s13  }
.Ltmp1:
0x285: {  	_ = 	snop;
	(pc) =	sbr.rel @p0 .LBB2_1-.Ltmp1, $3  }
0x286: {  	_ =	sdelay $0x1  }
0x287: {  	[sflag:s11] =	ssyncset.done $0x0  }
0x288: {  	[sflag:s11] =	ssyncadd.s32 $0xFFFFE790  }
0x289: {  	_ =	sfence.sel $0x180000  }
0x28a: {  	[bflag:$0x0] =	sbarrier.arrive $0xFFFF  }
0x28b: {  	_ =	strace $0x9000004D  }
0x28c: {  	s0 =	stileid.u32;
	[bflag:$0x2] =	sbarrier.arrive $0xFFFF  }
0x28d: {  	p0 =	sne.s32 s0, $0x0;
	s0 =	rddreg [dreg:$0x3]  }
0x28e: {  	s0 =	sadd.s32 @!p0 $0x100000, s0  }
0x28f: {  	[sflag:s0] =	ssyncadd.tile.s32 @!p0 $0x1;
	_ =	shalt  }
.Lfunc_end2:
_tile_overlayer_lowered:
.L_overlay_start_2:
0x290: {  	(tag) =	ssettag $0x2  }
0x291: {  	s0 =	rddreg [dreg:$0x0];
	s2 =	stileid.u32  }
0x292: {  	s1 =	rddreg [dreg:$0x1];
	p0 =	sne.s32 s2, $0x0  }
0x293: {  	s3 =	rddreg [dreg:$0x2];
	[bflag:$0x3] =	sbarrier.arrive $0xFFFF;
	s2 =	simm.s32 @!p0 $0x1C04  }
0x294: {  	[timem:s3], [sflag:s2] =	dma.local @!p0 [hbm:s0], s1  }
0x295: {  	s0 =	simm.s32 @!p0 $0x4  }
0x296: {  	_ =	swait.ge @!p0 [sflag:s0], s1  }
0x297: {  	s1 =	ssub.s32 @!p0 $0x0, s1;
	[sflag:s0] =	ssyncset.done @!p0 $0x0  }
0x298: {  	[sflag:s0] =	ssyncadd.s32 @!p0 s1  }
0x299: {  	[bflag:$0x3] =	sbarrier.arrive $0xFFFF  }
0x29a: {  	_ =	shalt  }

// kernel: kernel.8.cloned.1.call-start
scs
__scs_entry_jumppad:
0x0: {  	(pc) =	sbr.rel $0x88, $3  }
0x1: {  	(tag) =	ssettag $0x0;
	lr =	simm.s32 $0x1  }
0x2: {  	[smem:$0x3F98] =	sst lr;
	_ =	strace $0xD0000000  }
0x3: {  	_ = 	snop  }
0x4: {  	_ = 	snop  }
0x5: {  	_ = 	snop  }
0x6: {  	_ = 	snop  }
0x7: {  	_ = 	snop  }
__scs_overlays_trampoline_lowered:
0x8: {  	[smem:$0x3FA7] =	sst s0  }
0x9: {  	[smem:$0x3FA8] =	sst s1  }
0xa: {  	[smem:$0x3FA9] =	sst s2  }
0xb: {  	[smem:$0x3FAA] =	sst s3  }
0xc: {  	[smem:$0x3FAB] =	sst s4  }
0xd: {  	[smem:$0x3FAC] =	sst s5  }
0xe: {  	[smem:$0x3FAD] =	sst s6  }
0xf: {  	[smem:$0x3FAE] =	sst s7  }
0x10: {  	[smem:$0x3FAF] =	sst s8  }
0x11: {  	[smem:$0x3FB0] =	sst s9;
	s0 =	simm.s32 @!p0 $0x0  }
0x12: {  	s1 =	sld [smem:$0x3F96];
	s0 =	simm.s32 @p0 $0x1  }
0x13: {  	[smem:$0x3FB1] =	sst s0;
	s0 =	simm.s32 @!p1 $0x0  }
0x14: {  	s2 =	sld [smem:$0x3F95];
	s0 =	simm.s32 @p1 $0x1  }
0x15: {  	[smem:$0x3FB2] =	sst s0;
	s0 =	simm.s32 @!p2 $0x0  }
0x16: {  	s3 =	sld [smem:$0x3FDB];
	s0 =	simm.s32 @p2 $0x1  }
0x17: {  	s4 =	simm.s32 $0x1BF5;
	[smem:$0x3FB4] =	sst s0  }
0x18: {  	s0 =	sld [smem:$0x3F97];
	_ =	swait.ge [sflag:s4], $0x0  }
0x19: {  	s7 =	sld [smem:$0x3F98]  }
0x1a: {  	s8 =	sadd.s32 $0xFFFFE003, lr  }
0x1b: {  	s9 =	sadd.s32 $0xFFFFFEF7, lr;
	s5 =	simm.s32 $0xFFFFFFFF;
	p2 =	slt.u32 s8, $0xFFFFF086  }
0x1c: {  	p1 =	slt.u32 s9, $0xF7A;
	s5 =	simm.s32 @!p2 $0x0  }
0x1d: {  	s5 =	simm.s32 @p1 $0x1;
	p0 =	seq.s32 s7, s2  }
0x1e: {  	s7 =	smul.u32 @!p0 $0xF7A, s2;
	p2 =	seq.s32 @!p0 s5, $0x0  }
0x1f: {  	s9 =	smul.u32 $0xF7A, s1;
	s8 =	simm.s32 @!p0 $0x1BF5;
	p2 =	por !p2, p0  }
0x20: {  	[sflag:s8] =	ssyncset.s32 @!p0 $0xFFFFF086;
	s6 =	sadd.s32 @!p0 s3, s7;
	s7 =	simm.s32 @!p0 $0x108  }
0x21: {  	s3 =	sadd.s32 s3, s9;
	s6 =	sadd.s32 @!p0 $0x88, s6;
	s7 =	simm.s32 @p2 $0x1082  }
0x22: {  	[simem:s7], [sflag:s8] =	dma.local @!p0 [hbm:s6], $0xF7A  }
0x23: {  	s9 =	sor.u32 $0xD0000000, s2;
	s6 =	simm.s32 $0x108;
	_ =	swait.ge @!p0 [sflag:s8], $0x0  }
0x24: {  	s3 =	sadd.s32 $0x88, s3;
	s6 =	simm.s32 @!p1 $0x1082;
	[sflag:s4] =	ssyncset.s32 $0xFFFFF086  }
0x25: {  	[simem:s6], [sflag:s4] =	dma.local [hbm:s3], $0xF7A  }
0x26: {  	[smem:$0x3F98] =	sst s1;
	(tag) =	ssettag s2;
	_ =	strace s9  }
0x27: {  	s1 =	sld [smem:$0x3FA8]  }
0x28: {  	s2 =	sld [smem:$0x3FA9]  }
0x29: {  	s4 =	sld [smem:$0x3FAB]  }
0x2a: {  	p0 =	seq.s32 s5, $0x0;
	s5 =	sld [smem:$0x3FAC]  }
0x2b: {  	s6 =	sld [smem:$0x3FAD]  }
0x2c: {  	s7 =	sld [smem:$0x3FAE]  }
0x2d: {  	s3 =	simm.s32 $0x108;
	s8 =	sld [smem:$0x3FAF]  }
0x2e: {  	s3 =	simm.s32 @!p0 $0x1082;
	s9 =	sld [smem:$0x3FB0]  }
0x2f: {  	lr =	sadd.s32 s0, s3;
	s0 =	sld [smem:$0x3FA7]  }
0x30: {  	s3 =	sld [smem:$0x3FAA]  }
0x31: {  	[smem:$0x3FB3] =	sst s10  }
0x32: {  	s10 =	sld [smem:$0x3FB1];
	_ =	sdelay $0x3  }
0x33: {  	p0 =	seq.s32 s10, $0x1;
	s10 =	sld [smem:$0x3FB3];
	_ =	sdelay $0x3  }
0x34: {  	[smem:$0x3FB3] =	sst s10  }
0x35: {  	s10 =	sld [smem:$0x3FB2];
	_ =	sdelay $0x3  }
0x36: {  	p1 =	seq.s32 s10, $0x1;
	s10 =	sld [smem:$0x3FB3];
	_ =	sdelay $0x3  }
0x37: {  	[smem:$0x3FB3] =	sst s10  }
0x38: {  	s10 =	sld [smem:$0x3FB4]  }
0x39: {  	_ = 	snop;
	(pc) =	sbr.ind lr, $3  }
0x3a: {  	_ = 	snop  }
0x3b: {  	_ = 	snop  }
0x3c: {  	p2 =	seq.s32 s10, $0x1;
	s10 =	sld [smem:$0x3FB3]  }
0x3d: {  	_ =	shalt  }
0x3e: {  	_ =	shalt  }
0x3f: {  	_ =	shalt  }
0x40: {  	_ =	shalt  }
0x41: {  	_ =	shalt  }
0x42: {  	_ =	shalt  }
0x43: {  	_ =	shalt  }
0x44: {  	_ =	shalt  }
0x45: {  	_ =	shalt  }
0x46: {  	_ =	shalt  }
0x47: {  	_ =	shalt  }
0x48: {  	_ =	shalt  }
0x49: {  	_ =	shalt  }
0x4a: {  	_ =	shalt  }
0x4b: {  	_ =	shalt  }
0x4c: {  	_ =	shalt  }
0x4d: {  	_ =	shalt  }
0x4e: {  	_ =	shalt  }
0x4f: {  	_ =	shalt  }
0x50: {  	_ =	shalt  }
0x51: {  	_ =	shalt  }
0x52: {  	_ =	shalt  }
0x53: {  	_ =	shalt  }
0x54: {  	_ =	shalt  }
0x55: {  	_ =	shalt  }
0x56: {  	_ =	shalt  }
0x57: {  	_ =	shalt  }
0x58: {  	_ =	shalt  }
0x59: {  	_ =	shalt  }
0x5a: {  	_ =	shalt  }
0x5b: {  	_ =	shalt  }
0x5c: {  	_ =	shalt  }
0x5d: {  	_ =	shalt  }
0x5e: {  	_ =	shalt  }
0x5f: {  	_ =	shalt  }
0x60: {  	_ =	shalt  }
0x61: {  	_ =	shalt  }
0x62: {  	_ =	shalt  }
0x63: {  	_ =	shalt  }
0x64: {  	_ =	shalt  }
0x65: {  	_ =	shalt  }
0x66: {  	_ =	shalt  }
0x67: {  	_ =	shalt  }
0x68: {  	_ =	shalt  }
0x69: {  	_ =	shalt  }
0x6a: {  	_ =	shalt  }
0x6b: {  	_ =	shalt  }
0x6c: {  	_ =	shalt  }
0x6d: {  	_ =	shalt  }
0x6e: {  	_ =	shalt  }
0x6f: {  	_ =	shalt  }
0x70: {  	_ =	shalt  }
0x71: {  	_ =	shalt  }
0x72: {  	_ =	shalt  }
0x73: {  	_ =	shalt  }
0x74: {  	_ =	shalt  }
0x75: {  	_ =	shalt  }
0x76: {  	_ =	shalt  }
0x77: {  	_ =	shalt  }
0x78: {  	_ =	shalt  }
0x79: {  	_ =	shalt  }
0x7a: {  	_ =	shalt  }
0x7b: {  	_ =	shalt  }
0x7c: {  	_ =	shalt  }
0x7d: {  	_ =	shalt  }
0x7e: {  	_ =	shalt  }
0x7f: {  	_ =	shalt  }
0x80: {  	_ =	shalt  }
0x81: {  	_ =	shalt  }
0x82: {  	_ =	shalt  }
0x83: {  	_ =	shalt  }
0x84: {  	_ =	shalt  }
0x85: {  	_ =	shalt  }
0x86: {  	_ =	shalt  }
0x87: {  	_ =	shalt  }
.Lfunc_end0:
.L_simem_size_0:
called_computation_lowered:
.L_overlay_start_0:
0x88: {  	s2 =	sld [smem:$0x3FD9]  }
0x89: {  	s3 =	sld [smem:$0x3FFE];
	_ =	sdelay $0x1  }
0x8a: {  	s1 =	srdreg.scid  }
0x8b: {  	s0 =	sand.u32 $0x1, s1  }
0x8c: {  	s16 =	sshll.u32 s0, $0xA;
	s2 =	sadd.s32 s3, s2  }
0x8d: {  	s2 =	sadd.s32 s2, s16  }
0x8e: {  	[smem:$0x3FBF] =	sst s2  }
0x8f: {  	_ = 	snop  }
0x90: {  	(tm) =	ssettm $0x1  }
0x91: {  	s17 =	sld [smem:$0x3FFB];
	_ =	sdelay $0x3  }
0x92: {  	_ =	strace s17  }
0x93: {  	s2 =	sld [smem:$0x3FFC];
	_ =	sdelay $0x3  }
0x94: {  	_ =	strace s2  }
0x95: {  	s2 =	sld [smem:$0x3FFD];
	_ =	sdelay $0x3  }
0x96: {  	_ =	strace s2  }
0x97: {  	_ =	strace $0x8FFFFFFF  }
0x98: {  	s18 =	sld [smem:$0x3FDB];
	_ =	sdelay $0x1  }
0x99: {  	s19 =	simm.s32 $_scs_section_size  }
0x9a: {  	s4 =	simm.s32 $_size__tile_overlayer_lowered;
	s5 =	simm.s32 $_tile_overlayer_lowered  }
0x9b: {  	s22 =	simm.s32 $0x1BFF;
	s21 =	sshll.u32 s5, $0x1;
	s2 =	sadd.s32 s19, s18  }
0x9c: {  	s6 =	simm.s32 $0x0;
	s20 =	sshll.u32 s4, $0x1;
	s4 =	sadd.s32 s21, s2  }
0x9d: {  	[timem:s6], [sflag:s22] =	dma.local [hbm:s4], s20  }
0x9e: {  	_ =	swait.ge [sflag:s22], s20  }
0x9f: {  	s3 =	ssub.s32 $0x0, s20;
	[sflag:s22] =	ssyncset.done $0x0  }
0xa0: {  	[sflag:s22] =	ssyncadd.s32 s3;
	_ =	sdelay $0x1  }
0xa1: {  	s23 =	simm.s32 $0x1B8B  }
0xa2: {  	_ =	swait.ge [sflag:s23], $0x1  }
0xa3: {  	[sflag:s23] =	ssyncset.done $0x0  }
0xa4: {  	s25 =	simm.s32 $0x1B8E;
	s24 =	sld [smem:$0x3FFE];
	[sflag:s23] =	ssyncadd.s32 $0xFFFFFFFF  }
0xa5: {  	s26 =	simm.s32 $execute0_lowered;
	[smem:$0x3FD2] =	sst s25  }
0xa6: {  	s4 =	sshll.u32 s26, $0x1;
	_ =	strace $0x80000046;
	[dreg:$0x1] =	wrdreg $0xFFFFFFFF  }
0xa7: {  	s28 =	simm.s32 $_size_execute0_lowered;
	s2 =	sadd.s32 s2, s4;
	[dreg:$0x0] =	wrdreg $0x0  }
0xa8: {  	s4 =	sshll.u32 s28, $0x1;
	[dreg:$0x2] =	wrdreg s2  }
0xa9: {  	[dreg:$0x3] =	wrdreg s4  }
0xaa: {  	[dreg:$0x4] =	wrdreg $0xC0  }
0xab: {  	_ =	task [dreg:s6], $0x5FFFF  }
0xac: {  	[dreg:$0x1] =	wrdreg $0xFFFFFFFF  }
0xad: {  	[dreg:$0x0] =	wrdreg $0x60  }
0xae: {  	[dreg:$0x2] =	wrdreg s24  }
0xaf: {  	[dreg:$0x3] =	wrdreg $0x0  }
0xb0: {  	[dreg:$0x4] =	wrdreg $0x9  }
0xb1: {  	_ =	task.clear_ibuf [dreg:s6], $0x5FFFF;
	_ =	strace $0x90000046  }
0xb2: {  	s29 =	simm.s32 $0x9;
	_ =	strace $0x80000048  }
0xb3: {  	_ =	swait.ge [sflag:s29], $0x1  }
0xb4: {  	[sflag:s29] =	ssyncadd.s32 $0xFFFFFFFF  }
0xb5: {  	_ =	strace $0x90000048  }
0xb6: {  	_ =	sfence  }
0xb7: {  	s30 =	sld [smem:$0x0];
	_ =	sdelay $0x2  }
0xb8: {  	s31 =	sshll.u32 s1, $0xD;
	s1 =	sshrl.u32 s1, $0x2  }
0xb9: {  	s3 =	sand.u32 $0x4000, s31;
	s1 =	sadd.s32 s1, s30  }
0xba: {  	s0 =	sor.u32 s3, s0;
	s1 =	sshll.u32 s1, $0x11  }
0xbb: {  	s0 =	sor.u32 s1, s0  }
0xbc: {  	s0 =	sadd.s32 $0x8F2B, s0  }
0xbd: {  	[sflag:s0] =	ssyncadd.remote.s32 $0x1  }
0xbe: {  	_ =	sfence.sel $0xFFFF  }
0xbf: {  	[dreg:$0x0] =	wrdreg $0xFFFFFFFF;
	(pc) =	sbr.abs _section_cstart, $3  }
0xc0: {  	[dreg:$0x1] =	wrdreg $0xFFFFFFFF  }
0xc1: {  	_ =	task.clear_ibuf [dreg:s6], $0x2FFFF;
	_ =	strace $0x9FFFFFFF  }
0xc2: {  	(tm) =	ssettm $0x7FFFFFFF  }
0xc3: {  	_ =	shalt  }
tec
execute0_lowered:
.L_overlay_start_1:
0x0: {  	(tag) =	ssettag $0x1  }
0x1: {  	s0 =	rddreg [dreg:$0x0]  }
0x2: {  	s2 =	rddreg [dreg:$0x1];
	s9 =	stileid.u32  }
0x3: {  	s4 =	srdreg.scid;
	s3 =	simm.s32 $0x0;
	s11 =	simm.s32 $0x3  }
0x4: {  	s12 =	simm.s32 $0xCB80;
	s13 =	simm.s32 $0xC380;
	s14 =	simm.s32 $0xC780  }
0x5: {  	s15 =	simm.s32 $0x2;
	s16 =	simm.s32 $0x80;
	s17 =	simm.s32 $0xC400  }
0x6: {  	s18 =	simm.s32 $0xC480;
	s19 =	simm.s32 $0xC500;
	s20 =	simm.s32 $0xC580  }
0x7: {  	s21 =	simm.s32 $0xC600;
	s28 =	simm.s32 $0xC980;
	s29 =	simm.s32 $0xCA00  }
0x8: {  	s30 =	simm.s32 $0xCA80;
	s31 =	simm.s32 $0xCB00;
	s1 =	smul.u32 $0x3200, s9  }
0x9: {  	s5 =	smul.u32 $0xC380, s9;
	s4 =	sand.u32 $0x1, s4;
	[smem:$0x7FF] =	sst s3  }
0xa: {  	s7 =	sadd.s32 $0x66400, s0;
	s24 =	sshll.u32 s9, $0x6;
	s6 =	smul.u32 $0xC3800, s4  }
0xb: {  	_ =	strace $0x80000047;
	[dreg:$0x3] =	wrdreg s7;
	s8 =	ssub.s32 $0x2, s4  }
0xc: {  	s4 =	smul.u32 $0x1900, s4;
	s1 =	sadd.s32 s1, s0;
	s22 =	sshrl.u32 s5, $0x3  }
0xd: {  	s23 =	sshrl.u32 s8, $0x1;
	s6 =	sadd.s32 s5, s6;
	s7 =	sadd.s32 s22, s0  }
0xe: {  	s8 =	ssub.s32 s8, s23;
	s5 =	sadd.s32 s5, s2;
	s26 =	sadd.s32 s4, s1  }
0xf: {  	s22 =	simm.s32 $0xC680;
	s23 =	simm.s32 $0xC700;
	s1 =	simm.s32 $0x0  }
0x10: {  	s6 =	sshrl.u32 s6, $0x3;
	s7 =	sadd.s32 $0x66600, s7;
	s25 =	smax.u32 s8, $0x1  }
0x11: {  	s9 =	sadd.s32 $0x2400, s26;
	s10 =	sshrl.u32 s5, $0x3;
	s26 =	simm.s32 $0xC900  }
0x12: {  	s0 =	sadd.s32 s6, s0;
	[dreg:$0x4] =	wrdreg s7;
	s6 =	sor.u32 $0x1C03, s24  }
0x13: {  	[dreg:$0x6] =	wrdreg s25;
	s24 =	simm.s32 $0xC800;
	s0 =	sadd.s32 $0x7EE00, s0  }
0x14: {  	s25 =	simm.s32 $0xC880;
	[dreg:$0x5] =	wrdreg s0;
	s0 =	simm.s32 $0x1  }
.LBB2_1:
0x15: {  	s4 =	rddreg [dreg:$0x4]  }
0x16: {  	[spmem:s10], [sflag:s6] =	dma.local [hbm:s4], $0x1870  }
0x17: {  	_ =	swait.ge [sflag:s11], $0x1870  }
0x18: {  	[sflag:s11] =	ssyncset.done $0x0  }
0x19: {  	s7 =	rddreg [dreg:$0x3];
	[sflag:s11] =	ssyncadd.s32 $0xFFFFE790  }
0x1a: {  	[tilespmem:s12], [sflag:$0x3] =	stream.linear.gather [hbm4b:s7+s3], $0x400, $0x38;
	[tilespmem:$0xCF80] =	vst v63  }
0x1b: {  	_ =	swait.ge [sflag:s11], $0x400  }
0x1c: {  	p0 =	por $0x1, $0x1;
	[sflag:s11] =	ssyncset.done $0x0  }
0x1d: {  	p0 =	por p0, p0;
	[sflag:s11] =	ssyncadd.s32 $0xFFFFFC00  }
0x1e: {  	s4 =	simm.s32 @!p0 $0x1;
	[bflag:$0x0] =	sbarrier.arrive $0xFFFF  }
0x1f: {  	_ =	swait.ge @!p0 [sflag:s4], $0x400  }
0x20: {  	[sflag:s4] =	ssyncset.done @!p0 $0x0  }
0x21: {  	[sflag:s4] =	ssyncadd.s32 @!p0 $0xFFFFFC00  }
0x22: {  	_ =	swait.ge @!p0 [sflag:s4], $0x400  }
0x23: {  	[sflag:s4] =	ssyncset.done @!p0 $0x0  }
0x24: {  	[sflag:s4] =	ssyncadd.s32 @!p0 $0xFFFFFC00  }
0x25: {  	_ =	swait.ge @!p0 [sflag:s4], $0x400  }
0x26: {  	[sflag:s4] =	ssyncset.done @!p0 $0x0  }
0x27: {  	[sflag:s4] =	ssyncadd.s32 @!p0 $0xFFFFFC00  }
0x28: {  	_ =	swait.ge @!p0 [sflag:s4], $0x400  }
0x29: {  	[sflag:s4] =	ssyncset.done @!p0 $0x0  }
0x2a: {  	[sflag:s4] =	ssyncadd.s32 @!p0 $0xFFFFFC00  }
0x2b: {  	_ =	swait.ge @!p0 [sflag:s4], $0x400  }
0x2c: {  	[sflag:s4] =	ssyncset.done @!p0 $0x0  }
0x2d: {  	[sflag:s4] =	ssyncadd.s32 @!p0 $0xFFFFFC00  }
0x2e: {  	_ =	swait.ge @!p0 [sflag:s4], $0x400  }
0x2f: {  	[sflag:s4] =	ssyncset.done @!p0 $0x0  }
0x30: {  	[sflag:s4] =	ssyncadd.s32 @!p0 $0xFFFFFC00  }
0x31: {  	_ =	swait.ge @!p0 [sflag:s4], $0x400  }
0x32: {  	[sflag:s4] =	ssyncset.done @!p0 $0x0  }
0x33: {  	[sflag:s4] =	ssyncadd.s32 @!p0 $0xFFFFFC00  }
0x34: {  	_ =	swait.ge @!p0 [sflag:s4], $0x400  }
0x35: {  	[sflag:s4] =	ssyncset.done @!p0 $0x0  }
0x36: {  	[sflag:s4] =	ssyncadd.s32 @!p0 $0xFFFFFC00  }
0x37: {  	_ =	swait.ge @!p0 [sflag:s4], $0x400  }
0x38: {  	[sflag:s4] =	ssyncset.done @!p0 $0x0  }
0x39: {  	[sflag:s4] =	ssyncadd.s32 @!p0 $0xFFFFFC00  }
0x3a: {  	_ =	swait.ge @!p0 [sflag:s4], $0x400  }
0x3b: {  	[sflag:s4] =	ssyncset.done @!p0 $0x0  }
0x3c: {  	[sflag:s4] =	ssyncadd.s32 @!p0 $0xFFFFFC00  }
0x3d: {  	_ =	swait.ge @!p0 [sflag:s4], $0x400  }
0x3e: {  	[sflag:s4] =	ssyncset.done @!p0 $0x0  }
0x3f: {  	[sflag:s4] =	ssyncadd.s32 @!p0 $0xFFFFFC00  }
0x40: {  	_ =	swait.ge @!p0 [sflag:s4], $0x400  }
0x41: {  	[sflag:s4] =	ssyncset.done @!p0 $0x0  }
0x42: {  	[sflag:s4] =	ssyncadd.s32 @!p0 $0xFFFFFC00  }
0x43: {  	_ =	swait.ge @!p0 [sflag:s4], $0x400  }
0x44: {  	[sflag:s4] =	ssyncset.done @!p0 $0x0  }
0x45: {  	[sflag:s4] =	ssyncadd.s32 @!p0 $0xFFFFFC00  }
0x46: {  	_ =	swait.ge @!p0 [sflag:s4], $0x400  }
0x47: {  	[sflag:s4] =	ssyncset.done @!p0 $0x0  }
0x48: {  	[sflag:s4] =	ssyncadd.s32 @!p0 $0xFFFFFC00  }
0x49: {  	_ =	swait.ge @!p0 [sflag:s4], $0x400  }
0x4a: {  	[sflag:s4] =	ssyncset.done @!p0 $0x0  }
0x4b: {  	[sflag:s4] =	ssyncadd.s32 @!p0 $0xFFFFFC00  }
0x4c: {  	_ =	swait.ge @!p0 [sflag:s4], $0x400  }
0x4d: {  	[sflag:s4] =	ssyncset.done @!p0 $0x0  }
0x4e: {  	s8 =	sadd.s32 $0x0, s9;
	[sflag:s4] =	ssyncadd.s32 @!p0 $0xFFFFFC00  }
0x4f: {  	[tilespmem:s13], [sflag:$0x2] =	stream.linear.gather [hbm4b:s8+s3], $0x400, $0x38;
	[tilespmem:$0xCF80] =	vst v63  }
0x50: {  	s4 =	sadd.s32 $0x80, s8  }
0x51: {  	[tilespmem:s14], [sflag:$0x2] =	stream.linear.gather [hbm4b:s4+s3], $0x400, $0x38;
	[tilespmem:$0xCF80] =	vst v63  }
0x52: {  	_ =	swait.ge [sflag:s15], $0x400  }
0x53: {  	[sflag:s15] =	ssyncset.done $0x0  }
0x54: {  	[sflag:s15] =	ssyncadd.s32 $0xFFFFFC00  }
0x55: {  	_ =	swait.ge [sflag:s15], $0x400  }
0x56: {  	[sflag:s15] =	ssyncset.done $0x0  }
0x57: {  	[sflag:s15] =	ssyncadd.s32 $0xFFFFFC00  }
0x58: {  	[spmem:s2] =	stream.indirect.scatter.add.f32 [tilespmem:s12], [sflag:$0x1], $0x8, s13, s16, $0xb8;
	[tilespmem:$0xCF80] =	vst v63  }
0x59: {  	_ = 	snop  }
0x5a: {  	[spmem:s2] =	stream.indirect.scatter.add.f32 [tilespmem:s12], [sflag:$0x1], $0x8, s17, s16, $0xb8;
	[tilespmem:$0xCF80] =	vst v63  }
0x5b: {  	_ = 	snop  }
0x5c: {  	[spmem:s2] =	stream.indirect.scatter.add.f32 [tilespmem:s12], [sflag:$0x1], $0x8, s18, s16, $0xb8;
	[tilespmem:$0xCF80] =	vst v63  }
0x5d: {  	_ = 	snop  }
0x5e: {  	[spmem:s2] =	stream.indirect.scatter.add.f32 [tilespmem:s12], [sflag:$0x1], $0x8, s19, s16, $0xb8;
	[tilespmem:$0xCF80] =	vst v63  }
0x5f: {  	_ = 	snop  }
0x60: {  	[spmem:s2] =	stream.indirect.scatter.add.f32 [tilespmem:s12], [sflag:$0x1], $0x8, s20, s16, $0xb8;
	[tilespmem:$0xCF80] =	vst v63  }
0x61: {  	_ = 	snop  }
0x62: {  	[spmem:s2] =	stream.indirect.scatter.add.f32 [tilespmem:s12], [sflag:$0x1], $0x8, s21, s16, $0xb8;
	[tilespmem:$0xCF80] =	vst v63  }
0x63: {  	_ = 	snop  }
0x64: {  	[spmem:s2] =	stream.indirect.scatter.add.f32 [tilespmem:s12], [sflag:$0x1], $0x8, s22, s16, $0xb8;
	[tilespmem:$0xCF80] =	vst v63  }
0x65: {  	_ = 	snop  }
0x66: {  	[spmem:s2] =	stream.indirect.scatter.add.f32 [tilespmem:s12], [sflag:$0x1], $0x8, s23, s16, $0xb8;
	[tilespmem:$0xCF80] =	vst v63  }
0x67: {  	_ = 	snop  }
0x68: {  	[spmem:s2] =	stream.indirect.scatter.add.f32 [tilespmem:s12], [sflag:$0x1], $0x8, s14, s16, $0xb8;
	[tilespmem:$0xCF80] =	vst v63  }
0x69: {  	_ = 	snop  }
0x6a: {  	[spmem:s2] =	stream.indirect.scatter.add.f32 [tilespmem:s12], [sflag:$0x1], $0x8, s24, s16, $0xb8;
	[tilespmem:$0xCF80] =	vst v63  }
0x6b: {  	_ = 	snop  }
0x6c: {  	[spmem:s2] =	stream.indirect.scatter.add.f32 [tilespmem:s12], [sflag:$0x1], $0x8, s25, s16, $0xb8;
	[tilespmem:$0xCF80] =	vst v63  }
0x6d: {  	_ = 	snop  }
0x6e: {  	[spmem:s2] =	stream.indirect.scatter.add.f32 [tilespmem:s12], [sflag:$0x1], $0x8, s26, s16, $0xb8;
	[tilespmem:$0xCF80] =	vst v63  }
0x6f: {  	_ = 	snop  }
0x70: {  	[spmem:s2] =	stream.indirect.scatter.add.f32 [tilespmem:s12], [sflag:$0x1], $0x8, s28, s16, $0xb8;
	[tilespmem:$0xCF80] =	vst v63  }
0x71: {  	p6 =	por $0x0, $0x0  }
0x72: {  	[spmem:s2] =	stream.indirect.scatter.add.f32 [tilespmem:s12], [sflag:$0x1], $0x8, s29, s16, $0xb8;
	[tilespmem:$0xCF80] =	vst v63  }
0x73: {  	s5 =	simm.s32 $0x200;
	p0 =	por p6, p6;
	s4 =	simm.s32 $0x100  }
0x74: {  	[spmem:s2] =	stream.indirect.scatter.add.f32 [tilespmem:s12], [sflag:$0x1], $0x8, s30, s16, $0xb8;
	[tilespmem:$0xCF80] =	vst v63  }
.LBB2_2:
0x75: {  	[spmem:s2] =	stream.indirect.scatter.add.f32 [tilespmem:s12], [sflag:$0x1], $0x8, s31, s16, $0xb8;
	[tilespmem:$0xCF80] =	vst v63  }
0x76: {  	s7 =	smov.u32 s5  }
0x77: {  	s5 =	sadd.s32 $0x100, s5;
	s8 =	simm.s32 @!p0 $0x1;
	p2 =	seq.s32 s7, $0x0  }
0x78: {  	p1 =	sne.s32 s5, $0x1900;
	_ =	swait.ge @!p0 [sflag:s8], $0x400  }
0x79: {  	[sflag:s8] =	ssyncset.done @!p0 $0x0  }
0x7a: {  	[sflag:s8] =	ssyncadd.s32 @!p0 $0xFFFFFC00  }
0x7b: {  	_ =	swait.ge @!p0 [sflag:s8], $0x400  }
0x7c: {  	[sflag:s8] =	ssyncset.done @!p0 $0x0  }
0x7d: {  	[sflag:s8] =	ssyncadd.s32 @!p0 $0xFFFFFC00  }
0x7e: {  	_ =	swait.ge @!p0 [sflag:s8], $0x400  }
0x7f: {  	[sflag:s8] =	ssyncset.done @!p0 $0x0  }
0x80: {  	[sflag:s8] =	ssyncadd.s32 @!p0 $0xFFFFFC00  }
0x81: {  	_ =	swait.ge @!p0 [sflag:s8], $0x400  }
0x82: {  	[sflag:s8] =	ssyncset.done @!p0 $0x0  }
0x83: {  	[sflag:s8] =	ssyncadd.s32 @!p0 $0xFFFFFC00  }
0x84: {  	_ =	swait.ge @!p0 [sflag:s8], $0x400  }
0x85: {  	[sflag:s8] =	ssyncset.done @!p0 $0x0  }
0x86: {  	[sflag:s8] =	ssyncadd.s32 @!p0 $0xFFFFFC00  }
0x87: {  	_ =	swait.ge @!p0 [sflag:s8], $0x400  }
0x88: {  	[sflag:s8] =	ssyncset.done @!p0 $0x0  }
0x89: {  	[sflag:s8] =	ssyncadd.s32 @!p0 $0xFFFFFC00  }
0x8a: {  	_ =	swait.ge @!p0 [sflag:s8], $0x400  }
0x8b: {  	[sflag:s8] =	ssyncset.done @!p0 $0x0  }
0x8c: {  	[sflag:s8] =	ssyncadd.s32 @!p0 $0xFFFFFC00  }
0x8d: {  	_ =	swait.ge @!p0 [sflag:s8], $0x400  }
0x8e: {  	[sflag:s8] =	ssyncset.done @!p0 $0x0  }
0x8f: {  	[sflag:s8] =	ssyncadd.s32 @!p0 $0xFFFFFC00  }
0x90: {  	_ =	swait.ge @!p0 [sflag:s8], $0x400  }
0x91: {  	[sflag:s8] =	ssyncset.done @!p0 $0x0  }
0x92: {  	[sflag:s8] =	ssyncadd.s32 @!p0 $0xFFFFFC00  }
0x93: {  	_ =	swait.ge @!p0 [sflag:s8], $0x400  }
0x94: {  	[sflag:s8] =	ssyncset.done @!p0 $0x0  }
0x95: {  	[sflag:s8] =	ssyncadd.s32 @!p0 $0xFFFFFC00  }
0x96: {  	_ =	swait.ge @!p0 [sflag:s8], $0x400  }
0x97: {  	[sflag:s8] =	ssyncset.done @!p0 $0x0  }
0x98: {  	[sflag:s8] =	ssyncadd.s32 @!p0 $0xFFFFFC00  }
0x99: {  	_ =	swait.ge @!p0 [sflag:s8], $0x400  }
0x9a: {  	[sflag:s8] =	ssyncset.done @!p0 $0x0  }
0x9b: {  	[sflag:s8] =	ssyncadd.s32 @!p0 $0xFFFFFC00  }
0x9c: {  	_ =	swait.ge @!p0 [sflag:s8], $0x400  }
0x9d: {  	[sflag:s8] =	ssyncset.done @!p0 $0x0  }
0x9e: {  	[sflag:s8] =	ssyncadd.s32 @!p0 $0xFFFFFC00  }
0x9f: {  	_ =	swait.ge @!p0 [sflag:s8], $0x400  }
0xa0: {  	[sflag:s8] =	ssyncset.done @!p0 $0x0  }
0xa1: {  	[sflag:s8] =	ssyncadd.s32 @!p0 $0xFFFFFC00  }
0xa2: {  	_ =	swait.ge @!p0 [sflag:s8], $0x400  }
0xa3: {  	[sflag:s8] =	ssyncset.done @!p0 $0x0  }
0xa4: {  	[sflag:s8] =	ssyncadd.s32 @!p0 $0xFFFFFC00  }
0xa5: {  	_ =	swait.ge @!p0 [sflag:s8], $0x400  }
0xa6: {  	[sflag:s8] =	ssyncset.done @!p0 $0x0  }
0xa7: {  	[sflag:s8] =	ssyncadd.s32 @!p0 $0xFFFFFC00;
	s8 =	sadd.s32 s4, s9;
	s4 =	smov.u32 s7  }
0xa8: {  	[tilespmem:s13], [sflag:$0x2] =	stream.linear.gather [hbm4b:s8+s3], $0x400, $0x38;
	[tilespmem:$0xCF80] =	vst v63  }
0xa9: {  	p0 =	por p2, p2;
	s7 =	sadd.s32 $0x80, s8  }
0xaa: {  	[tilespmem:s14], [sflag:$0x2] =	stream.linear.gather [hbm4b:s7+s3], $0x400, $0x38;
	[tilespmem:$0xCF80] =	vst v63  }
0xab: {  	_ =	swait.ge [sflag:s15], $0x400  }
0xac: {  	[sflag:s15] =	ssyncset.done $0x0  }
0xad: {  	[sflag:s15] =	ssyncadd.s32 $0xFFFFFC00  }
0xae: {  	_ =	swait.ge [sflag:s15], $0x400  }
0xaf: {  	[sflag:s15] =	ssyncset.done $0x0  }
0xb0: {  	[sflag:s15] =	ssyncadd.s32 $0xFFFFFC00  }
0xb1: {  	[spmem:s2] =	stream.indirect.scatter.add.f32 [tilespmem:s12], [sflag:$0x1], $0x8, s13, s16, $0xb8;
	[tilespmem:$0xCF80] =	vst v63  }
0xb2: {  	_ = 	snop  }
0xb3: {  	[spmem:s2] =	stream.indirect.scatter.add.f32 [tilespmem:s12], [sflag:$0x1], $0x8, s17, s16, $0xb8;
	[tilespmem:$0xCF80] =	vst v63  }
0xb4: {  	_ = 	snop  }
0xb5: {  	[spmem:s2] =	stream.indirect.scatter.add.f32 [tilespmem:s12], [sflag:$0x1], $0x8, s18, s16, $0xb8;
	[tilespmem:$0xCF80] =	vst v63  }
0xb6: {  	_ = 	snop  }
0xb7: {  	[spmem:s2] =	stream.indirect.scatter.add.f32 [tilespmem:s12], [sflag:$0x1], $0x8, s19, s16, $0xb8;
	[tilespmem:$0xCF80] =	vst v63  }
0xb8: {  	_ = 	snop  }
0xb9: {  	[spmem:s2] =	stream.indirect.scatter.add.f32 [tilespmem:s12], [sflag:$0x1], $0x8, s20, s16, $0xb8;
	[tilespmem:$0xCF80] =	vst v63  }
0xba: {  	_ = 	snop  }
0xbb: {  	[spmem:s2] =	stream.indirect.scatter.add.f32 [tilespmem:s12], [sflag:$0x1], $0x8, s21, s16, $0xb8;
	[tilespmem:$0xCF80] =	vst v63  }
0xbc: {  	_ = 	snop  }
0xbd: {  	[spmem:s2] =	stream.indirect.scatter.add.f32 [tilespmem:s12], [sflag:$0x1], $0x8, s22, s16, $0xb8;
	[tilespmem:$0xCF80] =	vst v63  }
0xbe: {  	_ = 	snop  }
0xbf: {  	[spmem:s2] =	stream.indirect.scatter.add.f32 [tilespmem:s12], [sflag:$0x1], $0x8, s23, s16, $0xb8;
	[tilespmem:$0xCF80] =	vst v63  }
0xc0: {  	_ = 	snop  }
0xc1: {  	[spmem:s2] =	stream.indirect.scatter.add.f32 [tilespmem:s12], [sflag:$0x1], $0x8, s14, s16, $0xb8;
	[tilespmem:$0xCF80] =	vst v63  }
0xc2: {  	_ = 	snop  }
0xc3: {  	[spmem:s2] =	stream.indirect.scatter.add.f32 [tilespmem:s12], [sflag:$0x1], $0x8, s24, s16, $0xb8;
	[tilespmem:$0xCF80] =	vst v63  }
0xc4: {  	_ = 	snop  }
0xc5: {  	[spmem:s2] =	stream.indirect.scatter.add.f32 [tilespmem:s12], [sflag:$0x1], $0x8, s25, s16, $0xb8;
	[tilespmem:$0xCF80] =	vst v63  }
0xc6: {  	_ = 	snop  }
0xc7: {  	[spmem:s2] =	stream.indirect.scatter.add.f32 [tilespmem:s12], [sflag:$0x1], $0x8, s26, s16, $0xb8;
	[tilespmem:$0xCF80] =	vst v63  }
0xc8: {  	_ = 	snop  }
0xc9: {  	[spmem:s2] =	stream.indirect.scatter.add.f32 [tilespmem:s12], [sflag:$0x1], $0x8, s28, s16, $0xb8;
	[tilespmem:$0xCF80] =	vst v63  }
.Ltmp0:
0xca: {  	_ = 	snop;
	(pc) =	sbr.rel @p1 .LBB2_2-.Ltmp0, $4  }
0xcb: {  	_ = 	snop  }
0xcc: {  	[spmem:s2] =	stream.indirect.scatter.add.f32 [tilespmem:s12], [sflag:$0x1], $0x8, s29, s16, $0xb8;
	[tilespmem:$0xCF80] =	vst v63  }
0xcd: {  	_ = 	snop  }
0xce: {  	[spmem:s2] =	stream.indirect.scatter.add.f32 [tilespmem:s12], [sflag:$0x1], $0x8, s30, s16, $0xb8;
	[tilespmem:$0xCF80] =	vst v63  }
0xcf: {  	[spmem:s2] =	stream.indirect.scatter.add.f32 [tilespmem:s12], [sflag:$0x1], $0x8, s31, s16, $0xb8;
	[tilespmem:$0xCF80] =	vst v63  }
0xd0: {  	s5 =	simm.s32 @!p0 $0x1  }
0xd1: {  	_ =	swait.ge @!p0 [sflag:s5], $0x400  }
0xd2: {  	[sflag:s5] =	ssyncset.done @!p0 $0x0  }
0xd3: {  	[sflag:s5] =	ssyncadd.s32 @!p0 $0xFFFFFC00  }
0xd4: {  	_ =	swait.ge @!p0 [sflag:s5], $0x400  }
0xd5: {  	[sflag:s5] =	ssyncset.done @!p0 $0x0  }
0xd6: {  	[sflag:s5] =	ssyncadd.s32 @!p0 $0xFFFFFC00  }
0xd7: {  	_ =	swait.ge @!p0 [sflag:s5], $0x400  }
0xd8: {  	[sflag:s5] =	ssyncset.done @!p0 $0x0  }
0xd9: {  	[sflag:s5] =	ssyncadd.s32 @!p0 $0xFFFFFC00  }
0xda: {  	_ =	swait.ge @!p0 [sflag:s5], $0x400  }
0xdb: {  	[sflag:s5] =	ssyncset.done @!p0 $0x0  }
0xdc: {  	[sflag:s5] =	ssyncadd.s32 @!p0 $0xFFFFFC00  }
0xdd: {  	_ =	swait.ge @!p0 [sflag:s5], $0x400  }
0xde: {  	[sflag:s5] =	ssyncset.done @!p0 $0x0  }
0xdf: {  	[sflag:s5] =	ssyncadd.s32 @!p0 $0xFFFFFC00  }
0xe0: {  	_ =	swait.ge @!p0 [sflag:s5], $0x400  }
0xe1: {  	[sflag:s5] =	ssyncset.done @!p0 $0x0  }
0xe2: {  	[sflag:s5] =	ssyncadd.s32 @!p0 $0xFFFFFC00  }
0xe3: {  	_ =	swait.ge @!p0 [sflag:s5], $0x400  }
0xe4: {  	[sflag:s5] =	ssyncset.done @!p0 $0x0  }
0xe5: {  	[sflag:s5] =	ssyncadd.s32 @!p0 $0xFFFFFC00  }
0xe6: {  	_ =	swait.ge @!p0 [sflag:s5], $0x400  }
0xe7: {  	[sflag:s5] =	ssyncset.done @!p0 $0x0  }
0xe8: {  	[sflag:s5] =	ssyncadd.s32 @!p0 $0xFFFFFC00  }
0xe9: {  	_ =	swait.ge @!p0 [sflag:s5], $0x400  }
0xea: {  	[sflag:s5] =	ssyncset.done @!p0 $0x0  }
0xeb: {  	[sflag:s5] =	ssyncadd.s32 @!p0 $0xFFFFFC00  }
0xec: {  	_ =	swait.ge @!p0 [sflag:s5], $0x400  }
0xed: {  	[sflag:s5] =	ssyncset.done @!p0 $0x0  }
0xee: {  	[sflag:s5] =	ssyncadd.s32 @!p0 $0xFFFFFC00  }
0xef: {  	_ =	swait.ge @!p0 [sflag:s5], $0x400  }
0xf0: {  	[sflag:s5] =	ssyncset.done @!p0 $0x0  }
0xf1: {  	[sflag:s5] =	ssyncadd.s32 @!p0 $0xFFFFFC00  }
0xf2: {  	_ =	swait.ge @!p0 [sflag:s5], $0x400  }
0xf3: {  	[sflag:s5] =	ssyncset.done @!p0 $0x0  }
0xf4: {  	[sflag:s5] =	ssyncadd.s32 @!p0 $0xFFFFFC00  }
0xf5: {  	_ =	swait.ge @!p0 [sflag:s5], $0x400  }
0xf6: {  	[sflag:s5] =	ssyncset.done @!p0 $0x0  }
0xf7: {  	[sflag:s5] =	ssyncadd.s32 @!p0 $0xFFFFFC00  }
0xf8: {  	_ =	swait.ge @!p0 [sflag:s5], $0x400  }
0xf9: {  	[sflag:s5] =	ssyncset.done @!p0 $0x0  }
0xfa: {  	[sflag:s5] =	ssyncadd.s32 @!p0 $0xFFFFFC00  }
0xfb: {  	_ =	swait.ge @!p0 [sflag:s5], $0x400  }
0xfc: {  	[sflag:s5] =	ssyncset.done @!p0 $0x0  }
0xfd: {  	[sflag:s5] =	ssyncadd.s32 @!p0 $0xFFFFFC00  }
0xfe: {  	_ =	swait.ge @!p0 [sflag:s5], $0x400  }
0xff: {  	[sflag:s5] =	ssyncset.done @!p0 $0x0  }
0x100: {  	s4 =	sadd.s32 s4, s9;
	[sflag:s5] =	ssyncadd.s32 @!p0 $0xFFFFFC00  }
0x101: {  	[tilespmem:s13], [sflag:$0x2] =	stream.linear.gather [hbm4b:s4+s3], $0x400, $0x38;
	[tilespmem:$0xCF80] =	vst v63  }
0x102: {  	s4 =	sadd.s32 $0x80, s4  }
0x103: {  	[tilespmem:s14], [sflag:$0x2] =	stream.linear.gather [hbm4b:s4+s3], $0x400, $0x38;
	[tilespmem:$0xCF80] =	vst v63  }
0x104: {  	_ =	swait.ge [sflag:s15], $0x400  }
0x105: {  	[sflag:s15] =	ssyncset.done $0x0  }
0x106: {  	[sflag:s15] =	ssyncadd.s32 $0xFFFFFC00  }
0x107: {  	_ =	swait.ge [sflag:s15], $0x400  }
0x108: {  	[sflag:s15] =	ssyncset.done $0x0  }
0x109: {  	[sflag:s15] =	ssyncadd.s32 $0xFFFFFC00  }
0x10a: {  	[spmem:s2] =	stream.indirect.scatter.add.f32 [tilespmem:s12], [sflag:$0x1], $0x8, s13, s16, $0xb8;
	[tilespmem:$0xCF80] =	vst v63  }
0x10b: {  	_ = 	snop  }
0x10c: {  	[spmem:s2] =	stream.indirect.scatter.add.f32 [tilespmem:s12], [sflag:$0x1], $0x8, s17, s16, $0xb8;
	[tilespmem:$0xCF80] =	vst v63  }
0x10d: {  	_ = 	snop  }
0x10e: {  	[spmem:s2] =	stream.indirect.scatter.add.f32 [tilespmem:s12], [sflag:$0x1], $0x8, s18, s16, $0xb8;
	[tilespmem:$0xCF80] =	vst v63  }
0x10f: {  	_ = 	snop  }
0x110: {  	[spmem:s2] =	stream.indirect.scatter.add.f32 [tilespmem:s12], [sflag:$0x1], $0x8, s19, s16, $0xb8;
	[tilespmem:$0xCF80] =	vst v63  }
0x111: {  	_ = 	snop  }
0x112: {  	[spmem:s2] =	stream.indirect.scatter.add.f32 [tilespmem:s12], [sflag:$0x1], $0x8, s20, s16, $0xb8;
	[tilespmem:$0xCF80] =	vst v63  }
0x113: {  	_ = 	snop  }
0x114: {  	[spmem:s2] =	stream.indirect.scatter.add.f32 [tilespmem:s12], [sflag:$0x1], $0x8, s21, s16, $0xb8;
	[tilespmem:$0xCF80] =	vst v63  }
0x115: {  	_ = 	snop  }
0x116: {  	[spmem:s2] =	stream.indirect.scatter.add.f32 [tilespmem:s12], [sflag:$0x1], $0x8, s22, s16, $0xb8;
	[tilespmem:$0xCF80] =	vst v63  }
0x117: {  	_ = 	snop  }
0x118: {  	[spmem:s2] =	stream.indirect.scatter.add.f32 [tilespmem:s12], [sflag:$0x1], $0x8, s23, s16, $0xb8;
	[tilespmem:$0xCF80] =	vst v63  }
0x119: {  	_ = 	snop  }
0x11a: {  	[spmem:s2] =	stream.indirect.scatter.add.f32 [tilespmem:s12], [sflag:$0x1], $0x8, s14, s16, $0xb8;
	[tilespmem:$0xCF80] =	vst v63  }
0x11b: {  	_ = 	snop  }
0x11c: {  	[spmem:s2] =	stream.indirect.scatter.add.f32 [tilespmem:s12], [sflag:$0x1], $0x8, s24, s16, $0xb8;
	[tilespmem:$0xCF80] =	vst v63  }
0x11d: {  	_ = 	snop  }
0x11e: {  	[spmem:s2] =	stream.indirect.scatter.add.f32 [tilespmem:s12], [sflag:$0x1], $0x8, s25, s16, $0xb8;
	[tilespmem:$0xCF80] =	vst v63  }
0x11f: {  	_ = 	snop  }
0x120: {  	[spmem:s2] =	stream.indirect.scatter.add.f32 [tilespmem:s12], [sflag:$0x1], $0x8, s26, s16, $0xb8;
	[tilespmem:$0xCF80] =	vst v63  }
0x121: {  	_ = 	snop  }
0x122: {  	[spmem:s2] =	stream.indirect.scatter.add.f32 [tilespmem:s12], [sflag:$0x1], $0x8, s28, s16, $0xb8;
	[tilespmem:$0xCF80] =	vst v63  }
0x123: {  	_ = 	snop  }
0x124: {  	[spmem:s2] =	stream.indirect.scatter.add.f32 [tilespmem:s12], [sflag:$0x1], $0x8, s29, s16, $0xb8;
	[tilespmem:$0xCF80] =	vst v63  }
0x125: {  	_ = 	snop  }
0x126: {  	[spmem:s2] =	stream.indirect.scatter.add.f32 [tilespmem:s12], [sflag:$0x1], $0x8, s30, s16, $0xb8;
	[tilespmem:$0xCF80] =	vst v63  }
0x127: {  	_ = 	snop  }
0x128: {  	[spmem:s2] =	stream.indirect.scatter.add.f32 [tilespmem:s12], [sflag:$0x1], $0x8, s31, s16, $0xb8;
	[tilespmem:$0xCF80] =	vst v63  }
0x129: {  	_ =	swait.ge [sflag:s0], $0x400  }
0x12a: {  	[sflag:s0] =	ssyncset.done $0x0  }
0x12b: {  	[sflag:s0] =	ssyncadd.s32 $0xFFFFFC00  }
0x12c: {  	_ =	swait.ge [sflag:s0], $0x400  }
0x12d: {  	[sflag:s0] =	ssyncset.done $0x0  }
0x12e: {  	[sflag:s0] =	ssyncadd.s32 $0xFFFFFC00  }
0x12f: {  	_ =	swait.ge [sflag:s0], $0x400  }
0x130: {  	[sflag:s0] =	ssyncset.done $0x0  }
0x131: {  	[sflag:s0] =	ssyncadd.s32 $0xFFFFFC00  }
0x132: {  	_ =	swait.ge [sflag:s0], $0x400  }
0x133: {  	[sflag:s0] =	ssyncset.done $0x0  }
0x134: {  	[sflag:s0] =	ssyncadd.s32 $0xFFFFFC00  }
0x135: {  	_ =	swait.ge [sflag:s0], $0x400  }
0x136: {  	[sflag:s0] =	ssyncset.done $0x0  }
0x137: {  	[sflag:s0] =	ssyncadd.s32 $0xFFFFFC00  }
0x138: {  	_ =	swait.ge [sflag:s0], $0x400  }
0x139: {  	[sflag:s0] =	ssyncset.done $0x0  }
0x13a: {  	[sflag:s0] =	ssyncadd.s32 $0xFFFFFC00  }
0x13b: {  	_ =	swait.ge [sflag:s0], $0x400  }
0x13c: {  	[sflag:s0] =	ssyncset.done $0x0  }
0x13d: {  	[sflag:s0] =	ssyncadd.s32 $0xFFFFFC00  }
0x13e: {  	_ =	swait.ge [sflag:s0], $0x400  }
0x13f: {  	[sflag:s0] =	ssyncset.done $0x0  }
0x140: {  	[sflag:s0] =	ssyncadd.s32 $0xFFFFFC00  }
0x141: {  	_ =	swait.ge [sflag:s0], $0x400  }
0x142: {  	[sflag:s0] =	ssyncset.done $0x0  }
0x143: {  	[sflag:s0] =	ssyncadd.s32 $0xFFFFFC00  }
0x144: {  	_ =	swait.ge [sflag:s0], $0x400  }
0x145: {  	[sflag:s0] =	ssyncset.done $0x0  }
0x146: {  	[sflag:s0] =	ssyncadd.s32 $0xFFFFFC00  }
0x147: {  	_ =	swait.ge [sflag:s0], $0x400  }
0x148: {  	[sflag:s0] =	ssyncset.done $0x0  }
0x149: {  	[sflag:s0] =	ssyncadd.s32 $0xFFFFFC00  }
0x14a: {  	_ =	swait.ge [sflag:s0], $0x400  }
0x14b: {  	[sflag:s0] =	ssyncset.done $0x0  }
0x14c: {  	[sflag:s0] =	ssyncadd.s32 $0xFFFFFC00  }
0x14d: {  	_ =	swait.ge [sflag:s0], $0x400  }
0x14e: {  	[sflag:s0] =	ssyncset.done $0x0  }
0x14f: {  	[sflag:s0] =	ssyncadd.s32 $0xFFFFFC00  }
0x150: {  	_ =	swait.ge [sflag:s0], $0x400  }
0x151: {  	[sflag:s0] =	ssyncset.done $0x0  }
0x152: {  	[sflag:s0] =	ssyncadd.s32 $0xFFFFFC00  }
0x153: {  	_ =	swait.ge [sflag:s0], $0x400  }
0x154: {  	[sflag:s0] =	ssyncset.done $0x0  }
0x155: {  	[sflag:s0] =	ssyncadd.s32 $0xFFFFFC00  }
0x156: {  	_ =	swait.ge [sflag:s0], $0x400  }
0x157: {  	[sflag:s0] =	ssyncset.done $0x0  }
0x158: {  	[sflag:s0] =	ssyncadd.s32 $0xFFFFFC00  }
0x159: {  	[bflag:$0x0] =	sbarrier.arrive $0xFFFF  }
0x15a: {  	s7 =	rddreg [dreg:$0x5]  }
0x15b: {  	[hbm:s7], [sflag:s6] =	dma.local [spmem:s10], $0x1870  }
0x15c: {  	_ =	swait.ge [sflag:s11], $0x1870  }
0x15d: {  	s1 =	sadd.s32 $0x1, s1;
	s8 =	rddreg [dreg:$0x6]  }
0x15e: {  	p0 =	sne.s32 s1, s8  }
.Ltmp1:
0x15f: {  	_ = 	snop;
	(pc) =	sbr.rel @p0 .LBB2_1-.Ltmp1, $3  }
0x160: {  	_ =	sdelay $0x1  }
0x161: {  	[sflag:s11] =	ssyncset.done $0x0  }
0x162: {  	[sflag:s11] =	ssyncadd.s32 $0xFFFFE790  }
0x163: {  	_ =	sfence.sel $0x180000  }
0x164: {  	[bflag:$0x0] =	sbarrier.arrive $0xFFFF  }
0x165: {  	_ =	strace $0x90000047  }
0x166: {  	s0 =	stileid.u32;
	[bflag:$0x2] =	sbarrier.arrive $0xFFFF  }
0x167: {  	p0 =	sne.s32 s0, $0x0;
	s0 =	rddreg [dreg:$0x2]  }
0x168: {  	s0 =	sadd.s32 @!p0 $0x100000, s0  }
0x169: {  	[sflag:s0] =	ssyncadd.tile.s32 @!p0 $0x1;
	_ =	shalt  }
.Lfunc_end2:
_tile_overlayer_lowered:
.L_overlay_start_2:
0x16a: {  	(tag) =	ssettag $0x2  }
0x16b: {  	s0 =	rddreg [dreg:$0x0];
	s2 =	stileid.u32  }
0x16c: {  	s1 =	rddreg [dreg:$0x1];
	p0 =	sne.s32 s2, $0x0  }
0x16d: {  	s3 =	rddreg [dreg:$0x2];
	[bflag:$0x3] =	sbarrier.arrive $0xFFFF;
	s2 =	simm.s32 @!p0 $0x1C03  }
0x16e: {  	[timem:s3], [sflag:s2] =	dma.local @!p0 [hbm:s0], s1  }
0x16f: {  	s0 =	simm.s32 @!p0 $0x3  }
0x170: {  	_ =	swait.ge @!p0 [sflag:s0], s1  }
0x171: {  	s1 =	ssub.s32 @!p0 $0x0, s1;
	[sflag:s0] =	ssyncset.done @!p0 $0x0  }
0x172: {  	[sflag:s0] =	ssyncadd.s32 @!p0 s1  }
0x173: {  	[bflag:$0x3] =	sbarrier.arrive $0xFFFF  }
0x174: {  	_ =	shalt  }

</sc_bundles>
